<compile_context>
chip_gen: v7x
topology: tpu7x:2x2x1
jax: 0.10.2.dev20260603
libtpu: 0.0.44.dev20260713+nightly
codegen_flags: <defaults>
</compile_context>

<pallas_src>
import functools
import jax
import jax.numpy as jnp
from jax import lax
from jax.experimental import pallas as pl
from jax.experimental.pallas import tpu as pltpu
from jax.experimental.pallas import tpu_sc as plsc

N = 10000
E = 320000
D_IN = 128
HIDDEN = 128
CLASSES = 64

NCORES = 2
NSUB = 16
NW = NCORES * NSUB
CHUNK = 80
E_PER = E // NW
NITER = E_PER // CHUNK
CHUNK_D = 80
NITER_D = NITER
SPT = N // NSUB
N_ACC = N
N_PAD = 10240
DPT = N_PAD // NSUB


_SC_PARAMS = pltpu.CompilerParams(use_tc_tiling_on_sc=False)


def _make_deg_kernel():
    mesh = plsc.VectorSubcoreMesh(core_axis_name="c", subcore_axis_name="s")

    @functools.partial(
        pl.kernel,
        mesh=mesh,
        compiler_params=_SC_PARAMS,
        out_type=jax.ShapeDtypeStruct((NCORES * N_PAD,), jnp.float32),
        scratch_types=[
            pltpu.VMEM_SHARED((N_PAD,), jnp.float32),
            pltpu.VMEM((NITER_D, CHUNK_D), jnp.int32),
            pltpu.VMEM((CHUNK_D,), jnp.float32),
        ],
    )
    def deg_kernel(dstr_hbm, zeros_hbm, out_hbm, acc, dst2d, ones_v):
        c = lax.axis_index("c")
        s = lax.axis_index("s")
        w = c * NSUB + s
        pltpu.sync_copy(zeros_hbm, acc.at[pl.ds(s * DPT, DPT)])
        pltpu.sync_copy(dstr_hbm.at[w], dst2d)
        for j in range(CHUNK_D // 16):
            ones_v[pl.ds(j * 16, 16)] = jnp.full((16,), 1.0, jnp.float32)
        plsc.subcore_barrier()

        def body(i, carry):
            pltpu.sync_copy(ones_v, acc.at[dst2d.at[i]], add=True)
            return carry

        lax.fori_loop(0, NITER_D, body, 0)
        plsc.subcore_barrier()
        pltpu.sync_copy(
            acc.at[pl.ds(s * DPT, DPT)],
            out_hbm.at[pl.ds(c * N_PAD + s * DPT, DPT)],
        )

    return deg_kernel


def _make_agg_kernel(D):
    mesh = plsc.VectorSubcoreMesh(core_axis_name="c", subcore_axis_name="s")
    NBUF = 3 if D == 128 else 8
    GMAIN = (NITER - NBUF) // NBUF

    @functools.partial(
        pl.kernel,
        mesh=mesh,
        compiler_params=_SC_PARAMS,
        out_type=jax.ShapeDtypeStruct((NCORES * N_ACC, D), jnp.float32),
        scratch_types=[
            pltpu.VMEM_SHARED((N_ACC, D), jnp.float32),
            pltpu.VMEM((NITER, CHUNK), jnp.int32),
            pltpu.VMEM((NITER, CHUNK), jnp.int32),
            pltpu.VMEM((NBUF, CHUNK, D), jnp.float32),
            pltpu.SemaphoreType.DMA((NBUF,)),
        ],
    )
    def agg_kernel(xs_hbm, srcr_hbm, dstr_hbm, zeros_hbm, out_hbm,
                   acc, src2d, dst2d, rows_v, gsem):
        c = lax.axis_index("c")
        s = lax.axis_index("s")
        w = c * NSUB + s
        pltpu.sync_copy(zeros_hbm, acc.at[pl.ds(s * SPT, SPT)])
        pltpu.sync_copy(srcr_hbm.at[w], src2d)
        pltpu.sync_copy(dstr_hbm.at[w], dst2d)
        plsc.subcore_barrier()

        def gather(i, b):
            return pltpu.make_async_copy(
                xs_hbm.at[src2d.at[i]], rows_v.at[b], gsem.at[b])

        for b in range(NBUF):
            gather(b, b).start()

        def body(g, carry):
            base = g * NBUF
            for b in range(NBUF):
                i = base + b
                gather(i, b).wait()
                pltpu.sync_copy(rows_v.at[b], acc.at[dst2d.at[i]], add=True)
                gather(i + NBUF, b).start()
            return carry

        lax.fori_loop(0, GMAIN, body, 0)
        for i in range(GMAIN * NBUF, NITER):
            b = i % NBUF
            gather(i, b).wait()
            pltpu.sync_copy(rows_v.at[b], acc.at[dst2d.at[i]], add=True)
            if i + NBUF < NITER:
                gather(i + NBUF, b).start()
        plsc.subcore_barrier()
        pltpu.sync_copy(
            acc.at[pl.ds(s * SPT, SPT)],
            out_hbm.at[pl.ds(c * N_ACC + s * SPT, SPT)],
        )

    return agg_kernel


_deg_call = _make_deg_kernel()
_agg128_call = _make_agg_kernel(HIDDEN)
_agg64_call = _make_agg_kernel(CLASSES)

BM = 2000
GRID = N // BM


def _layer1_body(x_ref, w_ref, d0_ref, d1_ref, xs_ref, dinv_ref):
    deg = d0_ref[...] + d1_ref[...] + 1.0
    dinv = lax.rsqrt(deg)
    h = jnp.dot(x_ref[...], w_ref[...], preferred_element_type=jnp.float32)
    xs_ref[...] = h * dinv
    dinv_ref[...] = dinv


def _tc_layer1(x, W1, d0, d1):
    return pl.pallas_call(
        _layer1_body,
        grid=(GRID,),
        in_specs=[
            pl.BlockSpec((BM, D_IN), lambda i: (i, 0)),
            pl.BlockSpec((D_IN, HIDDEN), lambda i: (0, 0)),
            pl.BlockSpec((BM, 1), lambda i: (i, 0)),
            pl.BlockSpec((BM, 1), lambda i: (i, 0)),
        ],
        out_specs=[
            pl.BlockSpec((BM, HIDDEN), lambda i: (i, 0)),
            pl.BlockSpec((BM, 1), lambda i: (i, 0)),
        ],
        out_shape=[
            jax.ShapeDtypeStruct((N, HIDDEN), jnp.float32),
            jax.ShapeDtypeStruct((N, 1), jnp.float32),
        ],
    )(x, W1, d0, d1)


def _layer2_body(a0_ref, a1_ref, xs_ref, dinv_ref, b_ref, w_ref, out_ref):
    dinv = dinv_ref[...]
    z = dinv * (a0_ref[...] + a1_ref[...] + xs_ref[...]) + b_ref[...]
    o = jnp.maximum(z, 0.0)
    h2 = jnp.dot(o, w_ref[...], preferred_element_type=jnp.float32)
    out_ref[...] = h2 * dinv


def _tc_layer2(a0, a1, xs1, dinv, b1, W2):
    return pl.pallas_call(
        _layer2_body,
        grid=(GRID,),
        in_specs=[
            pl.BlockSpec((BM, HIDDEN), lambda i: (i, 0)),
            pl.BlockSpec((BM, HIDDEN), lambda i: (i, 0)),
            pl.BlockSpec((BM, HIDDEN), lambda i: (i, 0)),
            pl.BlockSpec((BM, 1), lambda i: (i, 0)),
            pl.BlockSpec((1, HIDDEN), lambda i: (0, 0)),
            pl.BlockSpec((HIDDEN, CLASSES), lambda i: (0, 0)),
        ],
        out_specs=pl.BlockSpec((BM, CLASSES), lambda i: (i, 0)),
        out_shape=jax.ShapeDtypeStruct((N, CLASSES), jnp.float32),
    )(a0, a1, xs1, dinv, b1, W2)


def _final_body(a0_ref, a1_ref, xs_ref, dinv_ref, b_ref, out_ref):
    z = dinv_ref[...] * (a0_ref[...] + a1_ref[...] + xs_ref[...]) + b_ref[...]
    out_ref[...] = z


def _tc_final(a0, a1, xs2, dinv, b2):
    return pl.pallas_call(
        _final_body,
        grid=(GRID,),
        in_specs=[
            pl.BlockSpec((BM, CLASSES), lambda i: (i, 0)),
            pl.BlockSpec((BM, CLASSES), lambda i: (i, 0)),
            pl.BlockSpec((BM, CLASSES), lambda i: (i, 0)),
            pl.BlockSpec((BM, 1), lambda i: (i, 0)),
            pl.BlockSpec((1, CLASSES), lambda i: (0, 0)),
        ],
        out_specs=pl.BlockSpec((BM, CLASSES), lambda i: (i, 0)),
        out_shape=jax.ShapeDtypeStruct((N, CLASSES), jnp.float32),
    )(a0, a1, xs2, dinv, b2)


def kernel(data, edge_index, W1, b1, W2, b2):
    ei = edge_index.astype(jnp.int32)
    src = ei[0].reshape(NW, NITER, CHUNK)
    dst = ei[1].reshape(NW, NITER, CHUNK)

    zeros_deg = jnp.zeros((DPT,), jnp.float32)
    zeros128 = jnp.zeros((SPT, HIDDEN), jnp.float32)
    zeros64 = jnp.zeros((SPT, CLASSES), jnp.float32)

    deg_parts = _deg_call(dst, zeros_deg)
    d0 = deg_parts[0 * N_PAD:0 * N_PAD + N].reshape(N, 1)
    d1 = deg_parts[1 * N_PAD:1 * N_PAD + N].reshape(N, 1)

    xs1, dinv = _tc_layer1(data, W1, d0, d1)

    agg1 = _agg128_call(xs1, src, dst, zeros128)
    xs2 = _tc_layer2(agg1[:N], agg1[N_ACC:N_ACC + N], xs1, dinv,
                     b1.reshape(1, HIDDEN), W2)

    agg2 = _agg64_call(xs2, src, dst, zeros64)
    out = _tc_final(agg2[:N], agg2[N_ACC:N_ACC + N], xs2, dinv,
                    b2.reshape(1, CLASSES))
    return out

# --- scband reference (transcript-rebuilt; emitter-appended) ---
"""Pipeline reference for scband-gnnmodel-48155173323172 (READ-ONLY COPY).

The authoritative reference and input builder live on the scoring server;
editing this copy changes nothing except your own understanding.
"""

import jax, jax.numpy as jnp
import numpy as np

N_NODES = 10000
D_IN = 128
HIDDEN = 128
NUM_CLASSES = 64
N_EDGES = 320000


def gcn_conv(x, edge_index, W, b):
    # Faithful port of torch_geometric GCNConv (add_self_loops=True, symmetric norm).
    N = x.shape[0]
    src = edge_index[0]
    dst = edge_index[1]
    loop = jnp.arange(N, dtype=src.dtype)
    src = jnp.concatenate([src, loop])
    dst = jnp.concatenate([dst, loop])
    ew = jnp.ones(src.shape[0], dtype=x.dtype)
    deg = jnp.zeros((N,), dtype=x.dtype).at[dst].add(ew)
    dinv = jnp.where(deg > 0, 1.0 / jnp.sqrt(deg), 0.0)
    norm = dinv[src] * ew * dinv[dst]
    h = x @ W
    msg = h[src] * norm[:, None]
    out = jnp.zeros((N, h.shape[1]), dtype=x.dtype).at[dst].add(msg)
    return out + b


def setup_inputs(seed: int = 0) -> dict:
    key = jax.random.key(seed)
    k1, k2, k3, k4, k5, k6 = jax.random.split(key, 6)
    x = jax.random.normal(k1, (N_NODES, D_IN), dtype=jnp.float32)
    edge_index = jax.random.randint(k2, (2, N_EDGES), 0, N_NODES, dtype=jnp.int64)
    s1 = 1.0 / np.sqrt(D_IN)
    W1 = jax.random.uniform(k3, (D_IN, HIDDEN), minval=-s1, maxval=s1, dtype=jnp.float32)
    b1 = jnp.zeros((HIDDEN,), dtype=jnp.float32)
    s2 = 1.0 / np.sqrt(HIDDEN)
    W2 = jax.random.uniform(k4, (HIDDEN, NUM_CLASSES), minval=-s2, maxval=s2, dtype=jnp.float32)
    b2 = jnp.zeros((NUM_CLASSES,), dtype=jnp.float32)
    return {"data": x, "edge_index": edge_index, "W1": W1, "b1": b1, "W2": W2, "b2": b2}


def reference(data, edge_index, W1, b1, W2, b2):
    # GNNModel.forward (eval mode, dropout is identity, edge_weight=None)
    x = jax.nn.relu(gcn_conv(data, edge_index, W1, b1))
    out = gcn_conv(x, edge_index, W2, b2)
    return out

if __name__ == "__main__":
    import jax
    _d = setup_inputs()
    print(jax.jit(kernel)(*tuple(_d.values())))

</pallas_src>

<mosaic_0001>
#map = affine_map<(d0, d1) -> (0, 0)>
#map1 = affine_map<(d0, d1) -> (0, 0, 0)>
module attributes {stable_mosaic.version = 14 : i64} {
  func.func @agg_kernel(%arg0: i32, %arg1: i32, %arg2: memref<10000x128xf32, #tpu.memory_space<hbm>>, %arg3: memref<32x125x80xi32, #tpu.memory_space<hbm>>, %arg4: memref<32x125x80xi32, #tpu.memory_space<hbm>>, %arg5: memref<625x128xf32, #tpu.memory_space<hbm>>, %arg6: memref<20000x128xf32, #tpu.memory_space<hbm>>, %arg7: memref<10000x128xf32, #tpu.memory_space<vmem_shared>>, %arg8: memref<125x80xi32, #tpu.memory_space<vmem>>, %arg9: memref<125x80xi32, #tpu.memory_space<vmem>>, %arg10: memref<3x80x128xf32, #tpu.memory_space<vmem>>, %arg11: memref<3x!tpu.dma_semaphore, #tpu.memory_space<semaphore_mem>>) attributes {dimension_semantics = [#tpu.dimension_semantics<core_parallel>, #tpu.dimension_semantics<subcore_parallel>], iteration_bounds = array<i64: 2, 16>, scalar_prefetch = 0 : i64, scratch_operands = 5 : i64, tpu.core_type = #tpu.core_type<sc_vector_subcore>, window_params = [{transform_indices = #map}, {transform_indices = #map1}, {transform_indices = #map1}, {transform_indices = #map}, {transform_indices = #map}]} {
    %mul3A = arith.constant 16 : i32
    %mul3A_0 = arith.muli %arg0, %mul3A : i32
    %add3A = arith.addi %mul3A_0, %arg1 : i32
    %mul3A_1 = arith.constant 625 : i32
    %mul3A_2 = arith.muli %arg1, %mul3A_1 : i32
    "tpu.region"() ({
      %run_scoped3A_173 = tpu.sem_alloc : memref<!tpu.dma_semaphore, #tpu.memory_space<semaphore_mem>>
      %dma_start3A_174 = arith.constant 0 : i32
      %dma_start3A_175 = tpu.memref_slice %arg7[%mul3A_2, %dma_start3A_174] : memref<10000x128xf32, #tpu.memory_space<vmem_shared>> -> memref<625x128xf32, #tpu.memory_space<vmem_shared>>
      tpu.enqueue_dma source(%arg5 : memref<625x128xf32, #tpu.memory_space<hbm>>) target(%dma_start3A_175 : memref<625x128xf32, #tpu.memory_space<vmem_shared>>) target_semaphore(%run_scoped3A_173 : memref<!tpu.dma_semaphore, #tpu.memory_space<semaphore_mem>>)
      %dma_wait3A_176 = arith.constant 0 : i32
      %dma_wait3A_177 = tpu.memref_slice %arg7[%mul3A_2, %dma_wait3A_176] : memref<10000x128xf32, #tpu.memory_space<vmem_shared>> -> memref<625x128xf32, #tpu.memory_space<vmem_shared>>
      tpu.wait_dma2 semaphore(%run_scoped3A_173 : memref<!tpu.dma_semaphore, #tpu.memory_space<semaphore_mem>>) src(%arg5 : memref<625x128xf32, #tpu.memory_space<hbm>>) dst(%dma_wait3A_177 : memref<625x128xf32, #tpu.memory_space<vmem_shared>>)
      tpu.yield
    }) : () -> ()
    "tpu.region"() ({
      %run_scoped3A_173 = tpu.sem_alloc : memref<!tpu.dma_semaphore, #tpu.memory_space<semaphore_mem>>
      %dma_start3A_174 = arith.constant 0 : i32
      %dma_start3A_175 = arith.constant 0 : i32
      %dma_start3A_176 = tpu.memref_slice %arg3[%add3A, %dma_start3A_174, %dma_start3A_175] : memref<32x125x80xi32, #tpu.memory_space<hbm>> -> memref<1x125x80xi32, #tpu.memory_space<hbm>>
      %dma_start3A_177 = tpu.memref_squeeze %dma_start3A_176 : memref<1x125x80xi32, #tpu.memory_space<hbm>> -> memref<125x80xi32, #tpu.memory_space<hbm>>
      %dma_start3A_178 = arith.constant 0 : i32
      %dma_start3A_179 = arith.constant 0 : i32
      %dma_start3A_180 = tpu.memref_slice %arg3[%add3A, %dma_start3A_178, %dma_start3A_179] : memref<32x125x80xi32, #tpu.memory_space<hbm>> -> memref<1x125x80xi32, #tpu.memory_space<hbm>>
      %dma_start3A_181 = tpu.memref_squeeze %dma_start3A_180 : memref<1x125x80xi32, #tpu.memory_space<hbm>> -> memref<125x80xi32, #tpu.memory_space<hbm>>
      tpu.enqueue_dma source(%dma_start3A_181 : memref<125x80xi32, #tpu.memory_space<hbm>>) target(%arg8 : memref<125x80xi32, #tpu.memory_space<vmem>>) target_semaphore(%run_scoped3A_173 : memref<!tpu.dma_semaphore, #tpu.memory_space<semaphore_mem>>)
      %dma_wait3A_182 = arith.constant 0 : i32
      %dma_wait3A_183 = arith.constant 0 : i32
      %dma_wait3A_184 = tpu.memref_slice %arg3[%add3A, %dma_wait3A_182, %dma_wait3A_183] : memref<32x125x80xi32, #tpu.memory_space<hbm>> -> memref<1x125x80xi32, #tpu.memory_space<hbm>>
      %dma_wait3A_185 = tpu.memref_squeeze %dma_wait3A_184 : memref<1x125x80xi32, #tpu.memory_space<hbm>> -> memref<125x80xi32, #tpu.memory_space<hbm>>
      %dma_wait3A_186 = arith.constant 0 : i32
      %dma_wait3A_187 = arith.constant 0 : i32
      %dma_wait3A_188 = tpu.memref_slice %arg3[%add3A, %dma_wait3A_186, %dma_wait3A_187] : memref<32x125x80xi32, #tpu.memory_space<hbm>> -> memref<1x125x80xi32, #tpu.memory_space<hbm>>
      %dma_wait3A_189 = tpu.memref_squeeze %dma_wait3A_188 : memref<1x125x80xi32, #tpu.memory_space<hbm>> -> memref<125x80xi32, #tpu.memory_space<hbm>>
      tpu.wait_dma2 semaphore(%run_scoped3A_173 : memref<!tpu.dma_semaphore, #tpu.memory_space<semaphore_mem>>) src(%dma_wait3A_189 : memref<125x80xi32, #tpu.memory_space<hbm>>) dst(%arg8 : memref<125x80xi32, #tpu.memory_space<vmem>>)
      tpu.yield
    }) : () -> ()
    "tpu.region"() ({
      %run_scoped3A_173 = tpu.sem_alloc : memref<!tpu.dma_semaphore, #tpu.memory_space<semaphore_mem>>
      %dma_start3A_174 = arith.constant 0 : i32
      %dma_start3A_175 = arith.constant 0 : i32
      %dma_start3A_176 = tpu.memref_slice %arg4[%add3A, %dma_start3A_174, %dma_start3A_175] : memref<32x125x80xi32, #tpu.memory_space<hbm>> -> memref<1x125x80xi32, #tpu.memory_space<hbm>>
      %dma_start3A_177 = tpu.memref_squeeze %dma_start3A_176 : memref<1x125x80xi32, #tpu.memory_space<hbm>> -> memref<125x80xi32, #tpu.memory_space<hbm>>
      %dma_start3A_178 = arith.constant 0 : i32
      %dma_start3A_179 = arith.constant 0 : i32
      %dma_start3A_180 = tpu.memref_slice %arg4[%add3A, %dma_start3A_178, %dma_start3A_179] : memref<32x125x80xi32, #tpu.memory_space<hbm>> -> memref<1x125x80xi32, #tpu.memory_space<hbm>>
      %dma_start3A_181 = tpu.memref_squeeze %dma_start3A_180 : memref<1x125x80xi32, #tpu.memory_space<hbm>> -> memref<125x80xi32, #tpu.memory_space<hbm>>
      tpu.enqueue_dma source(%dma_start3A_181 : memref<125x80xi32, #tpu.memory_space<hbm>>) target(%arg9 : memref<125x80xi32, #tpu.memory_space<vmem>>) target_semaphore(%run_scoped3A_173 : memref<!tpu.dma_semaphore, #tpu.memory_space<semaphore_mem>>)
      %dma_wait3A_182 = arith.constant 0 : i32
      %dma_wait3A_183 = arith.constant 0 : i32
      %dma_wait3A_184 = tpu.memref_slice %arg4[%add3A, %dma_wait3A_182, %dma_wait3A_183] : memref<32x125x80xi32, #tpu.memory_space<hbm>> -> memref<1x125x80xi32, #tpu.memory_space<hbm>>
      %dma_wait3A_185 = tpu.memref_squeeze %dma_wait3A_184 : memref<1x125x80xi32, #tpu.memory_space<hbm>> -> memref<125x80xi32, #tpu.memory_space<hbm>>
      %dma_wait3A_186 = arith.constant 0 : i32
      %dma_wait3A_187 = arith.constant 0 : i32
      %dma_wait3A_188 = tpu.memref_slice %arg4[%add3A, %dma_wait3A_186, %dma_wait3A_187] : memref<32x125x80xi32, #tpu.memory_space<hbm>> -> memref<1x125x80xi32, #tpu.memory_space<hbm>>
      %dma_wait3A_189 = tpu.memref_squeeze %dma_wait3A_188 : memref<1x125x80xi32, #tpu.memory_space<hbm>> -> memref<125x80xi32, #tpu.memory_space<hbm>>
      tpu.wait_dma2 semaphore(%run_scoped3A_173 : memref<!tpu.dma_semaphore, #tpu.memory_space<semaphore_mem>>) src(%dma_wait3A_189 : memref<125x80xi32, #tpu.memory_space<hbm>>) dst(%arg9 : memref<125x80xi32, #tpu.memory_space<vmem>>)
      tpu.yield
    }) : () -> ()
    %barrier3A = arith.constant 0 : index
    tpu.barrier barrier_id(%barrier3A)
    %dma_start3A = arith.constant 0 : i32
    %dma_start3A_3 = arith.constant 0 : i32
    %dma_start3A_4 = arith.constant 0 : i32
    %dma_start3A_5 = arith.constant 0 : i32
    %dma_start3A_6 = arith.constant 0 : i32
    %dma_start3A_7 = tpu.memref_slice %arg10[%dma_start3A_3, %dma_start3A_5, %dma_start3A_6] : memref<3x80x128xf32, #tpu.memory_space<vmem>> -> memref<1x80x128xf32, #tpu.memory_space<vmem>>
    %dma_start3A_8 = tpu.memref_squeeze %dma_start3A_7 : memref<1x80x128xf32, #tpu.memory_space<vmem>> -> memref<80x128xf32, #tpu.memory_space<vmem>>
    %dma_start3A_9 = arith.constant 0 : i32
    %dma_start3A_10 = tpu.memref_slice %arg8[%dma_start3A, %dma_start3A_9] : memref<125x80xi32, #tpu.memory_space<vmem>> -> memref<1x80xi32, #tpu.memory_space<vmem>>
    %dma_start3A_11 = tpu.memref_squeeze %dma_start3A_10 : memref<1x80xi32, #tpu.memory_space<vmem>> -> memref<80xi32, #tpu.memory_space<vmem>>
    %dma_start3A_12 = arith.constant 0 : i32
    %dma_start3A_13 = arith.constant 0 : i32
    %dma_start3A_14 = tpu.memref_slice %arg2[%dma_start3A_12, %dma_start3A_13] : memref<10000x128xf32, #tpu.memory_space<hbm>> -> memref<10000x128xf32, #tpu.memory_space<hbm>>
    %dma_start3A_15 = tpu.memref_slice %arg11[%dma_start3A_4] : memref<3x!tpu.dma_semaphore, #tpu.memory_space<semaphore_mem>> -> memref<1x!tpu.dma_semaphore, #tpu.memory_space<semaphore_mem>>
    %dma_start3A_16 = tpu.memref_squeeze %dma_start3A_15 : memref<1x!tpu.dma_semaphore, #tpu.memory_space<semaphore_mem>> -> memref<!tpu.dma_semaphore, #tpu.memory_space<semaphore_mem>>
    tpu.enqueue_indirect_dma source(%dma_start3A_14 : memref<10000x128xf32, #tpu.memory_space<hbm>>) target(%dma_start3A_8 : memref<80x128xf32, #tpu.memory_space<vmem>>) offsets(%dma_start3A_11 : memref<80xi32, #tpu.memory_space<vmem>>) semaphore(%dma_start3A_16 : memref<!tpu.dma_semaphore, #tpu.memory_space<semaphore_mem>>)
    %dma_start3A_17 = arith.constant 1 : i32
    %dma_start3A_18 = arith.constant 1 : i32
    %dma_start3A_19 = arith.constant 1 : i32
    %dma_start3A_20 = arith.constant 0 : i32
    %dma_start3A_21 = arith.constant 0 : i32
    %dma_start3A_22 = tpu.memref_slice %arg10[%dma_start3A_18, %dma_start3A_20, %dma_start3A_21] : memref<3x80x128xf32, #tpu.memory_space<vmem>> -> memref<1x80x128xf32, #tpu.memory_space<vmem>>
    %dma_start3A_23 = tpu.memref_squeeze %dma_start3A_22 : memref<1x80x128xf32, #tpu.memory_space<vmem>> -> memref<80x128xf32, #tpu.memory_space<vmem>>
    %dma_start3A_24 = arith.constant 0 : i32
    %dma_start3A_25 = tpu.memref_slice %arg8[%dma_start3A_17, %dma_start3A_24] : memref<125x80xi32, #tpu.memory_space<vmem>> -> memref<1x80xi32, #tpu.memory_space<vmem>>
    %dma_start3A_26 = tpu.memref_squeeze %dma_start3A_25 : memref<1x80xi32, #tpu.memory_space<vmem>> -> memref<80xi32, #tpu.memory_space<vmem>>
    %dma_start3A_27 = arith.constant 0 : i32
    %dma_start3A_28 = arith.constant 0 : i32
    %dma_start3A_29 = tpu.memref_slice %arg2[%dma_start3A_27, %dma_start3A_28] : memref<10000x128xf32, #tpu.memory_space<hbm>> -> memref<10000x128xf32, #tpu.memory_space<hbm>>
    %dma_start3A_30 = tpu.memref_slice %arg11[%dma_start3A_19] : memref<3x!tpu.dma_semaphore, #tpu.memory_space<semaphore_mem>> -> memref<1x!tpu.dma_semaphore, #tpu.memory_space<semaphore_mem>>
    %dma_start3A_31 = tpu.memref_squeeze %dma_start3A_30 : memref<1x!tpu.dma_semaphore, #tpu.memory_space<semaphore_mem>> -> memref<!tpu.dma_semaphore, #tpu.memory_space<semaphore_mem>>
    tpu.enqueue_indirect_dma source(%dma_start3A_29 : memref<10000x128xf32, #tpu.memory_space<hbm>>) target(%dma_start3A_23 : memref<80x128xf32, #tpu.memory_space<vmem>>) offsets(%dma_start3A_26 : memref<80xi32, #tpu.memory_space<vmem>>) semaphore(%dma_start3A_31 : memref<!tpu.dma_semaphore, #tpu.memory_space<semaphore_mem>>)
    %dma_start3A_32 = arith.constant 2 : i32
    %dma_start3A_33 = arith.constant 2 : i32
    %dma_start3A_34 = arith.constant 2 : i32
    %dma_start3A_35 = arith.constant 0 : i32
    %dma_start3A_36 = arith.constant 0 : i32
    %dma_start3A_37 = tpu.memref_slice %arg10[%dma_start3A_33, %dma_start3A_35, %dma_start3A_36] : memref<3x80x128xf32, #tpu.memory_space<vmem>> -> memref<1x80x128xf32, #tpu.memory_space<vmem>>
    %dma_start3A_38 = tpu.memref_squeeze %dma_start3A_37 : memref<1x80x128xf32, #tpu.memory_space<vmem>> -> memref<80x128xf32, #tpu.memory_space<vmem>>
    %dma_start3A_39 = arith.constant 0 : i32
    %dma_start3A_40 = tpu.memref_slice %arg8[%dma_start3A_32, %dma_start3A_39] : memref<125x80xi32, #tpu.memory_space<vmem>> -> memref<1x80xi32, #tpu.memory_space<vmem>>
    %dma_start3A_41 = tpu.memref_squeeze %dma_start3A_40 : memref<1x80xi32, #tpu.memory_space<vmem>> -> memref<80xi32, #tpu.memory_space<vmem>>
    %dma_start3A_42 = arith.constant 0 : i32
    %dma_start3A_43 = arith.constant 0 : i32
    %dma_start3A_44 = tpu.memref_slice %arg2[%dma_start3A_42, %dma_start3A_43] : memref<10000x128xf32, #tpu.memory_space<hbm>> -> memref<10000x128xf32, #tpu.memory_space<hbm>>
    %dma_start3A_45 = tpu.memref_slice %arg11[%dma_start3A_34] : memref<3x!tpu.dma_semaphore, #tpu.memory_space<semaphore_mem>> -> memref<1x!tpu.dma_semaphore, #tpu.memory_space<semaphore_mem>>
    %dma_start3A_46 = tpu.memref_squeeze %dma_start3A_45 : memref<1x!tpu.dma_semaphore, #tpu.memory_space<semaphore_mem>> -> memref<!tpu.dma_semaphore, #tpu.memory_space<semaphore_mem>>
    tpu.enqueue_indirect_dma source(%dma_start3A_44 : memref<10000x128xf32, #tpu.memory_space<hbm>>) target(%dma_start3A_38 : memref<80x128xf32, #tpu.memory_space<vmem>>) offsets(%dma_start3A_41 : memref<80xi32, #tpu.memory_space<vmem>>) semaphore(%dma_start3A_46 : memref<!tpu.dma_semaphore, #tpu.memory_space<semaphore_mem>>)
    %scan3A = arith.constant 0 : i32
    %scan3A_47 = arith.constant 0 : i32
    %scan3A_48 = arith.constant 40 : i32
    %scan3A_49 = arith.addi %scan3A_47, %scan3A_48 : i32
    %scan3A_50 = arith.constant 1 : i32
    scf.for %scan3A_173 = %scan3A_47 to %scan3A_49 step %scan3A_50  : i32 {
      %mul3A_174 = arith.constant 3 : i32
      %mul3A_175 = arith.muli %scan3A_173, %mul3A_174 : i32
      %add3A_176 = arith.constant 0 : i32
      %add3A_177 = arith.addi %mul3A_175, %add3A_176 : i32
      %dma_wait3A_178 = arith.constant 0 : i32
      %dma_wait3A_179 = arith.constant 0 : i32
      %dma_wait3A_180 = arith.constant 0 : i32
      %dma_wait3A_181 = arith.constant 0 : i32
      %dma_wait3A_182 = tpu.memref_slice %arg10[%dma_wait3A_178, %dma_wait3A_180, %dma_wait3A_181] : memref<3x80x128xf32, #tpu.memory_space<vmem>> -> memref<1x80x128xf32, #tpu.memory_space<vmem>>
      %dma_wait3A_183 = tpu.memref_squeeze %dma_wait3A_182 : memref<1x80x128xf32, #tpu.memory_space<vmem>> -> memref<80x128xf32, #tpu.memory_space<vmem>>
      %dma_wait3A_184 = arith.constant 0 : i32
      %dma_wait3A_185 = tpu.memref_slice %arg8[%add3A_177, %dma_wait3A_184] : memref<125x80xi32, #tpu.memory_space<vmem>> -> memref<1x80xi32, #tpu.memory_space<vmem>>
      %dma_wait3A_186 = tpu.memref_squeeze %dma_wait3A_185 : memref<1x80xi32, #tpu.memory_space<vmem>> -> memref<80xi32, #tpu.memory_space<vmem>>
      %dma_wait3A_187 = arith.constant 0 : i32
      %dma_wait3A_188 = arith.constant 0 : i32
      %dma_wait3A_189 = tpu.memref_slice %arg2[%dma_wait3A_187, %dma_wait3A_188] : memref<10000x128xf32, #tpu.memory_space<hbm>> -> memref<10000x128xf32, #tpu.memory_space<hbm>>
      %dma_wait3A_190 = tpu.memref_slice %arg11[%dma_wait3A_179] : memref<3x!tpu.dma_semaphore, #tpu.memory_space<semaphore_mem>> -> memref<1x!tpu.dma_semaphore, #tpu.memory_space<semaphore_mem>>
      %dma_wait3A_191 = tpu.memref_squeeze %dma_wait3A_190 : memref<1x!tpu.dma_semaphore, #tpu.memory_space<semaphore_mem>> -> memref<!tpu.dma_semaphore, #tpu.memory_space<semaphore_mem>>
      tpu.wait_indirect_dma semaphore(%dma_wait3A_191 : memref<!tpu.dma_semaphore, #tpu.memory_space<semaphore_mem>>) src(%dma_wait3A_189 : memref<10000x128xf32, #tpu.memory_space<hbm>>) dst(%dma_wait3A_183 : memref<80x128xf32, #tpu.memory_space<vmem>>)
      %run_scoped3A_192 = arith.constant 0 : i32
      "tpu.region"() ({
        %run_scoped3A_275 = tpu.sem_alloc : memref<!tpu.dma_semaphore, #tpu.memory_space<semaphore_mem>>
        %dma_start3A_276 = arith.constant 0 : i32
        %dma_start3A_277 = arith.constant 0 : i32
        %dma_start3A_278 = tpu.memref_slice %arg10[%run_scoped3A_192, %dma_start3A_276, %dma_start3A_277] : memref<3x80x128xf32, #tpu.memory_space<vmem>> -> memref<1x80x128xf32, #tpu.memory_space<vmem>>
        %dma_start3A_279 = tpu.memref_squeeze %dma_start3A_278 : memref<1x80x128xf32, #tpu.memory_space<vmem>> -> memref<80x128xf32, #tpu.memory_space<vmem>>
        %dma_start3A_280 = arith.constant 0 : i32
        %dma_start3A_281 = tpu.memref_slice %arg9[%add3A_177, %dma_start3A_280] : memref<125x80xi32, #tpu.memory_space<vmem>> -> memref<1x80xi32, #tpu.memory_space<vmem>>
        %dma_start3A_282 = tpu.memref_squeeze %dma_start3A_281 : memref<1x80xi32, #tpu.memory_space<vmem>> -> memref<80xi32, #tpu.memory_space<vmem>>
        %dma_start3A_283 = arith.constant 0 : i32
        %dma_start3A_284 = arith.constant 0 : i32
        %dma_start3A_285 = tpu.memref_slice %arg7[%dma_start3A_283, %dma_start3A_284] : memref<10000x128xf32, #tpu.memory_space<vmem_shared>> -> memref<10000x128xf32, #tpu.memory_space<vmem_shared>>
        tpu.enqueue_indirect_dma source(%dma_start3A_279 : memref<80x128xf32, #tpu.memory_space<vmem>>) target(%dma_start3A_285 : memref<10000x128xf32, #tpu.memory_space<vmem_shared>>) offsets(%dma_start3A_282 : memref<80xi32, #tpu.memory_space<vmem>>) semaphore(%run_scoped3A_275 : memref<!tpu.dma_semaphore, #tpu.memory_space<semaphore_mem>>) {add = true}
        %dma_wait3A_286 = arith.constant 0 : i32
        %dma_wait3A_287 = arith.constant 0 : i32
        %dma_wait3A_288 = tpu.memref_slice %arg10[%run_scoped3A_192, %dma_wait3A_286, %dma_wait3A_287] : memref<3x80x128xf32, #tpu.memory_space<vmem>> -> memref<1x80x128xf32, #tpu.memory_space<vmem>>
        %dma_wait3A_289 = tpu.memref_squeeze %dma_wait3A_288 : memref<1x80x128xf32, #tpu.memory_space<vmem>> -> memref<80x128xf32, #tpu.memory_space<vmem>>
        %dma_wait3A_290 = arith.constant 0 : i32
        %dma_wait3A_291 = tpu.memref_slice %arg9[%add3A_177, %dma_wait3A_290] : memref<125x80xi32, #tpu.memory_space<vmem>> -> memref<1x80xi32, #tpu.memory_space<vmem>>
        %dma_wait3A_292 = tpu.memref_squeeze %dma_wait3A_291 : memref<1x80xi32, #tpu.memory_space<vmem>> -> memref<80xi32, #tpu.memory_space<vmem>>
        %dma_wait3A_293 = arith.constant 0 : i32
        %dma_wait3A_294 = arith.constant 0 : i32
        %dma_wait3A_295 = tpu.memref_slice %arg7[%dma_wait3A_293, %dma_wait3A_294] : memref<10000x128xf32, #tpu.memory_space<vmem_shared>> -> memref<10000x128xf32, #tpu.memory_space<vmem_shared>>
        tpu.wait_indirect_dma semaphore(%run_scoped3A_275 : memref<!tpu.dma_semaphore, #tpu.memory_space<semaphore_mem>>) src(%dma_wait3A_289 : memref<80x128xf32, #tpu.memory_space<vmem>>) dst(%dma_wait3A_295 : memref<10000x128xf32, #tpu.memory_space<vmem_shared>>)
        tpu.yield
      }) : () -> ()
      %add3A_193 = arith.constant 3 : i32
      %add3A_194 = arith.addi %add3A_177, %add3A_193 : i32
      %dma_start3A_195 = arith.constant 0 : i32
      %dma_start3A_196 = arith.constant 0 : i32
      %dma_start3A_197 = arith.constant 0 : i32
      %dma_start3A_198 = arith.constant 0 : i32
      %dma_start3A_199 = tpu.memref_slice %arg10[%dma_start3A_195, %dma_start3A_197, %dma_start3A_198] : memref<3x80x128xf32, #tpu.memory_space<vmem>> -> memref<1x80x128xf32, #tpu.memory_space<vmem>>
      %dma_start3A_200 = tpu.memref_squeeze %dma_start3A_199 : memref<1x80x128xf32, #tpu.memory_space<vmem>> -> memref<80x128xf32, #tpu.memory_space<vmem>>
      %dma_start3A_201 = arith.constant 0 : i32
      %dma_start3A_202 = tpu.memref_slice %arg8[%add3A_194, %dma_start3A_201] : memref<125x80xi32, #tpu.memory_space<vmem>> -> memref<1x80xi32, #tpu.memory_space<vmem>>
      %dma_start3A_203 = tpu.memref_squeeze %dma_start3A_202 : memref<1x80xi32, #tpu.memory_space<vmem>> -> memref<80xi32, #tpu.memory_space<vmem>>
      %dma_start3A_204 = arith.constant 0 : i32
      %dma_start3A_205 = arith.constant 0 : i32
      %dma_start3A_206 = tpu.memref_slice %arg2[%dma_start3A_204, %dma_start3A_205] : memref<10000x128xf32, #tpu.memory_space<hbm>> -> memref<10000x128xf32, #tpu.memory_space<hbm>>
      %dma_start3A_207 = tpu.memref_slice %arg11[%dma_start3A_196] : memref<3x!tpu.dma_semaphore, #tpu.memory_space<semaphore_mem>> -> memref<1x!tpu.dma_semaphore, #tpu.memory_space<semaphore_mem>>
      %dma_start3A_208 = tpu.memref_squeeze %dma_start3A_207 : memref<1x!tpu.dma_semaphore, #tpu.memory_space<semaphore_mem>> -> memref<!tpu.dma_semaphore, #tpu.memory_space<semaphore_mem>>
      tpu.enqueue_indirect_dma source(%dma_start3A_206 : memref<10000x128xf32, #tpu.memory_space<hbm>>) target(%dma_start3A_200 : memref<80x128xf32, #tpu.memory_space<vmem>>) offsets(%dma_start3A_203 : memref<80xi32, #tpu.memory_space<vmem>>) semaphore(%dma_start3A_208 : memref<!tpu.dma_semaphore, #tpu.memory_space<semaphore_mem>>)
      %add3A_209 = arith.constant 1 : i32
      %add3A_210 = arith.addi %mul3A_175, %add3A_209 : i32
      %dma_wait3A_211 = arith.constant 1 : i32
      %dma_wait3A_212 = arith.constant 1 : i32
      %dma_wait3A_213 = arith.constant 0 : i32
      %dma_wait3A_214 = arith.constant 0 : i32
      %dma_wait3A_215 = tpu.memref_slice %arg10[%dma_wait3A_211, %dma_wait3A_213, %dma_wait3A_214] : memref<3x80x128xf32, #tpu.memory_space<vmem>> -> memref<1x80x128xf32, #tpu.memory_space<vmem>>
      %dma_wait3A_216 = tpu.memref_squeeze %dma_wait3A_215 : memref<1x80x128xf32, #tpu.memory_space<vmem>> -> memref<80x128xf32, #tpu.memory_space<vmem>>
      %dma_wait3A_217 = arith.constant 0 : i32
      %dma_wait3A_218 = tpu.memref_slice %arg8[%add3A_210, %dma_wait3A_217] : memref<125x80xi32, #tpu.memory_space<vmem>> -> memref<1x80xi32, #tpu.memory_space<vmem>>
      %dma_wait3A_219 = tpu.memref_squeeze %dma_wait3A_218 : memref<1x80xi32, #tpu.memory_space<vmem>> -> memref<80xi32, #tpu.memory_space<vmem>>
      %dma_wait3A_220 = arith.constant 0 : i32
      %dma_wait3A_221 = arith.constant 0 : i32
      %dma_wait3A_222 = tpu.memref_slice %arg2[%dma_wait3A_220, %dma_wait3A_221] : memref<10000x128xf32, #tpu.memory_space<hbm>> -> memref<10000x128xf32, #tpu.memory_space<hbm>>
      %dma_wait3A_223 = tpu.memref_slice %arg11[%dma_wait3A_212] : memref<3x!tpu.dma_semaphore, #tpu.memory_space<semaphore_mem>> -> memref<1x!tpu.dma_semaphore, #tpu.memory_space<semaphore_mem>>
      %dma_wait3A_224 = tpu.memref_squeeze %dma_wait3A_223 : memref<1x!tpu.dma_semaphore, #tpu.memory_space<semaphore_mem>> -> memref<!tpu.dma_semaphore, #tpu.memory_space<semaphore_mem>>
      tpu.wait_indirect_dma semaphore(%dma_wait3A_224 : memref<!tpu.dma_semaphore, #tpu.memory_space<semaphore_mem>>) src(%dma_wait3A_222 : memref<10000x128xf32, #tpu.memory_space<hbm>>) dst(%dma_wait3A_216 : memref<80x128xf32, #tpu.memory_space<vmem>>)
      %run_scoped3A_225 = arith.constant 1 : i32
      "tpu.region"() ({
        %run_scoped3A_275 = tpu.sem_alloc : memref<!tpu.dma_semaphore, #tpu.memory_space<semaphore_mem>>
        %dma_start3A_276 = arith.constant 0 : i32
        %dma_start3A_277 = arith.constant 0 : i32
        %dma_start3A_278 = tpu.memref_slice %arg10[%run_scoped3A_225, %dma_start3A_276, %dma_start3A_277] : memref<3x80x128xf32, #tpu.memory_space<vmem>> -> memref<1x80x128xf32, #tpu.memory_space<vmem>>
        %dma_start3A_279 = tpu.memref_squeeze %dma_start3A_278 : memref<1x80x128xf32, #tpu.memory_space<vmem>> -> memref<80x128xf32, #tpu.memory_space<vmem>>
        %dma_start3A_280 = arith.constant 0 : i32
        %dma_start3A_281 = tpu.memref_slice %arg9[%add3A_210, %dma_start3A_280] : memref<125x80xi32, #tpu.memory_space<vmem>> -> memref<1x80xi32, #tpu.memory_space<vmem>>
        %dma_start3A_282 = tpu.memref_squeeze %dma_start3A_281 : memref<1x80xi32, #tpu.memory_space<vmem>> -> memref<80xi32, #tpu.memory_space<vmem>>
        %dma_start3A_283 = arith.constant 0 : i32
        %dma_start3A_284 = arith.constant 0 : i32
        %dma_start3A_285 = tpu.memref_slice %arg7[%dma_start3A_283, %dma_start3A_284] : memref<10000x128xf32, #tpu.memory_space<vmem_shared>> -> memref<10000x128xf32, #tpu.memory_space<vmem_shared>>
        tpu.enqueue_indirect_dma source(%dma_start3A_279 : memref<80x128xf32, #tpu.memory_space<vmem>>) target(%dma_start3A_285 : memref<10000x128xf32, #tpu.memory_space<vmem_shared>>) offsets(%dma_start3A_282 : memref<80xi32, #tpu.memory_space<vmem>>) semaphore(%run_scoped3A_275 : memref<!tpu.dma_semaphore, #tpu.memory_space<semaphore_mem>>) {add = true}
        %dma_wait3A_286 = arith.constant 0 : i32
        %dma_wait3A_287 = arith.constant 0 : i32
        %dma_wait3A_288 = tpu.memref_slice %arg10[%run_scoped3A_225, %dma_wait3A_286, %dma_wait3A_287] : memref<3x80x128xf32, #tpu.memory_space<vmem>> -> memref<1x80x128xf32, #tpu.memory_space<vmem>>
        %dma_wait3A_289 = tpu.memref_squeeze %dma_wait3A_288 : memref<1x80x128xf32, #tpu.memory_space<vmem>> -> memref<80x128xf32, #tpu.memory_space<vmem>>
        %dma_wait3A_290 = arith.constant 0 : i32
        %dma_wait3A_291 = tpu.memref_slice %arg9[%add3A_210, %dma_wait3A_290] : memref<125x80xi32, #tpu.memory_space<vmem>> -> memref<1x80xi32, #tpu.memory_space<vmem>>
        %dma_wait3A_292 = tpu.memref_squeeze %dma_wait3A_291 : memref<1x80xi32, #tpu.memory_space<vmem>> -> memref<80xi32, #tpu.memory_space<vmem>>
        %dma_wait3A_293 = arith.constant 0 : i32
        %dma_wait3A_294 = arith.constant 0 : i32
        %dma_wait3A_295 = tpu.memref_slice %arg7[%dma_wait3A_293, %dma_wait3A_294] : memref<10000x128xf32, #tpu.memory_space<vmem_shared>> -> memref<10000x128xf32, #tpu.memory_space<vmem_shared>>
        tpu.wait_indirect_dma semaphore(%run_scoped3A_275 : memref<!tpu.dma_semaphore, #tpu.memory_space<semaphore_mem>>) src(%dma_wait3A_289 : memref<80x128xf32, #tpu.memory_space<vmem>>) dst(%dma_wait3A_295 : memref<10000x128xf32, #tpu.memory_space<vmem_shared>>)
        tpu.yield
      }) : () -> ()
      %add3A_226 = arith.constant 3 : i32
      %add3A_227 = arith.addi %add3A_210, %add3A_226 : i32
      %dma_start3A_228 = arith.constant 1 : i32
      %dma_start3A_229 = arith.constant 1 : i32
      %dma_start3A_230 = arith.constant 0 : i32
      %dma_start3A_231 = arith.constant 0 : i32
      %dma_start3A_232 = tpu.memref_slice %arg10[%dma_start3A_228, %dma_start3A_230, %dma_start3A_231] : memref<3x80x128xf32, #tpu.memory_space<vmem>> -> memref<1x80x128xf32, #tpu.memory_space<vmem>>
      %dma_start3A_233 = tpu.memref_squeeze %dma_start3A_232 : memref<1x80x128xf32, #tpu.memory_space<vmem>> -> memref<80x128xf32, #tpu.memory_space<vmem>>
      %dma_start3A_234 = arith.constant 0 : i32
      %dma_start3A_235 = tpu.memref_slice %arg8[%add3A_227, %dma_start3A_234] : memref<125x80xi32, #tpu.memory_space<vmem>> -> memref<1x80xi32, #tpu.memory_space<vmem>>
      %dma_start3A_236 = tpu.memref_squeeze %dma_start3A_235 : memref<1x80xi32, #tpu.memory_space<vmem>> -> memref<80xi32, #tpu.memory_space<vmem>>
      %dma_start3A_237 = arith.constant 0 : i32
      %dma_start3A_238 = arith.constant 0 : i32
      %dma_start3A_239 = tpu.memref_slice %arg2[%dma_start3A_237, %dma_start3A_238] : memref<10000x128xf32, #tpu.memory_space<hbm>> -> memref<10000x128xf32, #tpu.memory_space<hbm>>
      %dma_start3A_240 = tpu.memref_slice %arg11[%dma_start3A_229] : memref<3x!tpu.dma_semaphore, #tpu.memory_space<semaphore_mem>> -> memref<1x!tpu.dma_semaphore, #tpu.memory_space<semaphore_mem>>
      %dma_start3A_241 = tpu.memref_squeeze %dma_start3A_240 : memref<1x!tpu.dma_semaphore, #tpu.memory_space<semaphore_mem>> -> memref<!tpu.dma_semaphore, #tpu.memory_space<semaphore_mem>>
      tpu.enqueue_indirect_dma source(%dma_start3A_239 : memref<10000x128xf32, #tpu.memory_space<hbm>>) target(%dma_start3A_233 : memref<80x128xf32, #tpu.memory_space<vmem>>) offsets(%dma_start3A_236 : memref<80xi32, #tpu.memory_space<vmem>>) semaphore(%dma_start3A_241 : memref<!tpu.dma_semaphore, #tpu.memory_space<semaphore_mem>>)
      %add3A_242 = arith.constant 2 : i32
      %add3A_243 = arith.addi %mul3A_175, %add3A_242 : i32
      %dma_wait3A_244 = arith.constant 2 : i32
      %dma_wait3A_245 = arith.constant 2 : i32
      %dma_wait3A_246 = arith.constant 0 : i32
      %dma_wait3A_247 = arith.constant 0 : i32
      %dma_wait3A_248 = tpu.memref_slice %arg10[%dma_wait3A_244, %dma_wait3A_246, %dma_wait3A_247] : memref<3x80x128xf32, #tpu.memory_space<vmem>> -> memref<1x80x128xf32, #tpu.memory_space<vmem>>
      %dma_wait3A_249 = tpu.memref_squeeze %dma_wait3A_248 : memref<1x80x128xf32, #tpu.memory_space<vmem>> -> memref<80x128xf32, #tpu.memory_space<vmem>>
      %dma_wait3A_250 = arith.constant 0 : i32
      %dma_wait3A_251 = tpu.memref_slice %arg8[%add3A_243, %dma_wait3A_250] : memref<125x80xi32, #tpu.memory_space<vmem>> -> memref<1x80xi32, #tpu.memory_space<vmem>>
      %dma_wait3A_252 = tpu.memref_squeeze %dma_wait3A_251 : memref<1x80xi32, #tpu.memory_space<vmem>> -> memref<80xi32, #tpu.memory_space<vmem>>
      %dma_wait3A_253 = arith.constant 0 : i32
      %dma_wait3A_254 = arith.constant 0 : i32
      %dma_wait3A_255 = tpu.memref_slice %arg2[%dma_wait3A_253, %dma_wait3A_254] : memref<10000x128xf32, #tpu.memory_space<hbm>> -> memref<10000x128xf32, #tpu.memory_space<hbm>>
      %dma_wait3A_256 = tpu.memref_slice %arg11[%dma_wait3A_245] : memref<3x!tpu.dma_semaphore, #tpu.memory_space<semaphore_mem>> -> memref<1x!tpu.dma_semaphore, #tpu.memory_space<semaphore_mem>>
      %dma_wait3A_257 = tpu.memref_squeeze %dma_wait3A_256 : memref<1x!tpu.dma_semaphore, #tpu.memory_space<semaphore_mem>> -> memref<!tpu.dma_semaphore, #tpu.memory_space<semaphore_mem>>
      tpu.wait_indirect_dma semaphore(%dma_wait3A_257 : memref<!tpu.dma_semaphore, #tpu.memory_space<semaphore_mem>>) src(%dma_wait3A_255 : memref<10000x128xf32, #tpu.memory_space<hbm>>) dst(%dma_wait3A_249 : memref<80x128xf32, #tpu.memory_space<vmem>>)
      %run_scoped3A_258 = arith.constant 2 : i32
      "tpu.region"() ({
        %run_scoped3A_275 = tpu.sem_alloc : memref<!tpu.dma_semaphore, #tpu.memory_space<semaphore_mem>>
        %dma_start3A_276 = arith.constant 0 : i32
        %dma_start3A_277 = arith.constant 0 : i32
        %dma_start3A_278 = tpu.memref_slice %arg10[%run_scoped3A_258, %dma_start3A_276, %dma_start3A_277] : memref<3x80x128xf32, #tpu.memory_space<vmem>> -> memref<1x80x128xf32, #tpu.memory_space<vmem>>
        %dma_start3A_279 = tpu.memref_squeeze %dma_start3A_278 : memref<1x80x128xf32, #tpu.memory_space<vmem>> -> memref<80x128xf32, #tpu.memory_space<vmem>>
        %dma_start3A_280 = arith.constant 0 : i32
        %dma_start3A_281 = tpu.memref_slice %arg9[%add3A_243, %dma_start3A_280] : memref<125x80xi32, #tpu.memory_space<vmem>> -> memref<1x80xi32, #tpu.memory_space<vmem>>
        %dma_start3A_282 = tpu.memref_squeeze %dma_start3A_281 : memref<1x80xi32, #tpu.memory_space<vmem>> -> memref<80xi32, #tpu.memory_space<vmem>>
        %dma_start3A_283 = arith.constant 0 : i32
        %dma_start3A_284 = arith.constant 0 : i32
        %dma_start3A_285 = tpu.memref_slice %arg7[%dma_start3A_283, %dma_start3A_284] : memref<10000x128xf32, #tpu.memory_space<vmem_shared>> -> memref<10000x128xf32, #tpu.memory_space<vmem_shared>>
        tpu.enqueue_indirect_dma source(%dma_start3A_279 : memref<80x128xf32, #tpu.memory_space<vmem>>) target(%dma_start3A_285 : memref<10000x128xf32, #tpu.memory_space<vmem_shared>>) offsets(%dma_start3A_282 : memref<80xi32, #tpu.memory_space<vmem>>) semaphore(%run_scoped3A_275 : memref<!tpu.dma_semaphore, #tpu.memory_space<semaphore_mem>>) {add = true}
        %dma_wait3A_286 = arith.constant 0 : i32
        %dma_wait3A_287 = arith.constant 0 : i32
        %dma_wait3A_288 = tpu.memref_slice %arg10[%run_scoped3A_258, %dma_wait3A_286, %dma_wait3A_287] : memref<3x80x128xf32, #tpu.memory_space<vmem>> -> memref<1x80x128xf32, #tpu.memory_space<vmem>>
        %dma_wait3A_289 = tpu.memref_squeeze %dma_wait3A_288 : memref<1x80x128xf32, #tpu.memory_space<vmem>> -> memref<80x128xf32, #tpu.memory_space<vmem>>
        %dma_wait3A_290 = arith.constant 0 : i32
        %dma_wait3A_291 = tpu.memref_slice %arg9[%add3A_243, %dma_wait3A_290] : memref<125x80xi32, #tpu.memory_space<vmem>> -> memref<1x80xi32, #tpu.memory_space<vmem>>
        %dma_wait3A_292 = tpu.memref_squeeze %dma_wait3A_291 : memref<1x80xi32, #tpu.memory_space<vmem>> -> memref<80xi32, #tpu.memory_space<vmem>>
        %dma_wait3A_293 = arith.constant 0 : i32
        %dma_wait3A_294 = arith.constant 0 : i32
        %dma_wait3A_295 = tpu.memref_slice %arg7[%dma_wait3A_293, %dma_wait3A_294] : memref<10000x128xf32, #tpu.memory_space<vmem_shared>> -> memref<10000x128xf32, #tpu.memory_space<vmem_shared>>
        tpu.wait_indirect_dma semaphore(%run_scoped3A_275 : memref<!tpu.dma_semaphore, #tpu.memory_space<semaphore_mem>>) src(%dma_wait3A_289 : memref<80x128xf32, #tpu.memory_space<vmem>>) dst(%dma_wait3A_295 : memref<10000x128xf32, #tpu.memory_space<vmem_shared>>)
        tpu.yield
      }) : () -> ()
      %add3A_259 = arith.constant 3 : i32
      %add3A_260 = arith.addi %add3A_243, %add3A_259 : i32
      %dma_start3A_261 = arith.constant 2 : i32
      %dma_start3A_262 = arith.constant 2 : i32
      %dma_start3A_263 = arith.constant 0 : i32
      %dma_start3A_264 = arith.constant 0 : i32
      %dma_start3A_265 = tpu.memref_slice %arg10[%dma_start3A_261, %dma_start3A_263, %dma_start3A_264] : memref<3x80x128xf32, #tpu.memory_space<vmem>> -> memref<1x80x128xf32, #tpu.memory_space<vmem>>
      %dma_start3A_266 = tpu.memref_squeeze %dma_start3A_265 : memref<1x80x128xf32, #tpu.memory_space<vmem>> -> memref<80x128xf32, #tpu.memory_space<vmem>>
      %dma_start3A_267 = arith.constant 0 : i32
      %dma_start3A_268 = tpu.memref_slice %arg8[%add3A_260, %dma_start3A_267] : memref<125x80xi32, #tpu.memory_space<vmem>> -> memref<1x80xi32, #tpu.memory_space<vmem>>
      %dma_start3A_269 = tpu.memref_squeeze %dma_start3A_268 : memref<1x80xi32, #tpu.memory_space<vmem>> -> memref<80xi32, #tpu.memory_space<vmem>>
      %dma_start3A_270 = arith.constant 0 : i32
      %dma_start3A_271 = arith.constant 0 : i32
      %dma_start3A_272 = tpu.memref_slice %arg2[%dma_start3A_270, %dma_start3A_271] : memref<10000x128xf32, #tpu.memory_space<hbm>> -> memref<10000x128xf32, #tpu.memory_space<hbm>>
      %dma_start3A_273 = tpu.memref_slice %arg11[%dma_start3A_262] : memref<3x!tpu.dma_semaphore, #tpu.memory_space<semaphore_mem>> -> memref<1x!tpu.dma_semaphore, #tpu.memory_space<semaphore_mem>>
      %dma_start3A_274 = tpu.memref_squeeze %dma_start3A_273 : memref<1x!tpu.dma_semaphore, #tpu.memory_space<semaphore_mem>> -> memref<!tpu.dma_semaphore, #tpu.memory_space<semaphore_mem>>
      tpu.enqueue_indirect_dma source(%dma_start3A_272 : memref<10000x128xf32, #tpu.memory_space<hbm>>) target(%dma_start3A_266 : memref<80x128xf32, #tpu.memory_space<vmem>>) offsets(%dma_start3A_269 : memref<80xi32, #tpu.memory_space<vmem>>) semaphore(%dma_start3A_274 : memref<!tpu.dma_semaphore, #tpu.memory_space<semaphore_mem>>)
    }
    %scan3A_51 = arith.constant 40 : i32
    %dma_wait3A = arith.constant 120 : i32
    %dma_wait3A_52 = arith.constant 0 : i32
    %dma_wait3A_53 = arith.constant 0 : i32
    %dma_wait3A_54 = arith.constant 0 : i32
    %dma_wait3A_55 = arith.constant 0 : i32
    %dma_wait3A_56 = tpu.memref_slice %arg10[%dma_wait3A_52, %dma_wait3A_54, %dma_wait3A_55] : memref<3x80x128xf32, #tpu.memory_space<vmem>> -> memref<1x80x128xf32, #tpu.memory_space<vmem>>
    %dma_wait3A_57 = tpu.memref_squeeze %dma_wait3A_56 : memref<1x80x128xf32, #tpu.memory_space<vmem>> -> memref<80x128xf32, #tpu.memory_space<vmem>>
    %dma_wait3A_58 = arith.constant 0 : i32
    %dma_wait3A_59 = tpu.memref_slice %arg8[%dma_wait3A, %dma_wait3A_58] : memref<125x80xi32, #tpu.memory_space<vmem>> -> memref<1x80xi32, #tpu.memory_space<vmem>>
    %dma_wait3A_60 = tpu.memref_squeeze %dma_wait3A_59 : memref<1x80xi32, #tpu.memory_space<vmem>> -> memref<80xi32, #tpu.memory_space<vmem>>
    %dma_wait3A_61 = arith.constant 0 : i32
    %dma_wait3A_62 = arith.constant 0 : i32
    %dma_wait3A_63 = tpu.memref_slice %arg2[%dma_wait3A_61, %dma_wait3A_62] : memref<10000x128xf32, #tpu.memory_space<hbm>> -> memref<10000x128xf32, #tpu.memory_space<hbm>>
    %dma_wait3A_64 = tpu.memref_slice %arg11[%dma_wait3A_53] : memref<3x!tpu.dma_semaphore, #tpu.memory_space<semaphore_mem>> -> memref<1x!tpu.dma_semaphore, #tpu.memory_space<semaphore_mem>>
    %dma_wait3A_65 = tpu.memref_squeeze %dma_wait3A_64 : memref<1x!tpu.dma_semaphore, #tpu.memory_space<semaphore_mem>> -> memref<!tpu.dma_semaphore, #tpu.memory_space<semaphore_mem>>
    tpu.wait_indirect_dma semaphore(%dma_wait3A_65 : memref<!tpu.dma_semaphore, #tpu.memory_space<semaphore_mem>>) src(%dma_wait3A_63 : memref<10000x128xf32, #tpu.memory_space<hbm>>) dst(%dma_wait3A_57 : memref<80x128xf32, #tpu.memory_space<vmem>>)
    %run_scoped3A = arith.constant 0 : i32
    %run_scoped3A_66 = arith.constant 120 : i32
    "tpu.region"() ({
      %run_scoped3A_173 = tpu.sem_alloc : memref<!tpu.dma_semaphore, #tpu.memory_space<semaphore_mem>>
      %dma_start3A_174 = arith.constant 0 : i32
      %dma_start3A_175 = arith.constant 0 : i32
      %dma_start3A_176 = tpu.memref_slice %arg10[%run_scoped3A, %dma_start3A_174, %dma_start3A_175] : memref<3x80x128xf32, #tpu.memory_space<vmem>> -> memref<1x80x128xf32, #tpu.memory_space<vmem>>
      %dma_start3A_177 = tpu.memref_squeeze %dma_start3A_176 : memref<1x80x128xf32, #tpu.memory_space<vmem>> -> memref<80x128xf32, #tpu.memory_space<vmem>>
      %dma_start3A_178 = arith.constant 0 : i32
      %dma_start3A_179 = tpu.memref_slice %arg9[%run_scoped3A_66, %dma_start3A_178] : memref<125x80xi32, #tpu.memory_space<vmem>> -> memref<1x80xi32, #tpu.memory_space<vmem>>
      %dma_start3A_180 = tpu.memref_squeeze %dma_start3A_179 : memref<1x80xi32, #tpu.memory_space<vmem>> -> memref<80xi32, #tpu.memory_space<vmem>>
      %dma_start3A_181 = arith.constant 0 : i32
      %dma_start3A_182 = arith.constant 0 : i32
      %dma_start3A_183 = tpu.memref_slice %arg7[%dma_start3A_181, %dma_start3A_182] : memref<10000x128xf32, #tpu.memory_space<vmem_shared>> -> memref<10000x128xf32, #tpu.memory_space<vmem_shared>>
      tpu.enqueue_indirect_dma source(%dma_start3A_177 : memref<80x128xf32, #tpu.memory_space<vmem>>) target(%dma_start3A_183 : memref<10000x128xf32, #tpu.memory_space<vmem_shared>>) offsets(%dma_start3A_180 : memref<80xi32, #tpu.memory_space<vmem>>) semaphore(%run_scoped3A_173 : memref<!tpu.dma_semaphore, #tpu.memory_space<semaphore_mem>>) {add = true}
      %dma_wait3A_184 = arith.constant 0 : i32
      %dma_wait3A_185 = arith.constant 0 : i32
      %dma_wait3A_186 = tpu.memref_slice %arg10[%run_scoped3A, %dma_wait3A_184, %dma_wait3A_185] : memref<3x80x128xf32, #tpu.memory_space<vmem>> -> memref<1x80x128xf32, #tpu.memory_space<vmem>>
      %dma_wait3A_187 = tpu.memref_squeeze %dma_wait3A_186 : memref<1x80x128xf32, #tpu.memory_space<vmem>> -> memref<80x128xf32, #tpu.memory_space<vmem>>
      %dma_wait3A_188 = arith.constant 0 : i32
      %dma_wait3A_189 = tpu.memref_slice %arg9[%run_scoped3A_66, %dma_wait3A_188] : memref<125x80xi32, #tpu.memory_space<vmem>> -> memref<1x80xi32, #tpu.memory_space<vmem>>
      %dma_wait3A_190 = tpu.memref_squeeze %dma_wait3A_189 : memref<1x80xi32, #tpu.memory_space<vmem>> -> memref<80xi32, #tpu.memory_space<vmem>>
      %dma_wait3A_191 = arith.constant 0 : i32
      %dma_wait3A_192 = arith.constant 0 : i32
      %dma_wait3A_193 = tpu.memref_slice %arg7[%dma_wait3A_191, %dma_wait3A_192] : memref<10000x128xf32, #tpu.memory_space<vmem_shared>> -> memref<10000x128xf32, #tpu.memory_space<vmem_shared>>
      tpu.wait_indirect_dma semaphore(%run_scoped3A_173 : memref<!tpu.dma_semaphore, #tpu.memory_space<semaphore_mem>>) src(%dma_wait3A_187 : memref<80x128xf32, #tpu.memory_space<vmem>>) dst(%dma_wait3A_193 : memref<10000x128xf32, #tpu.memory_space<vmem_shared>>)
      tpu.yield
    }) : () -> ()
    %dma_start3A_67 = arith.constant 123 : i32
    %dma_start3A_68 = arith.constant 0 : i32
    %dma_start3A_69 = arith.constant 0 : i32
    %dma_start3A_70 = arith.constant 0 : i32
    %dma_start3A_71 = arith.constant 0 : i32
    %dma_start3A_72 = tpu.memref_slice %arg10[%dma_start3A_68, %dma_start3A_70, %dma_start3A_71] : memref<3x80x128xf32, #tpu.memory_space<vmem>> -> memref<1x80x128xf32, #tpu.memory_space<vmem>>
    %dma_start3A_73 = tpu.memref_squeeze %dma_start3A_72 : memref<1x80x128xf32, #tpu.memory_space<vmem>> -> memref<80x128xf32, #tpu.memory_space<vmem>>
    %dma_start3A_74 = arith.constant 0 : i32
    %dma_start3A_75 = tpu.memref_slice %arg8[%dma_start3A_67, %dma_start3A_74] : memref<125x80xi32, #tpu.memory_space<vmem>> -> memref<1x80xi32, #tpu.memory_space<vmem>>
    %dma_start3A_76 = tpu.memref_squeeze %dma_start3A_75 : memref<1x80xi32, #tpu.memory_space<vmem>> -> memref<80xi32, #tpu.memory_space<vmem>>
    %dma_start3A_77 = arith.constant 0 : i32
    %dma_start3A_78 = arith.constant 0 : i32
    %dma_start3A_79 = tpu.memref_slice %arg2[%dma_start3A_77, %dma_start3A_78] : memref<10000x128xf32, #tpu.memory_space<hbm>> -> memref<10000x128xf32, #tpu.memory_space<hbm>>
    %dma_start3A_80 = tpu.memref_slice %arg11[%dma_start3A_69] : memref<3x!tpu.dma_semaphore, #tpu.memory_space<semaphore_mem>> -> memref<1x!tpu.dma_semaphore, #tpu.memory_space<semaphore_mem>>
    %dma_start3A_81 = tpu.memref_squeeze %dma_start3A_80 : memref<1x!tpu.dma_semaphore, #tpu.memory_space<semaphore_mem>> -> memref<!tpu.dma_semaphore, #tpu.memory_space<semaphore_mem>>
    tpu.enqueue_indirect_dma source(%dma_start3A_79 : memref<10000x128xf32, #tpu.memory_space<hbm>>) target(%dma_start3A_73 : memref<80x128xf32, #tpu.memory_space<vmem>>) offsets(%dma_start3A_76 : memref<80xi32, #tpu.memory_space<vmem>>) semaphore(%dma_start3A_81 : memref<!tpu.dma_semaphore, #tpu.memory_space<semaphore_mem>>)
    %dma_wait3A_82 = arith.constant 121 : i32
    %dma_wait3A_83 = arith.constant 1 : i32
    %dma_wait3A_84 = arith.constant 1 : i32
    %dma_wait3A_85 = arith.constant 0 : i32
    %dma_wait3A_86 = arith.constant 0 : i32
    %dma_wait3A_87 = tpu.memref_slice %arg10[%dma_wait3A_83, %dma_wait3A_85, %dma_wait3A_86] : memref<3x80x128xf32, #tpu.memory_space<vmem>> -> memref<1x80x128xf32, #tpu.memory_space<vmem>>
    %dma_wait3A_88 = tpu.memref_squeeze %dma_wait3A_87 : memref<1x80x128xf32, #tpu.memory_space<vmem>> -> memref<80x128xf32, #tpu.memory_space<vmem>>
    %dma_wait3A_89 = arith.constant 0 : i32
    %dma_wait3A_90 = tpu.memref_slice %arg8[%dma_wait3A_82, %dma_wait3A_89] : memref<125x80xi32, #tpu.memory_space<vmem>> -> memref<1x80xi32, #tpu.memory_space<vmem>>
    %dma_wait3A_91 = tpu.memref_squeeze %dma_wait3A_90 : memref<1x80xi32, #tpu.memory_space<vmem>> -> memref<80xi32, #tpu.memory_space<vmem>>
    %dma_wait3A_92 = arith.constant 0 : i32
    %dma_wait3A_93 = arith.constant 0 : i32
    %dma_wait3A_94 = tpu.memref_slice %arg2[%dma_wait3A_92, %dma_wait3A_93] : memref<10000x128xf32, #tpu.memory_space<hbm>> -> memref<10000x128xf32, #tpu.memory_space<hbm>>
    %dma_wait3A_95 = tpu.memref_slice %arg11[%dma_wait3A_84] : memref<3x!tpu.dma_semaphore, #tpu.memory_space<semaphore_mem>> -> memref<1x!tpu.dma_semaphore, #tpu.memory_space<semaphore_mem>>
    %dma_wait3A_96 = tpu.memref_squeeze %dma_wait3A_95 : memref<1x!tpu.dma_semaphore, #tpu.memory_space<semaphore_mem>> -> memref<!tpu.dma_semaphore, #tpu.memory_space<semaphore_mem>>
    tpu.wait_indirect_dma semaphore(%dma_wait3A_96 : memref<!tpu.dma_semaphore, #tpu.memory_space<semaphore_mem>>) src(%dma_wait3A_94 : memref<10000x128xf32, #tpu.memory_space<hbm>>) dst(%dma_wait3A_88 : memref<80x128xf32, #tpu.memory_space<vmem>>)
    %run_scoped3A_97 = arith.constant 1 : i32
    %run_scoped3A_98 = arith.constant 121 : i32
    "tpu.region"() ({
      %run_scoped3A_173 = tpu.sem_alloc : memref<!tpu.dma_semaphore, #tpu.memory_space<semaphore_mem>>
      %dma_start3A_174 = arith.constant 0 : i32
      %dma_start3A_175 = arith.constant 0 : i32
      %dma_start3A_176 = tpu.memref_slice %arg10[%run_scoped3A_97, %dma_start3A_174, %dma_start3A_175] : memref<3x80x128xf32, #tpu.memory_space<vmem>> -> memref<1x80x128xf32, #tpu.memory_space<vmem>>
      %dma_start3A_177 = tpu.memref_squeeze %dma_start3A_176 : memref<1x80x128xf32, #tpu.memory_space<vmem>> -> memref<80x128xf32, #tpu.memory_space<vmem>>
      %dma_start3A_178 = arith.constant 0 : i32
      %dma_start3A_179 = tpu.memref_slice %arg9[%run_scoped3A_98, %dma_start3A_178] : memref<125x80xi32, #tpu.memory_space<vmem>> -> memref<1x80xi32, #tpu.memory_space<vmem>>
      %dma_start3A_180 = tpu.memref_squeeze %dma_start3A_179 : memref<1x80xi32, #tpu.memory_space<vmem>> -> memref<80xi32, #tpu.memory_space<vmem>>
      %dma_start3A_181 = arith.constant 0 : i32
      %dma_start3A_182 = arith.constant 0 : i32
      %dma_start3A_183 = tpu.memref_slice %arg7[%dma_start3A_181, %dma_start3A_182] : memref<10000x128xf32, #tpu.memory_space<vmem_shared>> -> memref<10000x128xf32, #tpu.memory_space<vmem_shared>>
      tpu.enqueue_indirect_dma source(%dma_start3A_177 : memref<80x128xf32, #tpu.memory_space<vmem>>) target(%dma_start3A_183 : memref<10000x128xf32, #tpu.memory_space<vmem_shared>>) offsets(%dma_start3A_180 : memref<80xi32, #tpu.memory_space<vmem>>) semaphore(%run_scoped3A_173 : memref<!tpu.dma_semaphore, #tpu.memory_space<semaphore_mem>>) {add = true}
      %dma_wait3A_184 = arith.constant 0 : i32
      %dma_wait3A_185 = arith.constant 0 : i32
      %dma_wait3A_186 = tpu.memref_slice %arg10[%run_scoped3A_97, %dma_wait3A_184, %dma_wait3A_185] : memref<3x80x128xf32, #tpu.memory_space<vmem>> -> memref<1x80x128xf32, #tpu.memory_space<vmem>>
      %dma_wait3A_187 = tpu.memref_squeeze %dma_wait3A_186 : memref<1x80x128xf32, #tpu.memory_space<vmem>> -> memref<80x128xf32, #tpu.memory_space<vmem>>
      %dma_wait3A_188 = arith.constant 0 : i32
      %dma_wait3A_189 = tpu.memref_slice %arg9[%run_scoped3A_98, %dma_wait3A_188] : memref<125x80xi32, #tpu.memory_space<vmem>> -> memref<1x80xi32, #tpu.memory_space<vmem>>
      %dma_wait3A_190 = tpu.memref_squeeze %dma_wait3A_189 : memref<1x80xi32, #tpu.memory_space<vmem>> -> memref<80xi32, #tpu.memory_space<vmem>>
      %dma_wait3A_191 = arith.constant 0 : i32
      %dma_wait3A_192 = arith.constant 0 : i32
      %dma_wait3A_193 = tpu.memref_slice %arg7[%dma_wait3A_191, %dma_wait3A_192] : memref<10000x128xf32, #tpu.memory_space<vmem_shared>> -> memref<10000x128xf32, #tpu.memory_space<vmem_shared>>
      tpu.wait_indirect_dma semaphore(%run_scoped3A_173 : memref<!tpu.dma_semaphore, #tpu.memory_space<semaphore_mem>>) src(%dma_wait3A_187 : memref<80x128xf32, #tpu.memory_space<vmem>>) dst(%dma_wait3A_193 : memref<10000x128xf32, #tpu.memory_space<vmem_shared>>)
      tpu.yield
    }) : () -> ()
    %dma_start3A_99 = arith.constant 124 : i32
    %dma_start3A_100 = arith.constant 1 : i32
    %dma_start3A_101 = arith.constant 1 : i32
    %dma_start3A_102 = arith.constant 0 : i32
    %dma_start3A_103 = arith.constant 0 : i32
    %dma_start3A_104 = tpu.memref_slice %arg10[%dma_start3A_100, %dma_start3A_102, %dma_start3A_103] : memref<3x80x128xf32, #tpu.memory_space<vmem>> -> memref<1x80x128xf32, #tpu.memory_space<vmem>>
    %dma_start3A_105 = tpu.memref_squeeze %dma_start3A_104 : memref<1x80x128xf32, #tpu.memory_space<vmem>> -> memref<80x128xf32, #tpu.memory_space<vmem>>
    %dma_start3A_106 = arith.constant 0 : i32
    %dma_start3A_107 = tpu.memref_slice %arg8[%dma_start3A_99, %dma_start3A_106] : memref<125x80xi32, #tpu.memory_space<vmem>> -> memref<1x80xi32, #tpu.memory_space<vmem>>
    %dma_start3A_108 = tpu.memref_squeeze %dma_start3A_107 : memref<1x80xi32, #tpu.memory_space<vmem>> -> memref<80xi32, #tpu.memory_space<vmem>>
    %dma_start3A_109 = arith.constant 0 : i32
    %dma_start3A_110 = arith.constant 0 : i32
    %dma_start3A_111 = tpu.memref_slice %arg2[%dma_start3A_109, %dma_start3A_110] : memref<10000x128xf32, #tpu.memory_space<hbm>> -> memref<10000x128xf32, #tpu.memory_space<hbm>>
    %dma_start3A_112 = tpu.memref_slice %arg11[%dma_start3A_101] : memref<3x!tpu.dma_semaphore, #tpu.memory_space<semaphore_mem>> -> memref<1x!tpu.dma_semaphore, #tpu.memory_space<semaphore_mem>>
    %dma_start3A_113 = tpu.memref_squeeze %dma_start3A_112 : memref<1x!tpu.dma_semaphore, #tpu.memory_space<semaphore_mem>> -> memref<!tpu.dma_semaphore, #tpu.memory_space<semaphore_mem>>
    tpu.enqueue_indirect_dma source(%dma_start3A_111 : memref<10000x128xf32, #tpu.memory_space<hbm>>) target(%dma_start3A_105 : memref<80x128xf32, #tpu.memory_space<vmem>>) offsets(%dma_start3A_108 : memref<80xi32, #tpu.memory_space<vmem>>) semaphore(%dma_start3A_113 : memref<!tpu.dma_semaphore, #tpu.memory_space<semaphore_mem>>)
    %dma_wait3A_114 = arith.constant 122 : i32
    %dma_wait3A_115 = arith.constant 2 : i32
    %dma_wait3A_116 = arith.constant 2 : i32
    %dma_wait3A_117 = arith.constant 0 : i32
    %dma_wait3A_118 = arith.constant 0 : i32
    %dma_wait3A_119 = tpu.memref_slice %arg10[%dma_wait3A_115, %dma_wait3A_117, %dma_wait3A_118] : memref<3x80x128xf32, #tpu.memory_space<vmem>> -> memref<1x80x128xf32, #tpu.memory_space<vmem>>
    %dma_wait3A_120 = tpu.memref_squeeze %dma_wait3A_119 : memref<1x80x128xf32, #tpu.memory_space<vmem>> -> memref<80x128xf32, #tpu.memory_space<vmem>>
    %dma_wait3A_121 = arith.constant 0 : i32
    %dma_wait3A_122 = tpu.memref_slice %arg8[%dma_wait3A_114, %dma_wait3A_121] : memref<125x80xi32, #tpu.memory_space<vmem>> -> memref<1x80xi32, #tpu.memory_space<vmem>>
    %dma_wait3A_123 = tpu.memref_squeeze %dma_wait3A_122 : memref<1x80xi32, #tpu.memory_space<vmem>> -> memref<80xi32, #tpu.memory_space<vmem>>
    %dma_wait3A_124 = arith.constant 0 : i32
    %dma_wait3A_125 = arith.constant 0 : i32
    %dma_wait3A_126 = tpu.memref_slice %arg2[%dma_wait3A_124, %dma_wait3A_125] : memref<10000x128xf32, #tpu.memory_space<hbm>> -> memref<10000x128xf32, #tpu.memory_space<hbm>>
    %dma_wait3A_127 = tpu.memref_slice %arg11[%dma_wait3A_116] : memref<3x!tpu.dma_semaphore, #tpu.memory_space<semaphore_mem>> -> memref<1x!tpu.dma_semaphore, #tpu.memory_space<semaphore_mem>>
    %dma_wait3A_128 = tpu.memref_squeeze %dma_wait3A_127 : memref<1x!tpu.dma_semaphore, #tpu.memory_space<semaphore_mem>> -> memref<!tpu.dma_semaphore, #tpu.memory_space<semaphore_mem>>
    tpu.wait_indirect_dma semaphore(%dma_wait3A_128 : memref<!tpu.dma_semaphore, #tpu.memory_space<semaphore_mem>>) src(%dma_wait3A_126 : memref<10000x128xf32, #tpu.memory_space<hbm>>) dst(%dma_wait3A_120 : memref<80x128xf32, #tpu.memory_space<vmem>>)
    %run_scoped3A_129 = arith.constant 2 : i32
    %run_scoped3A_130 = arith.constant 122 : i32
    "tpu.region"() ({
      %run_scoped3A_173 = tpu.sem_alloc : memref<!tpu.dma_semaphore, #tpu.memory_space<semaphore_mem>>
      %dma_start3A_174 = arith.constant 0 : i32
      %dma_start3A_175 = arith.constant 0 : i32
      %dma_start3A_176 = tpu.memref_slice %arg10[%run_scoped3A_129, %dma_start3A_174, %dma_start3A_175] : memref<3x80x128xf32, #tpu.memory_space<vmem>> -> memref<1x80x128xf32, #tpu.memory_space<vmem>>
      %dma_start3A_177 = tpu.memref_squeeze %dma_start3A_176 : memref<1x80x128xf32, #tpu.memory_space<vmem>> -> memref<80x128xf32, #tpu.memory_space<vmem>>
      %dma_start3A_178 = arith.constant 0 : i32
      %dma_start3A_179 = tpu.memref_slice %arg9[%run_scoped3A_130, %dma_start3A_178] : memref<125x80xi32, #tpu.memory_space<vmem>> -> memref<1x80xi32, #tpu.memory_space<vmem>>
      %dma_start3A_180 = tpu.memref_squeeze %dma_start3A_179 : memref<1x80xi32, #tpu.memory_space<vmem>> -> memref<80xi32, #tpu.memory_space<vmem>>
      %dma_start3A_181 = arith.constant 0 : i32
      %dma_start3A_182 = arith.constant 0 : i32
      %dma_start3A_183 = tpu.memref_slice %arg7[%dma_start3A_181, %dma_start3A_182] : memref<10000x128xf32, #tpu.memory_space<vmem_shared>> -> memref<10000x128xf32, #tpu.memory_space<vmem_shared>>
      tpu.enqueue_indirect_dma source(%dma_start3A_177 : memref<80x128xf32, #tpu.memory_space<vmem>>) target(%dma_start3A_183 : memref<10000x128xf32, #tpu.memory_space<vmem_shared>>) offsets(%dma_start3A_180 : memref<80xi32, #tpu.memory_space<vmem>>) semaphore(%run_scoped3A_173 : memref<!tpu.dma_semaphore, #tpu.memory_space<semaphore_mem>>) {add = true}
      %dma_wait3A_184 = arith.constant 0 : i32
      %dma_wait3A_185 = arith.constant 0 : i32
      %dma_wait3A_186 = tpu.memref_slice %arg10[%run_scoped3A_129, %dma_wait3A_184, %dma_wait3A_185] : memref<3x80x128xf32, #tpu.memory_space<vmem>> -> memref<1x80x128xf32, #tpu.memory_space<vmem>>
      %dma_wait3A_187 = tpu.memref_squeeze %dma_wait3A_186 : memref<1x80x128xf32, #tpu.memory_space<vmem>> -> memref<80x128xf32, #tpu.memory_space<vmem>>
      %dma_wait3A_188 = arith.constant 0 : i32
      %dma_wait3A_189 = tpu.memref_slice %arg9[%run_scoped3A_130, %dma_wait3A_188] : memref<125x80xi32, #tpu.memory_space<vmem>> -> memref<1x80xi32, #tpu.memory_space<vmem>>
      %dma_wait3A_190 = tpu.memref_squeeze %dma_wait3A_189 : memref<1x80xi32, #tpu.memory_space<vmem>> -> memref<80xi32, #tpu.memory_space<vmem>>
      %dma_wait3A_191 = arith.constant 0 : i32
      %dma_wait3A_192 = arith.constant 0 : i32
      %dma_wait3A_193 = tpu.memref_slice %arg7[%dma_wait3A_191, %dma_wait3A_192] : memref<10000x128xf32, #tpu.memory_space<vmem_shared>> -> memref<10000x128xf32, #tpu.memory_space<vmem_shared>>
      tpu.wait_indirect_dma semaphore(%run_scoped3A_173 : memref<!tpu.dma_semaphore, #tpu.memory_space<semaphore_mem>>) src(%dma_wait3A_187 : memref<80x128xf32, #tpu.memory_space<vmem>>) dst(%dma_wait3A_193 : memref<10000x128xf32, #tpu.memory_space<vmem_shared>>)
      tpu.yield
    }) : () -> ()
    %dma_wait3A_131 = arith.constant 123 : i32
    %dma_wait3A_132 = arith.constant 0 : i32
    %dma_wait3A_133 = arith.constant 0 : i32
    %dma_wait3A_134 = arith.constant 0 : i32
    %dma_wait3A_135 = arith.constant 0 : i32
    %dma_wait3A_136 = tpu.memref_slice %arg10[%dma_wait3A_132, %dma_wait3A_134, %dma_wait3A_135] : memref<3x80x128xf32, #tpu.memory_space<vmem>> -> memref<1x80x128xf32, #tpu.memory_space<vmem>>
    %dma_wait3A_137 = tpu.memref_squeeze %dma_wait3A_136 : memref<1x80x128xf32, #tpu.memory_space<vmem>> -> memref<80x128xf32, #tpu.memory_space<vmem>>
    %dma_wait3A_138 = arith.constant 0 : i32
    %dma_wait3A_139 = tpu.memref_slice %arg8[%dma_wait3A_131, %dma_wait3A_138] : memref<125x80xi32, #tpu.memory_space<vmem>> -> memref<1x80xi32, #tpu.memory_space<vmem>>
    %dma_wait3A_140 = tpu.memref_squeeze %dma_wait3A_139 : memref<1x80xi32, #tpu.memory_space<vmem>> -> memref<80xi32, #tpu.memory_space<vmem>>
    %dma_wait3A_141 = arith.constant 0 : i32
    %dma_wait3A_142 = arith.constant 0 : i32
    %dma_wait3A_143 = tpu.memref_slice %arg2[%dma_wait3A_141, %dma_wait3A_142] : memref<10000x128xf32, #tpu.memory_space<hbm>> -> memref<10000x128xf32, #tpu.memory_space<hbm>>
    %dma_wait3A_144 = tpu.memref_slice %arg11[%dma_wait3A_133] : memref<3x!tpu.dma_semaphore, #tpu.memory_space<semaphore_mem>> -> memref<1x!tpu.dma_semaphore, #tpu.memory_space<semaphore_mem>>
    %dma_wait3A_145 = tpu.memref_squeeze %dma_wait3A_144 : memref<1x!tpu.dma_semaphore, #tpu.memory_space<semaphore_mem>> -> memref<!tpu.dma_semaphore, #tpu.memory_space<semaphore_mem>>
    tpu.wait_indirect_dma semaphore(%dma_wait3A_145 : memref<!tpu.dma_semaphore, #tpu.memory_space<semaphore_mem>>) src(%dma_wait3A_143 : memref<10000x128xf32, #tpu.memory_space<hbm>>) dst(%dma_wait3A_137 : memref<80x128xf32, #tpu.memory_space<vmem>>)
    %run_scoped3A_146 = arith.constant 0 : i32
    %run_scoped3A_147 = arith.constant 123 : i32
    "tpu.region"() ({
      %run_scoped3A_173 = tpu.sem_alloc : memref<!tpu.dma_semaphore, #tpu.memory_space<semaphore_mem>>
      %dma_start3A_174 = arith.constant 0 : i32
      %dma_start3A_175 = arith.constant 0 : i32
      %dma_start3A_176 = tpu.memref_slice %arg10[%run_scoped3A_146, %dma_start3A_174, %dma_start3A_175] : memref<3x80x128xf32, #tpu.memory_space<vmem>> -> memref<1x80x128xf32, #tpu.memory_space<vmem>>
      %dma_start3A_177 = tpu.memref_squeeze %dma_start3A_176 : memref<1x80x128xf32, #tpu.memory_space<vmem>> -> memref<80x128xf32, #tpu.memory_space<vmem>>
      %dma_start3A_178 = arith.constant 0 : i32
      %dma_start3A_179 = tpu.memref_slice %arg9[%run_scoped3A_147, %dma_start3A_178] : memref<125x80xi32, #tpu.memory_space<vmem>> -> memref<1x80xi32, #tpu.memory_space<vmem>>
      %dma_start3A_180 = tpu.memref_squeeze %dma_start3A_179 : memref<1x80xi32, #tpu.memory_space<vmem>> -> memref<80xi32, #tpu.memory_space<vmem>>
      %dma_start3A_181 = arith.constant 0 : i32
      %dma_start3A_182 = arith.constant 0 : i32
      %dma_start3A_183 = tpu.memref_slice %arg7[%dma_start3A_181, %dma_start3A_182] : memref<10000x128xf32, #tpu.memory_space<vmem_shared>> -> memref<10000x128xf32, #tpu.memory_space<vmem_shared>>
      tpu.enqueue_indirect_dma source(%dma_start3A_177 : memref<80x128xf32, #tpu.memory_space<vmem>>) target(%dma_start3A_183 : memref<10000x128xf32, #tpu.memory_space<vmem_shared>>) offsets(%dma_start3A_180 : memref<80xi32, #tpu.memory_space<vmem>>) semaphore(%run_scoped3A_173 : memref<!tpu.dma_semaphore, #tpu.memory_space<semaphore_mem>>) {add = true}
      %dma_wait3A_184 = arith.constant 0 : i32
      %dma_wait3A_185 = arith.constant 0 : i32
      %dma_wait3A_186 = tpu.memref_slice %arg10[%run_scoped3A_146, %dma_wait3A_184, %dma_wait3A_185] : memref<3x80x128xf32, #tpu.memory_space<vmem>> -> memref<1x80x128xf32, #tpu.memory_space<vmem>>
      %dma_wait3A_187 = tpu.memref_squeeze %dma_wait3A_186 : memref<1x80x128xf32, #tpu.memory_space<vmem>> -> memref<80x128xf32, #tpu.memory_space<vmem>>
      %dma_wait3A_188 = arith.constant 0 : i32
      %dma_wait3A_189 = tpu.memref_slice %arg9[%run_scoped3A_147, %dma_wait3A_188] : memref<125x80xi32, #tpu.memory_space<vmem>> -> memref<1x80xi32, #tpu.memory_space<vmem>>
      %dma_wait3A_190 = tpu.memref_squeeze %dma_wait3A_189 : memref<1x80xi32, #tpu.memory_space<vmem>> -> memref<80xi32, #tpu.memory_space<vmem>>
      %dma_wait3A_191 = arith.constant 0 : i32
      %dma_wait3A_192 = arith.constant 0 : i32
      %dma_wait3A_193 = tpu.memref_slice %arg7[%dma_wait3A_191, %dma_wait3A_192] : memref<10000x128xf32, #tpu.memory_space<vmem_shared>> -> memref<10000x128xf32, #tpu.memory_space<vmem_shared>>
      tpu.wait_indirect_dma semaphore(%run_scoped3A_173 : memref<!tpu.dma_semaphore, #tpu.memory_space<semaphore_mem>>) src(%dma_wait3A_187 : memref<80x128xf32, #tpu.memory_space<vmem>>) dst(%dma_wait3A_193 : memref<10000x128xf32, #tpu.memory_space<vmem_shared>>)
      tpu.yield
    }) : () -> ()
    %dma_wait3A_148 = arith.constant 124 : i32
    %dma_wait3A_149 = arith.constant 1 : i32
    %dma_wait3A_150 = arith.constant 1 : i32
    %dma_wait3A_151 = arith.constant 0 : i32
    %dma_wait3A_152 = arith.constant 0 : i32
    %dma_wait3A_153 = tpu.memref_slice %arg10[%dma_wait3A_149, %dma_wait3A_151, %dma_wait3A_152] : memref<3x80x128xf32, #tpu.memory_space<vmem>> -> memref<1x80x128xf32, #tpu.memory_space<vmem>>
    %dma_wait3A_154 = tpu.memref_squeeze %dma_wait3A_153 : memref<1x80x128xf32, #tpu.memory_space<vmem>> -> memref<80x128xf32, #tpu.memory_space<vmem>>
    %dma_wait3A_155 = arith.constant 0 : i32
    %dma_wait3A_156 = tpu.memref_slice %arg8[%dma_wait3A_148, %dma_wait3A_155] : memref<125x80xi32, #tpu.memory_space<vmem>> -> memref<1x80xi32, #tpu.memory_space<vmem>>
    %dma_wait3A_157 = tpu.memref_squeeze %dma_wait3A_156 : memref<1x80xi32, #tpu.memory_space<vmem>> -> memref<80xi32, #tpu.memory_space<vmem>>
    %dma_wait3A_158 = arith.constant 0 : i32
    %dma_wait3A_159 = arith.constant 0 : i32
    %dma_wait3A_160 = tpu.memref_slice %arg2[%dma_wait3A_158, %dma_wait3A_159] : memref<10000x128xf32, #tpu.memory_space<hbm>> -> memref<10000x128xf32, #tpu.memory_space<hbm>>
    %dma_wait3A_161 = tpu.memref_slice %arg11[%dma_wait3A_150] : memref<3x!tpu.dma_semaphore, #tpu.memory_space<semaphore_mem>> -> memref<1x!tpu.dma_semaphore, #tpu.memory_space<semaphore_mem>>
    %dma_wait3A_162 = tpu.memref_squeeze %dma_wait3A_161 : memref<1x!tpu.dma_semaphore, #tpu.memory_space<semaphore_mem>> -> memref<!tpu.dma_semaphore, #tpu.memory_space<semaphore_mem>>
    tpu.wait_indirect_dma semaphore(%dma_wait3A_162 : memref<!tpu.dma_semaphore, #tpu.memory_space<semaphore_mem>>) src(%dma_wait3A_160 : memref<10000x128xf32, #tpu.memory_space<hbm>>) dst(%dma_wait3A_154 : memref<80x128xf32, #tpu.memory_space<vmem>>)
    %run_scoped3A_163 = arith.constant 1 : i32
    %run_scoped3A_164 = arith.constant 124 : i32
    "tpu.region"() ({
      %run_scoped3A_173 = tpu.sem_alloc : memref<!tpu.dma_semaphore, #tpu.memory_space<semaphore_mem>>
      %dma_start3A_174 = arith.constant 0 : i32
      %dma_start3A_175 = arith.constant 0 : i32
      %dma_start3A_176 = tpu.memref_slice %arg10[%run_scoped3A_163, %dma_start3A_174, %dma_start3A_175] : memref<3x80x128xf32, #tpu.memory_space<vmem>> -> memref<1x80x128xf32, #tpu.memory_space<vmem>>
      %dma_start3A_177 = tpu.memref_squeeze %dma_start3A_176 : memref<1x80x128xf32, #tpu.memory_space<vmem>> -> memref<80x128xf32, #tpu.memory_space<vmem>>
      %dma_start3A_178 = arith.constant 0 : i32
      %dma_start3A_179 = tpu.memref_slice %arg9[%run_scoped3A_164, %dma_start3A_178] : memref<125x80xi32, #tpu.memory_space<vmem>> -> memref<1x80xi32, #tpu.memory_space<vmem>>
      %dma_start3A_180 = tpu.memref_squeeze %dma_start3A_179 : memref<1x80xi32, #tpu.memory_space<vmem>> -> memref<80xi32, #tpu.memory_space<vmem>>
      %dma_start3A_181 = arith.constant 0 : i32
      %dma_start3A_182 = arith.constant 0 : i32
      %dma_start3A_183 = tpu.memref_slice %arg7[%dma_start3A_181, %dma_start3A_182] : memref<10000x128xf32, #tpu.memory_space<vmem_shared>> -> memref<10000x128xf32, #tpu.memory_space<vmem_shared>>
      tpu.enqueue_indirect_dma source(%dma_start3A_177 : memref<80x128xf32, #tpu.memory_space<vmem>>) target(%dma_start3A_183 : memref<10000x128xf32, #tpu.memory_space<vmem_shared>>) offsets(%dma_start3A_180 : memref<80xi32, #tpu.memory_space<vmem>>) semaphore(%run_scoped3A_173 : memref<!tpu.dma_semaphore, #tpu.memory_space<semaphore_mem>>) {add = true}
      %dma_wait3A_184 = arith.constant 0 : i32
      %dma_wait3A_185 = arith.constant 0 : i32
      %dma_wait3A_186 = tpu.memref_slice %arg10[%run_scoped3A_163, %dma_wait3A_184, %dma_wait3A_185] : memref<3x80x128xf32, #tpu.memory_space<vmem>> -> memref<1x80x128xf32, #tpu.memory_space<vmem>>
      %dma_wait3A_187 = tpu.memref_squeeze %dma_wait3A_186 : memref<1x80x128xf32, #tpu.memory_space<vmem>> -> memref<80x128xf32, #tpu.memory_space<vmem>>
      %dma_wait3A_188 = arith.constant 0 : i32
      %dma_wait3A_189 = tpu.memref_slice %arg9[%run_scoped3A_164, %dma_wait3A_188] : memref<125x80xi32, #tpu.memory_space<vmem>> -> memref<1x80xi32, #tpu.memory_space<vmem>>
      %dma_wait3A_190 = tpu.memref_squeeze %dma_wait3A_189 : memref<1x80xi32, #tpu.memory_space<vmem>> -> memref<80xi32, #tpu.memory_space<vmem>>
      %dma_wait3A_191 = arith.constant 0 : i32
      %dma_wait3A_192 = arith.constant 0 : i32
      %dma_wait3A_193 = tpu.memref_slice %arg7[%dma_wait3A_191, %dma_wait3A_192] : memref<10000x128xf32, #tpu.memory_space<vmem_shared>> -> memref<10000x128xf32, #tpu.memory_space<vmem_shared>>
      tpu.wait_indirect_dma semaphore(%run_scoped3A_173 : memref<!tpu.dma_semaphore, #tpu.memory_space<semaphore_mem>>) src(%dma_wait3A_187 : memref<80x128xf32, #tpu.memory_space<vmem>>) dst(%dma_wait3A_193 : memref<10000x128xf32, #tpu.memory_space<vmem_shared>>)
      tpu.yield
    }) : () -> ()
    %barrier3A_165 = arith.constant 0 : index
    tpu.barrier barrier_id(%barrier3A_165)
    %mul3A_166 = arith.constant 625 : i32
    %mul3A_167 = arith.muli %arg1, %mul3A_166 : i32
    %mul3A_168 = arith.constant 10000 : i32
    %mul3A_169 = arith.muli %arg0, %mul3A_168 : i32
    %mul3A_170 = arith.constant 625 : i32
    %mul3A_171 = arith.muli %arg1, %mul3A_170 : i32
    %add3A_172 = arith.addi %mul3A_169, %mul3A_171 : i32
    "tpu.region"() ({
      %run_scoped3A_173 = tpu.sem_alloc : memref<!tpu.dma_semaphore, #tpu.memory_space<semaphore_mem>>
      %dma_start3A_174 = arith.constant 0 : i32
      %dma_start3A_175 = tpu.memref_slice %arg6[%add3A_172, %dma_start3A_174] : memref<20000x128xf32, #tpu.memory_space<hbm>> -> memref<625x128xf32, #tpu.memory_space<hbm>>
      %dma_start3A_176 = arith.constant 0 : i32
      %dma_start3A_177 = tpu.memref_slice %arg7[%mul3A_167, %dma_start3A_176] : memref<10000x128xf32, #tpu.memory_space<vmem_shared>> -> memref<625x128xf32, #tpu.memory_space<vmem_shared>>
      tpu.enqueue_dma source(%dma_start3A_177 : memref<625x128xf32, #tpu.memory_space<vmem_shared>>) target(%dma_start3A_175 : memref<625x128xf32, #tpu.memory_space<hbm>>) target_semaphore(%run_scoped3A_173 : memref<!tpu.dma_semaphore, #tpu.memory_space<semaphore_mem>>)
      %dma_wait3A_178 = arith.constant 0 : i32
      %dma_wait3A_179 = tpu.memref_slice %arg6[%add3A_172, %dma_wait3A_178] : memref<20000x128xf32, #tpu.memory_space<hbm>> -> memref<625x128xf32, #tpu.memory_space<hbm>>
      %dma_wait3A_180 = arith.constant 0 : i32
      %dma_wait3A_181 = tpu.memref_slice %arg7[%mul3A_167, %dma_wait3A_180] : memref<10000x128xf32, #tpu.memory_space<vmem_shared>> -> memref<625x128xf32, #tpu.memory_space<vmem_shared>>
      tpu.wait_dma2 semaphore(%run_scoped3A_173 : memref<!tpu.dma_semaphore, #tpu.memory_space<semaphore_mem>>) src(%dma_wait3A_181 : memref<625x128xf32, #tpu.memory_space<vmem_shared>>) dst(%dma_wait3A_179 : memref<625x128xf32, #tpu.memory_space<hbm>>)
      tpu.yield
    }) : () -> ()
    return
  }
}

#map = affine_map<(d0, d1) -> (0, 0)>
#map1 = affine_map<(d0, d1) -> (0, 0, 0)>
module attributes {stable_mosaic.version = 14 : i64} {
  func.func @agg_kernel(%arg0: i32, %arg1: i32, %arg2: memref<10000x64xf32, #tpu.memory_space<hbm>>, %arg3: memref<32x125x80xi32, #tpu.memory_space<hbm>>, %arg4: memref<32x125x80xi32, #tpu.memory_space<hbm>>, %arg5: memref<625x64xf32, #tpu.memory_space<hbm>>, %arg6: memref<20000x64xf32, #tpu.memory_space<hbm>>, %arg7: memref<10000x64xf32, #tpu.memory_space<vmem_shared>>, %arg8: memref<125x80xi32, #tpu.memory_space<vmem>>, %arg9: memref<125x80xi32, #tpu.memory_space<vmem>>, %arg10: memref<8x80x64xf32, #tpu.memory_space<vmem>>, %arg11: memref<8x!tpu.dma_semaphore, #tpu.memory_space<semaphore_mem>>) attributes {dimension_semantics = [#tpu.dimension_semantics<core_parallel>, #tpu.dimension_semantics<subcore_parallel>], iteration_bounds = array<i64: 2, 16>, scalar_prefetch = 0 : i64, scratch_operands = 5 : i64, tpu.core_type = #tpu.core_type<sc_vector_subcore>, window_params = [{transform_indices = #map}, {transform_indices = #map1}, {transform_indices = #map1}, {transform_indices = #map}, {transform_indices = #map}]} {
    %mul3A = arith.constant 16 : i32
    %mul3A_0 = arith.muli %arg0, %mul3A : i32
    %add3A = arith.addi %mul3A_0, %arg1 : i32
    %mul3A_1 = arith.constant 625 : i32
    %mul3A_2 = arith.muli %arg1, %mul3A_1 : i32
    "tpu.region"() ({
      %run_scoped3A_429 = tpu.sem_alloc : memref<!tpu.dma_semaphore, #tpu.memory_space<semaphore_mem>>
      %dma_start3A_430 = arith.constant 0 : i32
      %dma_start3A_431 = tpu.memref_slice %arg7[%mul3A_2, %dma_start3A_430] : memref<10000x64xf32, #tpu.memory_space<vmem_shared>> -> memref<625x64xf32, #tpu.memory_space<vmem_shared>>
      tpu.enqueue_dma source(%arg5 : memref<625x64xf32, #tpu.memory_space<hbm>>) target(%dma_start3A_431 : memref<625x64xf32, #tpu.memory_space<vmem_shared>>) target_semaphore(%run_scoped3A_429 : memref<!tpu.dma_semaphore, #tpu.memory_space<semaphore_mem>>)
      %dma_wait3A_432 = arith.constant 0 : i32
      %dma_wait3A_433 = tpu.memref_slice %arg7[%mul3A_2, %dma_wait3A_432] : memref<10000x64xf32, #tpu.memory_space<vmem_shared>> -> memref<625x64xf32, #tpu.memory_space<vmem_shared>>
      tpu.wait_dma2 semaphore(%run_scoped3A_429 : memref<!tpu.dma_semaphore, #tpu.memory_space<semaphore_mem>>) src(%arg5 : memref<625x64xf32, #tpu.memory_space<hbm>>) dst(%dma_wait3A_433 : memref<625x64xf32, #tpu.memory_space<vmem_shared>>)
      tpu.yield
    }) : () -> ()
    "tpu.region"() ({
      %run_scoped3A_429 = tpu.sem_alloc : memref<!tpu.dma_semaphore, #tpu.memory_space<semaphore_mem>>
      %dma_start3A_430 = arith.constant 0 : i32
      %dma_start3A_431 = arith.constant 0 : i32
      %dma_start3A_432 = tpu.memref_slice %arg3[%add3A, %dma_start3A_430, %dma_start3A_431] : memref<32x125x80xi32, #tpu.memory_space<hbm>> -> memref<1x125x80xi32, #tpu.memory_space<hbm>>
      %dma_start3A_433 = tpu.memref_squeeze %dma_start3A_432 : memref<1x125x80xi32, #tpu.memory_space<hbm>> -> memref<125x80xi32, #tpu.memory_space<hbm>>
      %dma_start3A_434 = arith.constant 0 : i32
      %dma_start3A_435 = arith.constant 0 : i32
      %dma_start3A_436 = tpu.memref_slice %arg3[%add3A, %dma_start3A_434, %dma_start3A_435] : memref<32x125x80xi32, #tpu.memory_space<hbm>> -> memref<1x125x80xi32, #tpu.memory_space<hbm>>
      %dma_start3A_437 = tpu.memref_squeeze %dma_start3A_436 : memref<1x125x80xi32, #tpu.memory_space<hbm>> -> memref<125x80xi32, #tpu.memory_space<hbm>>
      tpu.enqueue_dma source(%dma_start3A_437 : memref<125x80xi32, #tpu.memory_space<hbm>>) target(%arg8 : memref<125x80xi32, #tpu.memory_space<vmem>>) target_semaphore(%run_scoped3A_429 : memref<!tpu.dma_semaphore, #tpu.memory_space<semaphore_mem>>)
      %dma_wait3A_438 = arith.constant 0 : i32
      %dma_wait3A_439 = arith.constant 0 : i32
      %dma_wait3A_440 = tpu.memref_slice %arg3[%add3A, %dma_wait3A_438, %dma_wait3A_439] : memref<32x125x80xi32, #tpu.memory_space<hbm>> -> memref<1x125x80xi32, #tpu.memory_space<hbm>>
      %dma_wait3A_441 = tpu.memref_squeeze %dma_wait3A_440 : memref<1x125x80xi32, #tpu.memory_space<hbm>> -> memref<125x80xi32, #tpu.memory_space<hbm>>
      %dma_wait3A_442 = arith.constant 0 : i32
      %dma_wait3A_443 = arith.constant 0 : i32
      %dma_wait3A_444 = tpu.memref_slice %arg3[%add3A, %dma_wait3A_442, %dma_wait3A_443] : memref<32x125x80xi32, #tpu.memory_space<hbm>> -> memref<1x125x80xi32, #tpu.memory_space<hbm>>
      %dma_wait3A_445 = tpu.memref_squeeze %dma_wait3A_444 : memref<1x125x80xi32, #tpu.memory_space<hbm>> -> memref<125x80xi32, #tpu.memory_space<hbm>>
      tpu.wait_dma2 semaphore(%run_scoped3A_429 : memref<!tpu.dma_semaphore, #tpu.memory_space<semaphore_mem>>) src(%dma_wait3A_445 : memref<125x80xi32, #tpu.memory_space<hbm>>) dst(%arg8 : memref<125x80xi32, #tpu.memory_space<vmem>>)
      tpu.yield
    }) : () -> ()
    "tpu.region"() ({
      %run_scoped3A_429 = tpu.sem_alloc : memref<!tpu.dma_semaphore, #tpu.memory_space<semaphore_mem>>
      %dma_start3A_430 = arith.constant 0 : i32
      %dma_start3A_431 = arith.constant 0 : i32
      %dma_start3A_432 = tpu.memref_slice %arg4[%add3A, %dma_start3A_430, %dma_start3A_431] : memref<32x125x80xi32, #tpu.memory_space<hbm>> -> memref<1x125x80xi32, #tpu.memory_space<hbm>>
      %dma_start3A_433 = tpu.memref_squeeze %dma_start3A_432 : memref<1x125x80xi32, #tpu.memory_space<hbm>> -> memref<125x80xi32, #tpu.memory_space<hbm>>
      %dma_start3A_434 = arith.constant 0 : i32
      %dma_start3A_435 = arith.constant 0 : i32
      %dma_start3A_436 = tpu.memref_slice %arg4[%add3A, %dma_start3A_434, %dma_start3A_435] : memref<32x125x80xi32, #tpu.memory_space<hbm>> -> memref<1x125x80xi32, #tpu.memory_space<hbm>>
      %dma_start3A_437 = tpu.memref_squeeze %dma_start3A_436 : memref<1x125x80xi32, #tpu.memory_space<hbm>> -> memref<125x80xi32, #tpu.memory_space<hbm>>
      tpu.enqueue_dma source(%dma_start3A_437 : memref<125x80xi32, #tpu.memory_space<hbm>>) target(%arg9 : memref<125x80xi32, #tpu.memory_space<vmem>>) target_semaphore(%run_scoped3A_429 : memref<!tpu.dma_semaphore, #tpu.memory_space<semaphore_mem>>)
      %dma_wait3A_438 = arith.constant 0 : i32
      %dma_wait3A_439 = arith.constant 0 : i32
      %dma_wait3A_440 = tpu.memref_slice %arg4[%add3A, %dma_wait3A_438, %dma_wait3A_439] : memref<32x125x80xi32, #tpu.memory_space<hbm>> -> memref<1x125x80xi32, #tpu.memory_space<hbm>>
      %dma_wait3A_441 = tpu.memref_squeeze %dma_wait3A_440 : memref<1x125x80xi32, #tpu.memory_space<hbm>> -> memref<125x80xi32, #tpu.memory_space<hbm>>
      %dma_wait3A_442 = arith.constant 0 : i32
      %dma_wait3A_443 = arith.constant 0 : i32
      %dma_wait3A_444 = tpu.memref_slice %arg4[%add3A, %dma_wait3A_442, %dma_wait3A_443] : memref<32x125x80xi32, #tpu.memory_space<hbm>> -> memref<1x125x80xi32, #tpu.memory_space<hbm>>
      %dma_wait3A_445 = tpu.memref_squeeze %dma_wait3A_444 : memref<1x125x80xi32, #tpu.memory_space<hbm>> -> memref<125x80xi32, #tpu.memory_space<hbm>>
      tpu.wait_dma2 semaphore(%run_scoped3A_429 : memref<!tpu.dma_semaphore, #tpu.memory_space<semaphore_mem>>) src(%dma_wait3A_445 : memref<125x80xi32, #tpu.memory_space<hbm>>) dst(%arg9 : memref<125x80xi32, #tpu.memory_space<vmem>>)
      tpu.yield
    }) : () -> ()
    %barrier3A = arith.constant 0 : index
    tpu.barrier barrier_id(%barrier3A)
    %dma_start3A = arith.constant 0 : i32
    %dma_start3A_3 = arith.constant 0 : i32
    %dma_start3A_4 = arith.constant 0 : i32
    %dma_start3A_5 = arith.constant 0 : i32
    %dma_start3A_6 = arith.constant 0 : i32
    %dma_start3A_7 = tpu.memref_slice %arg10[%dma_start3A_3, %dma_start3A_5, %dma_start3A_6] : memref<8x80x64xf32, #tpu.memory_space<vmem>> -> memref<1x80x64xf32, #tpu.memory_space<vmem>>
    %dma_start3A_8 = tpu.memref_squeeze %dma_start3A_7 : memref<1x80x64xf32, #tpu.memory_space<vmem>> -> memref<80x64xf32, #tpu.memory_space<vmem>>
    %dma_start3A_9 = arith.constant 0 : i32
    %dma_start3A_10 = tpu.memref_slice %arg8[%dma_start3A, %dma_start3A_9] : memref<125x80xi32, #tpu.memory_space<vmem>> -> memref<1x80xi32, #tpu.memory_space<vmem>>
    %dma_start3A_11 = tpu.memref_squeeze %dma_start3A_10 : memref<1x80xi32, #tpu.memory_space<vmem>> -> memref<80xi32, #tpu.memory_space<vmem>>
    %dma_start3A_12 = arith.constant 0 : i32
    %dma_start3A_13 = arith.constant 0 : i32
    %dma_start3A_14 = tpu.memref_slice %arg2[%dma_start3A_12, %dma_start3A_13] : memref<10000x64xf32, #tpu.memory_space<hbm>> -> memref<10000x64xf32, #tpu.memory_space<hbm>>
    %dma_start3A_15 = tpu.memref_slice %arg11[%dma_start3A_4] : memref<8x!tpu.dma_semaphore, #tpu.memory_space<semaphore_mem>> -> memref<1x!tpu.dma_semaphore, #tpu.memory_space<semaphore_mem>>
    %dma_start3A_16 = tpu.memref_squeeze %dma_start3A_15 : memref<1x!tpu.dma_semaphore, #tpu.memory_space<semaphore_mem>> -> memref<!tpu.dma_semaphore, #tpu.memory_space<semaphore_mem>>
    tpu.enqueue_indirect_dma source(%dma_start3A_14 : memref<10000x64xf32, #tpu.memory_space<hbm>>) target(%dma_start3A_8 : memref<80x64xf32, #tpu.memory_space<vmem>>) offsets(%dma_start3A_11 : memref<80xi32, #tpu.memory_space<vmem>>) semaphore(%dma_start3A_16 : memref<!tpu.dma_semaphore, #tpu.memory_space<semaphore_mem>>)
    %dma_start3A_17 = arith.constant 1 : i32
    %dma_start3A_18 = arith.constant 1 : i32
    %dma_start3A_19 = arith.constant 1 : i32
    %dma_start3A_20 = arith.constant 0 : i32
    %dma_start3A_21 = arith.constant 0 : i32
    %dma_start3A_22 = tpu.memref_slice %arg10[%dma_start3A_18, %dma_start3A_20, %dma_start3A_21] : memref<8x80x64xf32, #tpu.memory_space<vmem>> -> memref<1x80x64xf32, #tpu.memory_space<vmem>>
    %dma_start3A_23 = tpu.memref_squeeze %dma_start3A_22 : memref<1x80x64xf32, #tpu.memory_space<vmem>> -> memref<80x64xf32, #tpu.memory_space<vmem>>
    %dma_start3A_24 = arith.constant 0 : i32
    %dma_start3A_25 = tpu.memref_slice %arg8[%dma_start3A_17, %dma_start3A_24] : memref<125x80xi32, #tpu.memory_space<vmem>> -> memref<1x80xi32, #tpu.memory_space<vmem>>
    %dma_start3A_26 = tpu.memref_squeeze %dma_start3A_25 : memref<1x80xi32, #tpu.memory_space<vmem>> -> memref<80xi32, #tpu.memory_space<vmem>>
    %dma_start3A_27 = arith.constant 0 : i32
    %dma_start3A_28 = arith.constant 0 : i32
    %dma_start3A_29 = tpu.memref_slice %arg2[%dma_start3A_27, %dma_start3A_28] : memref<10000x64xf32, #tpu.memory_space<hbm>> -> memref<10000x64xf32, #tpu.memory_space<hbm>>
    %dma_start3A_30 = tpu.memref_slice %arg11[%dma_start3A_19] : memref<8x!tpu.dma_semaphore, #tpu.memory_space<semaphore_mem>> -> memref<1x!tpu.dma_semaphore, #tpu.memory_space<semaphore_mem>>
    %dma_start3A_31 = tpu.memref_squeeze %dma_start3A_30 : memref<1x!tpu.dma_semaphore, #tpu.memory_space<semaphore_mem>> -> memref<!tpu.dma_semaphore, #tpu.memory_space<semaphore_mem>>
    tpu.enqueue_indirect_dma source(%dma_start3A_29 : memref<10000x64xf32, #tpu.memory_space<hbm>>) target(%dma_start3A_23 : memref<80x64xf32, #tpu.memory_space<vmem>>) offsets(%dma_start3A_26 : memref<80xi32, #tpu.memory_space<vmem>>) semaphore(%dma_start3A_31 : memref<!tpu.dma_semaphore, #tpu.memory_space<semaphore_mem>>)
    %dma_start3A_32 = arith.constant 2 : i32
    %dma_start3A_33 = arith.constant 2 : i32
    %dma_start3A_34 = arith.constant 2 : i32
    %dma_start3A_35 = arith.constant 0 : i32
    %dma_start3A_36 = arith.constant 0 : i32
    %dma_start3A_37 = tpu.memref_slice %arg10[%dma_start3A_33, %dma_start3A_35, %dma_start3A_36] : memref<8x80x64xf32, #tpu.memory_space<vmem>> -> memref<1x80x64xf32, #tpu.memory_space<vmem>>
    %dma_start3A_38 = tpu.memref_squeeze %dma_start3A_37 : memref<1x80x64xf32, #tpu.memory_space<vmem>> -> memref<80x64xf32, #tpu.memory_space<vmem>>
    %dma_start3A_39 = arith.constant 0 : i32
    %dma_start3A_40 = tpu.memref_slice %arg8[%dma_start3A_32, %dma_start3A_39] : memref<125x80xi32, #tpu.memory_space<vmem>> -> memref<1x80xi32, #tpu.memory_space<vmem>>
    %dma_start3A_41 = tpu.memref_squeeze %dma_start3A_40 : memref<1x80xi32, #tpu.memory_space<vmem>> -> memref<80xi32, #tpu.memory_space<vmem>>
    %dma_start3A_42 = arith.constant 0 : i32
    %dma_start3A_43 = arith.constant 0 : i32
    %dma_start3A_44 = tpu.memref_slice %arg2[%dma_start3A_42, %dma_start3A_43] : memref<10000x64xf32, #tpu.memory_space<hbm>> -> memref<10000x64xf32, #tpu.memory_space<hbm>>
    %dma_start3A_45 = tpu.memref_slice %arg11[%dma_start3A_34] : memref<8x!tpu.dma_semaphore, #tpu.memory_space<semaphore_mem>> -> memref<1x!tpu.dma_semaphore, #tpu.memory_space<semaphore_mem>>
    %dma_start3A_46 = tpu.memref_squeeze %dma_start3A_45 : memref<1x!tpu.dma_semaphore, #tpu.memory_space<semaphore_mem>> -> memref<!tpu.dma_semaphore, #tpu.memory_space<semaphore_mem>>
    tpu.enqueue_indirect_dma source(%dma_start3A_44 : memref<10000x64xf32, #tpu.memory_space<hbm>>) target(%dma_start3A_38 : memref<80x64xf32, #tpu.memory_space<vmem>>) offsets(%dma_start3A_41 : memref<80xi32, #tpu.memory_space<vmem>>) semaphore(%dma_start3A_46 : memref<!tpu.dma_semaphore, #tpu.memory_space<semaphore_mem>>)
    %dma_start3A_47 = arith.constant 3 : i32
    %dma_start3A_48 = arith.constant 3 : i32
    %dma_start3A_49 = arith.constant 3 : i32
    %dma_start3A_50 = arith.constant 0 : i32
    %dma_start3A_51 = arith.constant 0 : i32
    %dma_start3A_52 = tpu.memref_slice %arg10[%dma_start3A_48, %dma_start3A_50, %dma_start3A_51] : memref<8x80x64xf32, #tpu.memory_space<vmem>> -> memref<1x80x64xf32, #tpu.memory_space<vmem>>
    %dma_start3A_53 = tpu.memref_squeeze %dma_start3A_52 : memref<1x80x64xf32, #tpu.memory_space<vmem>> -> memref<80x64xf32, #tpu.memory_space<vmem>>
    %dma_start3A_54 = arith.constant 0 : i32
    %dma_start3A_55 = tpu.memref_slice %arg8[%dma_start3A_47, %dma_start3A_54] : memref<125x80xi32, #tpu.memory_space<vmem>> -> memref<1x80xi32, #tpu.memory_space<vmem>>
    %dma_start3A_56 = tpu.memref_squeeze %dma_start3A_55 : memref<1x80xi32, #tpu.memory_space<vmem>> -> memref<80xi32, #tpu.memory_space<vmem>>
    %dma_start3A_57 = arith.constant 0 : i32
    %dma_start3A_58 = arith.constant 0 : i32
    %dma_start3A_59 = tpu.memref_slice %arg2[%dma_start3A_57, %dma_start3A_58] : memref<10000x64xf32, #tpu.memory_space<hbm>> -> memref<10000x64xf32, #tpu.memory_space<hbm>>
    %dma_start3A_60 = tpu.memref_slice %arg11[%dma_start3A_49] : memref<8x!tpu.dma_semaphore, #tpu.memory_space<semaphore_mem>> -> memref<1x!tpu.dma_semaphore, #tpu.memory_space<semaphore_mem>>
    %dma_start3A_61 = tpu.memref_squeeze %dma_start3A_60 : memref<1x!tpu.dma_semaphore, #tpu.memory_space<semaphore_mem>> -> memref<!tpu.dma_semaphore, #tpu.memory_space<semaphore_mem>>
    tpu.enqueue_indirect_dma source(%dma_start3A_59 : memref<10000x64xf32, #tpu.memory_space<hbm>>) target(%dma_start3A_53 : memref<80x64xf32, #tpu.memory_space<vmem>>) offsets(%dma_start3A_56 : memref<80xi32, #tpu.memory_space<vmem>>) semaphore(%dma_start3A_61 : memref<!tpu.dma_semaphore, #tpu.memory_space<semaphore_mem>>)
    %dma_start3A_62 = arith.constant 4 : i32
    %dma_start3A_63 = arith.constant 4 : i32
    %dma_start3A_64 = arith.constant 4 : i32
    %dma_start3A_65 = arith.constant 0 : i32
    %dma_start3A_66 = arith.constant 0 : i32
    %dma_start3A_67 = tpu.memref_slice %arg10[%dma_start3A_63, %dma_start3A_65, %dma_start3A_66] : memref<8x80x64xf32, #tpu.memory_space<vmem>> -> memref<1x80x64xf32, #tpu.memory_space<vmem>>
    %dma_start3A_68 = tpu.memref_squeeze %dma_start3A_67 : memref<1x80x64xf32, #tpu.memory_space<vmem>> -> memref<80x64xf32, #tpu.memory_space<vmem>>
    %dma_start3A_69 = arith.constant 0 : i32
    %dma_start3A_70 = tpu.memref_slice %arg8[%dma_start3A_62, %dma_start3A_69] : memref<125x80xi32, #tpu.memory_space<vmem>> -> memref<1x80xi32, #tpu.memory_space<vmem>>
    %dma_start3A_71 = tpu.memref_squeeze %dma_start3A_70 : memref<1x80xi32, #tpu.memory_space<vmem>> -> memref<80xi32, #tpu.memory_space<vmem>>
    %dma_start3A_72 = arith.constant 0 : i32
    %dma_start3A_73 = arith.constant 0 : i32
    %dma_start3A_74 = tpu.memref_slice %arg2[%dma_start3A_72, %dma_start3A_73] : memref<10000x64xf32, #tpu.memory_space<hbm>> -> memref<10000x64xf32, #tpu.memory_space<hbm>>
    %dma_start3A_75 = tpu.memref_slice %arg11[%dma_start3A_64] : memref<8x!tpu.dma_semaphore, #tpu.memory_space<semaphore_mem>> -> memref<1x!tpu.dma_semaphore, #tpu.memory_space<semaphore_mem>>
    %dma_start3A_76 = tpu.memref_squeeze %dma_start3A_75 : memref<1x!tpu.dma_semaphore, #tpu.memory_space<semaphore_mem>> -> memref<!tpu.dma_semaphore, #tpu.memory_space<semaphore_mem>>
    tpu.enqueue_indirect_dma source(%dma_start3A_74 : memref<10000x64xf32, #tpu.memory_space<hbm>>) target(%dma_start3A_68 : memref<80x64xf32, #tpu.memory_space<vmem>>) offsets(%dma_start3A_71 : memref<80xi32, #tpu.memory_space<vmem>>) semaphore(%dma_start3A_76 : memref<!tpu.dma_semaphore, #tpu.memory_space<semaphore_mem>>)
    %dma_start3A_77 = arith.constant 5 : i32
    %dma_start3A_78 = arith.constant 5 : i32
    %dma_start3A_79 = arith.constant 5 : i32
    %dma_start3A_80 = arith.constant 0 : i32
    %dma_start3A_81 = arith.constant 0 : i32
    %dma_start3A_82 = tpu.memref_slice %arg10[%dma_start3A_78, %dma_start3A_80, %dma_start3A_81] : memref<8x80x64xf32, #tpu.memory_space<vmem>> -> memref<1x80x64xf32, #tpu.memory_space<vmem>>
    %dma_start3A_83 = tpu.memref_squeeze %dma_start3A_82 : memref<1x80x64xf32, #tpu.memory_space<vmem>> -> memref<80x64xf32, #tpu.memory_space<vmem>>
    %dma_start3A_84 = arith.constant 0 : i32
    %dma_start3A_85 = tpu.memref_slice %arg8[%dma_start3A_77, %dma_start3A_84] : memref<125x80xi32, #tpu.memory_space<vmem>> -> memref<1x80xi32, #tpu.memory_space<vmem>>
    %dma_start3A_86 = tpu.memref_squeeze %dma_start3A_85 : memref<1x80xi32, #tpu.memory_space<vmem>> -> memref<80xi32, #tpu.memory_space<vmem>>
    %dma_start3A_87 = arith.constant 0 : i32
    %dma_start3A_88 = arith.constant 0 : i32
    %dma_start3A_89 = tpu.memref_slice %arg2[%dma_start3A_87, %dma_start3A_88] : memref<10000x64xf32, #tpu.memory_space<hbm>> -> memref<10000x64xf32, #tpu.memory_space<hbm>>
    %dma_start3A_90 = tpu.memref_slice %arg11[%dma_start3A_79] : memref<8x!tpu.dma_semaphore, #tpu.memory_space<semaphore_mem>> -> memref<1x!tpu.dma_semaphore, #tpu.memory_space<semaphore_mem>>
    %dma_start3A_91 = tpu.memref_squeeze %dma_start3A_90 : memref<1x!tpu.dma_semaphore, #tpu.memory_space<semaphore_mem>> -> memref<!tpu.dma_semaphore, #tpu.memory_space<semaphore_mem>>
    tpu.enqueue_indirect_dma source(%dma_start3A_89 : memref<10000x64xf32, #tpu.memory_space<hbm>>) target(%dma_start3A_83 : memref<80x64xf32, #tpu.memory_space<vmem>>) offsets(%dma_start3A_86 : memref<80xi32, #tpu.memory_space<vmem>>) semaphore(%dma_start3A_91 : memref<!tpu.dma_semaphore, #tpu.memory_space<semaphore_mem>>)
    %dma_start3A_92 = arith.constant 6 : i32
    %dma_start3A_93 = arith.constant 6 : i32
    %dma_start3A_94 = arith.constant 6 : i32
    %dma_start3A_95 = arith.constant 0 : i32
    %dma_start3A_96 = arith.constant 0 : i32
    %dma_start3A_97 = tpu.memref_slice %arg10[%dma_start3A_93, %dma_start3A_95, %dma_start3A_96] : memref<8x80x64xf32, #tpu.memory_space<vmem>> -> memref<1x80x64xf32, #tpu.memory_space<vmem>>
    %dma_start3A_98 = tpu.memref_squeeze %dma_start3A_97 : memref<1x80x64xf32, #tpu.memory_space<vmem>> -> memref<80x64xf32, #tpu.memory_space<vmem>>
    %dma_start3A_99 = arith.constant 0 : i32
    %dma_start3A_100 = tpu.memref_slice %arg8[%dma_start3A_92, %dma_start3A_99] : memref<125x80xi32, #tpu.memory_space<vmem>> -> memref<1x80xi32, #tpu.memory_space<vmem>>
    %dma_start3A_101 = tpu.memref_squeeze %dma_start3A_100 : memref<1x80xi32, #tpu.memory_space<vmem>> -> memref<80xi32, #tpu.memory_space<vmem>>
    %dma_start3A_102 = arith.constant 0 : i32
    %dma_start3A_103 = arith.constant 0 : i32
    %dma_start3A_104 = tpu.memref_slice %arg2[%dma_start3A_102, %dma_start3A_103] : memref<10000x64xf32, #tpu.memory_space<hbm>> -> memref<10000x64xf32, #tpu.memory_space<hbm>>
    %dma_start3A_105 = tpu.memref_slice %arg11[%dma_start3A_94] : memref<8x!tpu.dma_semaphore, #tpu.memory_space<semaphore_mem>> -> memref<1x!tpu.dma_semaphore, #tpu.memory_space<semaphore_mem>>
    %dma_start3A_106 = tpu.memref_squeeze %dma_start3A_105 : memref<1x!tpu.dma_semaphore, #tpu.memory_space<semaphore_mem>> -> memref<!tpu.dma_semaphore, #tpu.memory_space<semaphore_mem>>
    tpu.enqueue_indirect_dma source(%dma_start3A_104 : memref<10000x64xf32, #tpu.memory_space<hbm>>) target(%dma_start3A_98 : memref<80x64xf32, #tpu.memory_space<vmem>>) offsets(%dma_start3A_101 : memref<80xi32, #tpu.memory_space<vmem>>) semaphore(%dma_start3A_106 : memref<!tpu.dma_semaphore, #tpu.memory_space<semaphore_mem>>)
    %dma_start3A_107 = arith.constant 7 : i32
    %dma_start3A_108 = arith.constant 7 : i32
    %dma_start3A_109 = arith.constant 7 : i32
    %dma_start3A_110 = arith.constant 0 : i32
    %dma_start3A_111 = arith.constant 0 : i32
    %dma_start3A_112 = tpu.memref_slice %arg10[%dma_start3A_108, %dma_start3A_110, %dma_start3A_111] : memref<8x80x64xf32, #tpu.memory_space<vmem>> -> memref<1x80x64xf32, #tpu.memory_space<vmem>>
    %dma_start3A_113 = tpu.memref_squeeze %dma_start3A_112 : memref<1x80x64xf32, #tpu.memory_space<vmem>> -> memref<80x64xf32, #tpu.memory_space<vmem>>
    %dma_start3A_114 = arith.constant 0 : i32
    %dma_start3A_115 = tpu.memref_slice %arg8[%dma_start3A_107, %dma_start3A_114] : memref<125x80xi32, #tpu.memory_space<vmem>> -> memref<1x80xi32, #tpu.memory_space<vmem>>
    %dma_start3A_116 = tpu.memref_squeeze %dma_start3A_115 : memref<1x80xi32, #tpu.memory_space<vmem>> -> memref<80xi32, #tpu.memory_space<vmem>>
    %dma_start3A_117 = arith.constant 0 : i32
    %dma_start3A_118 = arith.constant 0 : i32
    %dma_start3A_119 = tpu.memref_slice %arg2[%dma_start3A_117, %dma_start3A_118] : memref<10000x64xf32, #tpu.memory_space<hbm>> -> memref<10000x64xf32, #tpu.memory_space<hbm>>
    %dma_start3A_120 = tpu.memref_slice %arg11[%dma_start3A_109] : memref<8x!tpu.dma_semaphore, #tpu.memory_space<semaphore_mem>> -> memref<1x!tpu.dma_semaphore, #tpu.memory_space<semaphore_mem>>
    %dma_start3A_121 = tpu.memref_squeeze %dma_start3A_120 : memref<1x!tpu.dma_semaphore, #tpu.memory_space<semaphore_mem>> -> memref<!tpu.dma_semaphore, #tpu.memory_space<semaphore_mem>>
    tpu.enqueue_indirect_dma source(%dma_start3A_119 : memref<10000x64xf32, #tpu.memory_space<hbm>>) target(%dma_start3A_113 : memref<80x64xf32, #tpu.memory_space<vmem>>) offsets(%dma_start3A_116 : memref<80xi32, #tpu.memory_space<vmem>>) semaphore(%dma_start3A_121 : memref<!tpu.dma_semaphore, #tpu.memory_space<semaphore_mem>>)
    %scan3A = arith.constant 0 : i32
    %scan3A_122 = arith.constant 0 : i32
    %scan3A_123 = arith.constant 14 : i32
    %scan3A_124 = arith.addi %scan3A_122, %scan3A_123 : i32
    %scan3A_125 = arith.constant 1 : i32
    scf.for %scan3A_429 = %scan3A_122 to %scan3A_124 step %scan3A_125  : i32 {
      %mul3A_430 = arith.constant 8 : i32
      %mul3A_431 = arith.muli %scan3A_429, %mul3A_430 : i32
      %add3A_432 = arith.constant 0 : i32
      %add3A_433 = arith.addi %mul3A_431, %add3A_432 : i32
      %dma_wait3A_434 = arith.constant 0 : i32
      %dma_wait3A_435 = arith.constant 0 : i32
      %dma_wait3A_436 = arith.constant 0 : i32
      %dma_wait3A_437 = arith.constant 0 : i32
      %dma_wait3A_438 = tpu.memref_slice %arg10[%dma_wait3A_434, %dma_wait3A_436, %dma_wait3A_437] : memref<8x80x64xf32, #tpu.memory_space<vmem>> -> memref<1x80x64xf32, #tpu.memory_space<vmem>>
      %dma_wait3A_439 = tpu.memref_squeeze %dma_wait3A_438 : memref<1x80x64xf32, #tpu.memory_space<vmem>> -> memref<80x64xf32, #tpu.memory_space<vmem>>
      %dma_wait3A_440 = arith.constant 0 : i32
      %dma_wait3A_441 = tpu.memref_slice %arg8[%add3A_433, %dma_wait3A_440] : memref<125x80xi32, #tpu.memory_space<vmem>> -> memref<1x80xi32, #tpu.memory_space<vmem>>
      %dma_wait3A_442 = tpu.memref_squeeze %dma_wait3A_441 : memref<1x80xi32, #tpu.memory_space<vmem>> -> memref<80xi32, #tpu.memory_space<vmem>>
      %dma_wait3A_443 = arith.constant 0 : i32
      %dma_wait3A_444 = arith.constant 0 : i32
      %dma_wait3A_445 = tpu.memref_slice %arg2[%dma_wait3A_443, %dma_wait3A_444] : memref<10000x64xf32, #tpu.memory_space<hbm>> -> memref<10000x64xf32, #tpu.memory_space<hbm>>
      %dma_wait3A_446 = tpu.memref_slice %arg11[%dma_wait3A_435] : memref<8x!tpu.dma_semaphore, #tpu.memory_space<semaphore_mem>> -> memref<1x!tpu.dma_semaphore, #tpu.memory_space<semaphore_mem>>
      %dma_wait3A_447 = tpu.memref_squeeze %dma_wait3A_446 : memref<1x!tpu.dma_semaphore, #tpu.memory_space<semaphore_mem>> -> memref<!tpu.dma_semaphore, #tpu.memory_space<semaphore_mem>>
      tpu.wait_indirect_dma semaphore(%dma_wait3A_447 : memref<!tpu.dma_semaphore, #tpu.memory_space<semaphore_mem>>) src(%dma_wait3A_445 : memref<10000x64xf32, #tpu.memory_space<hbm>>) dst(%dma_wait3A_439 : memref<80x64xf32, #tpu.memory_space<vmem>>)
      %run_scoped3A_448 = arith.constant 0 : i32
      "tpu.region"() ({
        %run_scoped3A_696 = tpu.sem_alloc : memref<!tpu.dma_semaphore, #tpu.memory_space<semaphore_mem>>
        %dma_start3A_697 = arith.constant 0 : i32
        %dma_start3A_698 = arith.constant 0 : i32
        %dma_start3A_699 = tpu.memref_slice %arg10[%run_scoped3A_448, %dma_start3A_697, %dma_start3A_698] : memref<8x80x64xf32, #tpu.memory_space<vmem>> -> memref<1x80x64xf32, #tpu.memory_space<vmem>>
        %dma_start3A_700 = tpu.memref_squeeze %dma_start3A_699 : memref<1x80x64xf32, #tpu.memory_space<vmem>> -> memref<80x64xf32, #tpu.memory_space<vmem>>
        %dma_start3A_701 = arith.constant 0 : i32
        %dma_start3A_702 = tpu.memref_slice %arg9[%add3A_433, %dma_start3A_701] : memref<125x80xi32, #tpu.memory_space<vmem>> -> memref<1x80xi32, #tpu.memory_space<vmem>>
        %dma_start3A_703 = tpu.memref_squeeze %dma_start3A_702 : memref<1x80xi32, #tpu.memory_space<vmem>> -> memref<80xi32, #tpu.memory_space<vmem>>
        %dma_start3A_704 = arith.constant 0 : i32
        %dma_start3A_705 = arith.constant 0 : i32
        %dma_start3A_706 = tpu.memref_slice %arg7[%dma_start3A_704, %dma_start3A_705] : memref<10000x64xf32, #tpu.memory_space<vmem_shared>> -> memref<10000x64xf32, #tpu.memory_space<vmem_shared>>
        tpu.enqueue_indirect_dma source(%dma_start3A_700 : memref<80x64xf32, #tpu.memory_space<vmem>>) target(%dma_start3A_706 : memref<10000x64xf32, #tpu.memory_space<vmem_shared>>) offsets(%dma_start3A_703 : memref<80xi32, #tpu.memory_space<vmem>>) semaphore(%run_scoped3A_696 : memref<!tpu.dma_semaphore, #tpu.memory_space<semaphore_mem>>) {add = true}
        %dma_wait3A_707 = arith.constant 0 : i32
        %dma_wait3A_708 = arith.constant 0 : i32
        %dma_wait3A_709 = tpu.memref_slice %arg10[%run_scoped3A_448, %dma_wait3A_707, %dma_wait3A_708] : memref<8x80x64xf32, #tpu.memory_space<vmem>> -> memref<1x80x64xf32, #tpu.memory_space<vmem>>
        %dma_wait3A_710 = tpu.memref_squeeze %dma_wait3A_709 : memref<1x80x64xf32, #tpu.memory_space<vmem>> -> memref<80x64xf32, #tpu.memory_space<vmem>>
        %dma_wait3A_711 = arith.constant 0 : i32
        %dma_wait3A_712 = tpu.memref_slice %arg9[%add3A_433, %dma_wait3A_711] : memref<125x80xi32, #tpu.memory_space<vmem>> -> memref<1x80xi32, #tpu.memory_space<vmem>>
        %dma_wait3A_713 = tpu.memref_squeeze %dma_wait3A_712 : memref<1x80xi32, #tpu.memory_space<vmem>> -> memref<80xi32, #tpu.memory_space<vmem>>
        %dma_wait3A_714 = arith.constant 0 : i32
        %dma_wait3A_715 = arith.constant 0 : i32
        %dma_wait3A_716 = tpu.memref_slice %arg7[%dma_wait3A_714, %dma_wait3A_715] : memref<10000x64xf32, #tpu.memory_space<vmem_shared>> -> memref<10000x64xf32, #tpu.memory_space<vmem_shared>>
        tpu.wait_indirect_dma semaphore(%run_scoped3A_696 : memref<!tpu.dma_semaphore, #tpu.memory_space<semaphore_mem>>) src(%dma_wait3A_710 : memref<80x64xf32, #tpu.memory_space<vmem>>) dst(%dma_wait3A_716 : memref<10000x64xf32, #tpu.memory_space<vmem_shared>>)
        tpu.yield
      }) : () -> ()
      %add3A_449 = arith.constant 8 : i32
      %add3A_450 = arith.addi %add3A_433, %add3A_449 : i32
      %dma_start3A_451 = arith.constant 0 : i32
      %dma_start3A_452 = arith.constant 0 : i32
      %dma_start3A_453 = arith.constant 0 : i32
      %dma_start3A_454 = arith.constant 0 : i32
      %dma_start3A_455 = tpu.memref_slice %arg10[%dma_start3A_451, %dma_start3A_453, %dma_start3A_454] : memref<8x80x64xf32, #tpu.memory_space<vmem>> -> memref<1x80x64xf32, #tpu.memory_space<vmem>>
      %dma_start3A_456 = tpu.memref_squeeze %dma_start3A_455 : memref<1x80x64xf32, #tpu.memory_space<vmem>> -> memref<80x64xf32, #tpu.memory_space<vmem>>
      %dma_start3A_457 = arith.constant 0 : i32
      %dma_start3A_458 = tpu.memref_slice %arg8[%add3A_450, %dma_start3A_457] : memref<125x80xi32, #tpu.memory_space<vmem>> -> memref<1x80xi32, #tpu.memory_space<vmem>>
      %dma_start3A_459 = tpu.memref_squeeze %dma_start3A_458 : memref<1x80xi32, #tpu.memory_space<vmem>> -> memref<80xi32, #tpu.memory_space<vmem>>
      %dma_start3A_460 = arith.constant 0 : i32
      %dma_start3A_461 = arith.constant 0 : i32
      %dma_start3A_462 = tpu.memref_slice %arg2[%dma_start3A_460, %dma_start3A_461] : memref<10000x64xf32, #tpu.memory_space<hbm>> -> memref<10000x64xf32, #tpu.memory_space<hbm>>
      %dma_start3A_463 = tpu.memref_slice %arg11[%dma_start3A_452] : memref<8x!tpu.dma_semaphore, #tpu.memory_space<semaphore_mem>> -> memref<1x!tpu.dma_semaphore, #tpu.memory_space<semaphore_mem>>
      %dma_start3A_464 = tpu.memref_squeeze %dma_start3A_463 : memref<1x!tpu.dma_semaphore, #tpu.memory_space<semaphore_mem>> -> memref<!tpu.dma_semaphore, #tpu.memory_space<semaphore_mem>>
      tpu.enqueue_indirect_dma source(%dma_start3A_462 : memref<10000x64xf32, #tpu.memory_space<hbm>>) target(%dma_start3A_456 : memref<80x64xf32, #tpu.memory_space<vmem>>) offsets(%dma_start3A_459 : memref<80xi32, #tpu.memory_space<vmem>>) semaphore(%dma_start3A_464 : memref<!tpu.dma_semaphore, #tpu.memory_space<semaphore_mem>>)
      %add3A_465 = arith.constant 1 : i32
      %add3A_466 = arith.addi %mul3A_431, %add3A_465 : i32
      %dma_wait3A_467 = arith.constant 1 : i32
      %dma_wait3A_468 = arith.constant 1 : i32
      %dma_wait3A_469 = arith.constant 0 : i32
      %dma_wait3A_470 = arith.constant 0 : i32
      %dma_wait3A_471 = tpu.memref_slice %arg10[%dma_wait3A_467, %dma_wait3A_469, %dma_wait3A_470] : memref<8x80x64xf32, #tpu.memory_space<vmem>> -> memref<1x80x64xf32, #tpu.memory_space<vmem>>
      %dma_wait3A_472 = tpu.memref_squeeze %dma_wait3A_471 : memref<1x80x64xf32, #tpu.memory_space<vmem>> -> memref<80x64xf32, #tpu.memory_space<vmem>>
      %dma_wait3A_473 = arith.constant 0 : i32
      %dma_wait3A_474 = tpu.memref_slice %arg8[%add3A_466, %dma_wait3A_473] : memref<125x80xi32, #tpu.memory_space<vmem>> -> memref<1x80xi32, #tpu.memory_space<vmem>>
      %dma_wait3A_475 = tpu.memref_squeeze %dma_wait3A_474 : memref<1x80xi32, #tpu.memory_space<vmem>> -> memref<80xi32, #tpu.memory_space<vmem>>
      %dma_wait3A_476 = arith.constant 0 : i32
      %dma_wait3A_477 = arith.constant 0 : i32
      %dma_wait3A_478 = tpu.memref_slice %arg2[%dma_wait3A_476, %dma_wait3A_477] : memref<10000x64xf32, #tpu.memory_space<hbm>> -> memref<10000x64xf32, #tpu.memory_space<hbm>>
      %dma_wait3A_479 = tpu.memref_slice %arg11[%dma_wait3A_468] : memref<8x!tpu.dma_semaphore, #tpu.memory_space<semaphore_mem>> -> memref<1x!tpu.dma_semaphore, #tpu.memory_space<semaphore_mem>>
      %dma_wait3A_480 = tpu.memref_squeeze %dma_wait3A_479 : memref<1x!tpu.dma_semaphore, #tpu.memory_space<semaphore_mem>> -> memref<!tpu.dma_semaphore, #tpu.memory_space<semaphore_mem>>
      tpu.wait_indirect_dma semaphore(%dma_wait3A_480 : memref<!tpu.dma_semaphore, #tpu.memory_space<semaphore_mem>>) src(%dma_wait3A_478 : memref<10000x64xf32, #tpu.memory_space<hbm>>) dst(%dma_wait3A_472 : memref<80x64xf32, #tpu.memory_space<vmem>>)
      %run_scoped3A_481 = arith.constant 1 : i32
      "tpu.region"() ({
        %run_scoped3A_696 = tpu.sem_alloc : memref<!tpu.dma_semaphore, #tpu.memory_space<semaphore_mem>>
        %dma_start3A_697 = arith.constant 0 : i32
        %dma_start3A_698 = arith.constant 0 : i32
        %dma_start3A_699 = tpu.memref_slice %arg10[%run_scoped3A_481, %dma_start3A_697, %dma_start3A_698] : memref<8x80x64xf32, #tpu.memory_space<vmem>> -> memref<1x80x64xf32, #tpu.memory_space<vmem>>
        %dma_start3A_700 = tpu.memref_squeeze %dma_start3A_699 : memref<1x80x64xf32, #tpu.memory_space<vmem>> -> memref<80x64xf32, #tpu.memory_space<vmem>>
        %dma_start3A_701 = arith.constant 0 : i32
        %dma_start3A_702 = tpu.memref_slice %arg9[%add3A_466, %dma_start3A_701] : memref<125x80xi32, #tpu.memory_space<vmem>> -> memref<1x80xi32, #tpu.memory_space<vmem>>
        %dma_start3A_703 = tpu.memref_squeeze %dma_start3A_702 : memref<1x80xi32, #tpu.memory_space<vmem>> -> memref<80xi32, #tpu.memory_space<vmem>>
        %dma_start3A_704 = arith.constant 0 : i32
        %dma_start3A_705 = arith.constant 0 : i32
        %dma_start3A_706 = tpu.memref_slice %arg7[%dma_start3A_704, %dma_start3A_705] : memref<10000x64xf32, #tpu.memory_space<vmem_shared>> -> memref<10000x64xf32, #tpu.memory_space<vmem_shared>>
        tpu.enqueue_indirect_dma source(%dma_start3A_700 : memref<80x64xf32, #tpu.memory_space<vmem>>) target(%dma_start3A_706 : memref<10000x64xf32, #tpu.memory_space<vmem_shared>>) offsets(%dma_start3A_703 : memref<80xi32, #tpu.memory_space<vmem>>) semaphore(%run_scoped3A_696 : memref<!tpu.dma_semaphore, #tpu.memory_space<semaphore_mem>>) {add = true}
        %dma_wait3A_707 = arith.constant 0 : i32
        %dma_wait3A_708 = arith.constant 0 : i32
        %dma_wait3A_709 = tpu.memref_slice %arg10[%run_scoped3A_481, %dma_wait3A_707, %dma_wait3A_708] : memref<8x80x64xf32, #tpu.memory_space<vmem>> -> memref<1x80x64xf32, #tpu.memory_space<vmem>>
        %dma_wait3A_710 = tpu.memref_squeeze %dma_wait3A_709 : memref<1x80x64xf32, #tpu.memory_space<vmem>> -> memref<80x64xf32, #tpu.memory_space<vmem>>
        %dma_wait3A_711 = arith.constant 0 : i32
        %dma_wait3A_712 = tpu.memref_slice %arg9[%add3A_466, %dma_wait3A_711] : memref<125x80xi32, #tpu.memory_space<vmem>> -> memref<1x80xi32, #tpu.memory_space<vmem>>
        %dma_wait3A_713 = tpu.memref_squeeze %dma_wait3A_712 : memref<1x80xi32, #tpu.memory_space<vmem>> -> memref<80xi32, #tpu.memory_space<vmem>>
        %dma_wait3A_714 = arith.constant 0 : i32
        %dma_wait3A_715 = arith.constant 0 : i32
        %dma_wait3A_716 = tpu.memref_slice %arg7[%dma_wait3A_714, %dma_wait3A_715] : memref<10000x64xf32, #tpu.memory_space<vmem_shared>> -> memref<10000x64xf32, #tpu.memory_space<vmem_shared>>
        tpu.wait_indirect_dma semaphore(%run_scoped3A_696 : memref<!tpu.dma_semaphore, #tpu.memory_space<semaphore_mem>>) src(%dma_wait3A_710 : memref<80x64xf32, #tpu.memory_space<vmem>>) dst(%dma_wait3A_716 : memref<10000x64xf32, #tpu.memory_space<vmem_shared>>)
        tpu.yield
      }) : () -> ()
      %add3A_482 = arith.constant 8 : i32
      %add3A_483 = arith.addi %add3A_466, %add3A_482 : i32
      %dma_start3A_484 = arith.constant 1 : i32
      %dma_start3A_485 = arith.constant 1 : i32
      %dma_start3A_486 = arith.constant 0 : i32
      %dma_start3A_487 = arith.constant 0 : i32
      %dma_start3A_488 = tpu.memref_slice %arg10[%dma_start3A_484, %dma_start3A_486, %dma_start3A_487] : memref<8x80x64xf32, #tpu.memory_space<vmem>> -> memref<1x80x64xf32, #tpu.memory_space<vmem>>
      %dma_start3A_489 = tpu.memref_squeeze %dma_start3A_488 : memref<1x80x64xf32, #tpu.memory_space<vmem>> -> memref<80x64xf32, #tpu.memory_space<vmem>>
      %dma_start3A_490 = arith.constant 0 : i32
      %dma_start3A_491 = tpu.memref_slice %arg8[%add3A_483, %dma_start3A_490] : memref<125x80xi32, #tpu.memory_space<vmem>> -> memref<1x80xi32, #tpu.memory_space<vmem>>
      %dma_start3A_492 = tpu.memref_squeeze %dma_start3A_491 : memref<1x80xi32, #tpu.memory_space<vmem>> -> memref<80xi32, #tpu.memory_space<vmem>>
      %dma_start3A_493 = arith.constant 0 : i32
      %dma_start3A_494 = arith.constant 0 : i32
      %dma_start3A_495 = tpu.memref_slice %arg2[%dma_start3A_493, %dma_start3A_494] : memref<10000x64xf32, #tpu.memory_space<hbm>> -> memref<10000x64xf32, #tpu.memory_space<hbm>>
      %dma_start3A_496 = tpu.memref_slice %arg11[%dma_start3A_485] : memref<8x!tpu.dma_semaphore, #tpu.memory_space<semaphore_mem>> -> memref<1x!tpu.dma_semaphore, #tpu.memory_space<semaphore_mem>>
      %dma_start3A_497 = tpu.memref_squeeze %dma_start3A_496 : memref<1x!tpu.dma_semaphore, #tpu.memory_space<semaphore_mem>> -> memref<!tpu.dma_semaphore, #tpu.memory_space<semaphore_mem>>
      tpu.enqueue_indirect_dma source(%dma_start3A_495 : memref<10000x64xf32, #tpu.memory_space<hbm>>) target(%dma_start3A_489 : memref<80x64xf32, #tpu.memory_space<vmem>>) offsets(%dma_start3A_492 : memref<80xi32, #tpu.memory_space<vmem>>) semaphore(%dma_start3A_497 : memref<!tpu.dma_semaphore, #tpu.memory_space<semaphore_mem>>)
      %add3A_498 = arith.constant 2 : i32
      %add3A_499 = arith.addi %mul3A_431, %add3A_498 : i32
      %dma_wait3A_500 = arith.constant 2 : i32
      %dma_wait3A_501 = arith.constant 2 : i32
      %dma_wait3A_502 = arith.constant 0 : i32
      %dma_wait3A_503 = arith.constant 0 : i32
      %dma_wait3A_504 = tpu.memref_slice %arg10[%dma_wait3A_500, %dma_wait3A_502, %dma_wait3A_503] : memref<8x80x64xf32, #tpu.memory_space<vmem>> -> memref<1x80x64xf32, #tpu.memory_space<vmem>>
      %dma_wait3A_505 = tpu.memref_squeeze %dma_wait3A_504 : memref<1x80x64xf32, #tpu.memory_space<vmem>> -> memref<80x64xf32, #tpu.memory_space<vmem>>
      %dma_wait3A_506 = arith.constant 0 : i32
      %dma_wait3A_507 = tpu.memref_slice %arg8[%add3A_499, %dma_wait3A_506] : memref<125x80xi32, #tpu.memory_space<vmem>> -> memref<1x80xi32, #tpu.memory_space<vmem>>
      %dma_wait3A_508 = tpu.memref_squeeze %dma_wait3A_507 : memref<1x80xi32, #tpu.memory_space<vmem>> -> memref<80xi32, #tpu.memory_space<vmem>>
      %dma_wait3A_509 = arith.constant 0 : i32
      %dma_wait3A_510 = arith.constant 0 : i32
      %dma_wait3A_511 = tpu.memref_slice %arg2[%dma_wait3A_509, %dma_wait3A_510] : memref<10000x64xf32, #tpu.memory_space<hbm>> -> memref<10000x64xf32, #tpu.memory_space<hbm>>
      %dma_wait3A_512 = tpu.memref_slice %arg11[%dma_wait3A_501] : memref<8x!tpu.dma_semaphore, #tpu.memory_space<semaphore_mem>> -> memref<1x!tpu.dma_semaphore, #tpu.memory_space<semaphore_mem>>
      %dma_wait3A_513 = tpu.memref_squeeze %dma_wait3A_512 : memref<1x!tpu.dma_semaphore, #tpu.memory_space<semaphore_mem>> -> memref<!tpu.dma_semaphore, #tpu.memory_space<semaphore_mem>>
      tpu.wait_indirect_dma semaphore(%dma_wait3A_513 : memref<!tpu.dma_semaphore, #tpu.memory_space<semaphore_mem>>) src(%dma_wait3A_511 : memref<10000x64xf32, #tpu.memory_space<hbm>>) dst(%dma_wait3A_505 : memref<80x64xf32, #tpu.memory_space<vmem>>)
      %run_scoped3A_514 = arith.constant 2 : i32
      "tpu.region"() ({
        %run_scoped3A_696 = tpu.sem_alloc : memref<!tpu.dma_semaphore, #tpu.memory_space<semaphore_mem>>
        %dma_start3A_697 = arith.constant 0 : i32
        %dma_start3A_698 = arith.constant 0 : i32
        %dma_start3A_699 = tpu.memref_slice %arg10[%run_scoped3A_514, %dma_start3A_697, %dma_start3A_698] : memref<8x80x64xf32, #tpu.memory_space<vmem>> -> memref<1x80x64xf32, #tpu.memory_space<vmem>>
        %dma_start3A_700 = tpu.memref_squeeze %dma_start3A_699 : memref<1x80x64xf32, #tpu.memory_space<vmem>> -> memref<80x64xf32, #tpu.memory_space<vmem>>
        %dma_start3A_701 = arith.constant 0 : i32
        %dma_start3A_702 = tpu.memref_slice %arg9[%add3A_499, %dma_start3A_701] : memref<125x80xi32, #tpu.memory_space<vmem>> -> memref<1x80xi32, #tpu.memory_space<vmem>>
        %dma_start3A_703 = tpu.memref_squeeze %dma_start3A_702 : memref<1x80xi32, #tpu.memory_space<vmem>> -> memref<80xi32, #tpu.memory_space<vmem>>
        %dma_start3A_704 = arith.constant 0 : i32
        %dma_start3A_705 = arith.constant 0 : i32
        %dma_start3A_706 = tpu.memref_slice %arg7[%dma_start3A_704, %dma_start3A_705] : memref<10000x64xf32, #tpu.memory_space<vmem_shared>> -> memref<10000x64xf32, #tpu.memory_space<vmem_shared>>
        tpu.enqueue_indirect_dma source(%dma_start3A_700 : memref<80x64xf32, #tpu.memory_space<vmem>>) target(%dma_start3A_706 : memref<10000x64xf32, #tpu.memory_space<vmem_shared>>) offsets(%dma_start3A_703 : memref<80xi32, #tpu.memory_space<vmem>>) semaphore(%run_scoped3A_696 : memref<!tpu.dma_semaphore, #tpu.memory_space<semaphore_mem>>) {add = true}
        %dma_wait3A_707 = arith.constant 0 : i32
        %dma_wait3A_708 = arith.constant 0 : i32
        %dma_wait3A_709 = tpu.memref_slice %arg10[%run_scoped3A_514, %dma_wait3A_707, %dma_wait3A_708] : memref<8x80x64xf32, #tpu.memory_space<vmem>> -> memref<1x80x64xf32, #tpu.memory_space<vmem>>
        %dma_wait3A_710 = tpu.memref_squeeze %dma_wait3A_709 : memref<1x80x64xf32, #tpu.memory_space<vmem>> -> memref<80x64xf32, #tpu.memory_space<vmem>>
        %dma_wait3A_711 = arith.constant 0 : i32
        %dma_wait3A_712 = tpu.memref_slice %arg9[%add3A_499, %dma_wait3A_711] : memref<125x80xi32, #tpu.memory_space<vmem>> -> memref<1x80xi32, #tpu.memory_space<vmem>>
        %dma_wait3A_713 = tpu.memref_squeeze %dma_wait3A_712 : memref<1x80xi32, #tpu.memory_space<vmem>> -> memref<80xi32, #tpu.memory_space<vmem>>
        %dma_wait3A_714 = arith.constant 0 : i32
        %dma_wait3A_715 = arith.constant 0 : i32
        %dma_wait3A_716 = tpu.memref_slice %arg7[%dma_wait3A_714, %dma_wait3A_715] : memref<10000x64xf32, #tpu.memory_space<vmem_shared>> -> memref<10000x64xf32, #tpu.memory_space<vmem_shared>>
        tpu.wait_indirect_dma semaphore(%run_scoped3A_696 : memref<!tpu.dma_semaphore, #tpu.memory_space<semaphore_mem>>) src(%dma_wait3A_710 : memref<80x64xf32, #tpu.memory_space<vmem>>) dst(%dma_wait3A_716 : memref<10000x64xf32, #tpu.memory_space<vmem_shared>>)
        tpu.yield
      }) : () -> ()
      %add3A_515 = arith.constant 8 : i32
      %add3A_516 = arith.addi %add3A_499, %add3A_515 : i32
      %dma_start3A_517 = arith.constant 2 : i32
      %dma_start3A_518 = arith.constant 2 : i32
      %dma_start3A_519 = arith.constant 0 : i32
      %dma_start3A_520 = arith.constant 0 : i32
      %dma_start3A_521 = tpu.memref_slice %arg10[%dma_start3A_517, %dma_start3A_519, %dma_start3A_520] : memref<8x80x64xf32, #tpu.memory_space<vmem>> -> memref<1x80x64xf32, #tpu.memory_space<vmem>>
      %dma_start3A_522 = tpu.memref_squeeze %dma_start3A_521 : memref<1x80x64xf32, #tpu.memory_space<vmem>> -> memref<80x64xf32, #tpu.memory_space<vmem>>
      %dma_start3A_523 = arith.constant 0 : i32
      %dma_start3A_524 = tpu.memref_slice %arg8[%add3A_516, %dma_start3A_523] : memref<125x80xi32, #tpu.memory_space<vmem>> -> memref<1x80xi32, #tpu.memory_space<vmem>>
      %dma_start3A_525 = tpu.memref_squeeze %dma_start3A_524 : memref<1x80xi32, #tpu.memory_space<vmem>> -> memref<80xi32, #tpu.memory_space<vmem>>
      %dma_start3A_526 = arith.constant 0 : i32
      %dma_start3A_527 = arith.constant 0 : i32
      %dma_start3A_528 = tpu.memref_slice %arg2[%dma_start3A_526, %dma_start3A_527] : memref<10000x64xf32, #tpu.memory_space<hbm>> -> memref<10000x64xf32, #tpu.memory_space<hbm>>
      %dma_start3A_529 = tpu.memref_slice %arg11[%dma_start3A_518] : memref<8x!tpu.dma_semaphore, #tpu.memory_space<semaphore_mem>> -> memref<1x!tpu.dma_semaphore, #tpu.memory_space<semaphore_mem>>
      %dma_start3A_530 = tpu.memref_squeeze %dma_start3A_529 : memref<1x!tpu.dma_semaphore, #tpu.memory_space<semaphore_mem>> -> memref<!tpu.dma_semaphore, #tpu.memory_space<semaphore_mem>>
      tpu.enqueue_indirect_dma source(%dma_start3A_528 : memref<10000x64xf32, #tpu.memory_space<hbm>>) target(%dma_start3A_522 : memref<80x64xf32, #tpu.memory_space<vmem>>) offsets(%dma_start3A_525 : memref<80xi32, #tpu.memory_space<vmem>>) semaphore(%dma_start3A_530 : memref<!tpu.dma_semaphore, #tpu.memory_space<semaphore_mem>>)
      %add3A_531 = arith.constant 3 : i32
      %add3A_532 = arith.addi %mul3A_431, %add3A_531 : i32
      %dma_wait3A_533 = arith.constant 3 : i32
      %dma_wait3A_534 = arith.constant 3 : i32
      %dma_wait3A_535 = arith.constant 0 : i32
      %dma_wait3A_536 = arith.constant 0 : i32
      %dma_wait3A_537 = tpu.memref_slice %arg10[%dma_wait3A_533, %dma_wait3A_535, %dma_wait3A_536] : memref<8x80x64xf32, #tpu.memory_space<vmem>> -> memref<1x80x64xf32, #tpu.memory_space<vmem>>
      %dma_wait3A_538 = tpu.memref_squeeze %dma_wait3A_537 : memref<1x80x64xf32, #tpu.memory_space<vmem>> -> memref<80x64xf32, #tpu.memory_space<vmem>>
      %dma_wait3A_539 = arith.constant 0 : i32
      %dma_wait3A_540 = tpu.memref_slice %arg8[%add3A_532, %dma_wait3A_539] : memref<125x80xi32, #tpu.memory_space<vmem>> -> memref<1x80xi32, #tpu.memory_space<vmem>>
      %dma_wait3A_541 = tpu.memref_squeeze %dma_wait3A_540 : memref<1x80xi32, #tpu.memory_space<vmem>> -> memref<80xi32, #tpu.memory_space<vmem>>
      %dma_wait3A_542 = arith.constant 0 : i32
      %dma_wait3A_543 = arith.constant 0 : i32
      %dma_wait3A_544 = tpu.memref_slice %arg2[%dma_wait3A_542, %dma_wait3A_543] : memref<10000x64xf32, #tpu.memory_space<hbm>> -> memref<10000x64xf32, #tpu.memory_space<hbm>>
      %dma_wait3A_545 = tpu.memref_slice %arg11[%dma_wait3A_534] : memref<8x!tpu.dma_semaphore, #tpu.memory_space<semaphore_mem>> -> memref<1x!tpu.dma_semaphore, #tpu.memory_space<semaphore_mem>>
      %dma_wait3A_546 = tpu.memref_squeeze %dma_wait3A_545 : memref<1x!tpu.dma_semaphore, #tpu.memory_space<semaphore_mem>> -> memref<!tpu.dma_semaphore, #tpu.memory_space<semaphore_mem>>
      tpu.wait_indirect_dma semaphore(%dma_wait3A_546 : memref<!tpu.dma_semaphore, #tpu.memory_space<semaphore_mem>>) src(%dma_wait3A_544 : memref<10000x64xf32, #tpu.memory_space<hbm>>) dst(%dma_wait3A_538 : memref<80x64xf32, #tpu.memory_space<vmem>>)
      %run_scoped3A_547 = arith.constant 3 : i32
      "tpu.region"() ({
        %run_scoped3A_696 = tpu.sem_alloc : memref<!tpu.dma_semaphore, #tpu.memory_space<semaphore_mem>>
        %dma_start3A_697 = arith.constant 0 : i32
        %dma_start3A_698 = arith.constant 0 : i32
        %dma_start3A_699 = tpu.memref_slice %arg10[%run_scoped3A_547, %dma_start3A_697, %dma_start3A_698] : memref<8x80x64xf32, #tpu.memory_space<vmem>> -> memref<1x80x64xf32, #tpu.memory_space<vmem>>
        %dma_start3A_700 = tpu.memref_squeeze %dma_start3A_699 : memref<1x80x64xf32, #tpu.memory_space<vmem>> -> memref<80x64xf32, #tpu.memory_space<vmem>>
        %dma_start3A_701 = arith.constant 0 : i32
        %dma_start3A_702 = tpu.memref_slice %arg9[%add3A_532, %dma_start3A_701] : memref<125x80xi32, #tpu.memory_space<vmem>> -> memref<1x80xi32, #tpu.memory_space<vmem>>
        %dma_start3A_703 = tpu.memref_squeeze %dma_start3A_702 : memref<1x80xi32, #tpu.memory_space<vmem>> -> memref<80xi32, #tpu.memory_space<vmem>>
        %dma_start3A_704 = arith.constant 0 : i32
        %dma_start3A_705 = arith.constant 0 : i32
        %dma_start3A_706 = tpu.memref_slice %arg7[%dma_start3A_704, %dma_start3A_705] : memref<10000x64xf32, #tpu.memory_space<vmem_shared>> -> memref<10000x64xf32, #tpu.memory_space<vmem_shared>>
        tpu.enqueue_indirect_dma source(%dma_start3A_700 : memref<80x64xf32, #tpu.memory_space<vmem>>) target(%dma_start3A_706 : memref<10000x64xf32, #tpu.memory_space<vmem_shared>>) offsets(%dma_start3A_703 : memref<80xi32, #tpu.memory_space<vmem>>) semaphore(%run_scoped3A_696 : memref<!tpu.dma_semaphore, #tpu.memory_space<semaphore_mem>>) {add = true}
        %dma_wait3A_707 = arith.constant 0 : i32
        %dma_wait3A_708 = arith.constant 0 : i32
        %dma_wait3A_709 = tpu.memref_slice %arg10[%run_scoped3A_547, %dma_wait3A_707, %dma_wait3A_708] : memref<8x80x64xf32, #tpu.memory_space<vmem>> -> memref<1x80x64xf32, #tpu.memory_space<vmem>>
        %dma_wait3A_710 = tpu.memref_squeeze %dma_wait3A_709 : memref<1x80x64xf32, #tpu.memory_space<vmem>> -> memref<80x64xf32, #tpu.memory_space<vmem>>
        %dma_wait3A_711 = arith.constant 0 : i32
        %dma_wait3A_712 = tpu.memref_slice %arg9[%add3A_532, %dma_wait3A_711] : memref<125x80xi32, #tpu.memory_space<vmem>> -> memref<1x80xi32, #tpu.memory_space<vmem>>
        %dma_wait3A_713 = tpu.memref_squeeze %dma_wait3A_712 : memref<1x80xi32, #tpu.memory_space<vmem>> -> memref<80xi32, #tpu.memory_space<vmem>>
        %dma_wait3A_714 = arith.constant 0 : i32
        %dma_wait3A_715 = arith.constant 0 : i32
        %dma_wait3A_716 = tpu.memref_slice %arg7[%dma_wait3A_714, %dma_wait3A_715] : memref<10000x64xf32, #tpu.memory_space<vmem_shared>> -> memref<10000x64xf32, #tpu.memory_space<vmem_shared>>
        tpu.wait_indirect_dma semaphore(%run_scoped3A_696 : memref<!tpu.dma_semaphore, #tpu.memory_space<semaphore_mem>>) src(%dma_wait3A_710 : memref<80x64xf32, #tpu.memory_space<vmem>>) dst(%dma_wait3A_716 : memref<10000x64xf32, #tpu.memory_space<vmem_shared>>)
        tpu.yield
      }) : () -> ()
      %add3A_548 = arith.constant 8 : i32
      %add3A_549 = arith.addi %add3A_532, %add3A_548 : i32
      %dma_start3A_550 = arith.constant 3 : i32
      %dma_start3A_551 = arith.constant 3 : i32
      %dma_start3A_552 = arith.constant 0 : i32
      %dma_start3A_553 = arith.constant 0 : i32
      %dma_start3A_554 = tpu.memref_slice %arg10[%dma_start3A_550, %dma_start3A_552, %dma_start3A_553] : memref<8x80x64xf32, #tpu.memory_space<vmem>> -> memref<1x80x64xf32, #tpu.memory_space<vmem>>
      %dma_start3A_555 = tpu.memref_squeeze %dma_start3A_554 : memref<1x80x64xf32, #tpu.memory_space<vmem>> -> memref<80x64xf32, #tpu.memory_space<vmem>>
      %dma_start3A_556 = arith.constant 0 : i32
      %dma_start3A_557 = tpu.memref_slice %arg8[%add3A_549, %dma_start3A_556] : memref<125x80xi32, #tpu.memory_space<vmem>> -> memref<1x80xi32, #tpu.memory_space<vmem>>
      %dma_start3A_558 = tpu.memref_squeeze %dma_start3A_557 : memref<1x80xi32, #tpu.memory_space<vmem>> -> memref<80xi32, #tpu.memory_space<vmem>>
      %dma_start3A_559 = arith.constant 0 : i32
      %dma_start3A_560 = arith.constant 0 : i32
      %dma_start3A_561 = tpu.memref_slice %arg2[%dma_start3A_559, %dma_start3A_560] : memref<10000x64xf32, #tpu.memory_space<hbm>> -> memref<10000x64xf32, #tpu.memory_space<hbm>>
      %dma_start3A_562 = tpu.memref_slice %arg11[%dma_start3A_551] : memref<8x!tpu.dma_semaphore, #tpu.memory_space<semaphore_mem>> -> memref<1x!tpu.dma_semaphore, #tpu.memory_space<semaphore_mem>>
      %dma_start3A_563 = tpu.memref_squeeze %dma_start3A_562 : memref<1x!tpu.dma_semaphore, #tpu.memory_space<semaphore_mem>> -> memref<!tpu.dma_semaphore, #tpu.memory_space<semaphore_mem>>
      tpu.enqueue_indirect_dma source(%dma_start3A_561 : memref<10000x64xf32, #tpu.memory_space<hbm>>) target(%dma_start3A_555 : memref<80x64xf32, #tpu.memory_space<vmem>>) offsets(%dma_start3A_558 : memref<80xi32, #tpu.memory_space<vmem>>) semaphore(%dma_start3A_563 : memref<!tpu.dma_semaphore, #tpu.memory_space<semaphore_mem>>)
      %add3A_564 = arith.constant 4 : i32
      %add3A_565 = arith.addi %mul3A_431, %add3A_564 : i32
      %dma_wait3A_566 = arith.constant 4 : i32
      %dma_wait3A_567 = arith.constant 4 : i32
      %dma_wait3A_568 = arith.constant 0 : i32
      %dma_wait3A_569 = arith.constant 0 : i32
      %dma_wait3A_570 = tpu.memref_slice %arg10[%dma_wait3A_566, %dma_wait3A_568, %dma_wait3A_569] : memref<8x80x64xf32, #tpu.memory_space<vmem>> -> memref<1x80x64xf32, #tpu.memory_space<vmem>>
      %dma_wait3A_571 = tpu.memref_squeeze %dma_wait3A_570 : memref<1x80x64xf32, #tpu.memory_space<vmem>> -> memref<80x64xf32, #tpu.memory_space<vmem>>
      %dma_wait3A_572 = arith.constant 0 : i32
      %dma_wait3A_573 = tpu.memref_slice %arg8[%add3A_565, %dma_wait3A_572] : memref<125x80xi32, #tpu.memory_space<vmem>> -> memref<1x80xi32, #tpu.memory_space<vmem>>
      %dma_wait3A_574 = tpu.memref_squeeze %dma_wait3A_573 : memref<1x80xi32, #tpu.memory_space<vmem>> -> memref<80xi32, #tpu.memory_space<vmem>>
      %dma_wait3A_575 = arith.constant 0 : i32
      %dma_wait3A_576 = arith.constant 0 : i32
      %dma_wait3A_577 = tpu.memref_slice %arg2[%dma_wait3A_575, %dma_wait3A_576] : memref<10000x64xf32, #tpu.memory_space<hbm>> -> memref<10000x64xf32, #tpu.memory_space<hbm>>
      %dma_wait3A_578 = tpu.memref_slice %arg11[%dma_wait3A_567] : memref<8x!tpu.dma_semaphore, #tpu.memory_space<semaphore_mem>> -> memref<1x!tpu.dma_semaphore, #tpu.memory_space<semaphore_mem>>
      %dma_wait3A_579 = tpu.memref_squeeze %dma_wait3A_578 : memref<1x!tpu.dma_semaphore, #tpu.memory_space<semaphore_mem>> -> memref<!tpu.dma_semaphore, #tpu.memory_space<semaphore_mem>>
      tpu.wait_indirect_dma semaphore(%dma_wait3A_579 : memref<!tpu.dma_semaphore, #tpu.memory_space<semaphore_mem>>) src(%dma_wait3A_577 : memref<10000x64xf32, #tpu.memory_space<hbm>>) dst(%dma_wait3A_571 : memref<80x64xf32, #tpu.memory_space<vmem>>)
      %run_scoped3A_580 = arith.constant 4 : i32
      "tpu.region"() ({
        %run_scoped3A_696 = tpu.sem_alloc : memref<!tpu.dma_semaphore, #tpu.memory_space<semaphore_mem>>
        %dma_start3A_697 = arith.constant 0 : i32
        %dma_start3A_698 = arith.constant 0 : i32
        %dma_start3A_699 = tpu.memref_slice %arg10[%run_scoped3A_580, %dma_start3A_697, %dma_start3A_698] : memref<8x80x64xf32, #tpu.memory_space<vmem>> -> memref<1x80x64xf32, #tpu.memory_space<vmem>>
        %dma_start3A_700 = tpu.memref_squeeze %dma_start3A_699 : memref<1x80x64xf32, #tpu.memory_space<vmem>> -> memref<80x64xf32, #tpu.memory_space<vmem>>
        %dma_start3A_701 = arith.constant 0 : i32
        %dma_start3A_702 = tpu.memref_slice %arg9[%add3A_565, %dma_start3A_701] : memref<125x80xi32, #tpu.memory_space<vmem>> -> memref<1x80xi32, #tpu.memory_space<vmem>>
        %dma_start3A_703 = tpu.memref_squeeze %dma_start3A_702 : memref<1x80xi32, #tpu.memory_space<vmem>> -> memref<80xi32, #tpu.memory_space<vmem>>
        %dma_start3A_704 = arith.constant 0 : i32
        %dma_start3A_705 = arith.constant 0 : i32
        %dma_start3A_706 = tpu.memref_slice %arg7[%dma_start3A_704, %dma_start3A_705] : memref<10000x64xf32, #tpu.memory_space<vmem_shared>> -> memref<10000x64xf32, #tpu.memory_space<vmem_shared>>
        tpu.enqueue_indirect_dma source(%dma_start3A_700 : memref<80x64xf32, #tpu.memory_space<vmem>>) target(%dma_start3A_706 : memref<10000x64xf32, #tpu.memory_space<vmem_shared>>) offsets(%dma_start3A_703 : memref<80xi32, #tpu.memory_space<vmem>>) semaphore(%run_scoped3A_696 : memref<!tpu.dma_semaphore, #tpu.memory_space<semaphore_mem>>) {add = true}
        %dma_wait3A_707 = arith.constant 0 : i32
        %dma_wait3A_708 = arith.constant 0 : i32
        %dma_wait3A_709 = tpu.memref_slice %arg10[%run_scoped3A_580, %dma_wait3A_707, %dma_wait3A_708] : memref<8x80x64xf32, #tpu.memory_space<vmem>> -> memref<1x80x64xf32, #tpu.memory_space<vmem>>
        %dma_wait3A_710 = tpu.memref_squeeze %dma_wait3A_709 : memref<1x80x64xf32, #tpu.memory_space<vmem>> -> memref<80x64xf32, #tpu.memory_space<vmem>>
        %dma_wait3A_711 = arith.constant 0 : i32
        %dma_wait3A_712 = tpu.memref_slice %arg9[%add3A_565, %dma_wait3A_711] : memref<125x80xi32, #tpu.memory_space<vmem>> -> memref<1x80xi32, #tpu.memory_space<vmem>>
        %dma_wait3A_713 = tpu.memref_squeeze %dma_wait3A_712 : memref<1x80xi32, #tpu.memory_space<vmem>> -> memref<80xi32, #tpu.memory_space<vmem>>
        %dma_wait3A_714 = arith.constant 0 : i32
        %dma_wait3A_715 = arith.constant 0 : i32
        %dma_wait3A_716 = tpu.memref_slice %arg7[%dma_wait3A_714, %dma_wait3A_715] : memref<10000x64xf32, #tpu.memory_space<vmem_shared>> -> memref<10000x64xf32, #tpu.memory_space<vmem_shared>>
        tpu.wait_indirect_dma semaphore(%run_scoped3A_696 : memref<!tpu.dma_semaphore, #tpu.memory_space<semaphore_mem>>) src(%dma_wait3A_710 : memref<80x64xf32, #tpu.memory_space<vmem>>) dst(%dma_wait3A_716 : memref<10000x64xf32, #tpu.memory_space<vmem_shared>>)
        tpu.yield
      }) : () -> ()
      %add3A_581 = arith.constant 8 : i32
      %add3A_582 = arith.addi %add3A_565, %add3A_581 : i32
      %dma_start3A_583 = arith.constant 4 : i32
      %dma_start3A_584 = arith.constant 4 : i32
      %dma_start3A_585 = arith.constant 0 : i32
      %dma_start3A_586 = arith.constant 0 : i32
      %dma_start3A_587 = tpu.memref_slice %arg10[%dma_start3A_583, %dma_start3A_585, %dma_start3A_586] : memref<8x80x64xf32, #tpu.memory_space<vmem>> -> memref<1x80x64xf32, #tpu.memory_space<vmem>>
      %dma_start3A_588 = tpu.memref_squeeze %dma_start3A_587 : memref<1x80x64xf32, #tpu.memory_space<vmem>> -> memref<80x64xf32, #tpu.memory_space<vmem>>
      %dma_start3A_589 = arith.constant 0 : i32
      %dma_start3A_590 = tpu.memref_slice %arg8[%add3A_582, %dma_start3A_589] : memref<125x80xi32, #tpu.memory_space<vmem>> -> memref<1x80xi32, #tpu.memory_space<vmem>>
      %dma_start3A_591 = tpu.memref_squeeze %dma_start3A_590 : memref<1x80xi32, #tpu.memory_space<vmem>> -> memref<80xi32, #tpu.memory_space<vmem>>
      %dma_start3A_592 = arith.constant 0 : i32
      %dma_start3A_593 = arith.constant 0 : i32
      %dma_start3A_594 = tpu.memref_slice %arg2[%dma_start3A_592, %dma_start3A_593] : memref<10000x64xf32, #tpu.memory_space<hbm>> -> memref<10000x64xf32, #tpu.memory_space<hbm>>
      %dma_start3A_595 = tpu.memref_slice %arg11[%dma_start3A_584] : memref<8x!tpu.dma_semaphore, #tpu.memory_space<semaphore_mem>> -> memref<1x!tpu.dma_semaphore, #tpu.memory_space<semaphore_mem>>
      %dma_start3A_596 = tpu.memref_squeeze %dma_start3A_595 : memref<1x!tpu.dma_semaphore, #tpu.memory_space<semaphore_mem>> -> memref<!tpu.dma_semaphore, #tpu.memory_space<semaphore_mem>>
      tpu.enqueue_indirect_dma source(%dma_start3A_594 : memref<10000x64xf32, #tpu.memory_space<hbm>>) target(%dma_start3A_588 : memref<80x64xf32, #tpu.memory_space<vmem>>) offsets(%dma_start3A_591 : memref<80xi32, #tpu.memory_space<vmem>>) semaphore(%dma_start3A_596 : memref<!tpu.dma_semaphore, #tpu.memory_space<semaphore_mem>>)
      %add3A_597 = arith.constant 5 : i32
      %add3A_598 = arith.addi %mul3A_431, %add3A_597 : i32
      %dma_wait3A_599 = arith.constant 5 : i32
      %dma_wait3A_600 = arith.constant 5 : i32
      %dma_wait3A_601 = arith.constant 0 : i32
      %dma_wait3A_602 = arith.constant 0 : i32
      %dma_wait3A_603 = tpu.memref_slice %arg10[%dma_wait3A_599, %dma_wait3A_601, %dma_wait3A_602] : memref<8x80x64xf32, #tpu.memory_space<vmem>> -> memref<1x80x64xf32, #tpu.memory_space<vmem>>
      %dma_wait3A_604 = tpu.memref_squeeze %dma_wait3A_603 : memref<1x80x64xf32, #tpu.memory_space<vmem>> -> memref<80x64xf32, #tpu.memory_space<vmem>>
      %dma_wait3A_605 = arith.constant 0 : i32
      %dma_wait3A_606 = tpu.memref_slice %arg8[%add3A_598, %dma_wait3A_605] : memref<125x80xi32, #tpu.memory_space<vmem>> -> memref<1x80xi32, #tpu.memory_space<vmem>>
      %dma_wait3A_607 = tpu.memref_squeeze %dma_wait3A_606 : memref<1x80xi32, #tpu.memory_space<vmem>> -> memref<80xi32, #tpu.memory_space<vmem>>
      %dma_wait3A_608 = arith.constant 0 : i32
      %dma_wait3A_609 = arith.constant 0 : i32
      %dma_wait3A_610 = tpu.memref_slice %arg2[%dma_wait3A_608, %dma_wait3A_609] : memref<10000x64xf32, #tpu.memory_space<hbm>> -> memref<10000x64xf32, #tpu.memory_space<hbm>>
      %dma_wait3A_611 = tpu.memref_slice %arg11[%dma_wait3A_600] : memref<8x!tpu.dma_semaphore, #tpu.memory_space<semaphore_mem>> -> memref<1x!tpu.dma_semaphore, #tpu.memory_space<semaphore_mem>>
      %dma_wait3A_612 = tpu.memref_squeeze %dma_wait3A_611 : memref<1x!tpu.dma_semaphore, #tpu.memory_space<semaphore_mem>> -> memref<!tpu.dma_semaphore, #tpu.memory_space<semaphore_mem>>
      tpu.wait_indirect_dma semaphore(%dma_wait3A_612 : memref<!tpu.dma_semaphore, #tpu.memory_space<semaphore_mem>>) src(%dma_wait3A_610 : memref<10000x64xf32, #tpu.memory_space<hbm>>) dst(%dma_wait3A_604 : memref<80x64xf32, #tpu.memory_space<vmem>>)
      %run_scoped3A_613 = arith.constant 5 : i32
      "tpu.region"() ({
        %run_scoped3A_696 = tpu.sem_alloc : memref<!tpu.dma_semaphore, #tpu.memory_space<semaphore_mem>>
        %dma_start3A_697 = arith.constant 0 : i32
        %dma_start3A_698 = arith.constant 0 : i32
        %dma_start3A_699 = tpu.memref_slice %arg10[%run_scoped3A_613, %dma_start3A_697, %dma_start3A_698] : memref<8x80x64xf32, #tpu.memory_space<vmem>> -> memref<1x80x64xf32, #tpu.memory_space<vmem>>
        %dma_start3A_700 = tpu.memref_squeeze %dma_start3A_699 : memref<1x80x64xf32, #tpu.memory_space<vmem>> -> memref<80x64xf32, #tpu.memory_space<vmem>>
        %dma_start3A_701 = arith.constant 0 : i32
        %dma_start3A_702 = tpu.memref_slice %arg9[%add3A_598, %dma_start3A_701] : memref<125x80xi32, #tpu.memory_space<vmem>> -> memref<1x80xi32, #tpu.memory_space<vmem>>
        %dma_start3A_703 = tpu.memref_squeeze %dma_start3A_702 : memref<1x80xi32, #tpu.memory_space<vmem>> -> memref<80xi32, #tpu.memory_space<vmem>>
        %dma_start3A_704 = arith.constant 0 : i32
        %dma_start3A_705 = arith.constant 0 : i32
        %dma_start3A_706 = tpu.memref_slice %arg7[%dma_start3A_704, %dma_start3A_705] : memref<10000x64xf32, #tpu.memory_space<vmem_shared>> -> memref<10000x64xf32, #tpu.memory_space<vmem_shared>>
        tpu.enqueue_indirect_dma source(%dma_start3A_700 : memref<80x64xf32, #tpu.memory_space<vmem>>) target(%dma_start3A_706 : memref<10000x64xf32, #tpu.memory_space<vmem_shared>>) offsets(%dma_start3A_703 : memref<80xi32, #tpu.memory_space<vmem>>) semaphore(%run_scoped3A_696 : memref<!tpu.dma_semaphore, #tpu.memory_space<semaphore_mem>>) {add = true}
        %dma_wait3A_707 = arith.constant 0 : i32
        %dma_wait3A_708 = arith.constant 0 : i32
        %dma_wait3A_709 = tpu.memref_slice %arg10[%run_scoped3A_613, %dma_wait3A_707, %dma_wait3A_708] : memref<8x80x64xf32, #tpu.memory_space<vmem>> -> memref<1x80x64xf32, #tpu.memory_space<vmem>>
        %dma_wait3A_710 = tpu.memref_squeeze %dma_wait3A_709 : memref<1x80x64xf32, #tpu.memory_space<vmem>> -> memref<80x64xf32, #tpu.memory_space<vmem>>
        %dma_wait3A_711 = arith.constant 0 : i32
        %dma_wait3A_712 = tpu.memref_slice %arg9[%add3A_598, %dma_wait3A_711] : memref<125x80xi32, #tpu.memory_space<vmem>> -> memref<1x80xi32, #tpu.memory_space<vmem>>
        %dma_wait3A_713 = tpu.memref_squeeze %dma_wait3A_712 : memref<1x80xi32, #tpu.memory_space<vmem>> -> memref<80xi32, #tpu.memory_space<vmem>>
        %dma_wait3A_714 = arith.constant 0 : i32
        %dma_wait3A_715 = arith.constant 0 : i32
        %dma_wait3A_716 = tpu.memref_slice %arg7[%dma_wait3A_714, %dma_wait3A_715] : memref<10000x64xf32, #tpu.memory_space<vmem_shared>> -> memref<10000x64xf32, #tpu.memory_space<vmem_shared>>
        tpu.wait_indirect_dma semaphore(%run_scoped3A_696 : memref<!tpu.dma_semaphore, #tpu.memory_space<semaphore_mem>>) src(%dma_wait3A_710 : memref<80x64xf32, #tpu.memory_space<vmem>>) dst(%dma_wait3A_716 : memref<10000x64xf32, #tpu.memory_space<vmem_shared>>)
        tpu.yield
      }) : () -> ()
      %add3A_614 = arith.constant 8 : i32
      %add3A_615 = arith.addi %add3A_598, %add3A_614 : i32
      %dma_start3A_616 = arith.constant 5 : i32
      %dma_start3A_617 = arith.constant 5 : i32
      %dma_start3A_618 = arith.constant 0 : i32
      %dma_start3A_619 = arith.constant 0 : i32
      %dma_start3A_620 = tpu.memref_slice %arg10[%dma_start3A_616, %dma_start3A_618, %dma_start3A_619] : memref<8x80x64xf32, #tpu.memory_space<vmem>> -> memref<1x80x64xf32, #tpu.memory_space<vmem>>
      %dma_start3A_621 = tpu.memref_squeeze %dma_start3A_620 : memref<1x80x64xf32, #tpu.memory_space<vmem>> -> memref<80x64xf32, #tpu.memory_space<vmem>>
      %dma_start3A_622 = arith.constant 0 : i32
      %dma_start3A_623 = tpu.memref_slice %arg8[%add3A_615, %dma_start3A_622] : memref<125x80xi32, #tpu.memory_space<vmem>> -> memref<1x80xi32, #tpu.memory_space<vmem>>
      %dma_start3A_624 = tpu.memref_squeeze %dma_start3A_623 : memref<1x80xi32, #tpu.memory_space<vmem>> -> memref<80xi32, #tpu.memory_space<vmem>>
      %dma_start3A_625 = arith.constant 0 : i32
      %dma_start3A_626 = arith.constant 0 : i32
      %dma_start3A_627 = tpu.memref_slice %arg2[%dma_start3A_625, %dma_start3A_626] : memref<10000x64xf32, #tpu.memory_space<hbm>> -> memref<10000x64xf32, #tpu.memory_space<hbm>>
      %dma_start3A_628 = tpu.memref_slice %arg11[%dma_start3A_617] : memref<8x!tpu.dma_semaphore, #tpu.memory_space<semaphore_mem>> -> memref<1x!tpu.dma_semaphore, #tpu.memory_space<semaphore_mem>>
      %dma_start3A_629 = tpu.memref_squeeze %dma_start3A_628 : memref<1x!tpu.dma_semaphore, #tpu.memory_space<semaphore_mem>> -> memref<!tpu.dma_semaphore, #tpu.memory_space<semaphore_mem>>
      tpu.enqueue_indirect_dma source(%dma_start3A_627 : memref<10000x64xf32, #tpu.memory_space<hbm>>) target(%dma_start3A_621 : memref<80x64xf32, #tpu.memory_space<vmem>>) offsets(%dma_start3A_624 : memref<80xi32, #tpu.memory_space<vmem>>) semaphore(%dma_start3A_629 : memref<!tpu.dma_semaphore, #tpu.memory_space<semaphore_mem>>)
      %add3A_630 = arith.constant 6 : i32
      %add3A_631 = arith.addi %mul3A_431, %add3A_630 : i32
      %dma_wait3A_632 = arith.constant 6 : i32
      %dma_wait3A_633 = arith.constant 6 : i32
      %dma_wait3A_634 = arith.constant 0 : i32
      %dma_wait3A_635 = arith.constant 0 : i32
      %dma_wait3A_636 = tpu.memref_slice %arg10[%dma_wait3A_632, %dma_wait3A_634, %dma_wait3A_635] : memref<8x80x64xf32, #tpu.memory_space<vmem>> -> memref<1x80x64xf32, #tpu.memory_space<vmem>>
      %dma_wait3A_637 = tpu.memref_squeeze %dma_wait3A_636 : memref<1x80x64xf32, #tpu.memory_space<vmem>> -> memref<80x64xf32, #tpu.memory_space<vmem>>
      %dma_wait3A_638 = arith.constant 0 : i32
      %dma_wait3A_639 = tpu.memref_slice %arg8[%add3A_631, %dma_wait3A_638] : memref<125x80xi32, #tpu.memory_space<vmem>> -> memref<1x80xi32, #tpu.memory_space<vmem>>
      %dma_wait3A_640 = tpu.memref_squeeze %dma_wait3A_639 : memref<1x80xi32, #tpu.memory_space<vmem>> -> memref<80xi32, #tpu.memory_space<vmem>>
      %dma_wait3A_641 = arith.constant 0 : i32
      %dma_wait3A_642 = arith.constant 0 : i32
      %dma_wait3A_643 = tpu.memref_slice %arg2[%dma_wait3A_641, %dma_wait3A_642] : memref<10000x64xf32, #tpu.memory_space<hbm>> -> memref<10000x64xf32, #tpu.memory_space<hbm>>
      %dma_wait3A_644 = tpu.memref_slice %arg11[%dma_wait3A_633] : memref<8x!tpu.dma_semaphore, #tpu.memory_space<semaphore_mem>> -> memref<1x!tpu.dma_semaphore, #tpu.memory_space<semaphore_mem>>
      %dma_wait3A_645 = tpu.memref_squeeze %dma_wait3A_644 : memref<1x!tpu.dma_semaphore, #tpu.memory_space<semaphore_mem>> -> memref<!tpu.dma_semaphore, #tpu.memory_space<semaphore_mem>>
      tpu.wait_indirect_dma semaphore(%dma_wait3A_645 : memref<!tpu.dma_semaphore, #tpu.memory_space<semaphore_mem>>) src(%dma_wait3A_643 : memref<10000x64xf32, #tpu.memory_space<hbm>>) dst(%dma_wait3A_637 : memref<80x64xf32, #tpu.memory_space<vmem>>)
      %run_scoped3A_646 = arith.constant 6 : i32
      "tpu.region"() ({
        %run_scoped3A_696 = tpu.sem_alloc : memref<!tpu.dma_semaphore, #tpu.memory_space<semaphore_mem>>
        %dma_start3A_697 = arith.constant 0 : i32
        %dma_start3A_698 = arith.constant 0 : i32
        %dma_start3A_699 = tpu.memref_slice %arg10[%run_scoped3A_646, %dma_start3A_697, %dma_start3A_698] : memref<8x80x64xf32, #tpu.memory_space<vmem>> -> memref<1x80x64xf32, #tpu.memory_space<vmem>>
        %dma_start3A_700 = tpu.memref_squeeze %dma_start3A_699 : memref<1x80x64xf32, #tpu.memory_space<vmem>> -> memref<80x64xf32, #tpu.memory_space<vmem>>
        %dma_start3A_701 = arith.constant 0 : i32
        %dma_start3A_702 = tpu.memref_slice %arg9[%add3A_631, %dma_start3A_701] : memref<125x80xi32, #tpu.memory_space<vmem>> -> memref<1x80xi32, #tpu.memory_space<vmem>>
        %dma_start3A_703 = tpu.memref_squeeze %dma_start3A_702 : memref<1x80xi32, #tpu.memory_space<vmem>> -> memref<80xi32, #tpu.memory_space<vmem>>
        %dma_start3A_704 = arith.constant 0 : i32
        %dma_start3A_705 = arith.constant 0 : i32
        %dma_start3A_706 = tpu.memref_slice %arg7[%dma_start3A_704, %dma_start3A_705] : memref<10000x64xf32, #tpu.memory_space<vmem_shared>> -> memref<10000x64xf32, #tpu.memory_space<vmem_shared>>
        tpu.enqueue_indirect_dma source(%dma_start3A_700 : memref<80x64xf32, #tpu.memory_space<vmem>>) target(%dma_start3A_706 : memref<10000x64xf32, #tpu.memory_space<vmem_shared>>) offsets(%dma_start3A_703 : memref<80xi32, #tpu.memory_space<vmem>>) semaphore(%run_scoped3A_696 : memref<!tpu.dma_semaphore, #tpu.memory_space<semaphore_mem>>) {add = true}
        %dma_wait3A_707 = arith.constant 0 : i32
        %dma_wait3A_708 = arith.constant 0 : i32
        %dma_wait3A_709 = tpu.memref_slice %arg10[%run_scoped3A_646, %dma_wait3A_707, %dma_wait3A_708] : memref<8x80x64xf32, #tpu.memory_space<vmem>> -> memref<1x80x64xf32, #tpu.memory_space<vmem>>
        %dma_wait3A_710 = tpu.memref_squeeze %dma_wait3A_709 : memref<1x80x64xf32, #tpu.memory_space<vmem>> -> memref<80x64xf32, #tpu.memory_space<vmem>>
        %dma_wait3A_711 = arith.constant 0 : i32
        %dma_wait3A_712 = tpu.memref_slice %arg9[%add3A_631, %dma_wait3A_711] : memref<125x80xi32, #tpu.memory_space<vmem>> -> memref<1x80xi32, #tpu.memory_space<vmem>>
        %dma_wait3A_713 = tpu.memref_squeeze %dma_wait3A_712 : memref<1x80xi32, #tpu.memory_space<vmem>> -> memref<80xi32, #tpu.memory_space<vmem>>
        %dma_wait3A_714 = arith.constant 0 : i32
        %dma_wait3A_715 = arith.constant 0 : i32
        %dma_wait3A_716 = tpu.memref_slice %arg7[%dma_wait3A_714, %dma_wait3A_715] : memref<10000x64xf32, #tpu.memory_space<vmem_shared>> -> memref<10000x64xf32, #tpu.memory_space<vmem_shared>>
        tpu.wait_indirect_dma semaphore(%run_scoped3A_696 : memref<!tpu.dma_semaphore, #tpu.memory_space<semaphore_mem>>) src(%dma_wait3A_710 : memref<80x64xf32, #tpu.memory_space<vmem>>) dst(%dma_wait3A_716 : memref<10000x64xf32, #tpu.memory_space<vmem_shared>>)
        tpu.yield
      }) : () -> ()
      %add3A_647 = arith.constant 8 : i32
      %add3A_648 = arith.addi %add3A_631, %add3A_647 : i32
      %dma_start3A_649 = arith.constant 6 : i32
      %dma_start3A_650 = arith.constant 6 : i32
      %dma_start3A_651 = arith.constant 0 : i32
      %dma_start3A_652 = arith.constant 0 : i32
      %dma_start3A_653 = tpu.memref_slice %arg10[%dma_start3A_649, %dma_start3A_651, %dma_start3A_652] : memref<8x80x64xf32, #tpu.memory_space<vmem>> -> memref<1x80x64xf32, #tpu.memory_space<vmem>>
      %dma_start3A_654 = tpu.memref_squeeze %dma_start3A_653 : memref<1x80x64xf32, #tpu.memory_space<vmem>> -> memref<80x64xf32, #tpu.memory_space<vmem>>
      %dma_start3A_655 = arith.constant 0 : i32
      %dma_start3A_656 = tpu.memref_slice %arg8[%add3A_648, %dma_start3A_655] : memref<125x80xi32, #tpu.memory_space<vmem>> -> memref<1x80xi32, #tpu.memory_space<vmem>>
      %dma_start3A_657 = tpu.memref_squeeze %dma_start3A_656 : memref<1x80xi32, #tpu.memory_space<vmem>> -> memref<80xi32, #tpu.memory_space<vmem>>
      %dma_start3A_658 = arith.constant 0 : i32
      %dma_start3A_659 = arith.constant 0 : i32
      %dma_start3A_660 = tpu.memref_slice %arg2[%dma_start3A_658, %dma_start3A_659] : memref<10000x64xf32, #tpu.memory_space<hbm>> -> memref<10000x64xf32, #tpu.memory_space<hbm>>
      %dma_start3A_661 = tpu.memref_slice %arg11[%dma_start3A_650] : memref<8x!tpu.dma_semaphore, #tpu.memory_space<semaphore_mem>> -> memref<1x!tpu.dma_semaphore, #tpu.memory_space<semaphore_mem>>
      %dma_start3A_662 = tpu.memref_squeeze %dma_start3A_661 : memref<1x!tpu.dma_semaphore, #tpu.memory_space<semaphore_mem>> -> memref<!tpu.dma_semaphore, #tpu.memory_space<semaphore_mem>>
      tpu.enqueue_indirect_dma source(%dma_start3A_660 : memref<10000x64xf32, #tpu.memory_space<hbm>>) target(%dma_start3A_654 : memref<80x64xf32, #tpu.memory_space<vmem>>) offsets(%dma_start3A_657 : memref<80xi32, #tpu.memory_space<vmem>>) semaphore(%dma_start3A_662 : memref<!tpu.dma_semaphore, #tpu.memory_space<semaphore_mem>>)
      %add3A_663 = arith.constant 7 : i32
      %add3A_664 = arith.addi %mul3A_431, %add3A_663 : i32
      %dma_wait3A_665 = arith.constant 7 : i32
      %dma_wait3A_666 = arith.constant 7 : i32
      %dma_wait3A_667 = arith.constant 0 : i32
      %dma_wait3A_668 = arith.constant 0 : i32
      %dma_wait3A_669 = tpu.memref_slice %arg10[%dma_wait3A_665, %dma_wait3A_667, %dma_wait3A_668] : memref<8x80x64xf32, #tpu.memory_space<vmem>> -> memref<1x80x64xf32, #tpu.memory_space<vmem>>
      %dma_wait3A_670 = tpu.memref_squeeze %dma_wait3A_669 : memref<1x80x64xf32, #tpu.memory_space<vmem>> -> memref<80x64xf32, #tpu.memory_space<vmem>>
      %dma_wait3A_671 = arith.constant 0 : i32
      %dma_wait3A_672 = tpu.memref_slice %arg8[%add3A_664, %dma_wait3A_671] : memref<125x80xi32, #tpu.memory_space<vmem>> -> memref<1x80xi32, #tpu.memory_space<vmem>>
      %dma_wait3A_673 = tpu.memref_squeeze %dma_wait3A_672 : memref<1x80xi32, #tpu.memory_space<vmem>> -> memref<80xi32, #tpu.memory_space<vmem>>
      %dma_wait3A_674 = arith.constant 0 : i32
      %dma_wait3A_675 = arith.constant 0 : i32
      %dma_wait3A_676 = tpu.memref_slice %arg2[%dma_wait3A_674, %dma_wait3A_675] : memref<10000x64xf32, #tpu.memory_space<hbm>> -> memref<10000x64xf32, #tpu.memory_space<hbm>>
      %dma_wait3A_677 = tpu.memref_slice %arg11[%dma_wait3A_666] : memref<8x!tpu.dma_semaphore, #tpu.memory_space<semaphore_mem>> -> memref<1x!tpu.dma_semaphore, #tpu.memory_space<semaphore_mem>>
      %dma_wait3A_678 = tpu.memref_squeeze %dma_wait3A_677 : memref<1x!tpu.dma_semaphore, #tpu.memory_space<semaphore_mem>> -> memref<!tpu.dma_semaphore, #tpu.memory_space<semaphore_mem>>
      tpu.wait_indirect_dma semaphore(%dma_wait3A_678 : memref<!tpu.dma_semaphore, #tpu.memory_space<semaphore_mem>>) src(%dma_wait3A_676 : memref<10000x64xf32, #tpu.memory_space<hbm>>) dst(%dma_wait3A_670 : memref<80x64xf32, #tpu.memory_space<vmem>>)
      %run_scoped3A_679 = arith.constant 7 : i32
      "tpu.region"() ({
        %run_scoped3A_696 = tpu.sem_alloc : memref<!tpu.dma_semaphore, #tpu.memory_space<semaphore_mem>>
        %dma_start3A_697 = arith.constant 0 : i32
        %dma_start3A_698 = arith.constant 0 : i32
        %dma_start3A_699 = tpu.memref_slice %arg10[%run_scoped3A_679, %dma_start3A_697, %dma_start3A_698] : memref<8x80x64xf32, #tpu.memory_space<vmem>> -> memref<1x80x64xf32, #tpu.memory_space<vmem>>
        %dma_start3A_700 = tpu.memref_squeeze %dma_start3A_699 : memref<1x80x64xf32, #tpu.memory_space<vmem>> -> memref<80x64xf32, #tpu.memory_space<vmem>>
        %dma_start3A_701 = arith.constant 0 : i32
        %dma_start3A_702 = tpu.memref_slice %arg9[%add3A_664, %dma_start3A_701] : memref<125x80xi32, #tpu.memory_space<vmem>> -> memref<1x80xi32, #tpu.memory_space<vmem>>
        %dma_start3A_703 = tpu.memref_squeeze %dma_start3A_702 : memref<1x80xi32, #tpu.memory_space<vmem>> -> memref<80xi32, #tpu.memory_space<vmem>>
        %dma_start3A_704 = arith.constant 0 : i32
        %dma_start3A_705 = arith.constant 0 : i32
        %dma_start3A_706 = tpu.memref_slice %arg7[%dma_start3A_704, %dma_start3A_705] : memref<10000x64xf32, #tpu.memory_space<vmem_shared>> -> memref<10000x64xf32, #tpu.memory_space<vmem_shared>>
        tpu.enqueue_indirect_dma source(%dma_start3A_700 : memref<80x64xf32, #tpu.memory_space<vmem>>) target(%dma_start3A_706 : memref<10000x64xf32, #tpu.memory_space<vmem_shared>>) offsets(%dma_start3A_703 : memref<80xi32, #tpu.memory_space<vmem>>) semaphore(%run_scoped3A_696 : memref<!tpu.dma_semaphore, #tpu.memory_space<semaphore_mem>>) {add = true}
        %dma_wait3A_707 = arith.constant 0 : i32
        %dma_wait3A_708 = arith.constant 0 : i32
        %dma_wait3A_709 = tpu.memref_slice %arg10[%run_scoped3A_679, %dma_wait3A_707, %dma_wait3A_708] : memref<8x80x64xf32, #tpu.memory_space<vmem>> -> memref<1x80x64xf32, #tpu.memory_space<vmem>>
        %dma_wait3A_710 = tpu.memref_squeeze %dma_wait3A_709 : memref<1x80x64xf32, #tpu.memory_space<vmem>> -> memref<80x64xf32, #tpu.memory_space<vmem>>
        %dma_wait3A_711 = arith.constant 0 : i32
        %dma_wait3A_712 = tpu.memref_slice %arg9[%add3A_664, %dma_wait3A_711] : memref<125x80xi32, #tpu.memory_space<vmem>> -> memref<1x80xi32, #tpu.memory_space<vmem>>
        %dma_wait3A_713 = tpu.memref_squeeze %dma_wait3A_712 : memref<1x80xi32, #tpu.memory_space<vmem>> -> memref<80xi32, #tpu.memory_space<vmem>>
        %dma_wait3A_714 = arith.constant 0 : i32
        %dma_wait3A_715 = arith.constant 0 : i32
        %dma_wait3A_716 = tpu.memref_slice %arg7[%dma_wait3A_714, %dma_wait3A_715] : memref<10000x64xf32, #tpu.memory_space<vmem_shared>> -> memref<10000x64xf32, #tpu.memory_space<vmem_shared>>
        tpu.wait_indirect_dma semaphore(%run_scoped3A_696 : memref<!tpu.dma_semaphore, #tpu.memory_space<semaphore_mem>>) src(%dma_wait3A_710 : memref<80x64xf32, #tpu.memory_space<vmem>>) dst(%dma_wait3A_716 : memref<10000x64xf32, #tpu.memory_space<vmem_shared>>)
        tpu.yield
      }) : () -> ()
      %add3A_680 = arith.constant 8 : i32
      %add3A_681 = arith.addi %add3A_664, %add3A_680 : i32
      %dma_start3A_682 = arith.constant 7 : i32
      %dma_start3A_683 = arith.constant 7 : i32
      %dma_start3A_684 = arith.constant 0 : i32
      %dma_start3A_685 = arith.constant 0 : i32
      %dma_start3A_686 = tpu.memref_slice %arg10[%dma_start3A_682, %dma_start3A_684, %dma_start3A_685] : memref<8x80x64xf32, #tpu.memory_space<vmem>> -> memref<1x80x64xf32, #tpu.memory_space<vmem>>
      %dma_start3A_687 = tpu.memref_squeeze %dma_start3A_686 : memref<1x80x64xf32, #tpu.memory_space<vmem>> -> memref<80x64xf32, #tpu.memory_space<vmem>>
      %dma_start3A_688 = arith.constant 0 : i32
      %dma_start3A_689 = tpu.memref_slice %arg8[%add3A_681, %dma_start3A_688] : memref<125x80xi32, #tpu.memory_space<vmem>> -> memref<1x80xi32, #tpu.memory_space<vmem>>
      %dma_start3A_690 = tpu.memref_squeeze %dma_start3A_689 : memref<1x80xi32, #tpu.memory_space<vmem>> -> memref<80xi32, #tpu.memory_space<vmem>>
      %dma_start3A_691 = arith.constant 0 : i32
      %dma_start3A_692 = arith.constant 0 : i32
      %dma_start3A_693 = tpu.memref_slice %arg2[%dma_start3A_691, %dma_start3A_692] : memref<10000x64xf32, #tpu.memory_space<hbm>> -> memref<10000x64xf32, #tpu.memory_space<hbm>>
      %dma_start3A_694 = tpu.memref_slice %arg11[%dma_start3A_683] : memref<8x!tpu.dma_semaphore, #tpu.memory_space<semaphore_mem>> -> memref<1x!tpu.dma_semaphore, #tpu.memory_space<semaphore_mem>>
      %dma_start3A_695 = tpu.memref_squeeze %dma_start3A_694 : memref<1x!tpu.dma_semaphore, #tpu.memory_space<semaphore_mem>> -> memref<!tpu.dma_semaphore, #tpu.memory_space<semaphore_mem>>
      tpu.enqueue_indirect_dma source(%dma_start3A_693 : memref<10000x64xf32, #tpu.memory_space<hbm>>) target(%dma_start3A_687 : memref<80x64xf32, #tpu.memory_space<vmem>>) offsets(%dma_start3A_690 : memref<80xi32, #tpu.memory_space<vmem>>) semaphore(%dma_start3A_695 : memref<!tpu.dma_semaphore, #tpu.memory_space<semaphore_mem>>)
    }
    %scan3A_126 = arith.constant 14 : i32
    %dma_wait3A = arith.constant 112 : i32
    %dma_wait3A_127 = arith.constant 0 : i32
    %dma_wait3A_128 = arith.constant 0 : i32
    %dma_wait3A_129 = arith.constant 0 : i32
    %dma_wait3A_130 = arith.constant 0 : i32
    %dma_wait3A_131 = tpu.memref_slice %arg10[%dma_wait3A_127, %dma_wait3A_129, %dma_wait3A_130] : memref<8x80x64xf32, #tpu.memory_space<vmem>> -> memref<1x80x64xf32, #tpu.memory_space<vmem>>
    %dma_wait3A_132 = tpu.memref_squeeze %dma_wait3A_131 : memref<1x80x64xf32, #tpu.memory_space<vmem>> -> memref<80x64xf32, #tpu.memory_space<vmem>>
    %dma_wait3A_133 = arith.constant 0 : i32
    %dma_wait3A_134 = tpu.memref_slice %arg8[%dma_wait3A, %dma_wait3A_133] : memref<125x80xi32, #tpu.memory_space<vmem>> -> memref<1x80xi32, #tpu.memory_space<vmem>>
    %dma_wait3A_135 = tpu.memref_squeeze %dma_wait3A_134 : memref<1x80xi32, #tpu.memory_space<vmem>> -> memref<80xi32, #tpu.memory_space<vmem>>
    %dma_wait3A_136 = arith.constant 0 : i32
    %dma_wait3A_137 = arith.constant 0 : i32
    %dma_wait3A_138 = tpu.memref_slice %arg2[%dma_wait3A_136, %dma_wait3A_137] : memref<10000x64xf32, #tpu.memory_space<hbm>> -> memref<10000x64xf32, #tpu.memory_space<hbm>>
    %dma_wait3A_139 = tpu.memref_slice %arg11[%dma_wait3A_128] : memref<8x!tpu.dma_semaphore, #tpu.memory_space<semaphore_mem>> -> memref<1x!tpu.dma_semaphore, #tpu.memory_space<semaphore_mem>>
    %dma_wait3A_140 = tpu.memref_squeeze %dma_wait3A_139 : memref<1x!tpu.dma_semaphore, #tpu.memory_space<semaphore_mem>> -> memref<!tpu.dma_semaphore, #tpu.memory_space<semaphore_mem>>
    tpu.wait_indirect_dma semaphore(%dma_wait3A_140 : memref<!tpu.dma_semaphore, #tpu.memory_space<semaphore_mem>>) src(%dma_wait3A_138 : memref<10000x64xf32, #tpu.memory_space<hbm>>) dst(%dma_wait3A_132 : memref<80x64xf32, #tpu.memory_space<vmem>>)
    %run_scoped3A = arith.constant 0 : i32
    %run_scoped3A_141 = arith.constant 112 : i32
    "tpu.region"() ({
      %run_scoped3A_429 = tpu.sem_alloc : memref<!tpu.dma_semaphore, #tpu.memory_space<semaphore_mem>>
      %dma_start3A_430 = arith.constant 0 : i32
      %dma_start3A_431 = arith.constant 0 : i32
      %dma_start3A_432 = tpu.memref_slice %arg10[%run_scoped3A, %dma_start3A_430, %dma_start3A_431] : memref<8x80x64xf32, #tpu.memory_space<vmem>> -> memref<1x80x64xf32, #tpu.memory_space<vmem>>
      %dma_start3A_433 = tpu.memref_squeeze %dma_start3A_432 : memref<1x80x64xf32, #tpu.memory_space<vmem>> -> memref<80x64xf32, #tpu.memory_space<vmem>>
      %dma_start3A_434 = arith.constant 0 : i32
      %dma_start3A_435 = tpu.memref_slice %arg9[%run_scoped3A_141, %dma_start3A_434] : memref<125x80xi32, #tpu.memory_space<vmem>> -> memref<1x80xi32, #tpu.memory_space<vmem>>
      %dma_start3A_436 = tpu.memref_squeeze %dma_start3A_435 : memref<1x80xi32, #tpu.memory_space<vmem>> -> memref<80xi32, #tpu.memory_space<vmem>>
      %dma_start3A_437 = arith.constant 0 : i32
      %dma_start3A_438 = arith.constant 0 : i32
      %dma_start3A_439 = tpu.memref_slice %arg7[%dma_start3A_437, %dma_start3A_438] : memref<10000x64xf32, #tpu.memory_space<vmem_shared>> -> memref<10000x64xf32, #tpu.memory_space<vmem_shared>>
      tpu.enqueue_indirect_dma source(%dma_start3A_433 : memref<80x64xf32, #tpu.memory_space<vmem>>) target(%dma_start3A_439 : memref<10000x64xf32, #tpu.memory_space<vmem_shared>>) offsets(%dma_start3A_436 : memref<80xi32, #tpu.memory_space<vmem>>) semaphore(%run_scoped3A_429 : memref<!tpu.dma_semaphore, #tpu.memory_space<semaphore_mem>>) {add = true}
      %dma_wait3A_440 = arith.constant 0 : i32
      %dma_wait3A_441 = arith.constant 0 : i32
      %dma_wait3A_442 = tpu.memref_slice %arg10[%run_scoped3A, %dma_wait3A_440, %dma_wait3A_441] : memref<8x80x64xf32, #tpu.memory_space<vmem>> -> memref<1x80x64xf32, #tpu.memory_space<vmem>>
      %dma_wait3A_443 = tpu.memref_squeeze %dma_wait3A_442 : memref<1x80x64xf32, #tpu.memory_space<vmem>> -> memref<80x64xf32, #tpu.memory_space<vmem>>
      %dma_wait3A_444 = arith.constant 0 : i32
      %dma_wait3A_445 = tpu.memref_slice %arg9[%run_scoped3A_141, %dma_wait3A_444] : memref<125x80xi32, #tpu.memory_space<vmem>> -> memref<1x80xi32, #tpu.memory_space<vmem>>
      %dma_wait3A_446 = tpu.memref_squeeze %dma_wait3A_445 : memref<1x80xi32, #tpu.memory_space<vmem>> -> memref<80xi32, #tpu.memory_space<vmem>>
      %dma_wait3A_447 = arith.constant 0 : i32
      %dma_wait3A_448 = arith.constant 0 : i32
      %dma_wait3A_449 = tpu.memref_slice %arg7[%dma_wait3A_447, %dma_wait3A_448] : memref<10000x64xf32, #tpu.memory_space<vmem_shared>> -> memref<10000x64xf32, #tpu.memory_space<vmem_shared>>
      tpu.wait_indirect_dma semaphore(%run_scoped3A_429 : memref<!tpu.dma_semaphore, #tpu.memory_space<semaphore_mem>>) src(%dma_wait3A_443 : memref<80x64xf32, #tpu.memory_space<vmem>>) dst(%dma_wait3A_449 : memref<10000x64xf32, #tpu.memory_space<vmem_shared>>)
      tpu.yield
    }) : () -> ()
    %dma_start3A_142 = arith.constant 120 : i32
    %dma_start3A_143 = arith.constant 0 : i32
    %dma_start3A_144 = arith.constant 0 : i32
    %dma_start3A_145 = arith.constant 0 : i32
    %dma_start3A_146 = arith.constant 0 : i32
    %dma_start3A_147 = tpu.memref_slice %arg10[%dma_start3A_143, %dma_start3A_145, %dma_start3A_146] : memref<8x80x64xf32, #tpu.memory_space<vmem>> -> memref<1x80x64xf32, #tpu.memory_space<vmem>>
    %dma_start3A_148 = tpu.memref_squeeze %dma_start3A_147 : memref<1x80x64xf32, #tpu.memory_space<vmem>> -> memref<80x64xf32, #tpu.memory_space<vmem>>
    %dma_start3A_149 = arith.constant 0 : i32
    %dma_start3A_150 = tpu.memref_slice %arg8[%dma_start3A_142, %dma_start3A_149] : memref<125x80xi32, #tpu.memory_space<vmem>> -> memref<1x80xi32, #tpu.memory_space<vmem>>
    %dma_start3A_151 = tpu.memref_squeeze %dma_start3A_150 : memref<1x80xi32, #tpu.memory_space<vmem>> -> memref<80xi32, #tpu.memory_space<vmem>>
    %dma_start3A_152 = arith.constant 0 : i32
    %dma_start3A_153 = arith.constant 0 : i32
    %dma_start3A_154 = tpu.memref_slice %arg2[%dma_start3A_152, %dma_start3A_153] : memref<10000x64xf32, #tpu.memory_space<hbm>> -> memref<10000x64xf32, #tpu.memory_space<hbm>>
    %dma_start3A_155 = tpu.memref_slice %arg11[%dma_start3A_144] : memref<8x!tpu.dma_semaphore, #tpu.memory_space<semaphore_mem>> -> memref<1x!tpu.dma_semaphore, #tpu.memory_space<semaphore_mem>>
    %dma_start3A_156 = tpu.memref_squeeze %dma_start3A_155 : memref<1x!tpu.dma_semaphore, #tpu.memory_space<semaphore_mem>> -> memref<!tpu.dma_semaphore, #tpu.memory_space<semaphore_mem>>
    tpu.enqueue_indirect_dma source(%dma_start3A_154 : memref<10000x64xf32, #tpu.memory_space<hbm>>) target(%dma_start3A_148 : memref<80x64xf32, #tpu.memory_space<vmem>>) offsets(%dma_start3A_151 : memref<80xi32, #tpu.memory_space<vmem>>) semaphore(%dma_start3A_156 : memref<!tpu.dma_semaphore, #tpu.memory_space<semaphore_mem>>)
    %dma_wait3A_157 = arith.constant 113 : i32
    %dma_wait3A_158 = arith.constant 1 : i32
    %dma_wait3A_159 = arith.constant 1 : i32
    %dma_wait3A_160 = arith.constant 0 : i32
    %dma_wait3A_161 = arith.constant 0 : i32
    %dma_wait3A_162 = tpu.memref_slice %arg10[%dma_wait3A_158, %dma_wait3A_160, %dma_wait3A_161] : memref<8x80x64xf32, #tpu.memory_space<vmem>> -> memref<1x80x64xf32, #tpu.memory_space<vmem>>
    %dma_wait3A_163 = tpu.memref_squeeze %dma_wait3A_162 : memref<1x80x64xf32, #tpu.memory_space<vmem>> -> memref<80x64xf32, #tpu.memory_space<vmem>>
    %dma_wait3A_164 = arith.constant 0 : i32
    %dma_wait3A_165 = tpu.memref_slice %arg8[%dma_wait3A_157, %dma_wait3A_164] : memref<125x80xi32, #tpu.memory_space<vmem>> -> memref<1x80xi32, #tpu.memory_space<vmem>>
    %dma_wait3A_166 = tpu.memref_squeeze %dma_wait3A_165 : memref<1x80xi32, #tpu.memory_space<vmem>> -> memref<80xi32, #tpu.memory_space<vmem>>
    %dma_wait3A_167 = arith.constant 0 : i32
    %dma_wait3A_168 = arith.constant 0 : i32
    %dma_wait3A_169 = tpu.memref_slice %arg2[%dma_wait3A_167, %dma_wait3A_168] : memref<10000x64xf32, #tpu.memory_space<hbm>> -> memref<10000x64xf32, #tpu.memory_space<hbm>>
    %dma_wait3A_170 = tpu.memref_slice %arg11[%dma_wait3A_159] : memref<8x!tpu.dma_semaphore, #tpu.memory_space<semaphore_mem>> -> memref<1x!tpu.dma_semaphore, #tpu.memory_space<semaphore_mem>>
    %dma_wait3A_171 = tpu.memref_squeeze %dma_wait3A_170 : memref<1x!tpu.dma_semaphore, #tpu.memory_space<semaphore_mem>> -> memref<!tpu.dma_semaphore, #tpu.memory_space<semaphore_mem>>
    tpu.wait_indirect_dma semaphore(%dma_wait3A_171 : memref<!tpu.dma_semaphore, #tpu.memory_space<semaphore_mem>>) src(%dma_wait3A_169 : memref<10000x64xf32, #tpu.memory_space<hbm>>) dst(%dma_wait3A_163 : memref<80x64xf32, #tpu.memory_space<vmem>>)
    %run_scoped3A_172 = arith.constant 1 : i32
    %run_scoped3A_173 = arith.constant 113 : i32
    "tpu.region"() ({
      %run_scoped3A_429 = tpu.sem_alloc : memref<!tpu.dma_semaphore, #tpu.memory_space<semaphore_mem>>
      %dma_start3A_430 = arith.constant 0 : i32
      %dma_start3A_431 = arith.constant 0 : i32
      %dma_start3A_432 = tpu.memref_slice %arg10[%run_scoped3A_172, %dma_start3A_430, %dma_start3A_431] : memref<8x80x64xf32, #tpu.memory_space<vmem>> -> memref<1x80x64xf32, #tpu.memory_space<vmem>>
      %dma_start3A_433 = tpu.memref_squeeze %dma_start3A_432 : memref<1x80x64xf32, #tpu.memory_space<vmem>> -> memref<80x64xf32, #tpu.memory_space<vmem>>
      %dma_start3A_434 = arith.constant 0 : i32
      %dma_start3A_435 = tpu.memref_slice %arg9[%run_scoped3A_173, %dma_start3A_434] : memref<125x80xi32, #tpu.memory_space<vmem>> -> memref<1x80xi32, #tpu.memory_space<vmem>>
      %dma_start3A_436 = tpu.memref_squeeze %dma_start3A_435 : memref<1x80xi32, #tpu.memory_space<vmem>> -> memref<80xi32, #tpu.memory_space<vmem>>
      %dma_start3A_437 = arith.constant 0 : i32
      %dma_start3A_438 = arith.constant 0 : i32
      %dma_start3A_439 = tpu.memref_slice %arg7[%dma_start3A_437, %dma_start3A_438] : memref<10000x64xf32, #tpu.memory_space<vmem_shared>> -> memref<10000x64xf32, #tpu.memory_space<vmem_shared>>
      tpu.enqueue_indirect_dma source(%dma_start3A_433 : memref<80x64xf32, #tpu.memory_space<vmem>>) target(%dma_start3A_439 : memref<10000x64xf32, #tpu.memory_space<vmem_shared>>) offsets(%dma_start3A_436 : memref<80xi32, #tpu.memory_space<vmem>>) semaphore(%run_scoped3A_429 : memref<!tpu.dma_semaphore, #tpu.memory_space<semaphore_mem>>) {add = true}
      %dma_wait3A_440 = arith.constant 0 : i32
      %dma_wait3A_441 = arith.constant 0 : i32
      %dma_wait3A_442 = tpu.memref_slice %arg10[%run_scoped3A_172, %dma_wait3A_440, %dma_wait3A_441] : memref<8x80x64xf32, #tpu.memory_space<vmem>> -> memref<1x80x64xf32, #tpu.memory_space<vmem>>
      %dma_wait3A_443 = tpu.memref_squeeze %dma_wait3A_442 : memref<1x80x64xf32, #tpu.memory_space<vmem>> -> memref<80x64xf32, #tpu.memory_space<vmem>>
      %dma_wait3A_444 = arith.constant 0 : i32
      %dma_wait3A_445 = tpu.memref_slice %arg9[%run_scoped3A_173, %dma_wait3A_444] : memref<125x80xi32, #tpu.memory_space<vmem>> -> memref<1x80xi32, #tpu.memory_space<vmem>>
      %dma_wait3A_446 = tpu.memref_squeeze %dma_wait3A_445 : memref<1x80xi32, #tpu.memory_space<vmem>> -> memref<80xi32, #tpu.memory_space<vmem>>
      %dma_wait3A_447 = arith.constant 0 : i32
      %dma_wait3A_448 = arith.constant 0 : i32
      %dma_wait3A_449 = tpu.memref_slice %arg7[%dma_wait3A_447, %dma_wait3A_448] : memref<10000x64xf32, #tpu.memory_space<vmem_shared>> -> memref<10000x64xf32, #tpu.memory_space<vmem_shared>>
      tpu.wait_indirect_dma semaphore(%run_scoped3A_429 : memref<!tpu.dma_semaphore, #tpu.memory_space<semaphore_mem>>) src(%dma_wait3A_443 : memref<80x64xf32, #tpu.memory_space<vmem>>) dst(%dma_wait3A_449 : memref<10000x64xf32, #tpu.memory_space<vmem_shared>>)
      tpu.yield
    }) : () -> ()
    %dma_start3A_174 = arith.constant 121 : i32
    %dma_start3A_175 = arith.constant 1 : i32
    %dma_start3A_176 = arith.constant 1 : i32
    %dma_start3A_177 = arith.constant 0 : i32
    %dma_start3A_178 = arith.constant 0 : i32
    %dma_start3A_179 = tpu.memref_slice %arg10[%dma_start3A_175, %dma_start3A_177, %dma_start3A_178] : memref<8x80x64xf32, #tpu.memory_space<vmem>> -> memref<1x80x64xf32, #tpu.memory_space<vmem>>
    %dma_start3A_180 = tpu.memref_squeeze %dma_start3A_179 : memref<1x80x64xf32, #tpu.memory_space<vmem>> -> memref<80x64xf32, #tpu.memory_space<vmem>>
    %dma_start3A_181 = arith.constant 0 : i32
    %dma_start3A_182 = tpu.memref_slice %arg8[%dma_start3A_174, %dma_start3A_181] : memref<125x80xi32, #tpu.memory_space<vmem>> -> memref<1x80xi32, #tpu.memory_space<vmem>>
    %dma_start3A_183 = tpu.memref_squeeze %dma_start3A_182 : memref<1x80xi32, #tpu.memory_space<vmem>> -> memref<80xi32, #tpu.memory_space<vmem>>
    %dma_start3A_184 = arith.constant 0 : i32
    %dma_start3A_185 = arith.constant 0 : i32
    %dma_start3A_186 = tpu.memref_slice %arg2[%dma_start3A_184, %dma_start3A_185] : memref<10000x64xf32, #tpu.memory_space<hbm>> -> memref<10000x64xf32, #tpu.memory_space<hbm>>
    %dma_start3A_187 = tpu.memref_slice %arg11[%dma_start3A_176] : memref<8x!tpu.dma_semaphore, #tpu.memory_space<semaphore_mem>> -> memref<1x!tpu.dma_semaphore, #tpu.memory_space<semaphore_mem>>
    %dma_start3A_188 = tpu.memref_squeeze %dma_start3A_187 : memref<1x!tpu.dma_semaphore, #tpu.memory_space<semaphore_mem>> -> memref<!tpu.dma_semaphore, #tpu.memory_space<semaphore_mem>>
    tpu.enqueue_indirect_dma source(%dma_start3A_186 : memref<10000x64xf32, #tpu.memory_space<hbm>>) target(%dma_start3A_180 : memref<80x64xf32, #tpu.memory_space<vmem>>) offsets(%dma_start3A_183 : memref<80xi32, #tpu.memory_space<vmem>>) semaphore(%dma_start3A_188 : memref<!tpu.dma_semaphore, #tpu.memory_space<semaphore_mem>>)
    %dma_wait3A_189 = arith.constant 114 : i32
    %dma_wait3A_190 = arith.constant 2 : i32
    %dma_wait3A_191 = arith.constant 2 : i32
    %dma_wait3A_192 = arith.constant 0 : i32
    %dma_wait3A_193 = arith.constant 0 : i32
    %dma_wait3A_194 = tpu.memref_slice %arg10[%dma_wait3A_190, %dma_wait3A_192, %dma_wait3A_193] : memref<8x80x64xf32, #tpu.memory_space<vmem>> -> memref<1x80x64xf32, #tpu.memory_space<vmem>>
    %dma_wait3A_195 = tpu.memref_squeeze %dma_wait3A_194 : memref<1x80x64xf32, #tpu.memory_space<vmem>> -> memref<80x64xf32, #tpu.memory_space<vmem>>
    %dma_wait3A_196 = arith.constant 0 : i32
    %dma_wait3A_197 = tpu.memref_slice %arg8[%dma_wait3A_189, %dma_wait3A_196] : memref<125x80xi32, #tpu.memory_space<vmem>> -> memref<1x80xi32, #tpu.memory_space<vmem>>
    %dma_wait3A_198 = tpu.memref_squeeze %dma_wait3A_197 : memref<1x80xi32, #tpu.memory_space<vmem>> -> memref<80xi32, #tpu.memory_space<vmem>>
    %dma_wait3A_199 = arith.constant 0 : i32
    %dma_wait3A_200 = arith.constant 0 : i32
    %dma_wait3A_201 = tpu.memref_slice %arg2[%dma_wait3A_199, %dma_wait3A_200] : memref<10000x64xf32, #tpu.memory_space<hbm>> -> memref<10000x64xf32, #tpu.memory_space<hbm>>
    %dma_wait3A_202 = tpu.memref_slice %arg11[%dma_wait3A_191] : memref<8x!tpu.dma_semaphore, #tpu.memory_space<semaphore_mem>> -> memref<1x!tpu.dma_semaphore, #tpu.memory_space<semaphore_mem>>
    %dma_wait3A_203 = tpu.memref_squeeze %dma_wait3A_202 : memref<1x!tpu.dma_semaphore, #tpu.memory_space<semaphore_mem>> -> memref<!tpu.dma_semaphore, #tpu.memory_space<semaphore_mem>>
    tpu.wait_indirect_dma semaphore(%dma_wait3A_203 : memref<!tpu.dma_semaphore, #tpu.memory_space<semaphore_mem>>) src(%dma_wait3A_201 : memref<10000x64xf32, #tpu.memory_space<hbm>>) dst(%dma_wait3A_195 : memref<80x64xf32, #tpu.memory_space<vmem>>)
    %run_scoped3A_204 = arith.constant 2 : i32
    %run_scoped3A_205 = arith.constant 114 : i32
    "tpu.region"() ({
      %run_scoped3A_429 = tpu.sem_alloc : memref<!tpu.dma_semaphore, #tpu.memory_space<semaphore_mem>>
      %dma_start3A_430 = arith.constant 0 : i32
      %dma_start3A_431 = arith.constant 0 : i32
      %dma_start3A_432 = tpu.memref_slice %arg10[%run_scoped3A_204, %dma_start3A_430, %dma_start3A_431] : memref<8x80x64xf32, #tpu.memory_space<vmem>> -> memref<1x80x64xf32, #tpu.memory_space<vmem>>
      %dma_start3A_433 = tpu.memref_squeeze %dma_start3A_432 : memref<1x80x64xf32, #tpu.memory_space<vmem>> -> memref<80x64xf32, #tpu.memory_space<vmem>>
      %dma_start3A_434 = arith.constant 0 : i32
      %dma_start3A_435 = tpu.memref_slice %arg9[%run_scoped3A_205, %dma_start3A_434] : memref<125x80xi32, #tpu.memory_space<vmem>> -> memref<1x80xi32, #tpu.memory_space<vmem>>
      %dma_start3A_436 = tpu.memref_squeeze %dma_start3A_435 : memref<1x80xi32, #tpu.memory_space<vmem>> -> memref<80xi32, #tpu.memory_space<vmem>>
      %dma_start3A_437 = arith.constant 0 : i32
      %dma_start3A_438 = arith.constant 0 : i32
      %dma_start3A_439 = tpu.memref_slice %arg7[%dma_start3A_437, %dma_start3A_438] : memref<10000x64xf32, #tpu.memory_space<vmem_shared>> -> memref<10000x64xf32, #tpu.memory_space<vmem_shared>>
      tpu.enqueue_indirect_dma source(%dma_start3A_433 : memref<80x64xf32, #tpu.memory_space<vmem>>) target(%dma_start3A_439 : memref<10000x64xf32, #tpu.memory_space<vmem_shared>>) offsets(%dma_start3A_436 : memref<80xi32, #tpu.memory_space<vmem>>) semaphore(%run_scoped3A_429 : memref<!tpu.dma_semaphore, #tpu.memory_space<semaphore_mem>>) {add = true}
      %dma_wait3A_440 = arith.constant 0 : i32
      %dma_wait3A_441 = arith.constant 0 : i32
      %dma_wait3A_442 = tpu.memref_slice %arg10[%run_scoped3A_204, %dma_wait3A_440, %dma_wait3A_441] : memref<8x80x64xf32, #tpu.memory_space<vmem>> -> memref<1x80x64xf32, #tpu.memory_space<vmem>>
      %dma_wait3A_443 = tpu.memref_squeeze %dma_wait3A_442 : memref<1x80x64xf32, #tpu.memory_space<vmem>> -> memref<80x64xf32, #tpu.memory_space<vmem>>
      %dma_wait3A_444 = arith.constant 0 : i32
      %dma_wait3A_445 = tpu.memref_slice %arg9[%run_scoped3A_205, %dma_wait3A_444] : memref<125x80xi32, #tpu.memory_space<vmem>> -> memref<1x80xi32, #tpu.memory_space<vmem>>
      %dma_wait3A_446 = tpu.memref_squeeze %dma_wait3A_445 : memref<1x80xi32, #tpu.memory_space<vmem>> -> memref<80xi32, #tpu.memory_space<vmem>>
      %dma_wait3A_447 = arith.constant 0 : i32
      %dma_wait3A_448 = arith.constant 0 : i32
      %dma_wait3A_449 = tpu.memref_slice %arg7[%dma_wait3A_447, %dma_wait3A_448] : memref<10000x64xf32, #tpu.memory_space<vmem_shared>> -> memref<10000x64xf32, #tpu.memory_space<vmem_shared>>
      tpu.wait_indirect_dma semaphore(%run_scoped3A_429 : memref<!tpu.dma_semaphore, #tpu.memory_space<semaphore_mem>>) src(%dma_wait3A_443 : memref<80x64xf32, #tpu.memory_space<vmem>>) dst(%dma_wait3A_449 : memref<10000x64xf32, #tpu.memory_space<vmem_shared>>)
      tpu.yield
    }) : () -> ()
    %dma_start3A_206 = arith.constant 122 : i32
    %dma_start3A_207 = arith.constant 2 : i32
    %dma_start3A_208 = arith.constant 2 : i32
    %dma_start3A_209 = arith.constant 0 : i32
    %dma_start3A_210 = arith.constant 0 : i32
    %dma_start3A_211 = tpu.memref_slice %arg10[%dma_start3A_207, %dma_start3A_209, %dma_start3A_210] : memref<8x80x64xf32, #tpu.memory_space<vmem>> -> memref<1x80x64xf32, #tpu.memory_space<vmem>>
    %dma_start3A_212 = tpu.memref_squeeze %dma_start3A_211 : memref<1x80x64xf32, #tpu.memory_space<vmem>> -> memref<80x64xf32, #tpu.memory_space<vmem>>
    %dma_start3A_213 = arith.constant 0 : i32
    %dma_start3A_214 = tpu.memref_slice %arg8[%dma_start3A_206, %dma_start3A_213] : memref<125x80xi32, #tpu.memory_space<vmem>> -> memref<1x80xi32, #tpu.memory_space<vmem>>
    %dma_start3A_215 = tpu.memref_squeeze %dma_start3A_214 : memref<1x80xi32, #tpu.memory_space<vmem>> -> memref<80xi32, #tpu.memory_space<vmem>>
    %dma_start3A_216 = arith.constant 0 : i32
    %dma_start3A_217 = arith.constant 0 : i32
    %dma_start3A_218 = tpu.memref_slice %arg2[%dma_start3A_216, %dma_start3A_217] : memref<10000x64xf32, #tpu.memory_space<hbm>> -> memref<10000x64xf32, #tpu.memory_space<hbm>>
    %dma_start3A_219 = tpu.memref_slice %arg11[%dma_start3A_208] : memref<8x!tpu.dma_semaphore, #tpu.memory_space<semaphore_mem>> -> memref<1x!tpu.dma_semaphore, #tpu.memory_space<semaphore_mem>>
    %dma_start3A_220 = tpu.memref_squeeze %dma_start3A_219 : memref<1x!tpu.dma_semaphore, #tpu.memory_space<semaphore_mem>> -> memref<!tpu.dma_semaphore, #tpu.memory_space<semaphore_mem>>
    tpu.enqueue_indirect_dma source(%dma_start3A_218 : memref<10000x64xf32, #tpu.memory_space<hbm>>) target(%dma_start3A_212 : memref<80x64xf32, #tpu.memory_space<vmem>>) offsets(%dma_start3A_215 : memref<80xi32, #tpu.memory_space<vmem>>) semaphore(%dma_start3A_220 : memref<!tpu.dma_semaphore, #tpu.memory_space<semaphore_mem>>)
    %dma_wait3A_221 = arith.constant 115 : i32
    %dma_wait3A_222 = arith.constant 3 : i32
    %dma_wait3A_223 = arith.constant 3 : i32
    %dma_wait3A_224 = arith.constant 0 : i32
    %dma_wait3A_225 = arith.constant 0 : i32
    %dma_wait3A_226 = tpu.memref_slice %arg10[%dma_wait3A_222, %dma_wait3A_224, %dma_wait3A_225] : memref<8x80x64xf32, #tpu.memory_space<vmem>> -> memref<1x80x64xf32, #tpu.memory_space<vmem>>
    %dma_wait3A_227 = tpu.memref_squeeze %dma_wait3A_226 : memref<1x80x64xf32, #tpu.memory_space<vmem>> -> memref<80x64xf32, #tpu.memory_space<vmem>>
    %dma_wait3A_228 = arith.constant 0 : i32
    %dma_wait3A_229 = tpu.memref_slice %arg8[%dma_wait3A_221, %dma_wait3A_228] : memref<125x80xi32, #tpu.memory_space<vmem>> -> memref<1x80xi32, #tpu.memory_space<vmem>>
    %dma_wait3A_230 = tpu.memref_squeeze %dma_wait3A_229 : memref<1x80xi32, #tpu.memory_space<vmem>> -> memref<80xi32, #tpu.memory_space<vmem>>
    %dma_wait3A_231 = arith.constant 0 : i32
    %dma_wait3A_232 = arith.constant 0 : i32
    %dma_wait3A_233 = tpu.memref_slice %arg2[%dma_wait3A_231, %dma_wait3A_232] : memref<10000x64xf32, #tpu.memory_space<hbm>> -> memref<10000x64xf32, #tpu.memory_space<hbm>>
    %dma_wait3A_234 = tpu.memref_slice %arg11[%dma_wait3A_223] : memref<8x!tpu.dma_semaphore, #tpu.memory_space<semaphore_mem>> -> memref<1x!tpu.dma_semaphore, #tpu.memory_space<semaphore_mem>>
    %dma_wait3A_235 = tpu.memref_squeeze %dma_wait3A_234 : memref<1x!tpu.dma_semaphore, #tpu.memory_space<semaphore_mem>> -> memref<!tpu.dma_semaphore, #tpu.memory_space<semaphore_mem>>
    tpu.wait_indirect_dma semaphore(%dma_wait3A_235 : memref<!tpu.dma_semaphore, #tpu.memory_space<semaphore_mem>>) src(%dma_wait3A_233 : memref<10000x64xf32, #tpu.memory_space<hbm>>) dst(%dma_wait3A_227 : memref<80x64xf32, #tpu.memory_space<vmem>>)
    %run_scoped3A_236 = arith.constant 3 : i32
    %run_scoped3A_237 = arith.constant 115 : i32
    "tpu.region"() ({
      %run_scoped3A_429 = tpu.sem_alloc : memref<!tpu.dma_semaphore, #tpu.memory_space<semaphore_mem>>
      %dma_start3A_430 = arith.constant 0 : i32
      %dma_start3A_431 = arith.constant 0 : i32
      %dma_start3A_432 = tpu.memref_slice %arg10[%run_scoped3A_236, %dma_start3A_430, %dma_start3A_431] : memref<8x80x64xf32, #tpu.memory_space<vmem>> -> memref<1x80x64xf32, #tpu.memory_space<vmem>>
      %dma_start3A_433 = tpu.memref_squeeze %dma_start3A_432 : memref<1x80x64xf32, #tpu.memory_space<vmem>> -> memref<80x64xf32, #tpu.memory_space<vmem>>
      %dma_start3A_434 = arith.constant 0 : i32
      %dma_start3A_435 = tpu.memref_slice %arg9[%run_scoped3A_237, %dma_start3A_434] : memref<125x80xi32, #tpu.memory_space<vmem>> -> memref<1x80xi32, #tpu.memory_space<vmem>>
      %dma_start3A_436 = tpu.memref_squeeze %dma_start3A_435 : memref<1x80xi32, #tpu.memory_space<vmem>> -> memref<80xi32, #tpu.memory_space<vmem>>
      %dma_start3A_437 = arith.constant 0 : i32
      %dma_start3A_438 = arith.constant 0 : i32
      %dma_start3A_439 = tpu.memref_slice %arg7[%dma_start3A_437, %dma_start3A_438] : memref<10000x64xf32, #tpu.memory_space<vmem_shared>> -> memref<10000x64xf32, #tpu.memory_space<vmem_shared>>
      tpu.enqueue_indirect_dma source(%dma_start3A_433 : memref<80x64xf32, #tpu.memory_space<vmem>>) target(%dma_start3A_439 : memref<10000x64xf32, #tpu.memory_space<vmem_shared>>) offsets(%dma_start3A_436 : memref<80xi32, #tpu.memory_space<vmem>>) semaphore(%run_scoped3A_429 : memref<!tpu.dma_semaphore, #tpu.memory_space<semaphore_mem>>) {add = true}
      %dma_wait3A_440 = arith.constant 0 : i32
      %dma_wait3A_441 = arith.constant 0 : i32
      %dma_wait3A_442 = tpu.memref_slice %arg10[%run_scoped3A_236, %dma_wait3A_440, %dma_wait3A_441] : memref<8x80x64xf32, #tpu.memory_space<vmem>> -> memref<1x80x64xf32, #tpu.memory_space<vmem>>
      %dma_wait3A_443 = tpu.memref_squeeze %dma_wait3A_442 : memref<1x80x64xf32, #tpu.memory_space<vmem>> -> memref<80x64xf32, #tpu.memory_space<vmem>>
      %dma_wait3A_444 = arith.constant 0 : i32
      %dma_wait3A_445 = tpu.memref_slice %arg9[%run_scoped3A_237, %dma_wait3A_444] : memref<125x80xi32, #tpu.memory_space<vmem>> -> memref<1x80xi32, #tpu.memory_space<vmem>>
      %dma_wait3A_446 = tpu.memref_squeeze %dma_wait3A_445 : memref<1x80xi32, #tpu.memory_space<vmem>> -> memref<80xi32, #tpu.memory_space<vmem>>
      %dma_wait3A_447 = arith.constant 0 : i32
      %dma_wait3A_448 = arith.constant 0 : i32
      %dma_wait3A_449 = tpu.memref_slice %arg7[%dma_wait3A_447, %dma_wait3A_448] : memref<10000x64xf32, #tpu.memory_space<vmem_shared>> -> memref<10000x64xf32, #tpu.memory_space<vmem_shared>>
      tpu.wait_indirect_dma semaphore(%run_scoped3A_429 : memref<!tpu.dma_semaphore, #tpu.memory_space<semaphore_mem>>) src(%dma_wait3A_443 : memref<80x64xf32, #tpu.memory_space<vmem>>) dst(%dma_wait3A_449 : memref<10000x64xf32, #tpu.memory_space<vmem_shared>>)
      tpu.yield
    }) : () -> ()
    %dma_start3A_238 = arith.constant 123 : i32
    %dma_start3A_239 = arith.constant 3 : i32
    %dma_start3A_240 = arith.constant 3 : i32
    %dma_start3A_241 = arith.constant 0 : i32
    %dma_start3A_242 = arith.constant 0 : i32
    %dma_start3A_243 = tpu.memref_slice %arg10[%dma_start3A_239, %dma_start3A_241, %dma_start3A_242] : memref<8x80x64xf32, #tpu.memory_space<vmem>> -> memref<1x80x64xf32, #tpu.memory_space<vmem>>
    %dma_start3A_244 = tpu.memref_squeeze %dma_start3A_243 : memref<1x80x64xf32, #tpu.memory_space<vmem>> -> memref<80x64xf32, #tpu.memory_space<vmem>>
    %dma_start3A_245 = arith.constant 0 : i32
    %dma_start3A_246 = tpu.memref_slice %arg8[%dma_start3A_238, %dma_start3A_245] : memref<125x80xi32, #tpu.memory_space<vmem>> -> memref<1x80xi32, #tpu.memory_space<vmem>>
    %dma_start3A_247 = tpu.memref_squeeze %dma_start3A_246 : memref<1x80xi32, #tpu.memory_space<vmem>> -> memref<80xi32, #tpu.memory_space<vmem>>
    %dma_start3A_248 = arith.constant 0 : i32
    %dma_start3A_249 = arith.constant 0 : i32
    %dma_start3A_250 = tpu.memref_slice %arg2[%dma_start3A_248, %dma_start3A_249] : memref<10000x64xf32, #tpu.memory_space<hbm>> -> memref<10000x64xf32, #tpu.memory_space<hbm>>
    %dma_start3A_251 = tpu.memref_slice %arg11[%dma_start3A_240] : memref<8x!tpu.dma_semaphore, #tpu.memory_space<semaphore_mem>> -> memref<1x!tpu.dma_semaphore, #tpu.memory_space<semaphore_mem>>
    %dma_start3A_252 = tpu.memref_squeeze %dma_start3A_251 : memref<1x!tpu.dma_semaphore, #tpu.memory_space<semaphore_mem>> -> memref<!tpu.dma_semaphore, #tpu.memory_space<semaphore_mem>>
    tpu.enqueue_indirect_dma source(%dma_start3A_250 : memref<10000x64xf32, #tpu.memory_space<hbm>>) target(%dma_start3A_244 : memref<80x64xf32, #tpu.memory_space<vmem>>) offsets(%dma_start3A_247 : memref<80xi32, #tpu.memory_space<vmem>>) semaphore(%dma_start3A_252 : memref<!tpu.dma_semaphore, #tpu.memory_space<semaphore_mem>>)
    %dma_wait3A_253 = arith.constant 116 : i32
    %dma_wait3A_254 = arith.constant 4 : i32
    %dma_wait3A_255 = arith.constant 4 : i32
    %dma_wait3A_256 = arith.constant 0 : i32
    %dma_wait3A_257 = arith.constant 0 : i32
    %dma_wait3A_258 = tpu.memref_slice %arg10[%dma_wait3A_254, %dma_wait3A_256, %dma_wait3A_257] : memref<8x80x64xf32, #tpu.memory_space<vmem>> -> memref<1x80x64xf32, #tpu.memory_space<vmem>>
    %dma_wait3A_259 = tpu.memref_squeeze %dma_wait3A_258 : memref<1x80x64xf32, #tpu.memory_space<vmem>> -> memref<80x64xf32, #tpu.memory_space<vmem>>
    %dma_wait3A_260 = arith.constant 0 : i32
    %dma_wait3A_261 = tpu.memref_slice %arg8[%dma_wait3A_253, %dma_wait3A_260] : memref<125x80xi32, #tpu.memory_space<vmem>> -> memref<1x80xi32, #tpu.memory_space<vmem>>
    %dma_wait3A_262 = tpu.memref_squeeze %dma_wait3A_261 : memref<1x80xi32, #tpu.memory_space<vmem>> -> memref<80xi32, #tpu.memory_space<vmem>>
    %dma_wait3A_263 = arith.constant 0 : i32
    %dma_wait3A_264 = arith.constant 0 : i32
    %dma_wait3A_265 = tpu.memref_slice %arg2[%dma_wait3A_263, %dma_wait3A_264] : memref<10000x64xf32, #tpu.memory_space<hbm>> -> memref<10000x64xf32, #tpu.memory_space<hbm>>
    %dma_wait3A_266 = tpu.memref_slice %arg11[%dma_wait3A_255] : memref<8x!tpu.dma_semaphore, #tpu.memory_space<semaphore_mem>> -> memref<1x!tpu.dma_semaphore, #tpu.memory_space<semaphore_mem>>
    %dma_wait3A_267 = tpu.memref_squeeze %dma_wait3A_266 : memref<1x!tpu.dma_semaphore, #tpu.memory_space<semaphore_mem>> -> memref<!tpu.dma_semaphore, #tpu.memory_space<semaphore_mem>>
    tpu.wait_indirect_dma semaphore(%dma_wait3A_267 : memref<!tpu.dma_semaphore, #tpu.memory_space<semaphore_mem>>) src(%dma_wait3A_265 : memref<10000x64xf32, #tpu.memory_space<hbm>>) dst(%dma_wait3A_259 : memref<80x64xf32, #tpu.memory_space<vmem>>)
    %run_scoped3A_268 = arith.constant 4 : i32
    %run_scoped3A_269 = arith.constant 116 : i32
    "tpu.region"() ({
      %run_scoped3A_429 = tpu.sem_alloc : memref<!tpu.dma_semaphore, #tpu.memory_space<semaphore_mem>>
      %dma_start3A_430 = arith.constant 0 : i32
      %dma_start3A_431 = arith.constant 0 : i32
      %dma_start3A_432 = tpu.memref_slice %arg10[%run_scoped3A_268, %dma_start3A_430, %dma_start3A_431] : memref<8x80x64xf32, #tpu.memory_space<vmem>> -> memref<1x80x64xf32, #tpu.memory_space<vmem>>
      %dma_start3A_433 = tpu.memref_squeeze %dma_start3A_432 : memref<1x80x64xf32, #tpu.memory_space<vmem>> -> memref<80x64xf32, #tpu.memory_space<vmem>>
      %dma_start3A_434 = arith.constant 0 : i32
      %dma_start3A_435 = tpu.memref_slice %arg9[%run_scoped3A_269, %dma_start3A_434] : memref<125x80xi32, #tpu.memory_space<vmem>> -> memref<1x80xi32, #tpu.memory_space<vmem>>
      %dma_start3A_436 = tpu.memref_squeeze %dma_start3A_435 : memref<1x80xi32, #tpu.memory_space<vmem>> -> memref<80xi32, #tpu.memory_space<vmem>>
      %dma_start3A_437 = arith.constant 0 : i32
      %dma_start3A_438 = arith.constant 0 : i32
      %dma_start3A_439 = tpu.memref_slice %arg7[%dma_start3A_437, %dma_start3A_438] : memref<10000x64xf32, #tpu.memory_space<vmem_shared>> -> memref<10000x64xf32, #tpu.memory_space<vmem_shared>>
      tpu.enqueue_indirect_dma source(%dma_start3A_433 : memref<80x64xf32, #tpu.memory_space<vmem>>) target(%dma_start3A_439 : memref<10000x64xf32, #tpu.memory_space<vmem_shared>>) offsets(%dma_start3A_436 : memref<80xi32, #tpu.memory_space<vmem>>) semaphore(%run_scoped3A_429 : memref<!tpu.dma_semaphore, #tpu.memory_space<semaphore_mem>>) {add = true}
      %dma_wait3A_440 = arith.constant 0 : i32
      %dma_wait3A_441 = arith.constant 0 : i32
      %dma_wait3A_442 = tpu.memref_slice %arg10[%run_scoped3A_268, %dma_wait3A_440, %dma_wait3A_441] : memref<8x80x64xf32, #tpu.memory_space<vmem>> -> memref<1x80x64xf32, #tpu.memory_space<vmem>>
      %dma_wait3A_443 = tpu.memref_squeeze %dma_wait3A_442 : memref<1x80x64xf32, #tpu.memory_space<vmem>> -> memref<80x64xf32, #tpu.memory_space<vmem>>
      %dma_wait3A_444 = arith.constant 0 : i32
      %dma_wait3A_445 = tpu.memref_slice %arg9[%run_scoped3A_269, %dma_wait3A_444] : memref<125x80xi32, #tpu.memory_space<vmem>> -> memref<1x80xi32, #tpu.memory_space<vmem>>
      %dma_wait3A_446 = tpu.memref_squeeze %dma_wait3A_445 : memref<1x80xi32, #tpu.memory_space<vmem>> -> memref<80xi32, #tpu.memory_space<vmem>>
      %dma_wait3A_447 = arith.constant 0 : i32
      %dma_wait3A_448 = arith.constant 0 : i32
      %dma_wait3A_449 = tpu.memref_slice %arg7[%dma_wait3A_447, %dma_wait3A_448] : memref<10000x64xf32, #tpu.memory_space<vmem_shared>> -> memref<10000x64xf32, #tpu.memory_space<vmem_shared>>
      tpu.wait_indirect_dma semaphore(%run_scoped3A_429 : memref<!tpu.dma_semaphore, #tpu.memory_space<semaphore_mem>>) src(%dma_wait3A_443 : memref<80x64xf32, #tpu.memory_space<vmem>>) dst(%dma_wait3A_449 : memref<10000x64xf32, #tpu.memory_space<vmem_shared>>)
      tpu.yield
    }) : () -> ()
    %dma_start3A_270 = arith.constant 124 : i32
    %dma_start3A_271 = arith.constant 4 : i32
    %dma_start3A_272 = arith.constant 4 : i32
    %dma_start3A_273 = arith.constant 0 : i32
    %dma_start3A_274 = arith.constant 0 : i32
    %dma_start3A_275 = tpu.memref_slice %arg10[%dma_start3A_271, %dma_start3A_273, %dma_start3A_274] : memref<8x80x64xf32, #tpu.memory_space<vmem>> -> memref<1x80x64xf32, #tpu.memory_space<vmem>>
    %dma_start3A_276 = tpu.memref_squeeze %dma_start3A_275 : memref<1x80x64xf32, #tpu.memory_space<vmem>> -> memref<80x64xf32, #tpu.memory_space<vmem>>
    %dma_start3A_277 = arith.constant 0 : i32
    %dma_start3A_278 = tpu.memref_slice %arg8[%dma_start3A_270, %dma_start3A_277] : memref<125x80xi32, #tpu.memory_space<vmem>> -> memref<1x80xi32, #tpu.memory_space<vmem>>
    %dma_start3A_279 = tpu.memref_squeeze %dma_start3A_278 : memref<1x80xi32, #tpu.memory_space<vmem>> -> memref<80xi32, #tpu.memory_space<vmem>>
    %dma_start3A_280 = arith.constant 0 : i32
    %dma_start3A_281 = arith.constant 0 : i32
    %dma_start3A_282 = tpu.memref_slice %arg2[%dma_start3A_280, %dma_start3A_281] : memref<10000x64xf32, #tpu.memory_space<hbm>> -> memref<10000x64xf32, #tpu.memory_space<hbm>>
    %dma_start3A_283 = tpu.memref_slice %arg11[%dma_start3A_272] : memref<8x!tpu.dma_semaphore, #tpu.memory_space<semaphore_mem>> -> memref<1x!tpu.dma_semaphore, #tpu.memory_space<semaphore_mem>>
    %dma_start3A_284 = tpu.memref_squeeze %dma_start3A_283 : memref<1x!tpu.dma_semaphore, #tpu.memory_space<semaphore_mem>> -> memref<!tpu.dma_semaphore, #tpu.memory_space<semaphore_mem>>
    tpu.enqueue_indirect_dma source(%dma_start3A_282 : memref<10000x64xf32, #tpu.memory_space<hbm>>) target(%dma_start3A_276 : memref<80x64xf32, #tpu.memory_space<vmem>>) offsets(%dma_start3A_279 : memref<80xi32, #tpu.memory_space<vmem>>) semaphore(%dma_start3A_284 : memref<!tpu.dma_semaphore, #tpu.memory_space<semaphore_mem>>)
    %dma_wait3A_285 = arith.constant 117 : i32
    %dma_wait3A_286 = arith.constant 5 : i32
    %dma_wait3A_287 = arith.constant 5 : i32
    %dma_wait3A_288 = arith.constant 0 : i32
    %dma_wait3A_289 = arith.constant 0 : i32
    %dma_wait3A_290 = tpu.memref_slice %arg10[%dma_wait3A_286, %dma_wait3A_288, %dma_wait3A_289] : memref<8x80x64xf32, #tpu.memory_space<vmem>> -> memref<1x80x64xf32, #tpu.memory_space<vmem>>
    %dma_wait3A_291 = tpu.memref_squeeze %dma_wait3A_290 : memref<1x80x64xf32, #tpu.memory_space<vmem>> -> memref<80x64xf32, #tpu.memory_space<vmem>>
    %dma_wait3A_292 = arith.constant 0 : i32
    %dma_wait3A_293 = tpu.memref_slice %arg8[%dma_wait3A_285, %dma_wait3A_292] : memref<125x80xi32, #tpu.memory_space<vmem>> -> memref<1x80xi32, #tpu.memory_space<vmem>>
    %dma_wait3A_294 = tpu.memref_squeeze %dma_wait3A_293 : memref<1x80xi32, #tpu.memory_space<vmem>> -> memref<80xi32, #tpu.memory_space<vmem>>
    %dma_wait3A_295 = arith.constant 0 : i32
    %dma_wait3A_296 = arith.constant 0 : i32
    %dma_wait3A_297 = tpu.memref_slice %arg2[%dma_wait3A_295, %dma_wait3A_296] : memref<10000x64xf32, #tpu.memory_space<hbm>> -> memref<10000x64xf32, #tpu.memory_space<hbm>>
    %dma_wait3A_298 = tpu.memref_slice %arg11[%dma_wait3A_287] : memref<8x!tpu.dma_semaphore, #tpu.memory_space<semaphore_mem>> -> memref<1x!tpu.dma_semaphore, #tpu.memory_space<semaphore_mem>>
    %dma_wait3A_299 = tpu.memref_squeeze %dma_wait3A_298 : memref<1x!tpu.dma_semaphore, #tpu.memory_space<semaphore_mem>> -> memref<!tpu.dma_semaphore, #tpu.memory_space<semaphore_mem>>
    tpu.wait_indirect_dma semaphore(%dma_wait3A_299 : memref<!tpu.dma_semaphore, #tpu.memory_space<semaphore_mem>>) src(%dma_wait3A_297 : memref<10000x64xf32, #tpu.memory_space<hbm>>) dst(%dma_wait3A_291 : memref<80x64xf32, #tpu.memory_space<vmem>>)
    %run_scoped3A_300 = arith.constant 5 : i32
    %run_scoped3A_301 = arith.constant 117 : i32
    "tpu.region"() ({
      %run_scoped3A_429 = tpu.sem_alloc : memref<!tpu.dma_semaphore, #tpu.memory_space<semaphore_mem>>
      %dma_start3A_430 = arith.constant 0 : i32
      %dma_start3A_431 = arith.constant 0 : i32
      %dma_start3A_432 = tpu.memref_slice %arg10[%run_scoped3A_300, %dma_start3A_430, %dma_start3A_431] : memref<8x80x64xf32, #tpu.memory_space<vmem>> -> memref<1x80x64xf32, #tpu.memory_space<vmem>>
      %dma_start3A_433 = tpu.memref_squeeze %dma_start3A_432 : memref<1x80x64xf32, #tpu.memory_space<vmem>> -> memref<80x64xf32, #tpu.memory_space<vmem>>
      %dma_start3A_434 = arith.constant 0 : i32
      %dma_start3A_435 = tpu.memref_slice %arg9[%run_scoped3A_301, %dma_start3A_434] : memref<125x80xi32, #tpu.memory_space<vmem>> -> memref<1x80xi32, #tpu.memory_space<vmem>>
      %dma_start3A_436 = tpu.memref_squeeze %dma_start3A_435 : memref<1x80xi32, #tpu.memory_space<vmem>> -> memref<80xi32, #tpu.memory_space<vmem>>
      %dma_start3A_437 = arith.constant 0 : i32
      %dma_start3A_438 = arith.constant 0 : i32
      %dma_start3A_439 = tpu.memref_slice %arg7[%dma_start3A_437, %dma_start3A_438] : memref<10000x64xf32, #tpu.memory_space<vmem_shared>> -> memref<10000x64xf32, #tpu.memory_space<vmem_shared>>
      tpu.enqueue_indirect_dma source(%dma_start3A_433 : memref<80x64xf32, #tpu.memory_space<vmem>>) target(%dma_start3A_439 : memref<10000x64xf32, #tpu.memory_space<vmem_shared>>) offsets(%dma_start3A_436 : memref<80xi32, #tpu.memory_space<vmem>>) semaphore(%run_scoped3A_429 : memref<!tpu.dma_semaphore, #tpu.memory_space<semaphore_mem>>) {add = true}
      %dma_wait3A_440 = arith.constant 0 : i32
      %dma_wait3A_441 = arith.constant 0 : i32
      %dma_wait3A_442 = tpu.memref_slice %arg10[%run_scoped3A_300, %dma_wait3A_440, %dma_wait3A_441] : memref<8x80x64xf32, #tpu.memory_space<vmem>> -> memref<1x80x64xf32, #tpu.memory_space<vmem>>
      %dma_wait3A_443 = tpu.memref_squeeze %dma_wait3A_442 : memref<1x80x64xf32, #tpu.memory_space<vmem>> -> memref<80x64xf32, #tpu.memory_space<vmem>>
      %dma_wait3A_444 = arith.constant 0 : i32
      %dma_wait3A_445 = tpu.memref_slice %arg9[%run_scoped3A_301, %dma_wait3A_444] : memref<125x80xi32, #tpu.memory_space<vmem>> -> memref<1x80xi32, #tpu.memory_space<vmem>>
      %dma_wait3A_446 = tpu.memref_squeeze %dma_wait3A_445 : memref<1x80xi32, #tpu.memory_space<vmem>> -> memref<80xi32, #tpu.memory_space<vmem>>
      %dma_wait3A_447 = arith.constant 0 : i32
      %dma_wait3A_448 = arith.constant 0 : i32
      %dma_wait3A_449 = tpu.memref_slice %arg7[%dma_wait3A_447, %dma_wait3A_448] : memref<10000x64xf32, #tpu.memory_space<vmem_shared>> -> memref<10000x64xf32, #tpu.memory_space<vmem_shared>>
      tpu.wait_indirect_dma semaphore(%run_scoped3A_429 : memref<!tpu.dma_semaphore, #tpu.memory_space<semaphore_mem>>) src(%dma_wait3A_443 : memref<80x64xf32, #tpu.memory_space<vmem>>) dst(%dma_wait3A_449 : memref<10000x64xf32, #tpu.memory_space<vmem_shared>>)
      tpu.yield
    }) : () -> ()
    %dma_wait3A_302 = arith.constant 118 : i32
    %dma_wait3A_303 = arith.constant 6 : i32
    %dma_wait3A_304 = arith.constant 6 : i32
    %dma_wait3A_305 = arith.constant 0 : i32
    %dma_wait3A_306 = arith.constant 0 : i32
    %dma_wait3A_307 = tpu.memref_slice %arg10[%dma_wait3A_303, %dma_wait3A_305, %dma_wait3A_306] : memref<8x80x64xf32, #tpu.memory_space<vmem>> -> memref<1x80x64xf32, #tpu.memory_space<vmem>>
    %dma_wait3A_308 = tpu.memref_squeeze %dma_wait3A_307 : memref<1x80x64xf32, #tpu.memory_space<vmem>> -> memref<80x64xf32, #tpu.memory_space<vmem>>
    %dma_wait3A_309 = arith.constant 0 : i32
    %dma_wait3A_310 = tpu.memref_slice %arg8[%dma_wait3A_302, %dma_wait3A_309] : memref<125x80xi32, #tpu.memory_space<vmem>> -> memref<1x80xi32, #tpu.memory_space<vmem>>
    %dma_wait3A_311 = tpu.memref_squeeze %dma_wait3A_310 : memref<1x80xi32, #tpu.memory_space<vmem>> -> memref<80xi32, #tpu.memory_space<vmem>>
    %dma_wait3A_312 = arith.constant 0 : i32
    %dma_wait3A_313 = arith.constant 0 : i32
    %dma_wait3A_314 = tpu.memref_slice %arg2[%dma_wait3A_312, %dma_wait3A_313] : memref<10000x64xf32, #tpu.memory_space<hbm>> -> memref<10000x64xf32, #tpu.memory_space<hbm>>
    %dma_wait3A_315 = tpu.memref_slice %arg11[%dma_wait3A_304] : memref<8x!tpu.dma_semaphore, #tpu.memory_space<semaphore_mem>> -> memref<1x!tpu.dma_semaphore, #tpu.memory_space<semaphore_mem>>
    %dma_wait3A_316 = tpu.memref_squeeze %dma_wait3A_315 : memref<1x!tpu.dma_semaphore, #tpu.memory_space<semaphore_mem>> -> memref<!tpu.dma_semaphore, #tpu.memory_space<semaphore_mem>>
    tpu.wait_indirect_dma semaphore(%dma_wait3A_316 : memref<!tpu.dma_semaphore, #tpu.memory_space<semaphore_mem>>) src(%dma_wait3A_314 : memref<10000x64xf32, #tpu.memory_space<hbm>>) dst(%dma_wait3A_308 : memref<80x64xf32, #tpu.memory_space<vmem>>)
    %run_scoped3A_317 = arith.constant 6 : i32
    %run_scoped3A_318 = arith.constant 118 : i32
    "tpu.region"() ({
      %run_scoped3A_429 = tpu.sem_alloc : memref<!tpu.dma_semaphore, #tpu.memory_space<semaphore_mem>>
      %dma_start3A_430 = arith.constant 0 : i32
      %dma_start3A_431 = arith.constant 0 : i32
      %dma_start3A_432 = tpu.memref_slice %arg10[%run_scoped3A_317, %dma_start3A_430, %dma_start3A_431] : memref<8x80x64xf32, #tpu.memory_space<vmem>> -> memref<1x80x64xf32, #tpu.memory_space<vmem>>
      %dma_start3A_433 = tpu.memref_squeeze %dma_start3A_432 : memref<1x80x64xf32, #tpu.memory_space<vmem>> -> memref<80x64xf32, #tpu.memory_space<vmem>>
      %dma_start3A_434 = arith.constant 0 : i32
      %dma_start3A_435 = tpu.memref_slice %arg9[%run_scoped3A_318, %dma_start3A_434] : memref<125x80xi32, #tpu.memory_space<vmem>> -> memref<1x80xi32, #tpu.memory_space<vmem>>
      %dma_start3A_436 = tpu.memref_squeeze %dma_start3A_435 : memref<1x80xi32, #tpu.memory_space<vmem>> -> memref<80xi32, #tpu.memory_space<vmem>>
      %dma_start3A_437 = arith.constant 0 : i32
      %dma_start3A_438 = arith.constant 0 : i32
      %dma_start3A_439 = tpu.memref_slice %arg7[%dma_start3A_437, %dma_start3A_438] : memref<10000x64xf32, #tpu.memory_space<vmem_shared>> -> memref<10000x64xf32, #tpu.memory_space<vmem_shared>>
      tpu.enqueue_indirect_dma source(%dma_start3A_433 : memref<80x64xf32, #tpu.memory_space<vmem>>) target(%dma_start3A_439 : memref<10000x64xf32, #tpu.memory_space<vmem_shared>>) offsets(%dma_start3A_436 : memref<80xi32, #tpu.memory_space<vmem>>) semaphore(%run_scoped3A_429 : memref<!tpu.dma_semaphore, #tpu.memory_space<semaphore_mem>>) {add = true}
      %dma_wait3A_440 = arith.constant 0 : i32
      %dma_wait3A_441 = arith.constant 0 : i32
      %dma_wait3A_442 = tpu.memref_slice %arg10[%run_scoped3A_317, %dma_wait3A_440, %dma_wait3A_441] : memref<8x80x64xf32, #tpu.memory_space<vmem>> -> memref<1x80x64xf32, #tpu.memory_space<vmem>>
      %dma_wait3A_443 = tpu.memref_squeeze %dma_wait3A_442 : memref<1x80x64xf32, #tpu.memory_space<vmem>> -> memref<80x64xf32, #tpu.memory_space<vmem>>
      %dma_wait3A_444 = arith.constant 0 : i32
      %dma_wait3A_445 = tpu.memref_slice %arg9[%run_scoped3A_318, %dma_wait3A_444] : memref<125x80xi32, #tpu.memory_space<vmem>> -> memref<1x80xi32, #tpu.memory_space<vmem>>
      %dma_wait3A_446 = tpu.memref_squeeze %dma_wait3A_445 : memref<1x80xi32, #tpu.memory_space<vmem>> -> memref<80xi32, #tpu.memory_space<vmem>>
      %dma_wait3A_447 = arith.constant 0 : i32
      %dma_wait3A_448 = arith.constant 0 : i32
      %dma_wait3A_449 = tpu.memref_slice %arg7[%dma_wait3A_447, %dma_wait3A_448] : memref<10000x64xf32, #tpu.memory_space<vmem_shared>> -> memref<10000x64xf32, #tpu.memory_space<vmem_shared>>
      tpu.wait_indirect_dma semaphore(%run_scoped3A_429 : memref<!tpu.dma_semaphore, #tpu.memory_space<semaphore_mem>>) src(%dma_wait3A_443 : memref<80x64xf32, #tpu.memory_space<vmem>>) dst(%dma_wait3A_449 : memref<10000x64xf32, #tpu.memory_space<vmem_shared>>)
      tpu.yield
    }) : () -> ()
    %dma_wait3A_319 = arith.constant 119 : i32
    %dma_wait3A_320 = arith.constant 7 : i32
    %dma_wait3A_321 = arith.constant 7 : i32
    %dma_wait3A_322 = arith.constant 0 : i32
    %dma_wait3A_323 = arith.constant 0 : i32
    %dma_wait3A_324 = tpu.memref_slice %arg10[%dma_wait3A_320, %dma_wait3A_322, %dma_wait3A_323] : memref<8x80x64xf32, #tpu.memory_space<vmem>> -> memref<1x80x64xf32, #tpu.memory_space<vmem>>
    %dma_wait3A_325 = tpu.memref_squeeze %dma_wait3A_324 : memref<1x80x64xf32, #tpu.memory_space<vmem>> -> memref<80x64xf32, #tpu.memory_space<vmem>>
    %dma_wait3A_326 = arith.constant 0 : i32
    %dma_wait3A_327 = tpu.memref_slice %arg8[%dma_wait3A_319, %dma_wait3A_326] : memref<125x80xi32, #tpu.memory_space<vmem>> -> memref<1x80xi32, #tpu.memory_space<vmem>>
    %dma_wait3A_328 = tpu.memref_squeeze %dma_wait3A_327 : memref<1x80xi32, #tpu.memory_space<vmem>> -> memref<80xi32, #tpu.memory_space<vmem>>
    %dma_wait3A_329 = arith.constant 0 : i32
    %dma_wait3A_330 = arith.constant 0 : i32
    %dma_wait3A_331 = tpu.memref_slice %arg2[%dma_wait3A_329, %dma_wait3A_330] : memref<10000x64xf32, #tpu.memory_space<hbm>> -> memref<10000x64xf32, #tpu.memory_space<hbm>>
    %dma_wait3A_332 = tpu.memref_slice %arg11[%dma_wait3A_321] : memref<8x!tpu.dma_semaphore, #tpu.memory_space<semaphore_mem>> -> memref<1x!tpu.dma_semaphore, #tpu.memory_space<semaphore_mem>>
    %dma_wait3A_333 = tpu.memref_squeeze %dma_wait3A_332 : memref<1x!tpu.dma_semaphore, #tpu.memory_space<semaphore_mem>> -> memref<!tpu.dma_semaphore, #tpu.memory_space<semaphore_mem>>
    tpu.wait_indirect_dma semaphore(%dma_wait3A_333 : memref<!tpu.dma_semaphore, #tpu.memory_space<semaphore_mem>>) src(%dma_wait3A_331 : memref<10000x64xf32, #tpu.memory_space<hbm>>) dst(%dma_wait3A_325 : memref<80x64xf32, #tpu.memory_space<vmem>>)
    %run_scoped3A_334 = arith.constant 7 : i32
    %run_scoped3A_335 = arith.constant 119 : i32
    "tpu.region"() ({
      %run_scoped3A_429 = tpu.sem_alloc : memref<!tpu.dma_semaphore, #tpu.memory_space<semaphore_mem>>
      %dma_start3A_430 = arith.constant 0 : i32
      %dma_start3A_431 = arith.constant 0 : i32
      %dma_start3A_432 = tpu.memref_slice %arg10[%run_scoped3A_334, %dma_start3A_430, %dma_start3A_431] : memref<8x80x64xf32, #tpu.memory_space<vmem>> -> memref<1x80x64xf32, #tpu.memory_space<vmem>>
      %dma_start3A_433 = tpu.memref_squeeze %dma_start3A_432 : memref<1x80x64xf32, #tpu.memory_space<vmem>> -> memref<80x64xf32, #tpu.memory_space<vmem>>
      %dma_start3A_434 = arith.constant 0 : i32
      %dma_start3A_435 = tpu.memref_slice %arg9[%run_scoped3A_335, %dma_start3A_434] : memref<125x80xi32, #tpu.memory_space<vmem>> -> memref<1x80xi32, #tpu.memory_space<vmem>>
      %dma_start3A_436 = tpu.memref_squeeze %dma_start3A_435 : memref<1x80xi32, #tpu.memory_space<vmem>> -> memref<80xi32, #tpu.memory_space<vmem>>
      %dma_start3A_437 = arith.constant 0 : i32
      %dma_start3A_438 = arith.constant 0 : i32
      %dma_start3A_439 = tpu.memref_slice %arg7[%dma_start3A_437, %dma_start3A_438] : memref<10000x64xf32, #tpu.memory_space<vmem_shared>> -> memref<10000x64xf32, #tpu.memory_space<vmem_shared>>
      tpu.enqueue_indirect_dma source(%dma_start3A_433 : memref<80x64xf32, #tpu.memory_space<vmem>>) target(%dma_start3A_439 : memref<10000x64xf32, #tpu.memory_space<vmem_shared>>) offsets(%dma_start3A_436 : memref<80xi32, #tpu.memory_space<vmem>>) semaphore(%run_scoped3A_429 : memref<!tpu.dma_semaphore, #tpu.memory_space<semaphore_mem>>) {add = true}
      %dma_wait3A_440 = arith.constant 0 : i32
      %dma_wait3A_441 = arith.constant 0 : i32
      %dma_wait3A_442 = tpu.memref_slice %arg10[%run_scoped3A_334, %dma_wait3A_440, %dma_wait3A_441] : memref<8x80x64xf32, #tpu.memory_space<vmem>> -> memref<1x80x64xf32, #tpu.memory_space<vmem>>
      %dma_wait3A_443 = tpu.memref_squeeze %dma_wait3A_442 : memref<1x80x64xf32, #tpu.memory_space<vmem>> -> memref<80x64xf32, #tpu.memory_space<vmem>>
      %dma_wait3A_444 = arith.constant 0 : i32
      %dma_wait3A_445 = tpu.memref_slice %arg9[%run_scoped3A_335, %dma_wait3A_444] : memref<125x80xi32, #tpu.memory_space<vmem>> -> memref<1x80xi32, #tpu.memory_space<vmem>>
      %dma_wait3A_446 = tpu.memref_squeeze %dma_wait3A_445 : memref<1x80xi32, #tpu.memory_space<vmem>> -> memref<80xi32, #tpu.memory_space<vmem>>
      %dma_wait3A_447 = arith.constant 0 : i32
      %dma_wait3A_448 = arith.constant 0 : i32
      %dma_wait3A_449 = tpu.memref_slice %arg7[%dma_wait3A_447, %dma_wait3A_448] : memref<10000x64xf32, #tpu.memory_space<vmem_shared>> -> memref<10000x64xf32, #tpu.memory_space<vmem_shared>>
      tpu.wait_indirect_dma semaphore(%run_scoped3A_429 : memref<!tpu.dma_semaphore, #tpu.memory_space<semaphore_mem>>) src(%dma_wait3A_443 : memref<80x64xf32, #tpu.memory_space<vmem>>) dst(%dma_wait3A_449 : memref<10000x64xf32, #tpu.memory_space<vmem_shared>>)
      tpu.yield
    }) : () -> ()
    %dma_wait3A_336 = arith.constant 120 : i32
    %dma_wait3A_337 = arith.constant 0 : i32
    %dma_wait3A_338 = arith.constant 0 : i32
    %dma_wait3A_339 = arith.constant 0 : i32
    %dma_wait3A_340 = arith.constant 0 : i32
    %dma_wait3A_341 = tpu.memref_slice %arg10[%dma_wait3A_337, %dma_wait3A_339, %dma_wait3A_340] : memref<8x80x64xf32, #tpu.memory_space<vmem>> -> memref<1x80x64xf32, #tpu.memory_space<vmem>>
    %dma_wait3A_342 = tpu.memref_squeeze %dma_wait3A_341 : memref<1x80x64xf32, #tpu.memory_space<vmem>> -> memref<80x64xf32, #tpu.memory_space<vmem>>
    %dma_wait3A_343 = arith.constant 0 : i32
    %dma_wait3A_344 = tpu.memref_slice %arg8[%dma_wait3A_336, %dma_wait3A_343] : memref<125x80xi32, #tpu.memory_space<vmem>> -> memref<1x80xi32, #tpu.memory_space<vmem>>
    %dma_wait3A_345 = tpu.memref_squeeze %dma_wait3A_344 : memref<1x80xi32, #tpu.memory_space<vmem>> -> memref<80xi32, #tpu.memory_space<vmem>>
    %dma_wait3A_346 = arith.constant 0 : i32
    %dma_wait3A_347 = arith.constant 0 : i32
    %dma_wait3A_348 = tpu.memref_slice %arg2[%dma_wait3A_346, %dma_wait3A_347] : memref<10000x64xf32, #tpu.memory_space<hbm>> -> memref<10000x64xf32, #tpu.memory_space<hbm>>
    %dma_wait3A_349 = tpu.memref_slice %arg11[%dma_wait3A_338] : memref<8x!tpu.dma_semaphore, #tpu.memory_space<semaphore_mem>> -> memref<1x!tpu.dma_semaphore, #tpu.memory_space<semaphore_mem>>
    %dma_wait3A_350 = tpu.memref_squeeze %dma_wait3A_349 : memref<1x!tpu.dma_semaphore, #tpu.memory_space<semaphore_mem>> -> memref<!tpu.dma_semaphore, #tpu.memory_space<semaphore_mem>>
    tpu.wait_indirect_dma semaphore(%dma_wait3A_350 : memref<!tpu.dma_semaphore, #tpu.memory_space<semaphore_mem>>) src(%dma_wait3A_348 : memref<10000x64xf32, #tpu.memory_space<hbm>>) dst(%dma_wait3A_342 : memref<80x64xf32, #tpu.memory_space<vmem>>)
    %run_scoped3A_351 = arith.constant 0 : i32
    %run_scoped3A_352 = arith.constant 120 : i32
    "tpu.region"() ({
      %run_scoped3A_429 = tpu.sem_alloc : memref<!tpu.dma_semaphore, #tpu.memory_space<semaphore_mem>>
      %dma_start3A_430 = arith.constant 0 : i32
      %dma_start3A_431 = arith.constant 0 : i32
      %dma_start3A_432 = tpu.memref_slice %arg10[%run_scoped3A_351, %dma_start3A_430, %dma_start3A_431] : memref<8x80x64xf32, #tpu.memory_space<vmem>> -> memref<1x80x64xf32, #tpu.memory_space<vmem>>
      %dma_start3A_433 = tpu.memref_squeeze %dma_start3A_432 : memref<1x80x64xf32, #tpu.memory_space<vmem>> -> memref<80x64xf32, #tpu.memory_space<vmem>>
      %dma_start3A_434 = arith.constant 0 : i32
      %dma_start3A_435 = tpu.memref_slice %arg9[%run_scoped3A_352, %dma_start3A_434] : memref<125x80xi32, #tpu.memory_space<vmem>> -> memref<1x80xi32, #tpu.memory_space<vmem>>
      %dma_start3A_436 = tpu.memref_squeeze %dma_start3A_435 : memref<1x80xi32, #tpu.memory_space<vmem>> -> memref<80xi32, #tpu.memory_space<vmem>>
      %dma_start3A_437 = arith.constant 0 : i32
      %dma_start3A_438 = arith.constant 0 : i32
      %dma_start3A_439 = tpu.memref_slice %arg7[%dma_start3A_437, %dma_start3A_438] : memref<10000x64xf32, #tpu.memory_space<vmem_shared>> -> memref<10000x64xf32, #tpu.memory_space<vmem_shared>>
      tpu.enqueue_indirect_dma source(%dma_start3A_433 : memref<80x64xf32, #tpu.memory_space<vmem>>) target(%dma_start3A_439 : memref<10000x64xf32, #tpu.memory_space<vmem_shared>>) offsets(%dma_start3A_436 : memref<80xi32, #tpu.memory_space<vmem>>) semaphore(%run_scoped3A_429 : memref<!tpu.dma_semaphore, #tpu.memory_space<semaphore_mem>>) {add = true}
      %dma_wait3A_440 = arith.constant 0 : i32
      %dma_wait3A_441 = arith.constant 0 : i32
      %dma_wait3A_442 = tpu.memref_slice %arg10[%run_scoped3A_351, %dma_wait3A_440, %dma_wait3A_441] : memref<8x80x64xf32, #tpu.memory_space<vmem>> -> memref<1x80x64xf32, #tpu.memory_space<vmem>>
      %dma_wait3A_443 = tpu.memref_squeeze %dma_wait3A_442 : memref<1x80x64xf32, #tpu.memory_space<vmem>> -> memref<80x64xf32, #tpu.memory_space<vmem>>
      %dma_wait3A_444 = arith.constant 0 : i32
      %dma_wait3A_445 = tpu.memref_slice %arg9[%run_scoped3A_352, %dma_wait3A_444] : memref<125x80xi32, #tpu.memory_space<vmem>> -> memref<1x80xi32, #tpu.memory_space<vmem>>
      %dma_wait3A_446 = tpu.memref_squeeze %dma_wait3A_445 : memref<1x80xi32, #tpu.memory_space<vmem>> -> memref<80xi32, #tpu.memory_space<vmem>>
      %dma_wait3A_447 = arith.constant 0 : i32
      %dma_wait3A_448 = arith.constant 0 : i32
      %dma_wait3A_449 = tpu.memref_slice %arg7[%dma_wait3A_447, %dma_wait3A_448] : memref<10000x64xf32, #tpu.memory_space<vmem_shared>> -> memref<10000x64xf32, #tpu.memory_space<vmem_shared>>
      tpu.wait_indirect_dma semaphore(%run_scoped3A_429 : memref<!tpu.dma_semaphore, #tpu.memory_space<semaphore_mem>>) src(%dma_wait3A_443 : memref<80x64xf32, #tpu.memory_space<vmem>>) dst(%dma_wait3A_449 : memref<10000x64xf32, #tpu.memory_space<vmem_shared>>)
      tpu.yield
    }) : () -> ()
    %dma_wait3A_353 = arith.constant 121 : i32
    %dma_wait3A_354 = arith.constant 1 : i32
    %dma_wait3A_355 = arith.constant 1 : i32
    %dma_wait3A_356 = arith.constant 0 : i32
    %dma_wait3A_357 = arith.constant 0 : i32
    %dma_wait3A_358 = tpu.memref_slice %arg10[%dma_wait3A_354, %dma_wait3A_356, %dma_wait3A_357] : memref<8x80x64xf32, #tpu.memory_space<vmem>> -> memref<1x80x64xf32, #tpu.memory_space<vmem>>
    %dma_wait3A_359 = tpu.memref_squeeze %dma_wait3A_358 : memref<1x80x64xf32, #tpu.memory_space<vmem>> -> memref<80x64xf32, #tpu.memory_space<vmem>>
    %dma_wait3A_360 = arith.constant 0 : i32
    %dma_wait3A_361 = tpu.memref_slice %arg8[%dma_wait3A_353, %dma_wait3A_360] : memref<125x80xi32, #tpu.memory_space<vmem>> -> memref<1x80xi32, #tpu.memory_space<vmem>>
    %dma_wait3A_362 = tpu.memref_squeeze %dma_wait3A_361 : memref<1x80xi32, #tpu.memory_space<vmem>> -> memref<80xi32, #tpu.memory_space<vmem>>
    %dma_wait3A_363 = arith.constant 0 : i32
    %dma_wait3A_364 = arith.constant 0 : i32
    %dma_wait3A_365 = tpu.memref_slice %arg2[%dma_wait3A_363, %dma_wait3A_364] : memref<10000x64xf32, #tpu.memory_space<hbm>> -> memref<10000x64xf32, #tpu.memory_space<hbm>>
    %dma_wait3A_366 = tpu.memref_slice %arg11[%dma_wait3A_355] : memref<8x!tpu.dma_semaphore, #tpu.memory_space<semaphore_mem>> -> memref<1x!tpu.dma_semaphore, #tpu.memory_space<semaphore_mem>>
    %dma_wait3A_367 = tpu.memref_squeeze %dma_wait3A_366 : memref<1x!tpu.dma_semaphore, #tpu.memory_space<semaphore_mem>> -> memref<!tpu.dma_semaphore, #tpu.memory_space<semaphore_mem>>
    tpu.wait_indirect_dma semaphore(%dma_wait3A_367 : memref<!tpu.dma_semaphore, #tpu.memory_space<semaphore_mem>>) src(%dma_wait3A_365 : memref<10000x64xf32, #tpu.memory_space<hbm>>) dst(%dma_wait3A_359 : memref<80x64xf32, #tpu.memory_space<vmem>>)
    %run_scoped3A_368 = arith.constant 1 : i32
    %run_scoped3A_369 = arith.constant 121 : i32
    "tpu.region"() ({
      %run_scoped3A_429 = tpu.sem_alloc : memref<!tpu.dma_semaphore, #tpu.memory_space<semaphore_mem>>
      %dma_start3A_430 = arith.constant 0 : i32
      %dma_start3A_431 = arith.constant 0 : i32
      %dma_start3A_432 = tpu.memref_slice %arg10[%run_scoped3A_368, %dma_start3A_430, %dma_start3A_431] : memref<8x80x64xf32, #tpu.memory_space<vmem>> -> memref<1x80x64xf32, #tpu.memory_space<vmem>>
      %dma_start3A_433 = tpu.memref_squeeze %dma_start3A_432 : memref<1x80x64xf32, #tpu.memory_space<vmem>> -> memref<80x64xf32, #tpu.memory_space<vmem>>
      %dma_start3A_434 = arith.constant 0 : i32
      %dma_start3A_435 = tpu.memref_slice %arg9[%run_scoped3A_369, %dma_start3A_434] : memref<125x80xi32, #tpu.memory_space<vmem>> -> memref<1x80xi32, #tpu.memory_space<vmem>>
      %dma_start3A_436 = tpu.memref_squeeze %dma_start3A_435 : memref<1x80xi32, #tpu.memory_space<vmem>> -> memref<80xi32, #tpu.memory_space<vmem>>
      %dma_start3A_437 = arith.constant 0 : i32
      %dma_start3A_438 = arith.constant 0 : i32
      %dma_start3A_439 = tpu.memref_slice %arg7[%dma_start3A_437, %dma_start3A_438] : memref<10000x64xf32, #tpu.memory_space<vmem_shared>> -> memref<10000x64xf32, #tpu.memory_space<vmem_shared>>
      tpu.enqueue_indirect_dma source(%dma_start3A_433 : memref<80x64xf32, #tpu.memory_space<vmem>>) target(%dma_start3A_439 : memref<10000x64xf32, #tpu.memory_space<vmem_shared>>) offsets(%dma_start3A_436 : memref<80xi32, #tpu.memory_space<vmem>>) semaphore(%run_scoped3A_429 : memref<!tpu.dma_semaphore, #tpu.memory_space<semaphore_mem>>) {add = true}
      %dma_wait3A_440 = arith.constant 0 : i32
      %dma_wait3A_441 = arith.constant 0 : i32
      %dma_wait3A_442 = tpu.memref_slice %arg10[%run_scoped3A_368, %dma_wait3A_440, %dma_wait3A_441] : memref<8x80x64xf32, #tpu.memory_space<vmem>> -> memref<1x80x64xf32, #tpu.memory_space<vmem>>
      %dma_wait3A_443 = tpu.memref_squeeze %dma_wait3A_442 : memref<1x80x64xf32, #tpu.memory_space<vmem>> -> memref<80x64xf32, #tpu.memory_space<vmem>>
      %dma_wait3A_444 = arith.constant 0 : i32
      %dma_wait3A_445 = tpu.memref_slice %arg9[%run_scoped3A_369, %dma_wait3A_444] : memref<125x80xi32, #tpu.memory_space<vmem>> -> memref<1x80xi32, #tpu.memory_space<vmem>>
      %dma_wait3A_446 = tpu.memref_squeeze %dma_wait3A_445 : memref<1x80xi32, #tpu.memory_space<vmem>> -> memref<80xi32, #tpu.memory_space<vmem>>
      %dma_wait3A_447 = arith.constant 0 : i32
      %dma_wait3A_448 = arith.constant 0 : i32
      %dma_wait3A_449 = tpu.memref_slice %arg7[%dma_wait3A_447, %dma_wait3A_448] : memref<10000x64xf32, #tpu.memory_space<vmem_shared>> -> memref<10000x64xf32, #tpu.memory_space<vmem_shared>>
      tpu.wait_indirect_dma semaphore(%run_scoped3A_429 : memref<!tpu.dma_semaphore, #tpu.memory_space<semaphore_mem>>) src(%dma_wait3A_443 : memref<80x64xf32, #tpu.memory_space<vmem>>) dst(%dma_wait3A_449 : memref<10000x64xf32, #tpu.memory_space<vmem_shared>>)
      tpu.yield
    }) : () -> ()
    %dma_wait3A_370 = arith.constant 122 : i32
    %dma_wait3A_371 = arith.constant 2 : i32
    %dma_wait3A_372 = arith.constant 2 : i32
    %dma_wait3A_373 = arith.constant 0 : i32
    %dma_wait3A_374 = arith.constant 0 : i32
    %dma_wait3A_375 = tpu.memref_slice %arg10[%dma_wait3A_371, %dma_wait3A_373, %dma_wait3A_374] : memref<8x80x64xf32, #tpu.memory_space<vmem>> -> memref<1x80x64xf32, #tpu.memory_space<vmem>>
    %dma_wait3A_376 = tpu.memref_squeeze %dma_wait3A_375 : memref<1x80x64xf32, #tpu.memory_space<vmem>> -> memref<80x64xf32, #tpu.memory_space<vmem>>
    %dma_wait3A_377 = arith.constant 0 : i32
    %dma_wait3A_378 = tpu.memref_slice %arg8[%dma_wait3A_370, %dma_wait3A_377] : memref<125x80xi32, #tpu.memory_space<vmem>> -> memref<1x80xi32, #tpu.memory_space<vmem>>
    %dma_wait3A_379 = tpu.memref_squeeze %dma_wait3A_378 : memref<1x80xi32, #tpu.memory_space<vmem>> -> memref<80xi32, #tpu.memory_space<vmem>>
    %dma_wait3A_380 = arith.constant 0 : i32
    %dma_wait3A_381 = arith.constant 0 : i32
    %dma_wait3A_382 = tpu.memref_slice %arg2[%dma_wait3A_380, %dma_wait3A_381] : memref<10000x64xf32, #tpu.memory_space<hbm>> -> memref<10000x64xf32, #tpu.memory_space<hbm>>
    %dma_wait3A_383 = tpu.memref_slice %arg11[%dma_wait3A_372] : memref<8x!tpu.dma_semaphore, #tpu.memory_space<semaphore_mem>> -> memref<1x!tpu.dma_semaphore, #tpu.memory_space<semaphore_mem>>
    %dma_wait3A_384 = tpu.memref_squeeze %dma_wait3A_383 : memref<1x!tpu.dma_semaphore, #tpu.memory_space<semaphore_mem>> -> memref<!tpu.dma_semaphore, #tpu.memory_space<semaphore_mem>>
    tpu.wait_indirect_dma semaphore(%dma_wait3A_384 : memref<!tpu.dma_semaphore, #tpu.memory_space<semaphore_mem>>) src(%dma_wait3A_382 : memref<10000x64xf32, #tpu.memory_space<hbm>>) dst(%dma_wait3A_376 : memref<80x64xf32, #tpu.memory_space<vmem>>)
    %run_scoped3A_385 = arith.constant 2 : i32
    %run_scoped3A_386 = arith.constant 122 : i32
    "tpu.region"() ({
      %run_scoped3A_429 = tpu.sem_alloc : memref<!tpu.dma_semaphore, #tpu.memory_space<semaphore_mem>>
      %dma_start3A_430 = arith.constant 0 : i32
      %dma_start3A_431 = arith.constant 0 : i32
      %dma_start3A_432 = tpu.memref_slice %arg10[%run_scoped3A_385, %dma_start3A_430, %dma_start3A_431] : memref<8x80x64xf32, #tpu.memory_space<vmem>> -> memref<1x80x64xf32, #tpu.memory_space<vmem>>
      %dma_start3A_433 = tpu.memref_squeeze %dma_start3A_432 : memref<1x80x64xf32, #tpu.memory_space<vmem>> -> memref<80x64xf32, #tpu.memory_space<vmem>>
      %dma_start3A_434 = arith.constant 0 : i32
      %dma_start3A_435 = tpu.memref_slice %arg9[%run_scoped3A_386, %dma_start3A_434] : memref<125x80xi32, #tpu.memory_space<vmem>> -> memref<1x80xi32, #tpu.memory_space<vmem>>
      %dma_start3A_436 = tpu.memref_squeeze %dma_start3A_435 : memref<1x80xi32, #tpu.memory_space<vmem>> -> memref<80xi32, #tpu.memory_space<vmem>>
      %dma_start3A_437 = arith.constant 0 : i32
      %dma_start3A_438 = arith.constant 0 : i32
      %dma_start3A_439 = tpu.memref_slice %arg7[%dma_start3A_437, %dma_start3A_438] : memref<10000x64xf32, #tpu.memory_space<vmem_shared>> -> memref<10000x64xf32, #tpu.memory_space<vmem_shared>>
      tpu.enqueue_indirect_dma source(%dma_start3A_433 : memref<80x64xf32, #tpu.memory_space<vmem>>) target(%dma_start3A_439 : memref<10000x64xf32, #tpu.memory_space<vmem_shared>>) offsets(%dma_start3A_436 : memref<80xi32, #tpu.memory_space<vmem>>) semaphore(%run_scoped3A_429 : memref<!tpu.dma_semaphore, #tpu.memory_space<semaphore_mem>>) {add = true}
      %dma_wait3A_440 = arith.constant 0 : i32
      %dma_wait3A_441 = arith.constant 0 : i32
      %dma_wait3A_442 = tpu.memref_slice %arg10[%run_scoped3A_385, %dma_wait3A_440, %dma_wait3A_441] : memref<8x80x64xf32, #tpu.memory_space<vmem>> -> memref<1x80x64xf32, #tpu.memory_space<vmem>>
      %dma_wait3A_443 = tpu.memref_squeeze %dma_wait3A_442 : memref<1x80x64xf32, #tpu.memory_space<vmem>> -> memref<80x64xf32, #tpu.memory_space<vmem>>
      %dma_wait3A_444 = arith.constant 0 : i32
      %dma_wait3A_445 = tpu.memref_slice %arg9[%run_scoped3A_386, %dma_wait3A_444] : memref<125x80xi32, #tpu.memory_space<vmem>> -> memref<1x80xi32, #tpu.memory_space<vmem>>
      %dma_wait3A_446 = tpu.memref_squeeze %dma_wait3A_445 : memref<1x80xi32, #tpu.memory_space<vmem>> -> memref<80xi32, #tpu.memory_space<vmem>>
      %dma_wait3A_447 = arith.constant 0 : i32
      %dma_wait3A_448 = arith.constant 0 : i32
      %dma_wait3A_449 = tpu.memref_slice %arg7[%dma_wait3A_447, %dma_wait3A_448] : memref<10000x64xf32, #tpu.memory_space<vmem_shared>> -> memref<10000x64xf32, #tpu.memory_space<vmem_shared>>
      tpu.wait_indirect_dma semaphore(%run_scoped3A_429 : memref<!tpu.dma_semaphore, #tpu.memory_space<semaphore_mem>>) src(%dma_wait3A_443 : memref<80x64xf32, #tpu.memory_space<vmem>>) dst(%dma_wait3A_449 : memref<10000x64xf32, #tpu.memory_space<vmem_shared>>)
      tpu.yield
    }) : () -> ()
    %dma_wait3A_387 = arith.constant 123 : i32
    %dma_wait3A_388 = arith.constant 3 : i32
    %dma_wait3A_389 = arith.constant 3 : i32
    %dma_wait3A_390 = arith.constant 0 : i32
    %dma_wait3A_391 = arith.constant 0 : i32
    %dma_wait3A_392 = tpu.memref_slice %arg10[%dma_wait3A_388, %dma_wait3A_390, %dma_wait3A_391] : memref<8x80x64xf32, #tpu.memory_space<vmem>> -> memref<1x80x64xf32, #tpu.memory_space<vmem>>
    %dma_wait3A_393 = tpu.memref_squeeze %dma_wait3A_392 : memref<1x80x64xf32, #tpu.memory_space<vmem>> -> memref<80x64xf32, #tpu.memory_space<vmem>>
    %dma_wait3A_394 = arith.constant 0 : i32
    %dma_wait3A_395 = tpu.memref_slice %arg8[%dma_wait3A_387, %dma_wait3A_394] : memref<125x80xi32, #tpu.memory_space<vmem>> -> memref<1x80xi32, #tpu.memory_space<vmem>>
    %dma_wait3A_396 = tpu.memref_squeeze %dma_wait3A_395 : memref<1x80xi32, #tpu.memory_space<vmem>> -> memref<80xi32, #tpu.memory_space<vmem>>
    %dma_wait3A_397 = arith.constant 0 : i32
    %dma_wait3A_398 = arith.constant 0 : i32
    %dma_wait3A_399 = tpu.memref_slice %arg2[%dma_wait3A_397, %dma_wait3A_398] : memref<10000x64xf32, #tpu.memory_space<hbm>> -> memref<10000x64xf32, #tpu.memory_space<hbm>>
    %dma_wait3A_400 = tpu.memref_slice %arg11[%dma_wait3A_389] : memref<8x!tpu.dma_semaphore, #tpu.memory_space<semaphore_mem>> -> memref<1x!tpu.dma_semaphore, #tpu.memory_space<semaphore_mem>>
    %dma_wait3A_401 = tpu.memref_squeeze %dma_wait3A_400 : memref<1x!tpu.dma_semaphore, #tpu.memory_space<semaphore_mem>> -> memref<!tpu.dma_semaphore, #tpu.memory_space<semaphore_mem>>
    tpu.wait_indirect_dma semaphore(%dma_wait3A_401 : memref<!tpu.dma_semaphore, #tpu.memory_space<semaphore_mem>>) src(%dma_wait3A_399 : memref<10000x64xf32, #tpu.memory_space<hbm>>) dst(%dma_wait3A_393 : memref<80x64xf32, #tpu.memory_space<vmem>>)
    %run_scoped3A_402 = arith.constant 3 : i32
    %run_scoped3A_403 = arith.constant 123 : i32
    "tpu.region"() ({
      %run_scoped3A_429 = tpu.sem_alloc : memref<!tpu.dma_semaphore, #tpu.memory_space<semaphore_mem>>
      %dma_start3A_430 = arith.constant 0 : i32
      %dma_start3A_431 = arith.constant 0 : i32
      %dma_start3A_432 = tpu.memref_slice %arg10[%run_scoped3A_402, %dma_start3A_430, %dma_start3A_431] : memref<8x80x64xf32, #tpu.memory_space<vmem>> -> memref<1x80x64xf32, #tpu.memory_space<vmem>>
      %dma_start3A_433 = tpu.memref_squeeze %dma_start3A_432 : memref<1x80x64xf32, #tpu.memory_space<vmem>> -> memref<80x64xf32, #tpu.memory_space<vmem>>
      %dma_start3A_434 = arith.constant 0 : i32
      %dma_start3A_435 = tpu.memref_slice %arg9[%run_scoped3A_403, %dma_start3A_434] : memref<125x80xi32, #tpu.memory_space<vmem>> -> memref<1x80xi32, #tpu.memory_space<vmem>>
      %dma_start3A_436 = tpu.memref_squeeze %dma_start3A_435 : memref<1x80xi32, #tpu.memory_space<vmem>> -> memref<80xi32, #tpu.memory_space<vmem>>
      %dma_start3A_437 = arith.constant 0 : i32
      %dma_start3A_438 = arith.constant 0 : i32
      %dma_start3A_439 = tpu.memref_slice %arg7[%dma_start3A_437, %dma_start3A_438] : memref<10000x64xf32, #tpu.memory_space<vmem_shared>> -> memref<10000x64xf32, #tpu.memory_space<vmem_shared>>
      tpu.enqueue_indirect_dma source(%dma_start3A_433 : memref<80x64xf32, #tpu.memory_space<vmem>>) target(%dma_start3A_439 : memref<10000x64xf32, #tpu.memory_space<vmem_shared>>) offsets(%dma_start3A_436 : memref<80xi32, #tpu.memory_space<vmem>>) semaphore(%run_scoped3A_429 : memref<!tpu.dma_semaphore, #tpu.memory_space<semaphore_mem>>) {add = true}
      %dma_wait3A_440 = arith.constant 0 : i32
      %dma_wait3A_441 = arith.constant 0 : i32
      %dma_wait3A_442 = tpu.memref_slice %arg10[%run_scoped3A_402, %dma_wait3A_440, %dma_wait3A_441] : memref<8x80x64xf32, #tpu.memory_space<vmem>> -> memref<1x80x64xf32, #tpu.memory_space<vmem>>
      %dma_wait3A_443 = tpu.memref_squeeze %dma_wait3A_442 : memref<1x80x64xf32, #tpu.memory_space<vmem>> -> memref<80x64xf32, #tpu.memory_space<vmem>>
      %dma_wait3A_444 = arith.constant 0 : i32
      %dma_wait3A_445 = tpu.memref_slice %arg9[%run_scoped3A_403, %dma_wait3A_444] : memref<125x80xi32, #tpu.memory_space<vmem>> -> memref<1x80xi32, #tpu.memory_space<vmem>>
      %dma_wait3A_446 = tpu.memref_squeeze %dma_wait3A_445 : memref<1x80xi32, #tpu.memory_space<vmem>> -> memref<80xi32, #tpu.memory_space<vmem>>
      %dma_wait3A_447 = arith.constant 0 : i32
      %dma_wait3A_448 = arith.constant 0 : i32
      %dma_wait3A_449 = tpu.memref_slice %arg7[%dma_wait3A_447, %dma_wait3A_448] : memref<10000x64xf32, #tpu.memory_space<vmem_shared>> -> memref<10000x64xf32, #tpu.memory_space<vmem_shared>>
      tpu.wait_indirect_dma semaphore(%run_scoped3A_429 : memref<!tpu.dma_semaphore, #tpu.memory_space<semaphore_mem>>) src(%dma_wait3A_443 : memref<80x64xf32, #tpu.memory_space<vmem>>) dst(%dma_wait3A_449 : memref<10000x64xf32, #tpu.memory_space<vmem_shared>>)
      tpu.yield
    }) : () -> ()
    %dma_wait3A_404 = arith.constant 124 : i32
    %dma_wait3A_405 = arith.constant 4 : i32
    %dma_wait3A_406 = arith.constant 4 : i32
    %dma_wait3A_407 = arith.constant 0 : i32
    %dma_wait3A_408 = arith.constant 0 : i32
    %dma_wait3A_409 = tpu.memref_slice %arg10[%dma_wait3A_405, %dma_wait3A_407, %dma_wait3A_408] : memref<8x80x64xf32, #tpu.memory_space<vmem>> -> memref<1x80x64xf32, #tpu.memory_space<vmem>>
    %dma_wait3A_410 = tpu.memref_squeeze %dma_wait3A_409 : memref<1x80x64xf32, #tpu.memory_space<vmem>> -> memref<80x64xf32, #tpu.memory_space<vmem>>
    %dma_wait3A_411 = arith.constant 0 : i32
    %dma_wait3A_412 = tpu.memref_slice %arg8[%dma_wait3A_404, %dma_wait3A_411] : memref<125x80xi32, #tpu.memory_space<vmem>> -> memref<1x80xi32, #tpu.memory_space<vmem>>
    %dma_wait3A_413 = tpu.memref_squeeze %dma_wait3A_412 : memref<1x80xi32, #tpu.memory_space<vmem>> -> memref<80xi32, #tpu.memory_space<vmem>>
    %dma_wait3A_414 = arith.constant 0 : i32
    %dma_wait3A_415 = arith.constant 0 : i32
    %dma_wait3A_416 = tpu.memref_slice %arg2[%dma_wait3A_414, %dma_wait3A_415] : memref<10000x64xf32, #tpu.memory_space<hbm>> -> memref<10000x64xf32, #tpu.memory_space<hbm>>
    %dma_wait3A_417 = tpu.memref_slice %arg11[%dma_wait3A_406] : memref<8x!tpu.dma_semaphore, #tpu.memory_space<semaphore_mem>> -> memref<1x!tpu.dma_semaphore, #tpu.memory_space<semaphore_mem>>
    %dma_wait3A_418 = tpu.memref_squeeze %dma_wait3A_417 : memref<1x!tpu.dma_semaphore, #tpu.memory_space<semaphore_mem>> -> memref<!tpu.dma_semaphore, #tpu.memory_space<semaphore_mem>>
    tpu.wait_indirect_dma semaphore(%dma_wait3A_418 : memref<!tpu.dma_semaphore, #tpu.memory_space<semaphore_mem>>) src(%dma_wait3A_416 : memref<10000x64xf32, #tpu.memory_space<hbm>>) dst(%dma_wait3A_410 : memref<80x64xf32, #tpu.memory_space<vmem>>)
    %run_scoped3A_419 = arith.constant 4 : i32
    %run_scoped3A_420 = arith.constant 124 : i32
    "tpu.region"() ({
      %run_scoped3A_429 = tpu.sem_alloc : memref<!tpu.dma_semaphore, #tpu.memory_space<semaphore_mem>>
      %dma_start3A_430 = arith.constant 0 : i32
      %dma_start3A_431 = arith.constant 0 : i32
      %dma_start3A_432 = tpu.memref_slice %arg10[%run_scoped3A_419, %dma_start3A_430, %dma_start3A_431] : memref<8x80x64xf32, #tpu.memory_space<vmem>> -> memref<1x80x64xf32, #tpu.memory_space<vmem>>
      %dma_start3A_433 = tpu.memref_squeeze %dma_start3A_432 : memref<1x80x64xf32, #tpu.memory_space<vmem>> -> memref<80x64xf32, #tpu.memory_space<vmem>>
      %dma_start3A_434 = arith.constant 0 : i32
      %dma_start3A_435 = tpu.memref_slice %arg9[%run_scoped3A_420, %dma_start3A_434] : memref<125x80xi32, #tpu.memory_space<vmem>> -> memref<1x80xi32, #tpu.memory_space<vmem>>
      %dma_start3A_436 = tpu.memref_squeeze %dma_start3A_435 : memref<1x80xi32, #tpu.memory_space<vmem>> -> memref<80xi32, #tpu.memory_space<vmem>>
      %dma_start3A_437 = arith.constant 0 : i32
      %dma_start3A_438 = arith.constant 0 : i32
      %dma_start3A_439 = tpu.memref_slice %arg7[%dma_start3A_437, %dma_start3A_438] : memref<10000x64xf32, #tpu.memory_space<vmem_shared>> -> memref<10000x64xf32, #tpu.memory_space<vmem_shared>>
      tpu.enqueue_indirect_dma source(%dma_start3A_433 : memref<80x64xf32, #tpu.memory_space<vmem>>) target(%dma_start3A_439 : memref<10000x64xf32, #tpu.memory_space<vmem_shared>>) offsets(%dma_start3A_436 : memref<80xi32, #tpu.memory_space<vmem>>) semaphore(%run_scoped3A_429 : memref<!tpu.dma_semaphore, #tpu.memory_space<semaphore_mem>>) {add = true}
      %dma_wait3A_440 = arith.constant 0 : i32
      %dma_wait3A_441 = arith.constant 0 : i32
      %dma_wait3A_442 = tpu.memref_slice %arg10[%run_scoped3A_419, %dma_wait3A_440, %dma_wait3A_441] : memref<8x80x64xf32, #tpu.memory_space<vmem>> -> memref<1x80x64xf32, #tpu.memory_space<vmem>>
      %dma_wait3A_443 = tpu.memref_squeeze %dma_wait3A_442 : memref<1x80x64xf32, #tpu.memory_space<vmem>> -> memref<80x64xf32, #tpu.memory_space<vmem>>
      %dma_wait3A_444 = arith.constant 0 : i32
      %dma_wait3A_445 = tpu.memref_slice %arg9[%run_scoped3A_420, %dma_wait3A_444] : memref<125x80xi32, #tpu.memory_space<vmem>> -> memref<1x80xi32, #tpu.memory_space<vmem>>
      %dma_wait3A_446 = tpu.memref_squeeze %dma_wait3A_445 : memref<1x80xi32, #tpu.memory_space<vmem>> -> memref<80xi32, #tpu.memory_space<vmem>>
      %dma_wait3A_447 = arith.constant 0 : i32
      %dma_wait3A_448 = arith.constant 0 : i32
      %dma_wait3A_449 = tpu.memref_slice %arg7[%dma_wait3A_447, %dma_wait3A_448] : memref<10000x64xf32, #tpu.memory_space<vmem_shared>> -> memref<10000x64xf32, #tpu.memory_space<vmem_shared>>
      tpu.wait_indirect_dma semaphore(%run_scoped3A_429 : memref<!tpu.dma_semaphore, #tpu.memory_space<semaphore_mem>>) src(%dma_wait3A_443 : memref<80x64xf32, #tpu.memory_space<vmem>>) dst(%dma_wait3A_449 : memref<10000x64xf32, #tpu.memory_space<vmem_shared>>)
      tpu.yield
    }) : () -> ()
    %barrier3A_421 = arith.constant 0 : index
    tpu.barrier barrier_id(%barrier3A_421)
    %mul3A_422 = arith.constant 625 : i32
    %mul3A_423 = arith.muli %arg1, %mul3A_422 : i32
    %mul3A_424 = arith.constant 10000 : i32
    %mul3A_425 = arith.muli %arg0, %mul3A_424 : i32
    %mul3A_426 = arith.constant 625 : i32
    %mul3A_427 = arith.muli %arg1, %mul3A_426 : i32
    %add3A_428 = arith.addi %mul3A_425, %mul3A_427 : i32
    "tpu.region"() ({
      %run_scoped3A_429 = tpu.sem_alloc : memref<!tpu.dma_semaphore, #tpu.memory_space<semaphore_mem>>
      %dma_start3A_430 = arith.constant 0 : i32
      %dma_start3A_431 = tpu.memref_slice %arg6[%add3A_428, %dma_start3A_430] : memref<20000x64xf32, #tpu.memory_space<hbm>> -> memref<625x64xf32, #tpu.memory_space<hbm>>
      %dma_start3A_432 = arith.constant 0 : i32
      %dma_start3A_433 = tpu.memref_slice %arg7[%mul3A_423, %dma_start3A_432] : memref<10000x64xf32, #tpu.memory_space<vmem_shared>> -> memref<625x64xf32, #tpu.memory_space<vmem_shared>>
      tpu.enqueue_dma source(%dma_start3A_433 : memref<625x64xf32, #tpu.memory_space<vmem_shared>>) target(%dma_start3A_431 : memref<625x64xf32, #tpu.memory_space<hbm>>) target_semaphore(%run_scoped3A_429 : memref<!tpu.dma_semaphore, #tpu.memory_space<semaphore_mem>>)
      %dma_wait3A_434 = arith.constant 0 : i32
      %dma_wait3A_435 = tpu.memref_slice %arg6[%add3A_428, %dma_wait3A_434] : memref<20000x64xf32, #tpu.memory_space<hbm>> -> memref<625x64xf32, #tpu.memory_space<hbm>>
      %dma_wait3A_436 = arith.constant 0 : i32
      %dma_wait3A_437 = tpu.memref_slice %arg7[%mul3A_423, %dma_wait3A_436] : memref<10000x64xf32, #tpu.memory_space<vmem_shared>> -> memref<625x64xf32, #tpu.memory_space<vmem_shared>>
      tpu.wait_dma2 semaphore(%run_scoped3A_429 : memref<!tpu.dma_semaphore, #tpu.memory_space<semaphore_mem>>) src(%dma_wait3A_437 : memref<625x64xf32, #tpu.memory_space<vmem_shared>>) dst(%dma_wait3A_435 : memref<625x64xf32, #tpu.memory_space<hbm>>)
      tpu.yield
    }) : () -> ()
    return
  }
}

#map = affine_map<(d0, d1) -> (0, 0, 0)>
#map1 = affine_map<(d0, d1) -> (0)>
module attributes {stable_mosaic.version = 14 : i64} {
  func.func @deg_kernel(%arg0: i32, %arg1: i32, %arg2: memref<32x125x80xi32, #tpu.memory_space<hbm>>, %arg3: memref<640xf32, #tpu.memory_space<hbm>>, %arg4: memref<20480xf32, #tpu.memory_space<hbm>>, %arg5: memref<10240xf32, #tpu.memory_space<vmem_shared>>, %arg6: memref<125x80xi32, #tpu.memory_space<vmem>>, %arg7: memref<80xf32, #tpu.memory_space<vmem>>) attributes {dimension_semantics = [#tpu.dimension_semantics<core_parallel>, #tpu.dimension_semantics<subcore_parallel>], iteration_bounds = array<i64: 2, 16>, scalar_prefetch = 0 : i64, scratch_operands = 3 : i64, tpu.core_type = #tpu.core_type<sc_vector_subcore>, window_params = [{transform_indices = #map}, {transform_indices = #map1}, {transform_indices = #map1}]} {
    %mul3A = arith.constant 16 : i32
    %mul3A_0 = arith.muli %arg0, %mul3A : i32
    %add3A = arith.addi %mul3A_0, %arg1 : i32
    %mul3A_1 = arith.constant 640 : i32
    %mul3A_2 = arith.muli %arg1, %mul3A_1 : i32
    "tpu.region"() ({
      %run_scoped3A = tpu.sem_alloc : memref<!tpu.dma_semaphore, #tpu.memory_space<semaphore_mem>>
      %dma_start3A = tpu.memref_slice %arg5[%mul3A_2] : memref<10240xf32, #tpu.memory_space<vmem_shared>> -> memref<640xf32, #tpu.memory_space<vmem_shared>>
      tpu.enqueue_dma source(%arg3 : memref<640xf32, #tpu.memory_space<hbm>>) target(%dma_start3A : memref<640xf32, #tpu.memory_space<vmem_shared>>) target_semaphore(%run_scoped3A : memref<!tpu.dma_semaphore, #tpu.memory_space<semaphore_mem>>)
      %dma_wait3A = tpu.memref_slice %arg5[%mul3A_2] : memref<10240xf32, #tpu.memory_space<vmem_shared>> -> memref<640xf32, #tpu.memory_space<vmem_shared>>
      tpu.wait_dma2 semaphore(%run_scoped3A : memref<!tpu.dma_semaphore, #tpu.memory_space<semaphore_mem>>) src(%arg3 : memref<640xf32, #tpu.memory_space<hbm>>) dst(%dma_wait3A : memref<640xf32, #tpu.memory_space<vmem_shared>>)
      tpu.yield
    }) : () -> ()
    "tpu.region"() ({
      %run_scoped3A = tpu.sem_alloc : memref<!tpu.dma_semaphore, #tpu.memory_space<semaphore_mem>>
      %dma_start3A = arith.constant 0 : i32
      %dma_start3A_44 = arith.constant 0 : i32
      %dma_start3A_45 = tpu.memref_slice %arg2[%add3A, %dma_start3A, %dma_start3A_44] : memref<32x125x80xi32, #tpu.memory_space<hbm>> -> memref<1x125x80xi32, #tpu.memory_space<hbm>>
      %dma_start3A_46 = tpu.memref_squeeze %dma_start3A_45 : memref<1x125x80xi32, #tpu.memory_space<hbm>> -> memref<125x80xi32, #tpu.memory_space<hbm>>
      %dma_start3A_47 = arith.constant 0 : i32
      %dma_start3A_48 = arith.constant 0 : i32
      %dma_start3A_49 = tpu.memref_slice %arg2[%add3A, %dma_start3A_47, %dma_start3A_48] : memref<32x125x80xi32, #tpu.memory_space<hbm>> -> memref<1x125x80xi32, #tpu.memory_space<hbm>>
      %dma_start3A_50 = tpu.memref_squeeze %dma_start3A_49 : memref<1x125x80xi32, #tpu.memory_space<hbm>> -> memref<125x80xi32, #tpu.memory_space<hbm>>
      tpu.enqueue_dma source(%dma_start3A_50 : memref<125x80xi32, #tpu.memory_space<hbm>>) target(%arg6 : memref<125x80xi32, #tpu.memory_space<vmem>>) target_semaphore(%run_scoped3A : memref<!tpu.dma_semaphore, #tpu.memory_space<semaphore_mem>>)
      %dma_wait3A = arith.constant 0 : i32
      %dma_wait3A_51 = arith.constant 0 : i32
      %dma_wait3A_52 = tpu.memref_slice %arg2[%add3A, %dma_wait3A, %dma_wait3A_51] : memref<32x125x80xi32, #tpu.memory_space<hbm>> -> memref<1x125x80xi32, #tpu.memory_space<hbm>>
      %dma_wait3A_53 = tpu.memref_squeeze %dma_wait3A_52 : memref<1x125x80xi32, #tpu.memory_space<hbm>> -> memref<125x80xi32, #tpu.memory_space<hbm>>
      %dma_wait3A_54 = arith.constant 0 : i32
      %dma_wait3A_55 = arith.constant 0 : i32
      %dma_wait3A_56 = tpu.memref_slice %arg2[%add3A, %dma_wait3A_54, %dma_wait3A_55] : memref<32x125x80xi32, #tpu.memory_space<hbm>> -> memref<1x125x80xi32, #tpu.memory_space<hbm>>
      %dma_wait3A_57 = tpu.memref_squeeze %dma_wait3A_56 : memref<1x125x80xi32, #tpu.memory_space<hbm>> -> memref<125x80xi32, #tpu.memory_space<hbm>>
      tpu.wait_dma2 semaphore(%run_scoped3A : memref<!tpu.dma_semaphore, #tpu.memory_space<semaphore_mem>>) src(%dma_wait3A_57 : memref<125x80xi32, #tpu.memory_space<hbm>>) dst(%arg6 : memref<125x80xi32, #tpu.memory_space<vmem>>)
      tpu.yield
    }) : () -> ()
    %broadcast_in_dim3A = arith.constant 1.000000e+00 : f32
    %broadcast_in_dim3A_3 = vector.broadcast %broadcast_in_dim3A : f32 to vector<16xf32>
    %swap3A = arith.constant 0 : index
    %swap3A_4 = tpu.vector_load %arg7[%swap3A] {strides = array<i32>} : memref<80xf32, #tpu.memory_space<vmem>>, vector<16xf32>,
    %swap3A_5 = vector.shape_cast %swap3A_4 : vector<16xf32> to vector<16xf32>
    %swap3A_6 = vector.shape_cast %broadcast_in_dim3A_3 : vector<16xf32> to vector<16xf32>
    tpu.vector_store %arg7[%swap3A], %swap3A_6 {strides = array<i32>} : memref<80xf32, #tpu.memory_space<vmem>>, vector<16xf32>,
    %broadcast_in_dim3A_7 = arith.constant 1.000000e+00 : f32
    %broadcast_in_dim3A_8 = vector.broadcast %broadcast_in_dim3A_7 : f32 to vector<16xf32>
    %swap3A_9 = arith.constant 16 : index
    %swap3A_10 = tpu.vector_load %arg7[%swap3A_9] {strides = array<i32>} : memref<80xf32, #tpu.memory_space<vmem>>, vector<16xf32>,
    %swap3A_11 = vector.shape_cast %swap3A_10 : vector<16xf32> to vector<16xf32>
    %swap3A_12 = vector.shape_cast %broadcast_in_dim3A_8 : vector<16xf32> to vector<16xf32>
    tpu.vector_store %arg7[%swap3A_9], %swap3A_12 {strides = array<i32>} : memref<80xf32, #tpu.memory_space<vmem>>, vector<16xf32>,
    %broadcast_in_dim3A_13 = arith.constant 1.000000e+00 : f32
    %broadcast_in_dim3A_14 = vector.broadcast %broadcast_in_dim3A_13 : f32 to vector<16xf32>
    %swap3A_15 = arith.constant 32 : index
    %swap3A_16 = tpu.vector_load %arg7[%swap3A_15] {strides = array<i32>} : memref<80xf32, #tpu.memory_space<vmem>>, vector<16xf32>,
    %swap3A_17 = vector.shape_cast %swap3A_16 : vector<16xf32> to vector<16xf32>
    %swap3A_18 = vector.shape_cast %broadcast_in_dim3A_14 : vector<16xf32> to vector<16xf32>
    tpu.vector_store %arg7[%swap3A_15], %swap3A_18 {strides = array<i32>} : memref<80xf32, #tpu.memory_space<vmem>>, vector<16xf32>,
    %broadcast_in_dim3A_19 = arith.constant 1.000000e+00 : f32
    %broadcast_in_dim3A_20 = vector.broadcast %broadcast_in_dim3A_19 : f32 to vector<16xf32>
    %swap3A_21 = arith.constant 48 : index
    %swap3A_22 = tpu.vector_load %arg7[%swap3A_21] {strides = array<i32>} : memref<80xf32, #tpu.memory_space<vmem>>, vector<16xf32>,
    %swap3A_23 = vector.shape_cast %swap3A_22 : vector<16xf32> to vector<16xf32>
    %swap3A_24 = vector.shape_cast %broadcast_in_dim3A_20 : vector<16xf32> to vector<16xf32>
    tpu.vector_store %arg7[%swap3A_21], %swap3A_24 {strides = array<i32>} : memref<80xf32, #tpu.memory_space<vmem>>, vector<16xf32>,
    %broadcast_in_dim3A_25 = arith.constant 1.000000e+00 : f32
    %broadcast_in_dim3A_26 = vector.broadcast %broadcast_in_dim3A_25 : f32 to vector<16xf32>
    %swap3A_27 = arith.constant 64 : index
    %swap3A_28 = tpu.vector_load %arg7[%swap3A_27] {strides = array<i32>} : memref<80xf32, #tpu.memory_space<vmem>>, vector<16xf32>,
    %swap3A_29 = vector.shape_cast %swap3A_28 : vector<16xf32> to vector<16xf32>
    %swap3A_30 = vector.shape_cast %broadcast_in_dim3A_26 : vector<16xf32> to vector<16xf32>
    tpu.vector_store %arg7[%swap3A_27], %swap3A_30 {strides = array<i32>} : memref<80xf32, #tpu.memory_space<vmem>>, vector<16xf32>,
    %barrier3A = arith.constant 0 : index
    tpu.barrier barrier_id(%barrier3A)
    %scan3A = arith.constant 0 : i32
    %scan3A_31 = arith.constant 0 : i32
    %scan3A_32 = arith.constant 125 : i32
    %scan3A_33 = arith.addi %scan3A_31, %scan3A_32 : i32
    %scan3A_34 = arith.constant 1 : i32
    scf.for %scan3A_44 = %scan3A_31 to %scan3A_33 step %scan3A_34  : i32 {
      "tpu.region"() ({
        %run_scoped3A = tpu.sem_alloc : memref<!tpu.dma_semaphore, #tpu.memory_space<semaphore_mem>>
        %dma_start3A = arith.constant 0 : i32
        %dma_start3A_45 = tpu.memref_slice %arg6[%scan3A_44, %dma_start3A] : memref<125x80xi32, #tpu.memory_space<vmem>> -> memref<1x80xi32, #tpu.memory_space<vmem>>
        %dma_start3A_46 = tpu.memref_squeeze %dma_start3A_45 : memref<1x80xi32, #tpu.memory_space<vmem>> -> memref<80xi32, #tpu.memory_space<vmem>>
        %dma_start3A_47 = arith.constant 0 : i32
        %dma_start3A_48 = tpu.memref_slice %arg5[%dma_start3A_47] : memref<10240xf32, #tpu.memory_space<vmem_shared>> -> memref<10240xf32, #tpu.memory_space<vmem_shared>>
        tpu.enqueue_indirect_dma source(%arg7 : memref<80xf32, #tpu.memory_space<vmem>>) target(%dma_start3A_48 : memref<10240xf32, #tpu.memory_space<vmem_shared>>) offsets(%dma_start3A_46 : memref<80xi32, #tpu.memory_space<vmem>>) semaphore(%run_scoped3A : memref<!tpu.dma_semaphore, #tpu.memory_space<semaphore_mem>>) {add = true}
        %dma_wait3A = arith.constant 0 : i32
        %dma_wait3A_49 = tpu.memref_slice %arg6[%scan3A_44, %dma_wait3A] : memref<125x80xi32, #tpu.memory_space<vmem>> -> memref<1x80xi32, #tpu.memory_space<vmem>>
        %dma_wait3A_50 = tpu.memref_squeeze %dma_wait3A_49 : memref<1x80xi32, #tpu.memory_space<vmem>> -> memref<80xi32, #tpu.memory_space<vmem>>
        %dma_wait3A_51 = arith.constant 0 : i32
        %dma_wait3A_52 = tpu.memref_slice %arg5[%dma_wait3A_51] : memref<10240xf32, #tpu.memory_space<vmem_shared>> -> memref<10240xf32, #tpu.memory_space<vmem_shared>>
        tpu.wait_indirect_dma semaphore(%run_scoped3A : memref<!tpu.dma_semaphore, #tpu.memory_space<semaphore_mem>>) src(%arg7 : memref<80xf32, #tpu.memory_space<vmem>>) dst(%dma_wait3A_52 : memref<10240xf32, #tpu.memory_space<vmem_shared>>)
        tpu.yield
      }) : () -> ()
    }
    %scan3A_35 = arith.constant 125 : i32
    %barrier3A_36 = arith.constant 0 : index
    tpu.barrier barrier_id(%barrier3A_36)
    %mul3A_37 = arith.constant 640 : i32
    %mul3A_38 = arith.muli %arg1, %mul3A_37 : i32
    %mul3A_39 = arith.constant 10240 : i32
    %mul3A_40 = arith.muli %arg0, %mul3A_39 : i32
    %mul3A_41 = arith.constant 640 : i32
    %mul3A_42 = arith.muli %arg1, %mul3A_41 : i32
    %add3A_43 = arith.addi %mul3A_40, %mul3A_42 : i32
    "tpu.region"() ({
      %run_scoped3A = tpu.sem_alloc : memref<!tpu.dma_semaphore, #tpu.memory_space<semaphore_mem>>
      %dma_start3A = tpu.memref_slice %arg4[%add3A_43] : memref<20480xf32, #tpu.memory_space<hbm>> -> memref<640xf32, #tpu.memory_space<hbm>>
      %dma_start3A_44 = tpu.memref_slice %arg5[%mul3A_38] : memref<10240xf32, #tpu.memory_space<vmem_shared>> -> memref<640xf32, #tpu.memory_space<vmem_shared>>
      tpu.enqueue_dma source(%dma_start3A_44 : memref<640xf32, #tpu.memory_space<vmem_shared>>) target(%dma_start3A : memref<640xf32, #tpu.memory_space<hbm>>) target_semaphore(%run_scoped3A : memref<!tpu.dma_semaphore, #tpu.memory_space<semaphore_mem>>)
      %dma_wait3A = tpu.memref_slice %arg4[%add3A_43] : memref<20480xf32, #tpu.memory_space<hbm>> -> memref<640xf32, #tpu.memory_space<hbm>>
      %dma_wait3A_45 = tpu.memref_slice %arg5[%mul3A_38] : memref<10240xf32, #tpu.memory_space<vmem_shared>> -> memref<640xf32, #tpu.memory_space<vmem_shared>>
      tpu.wait_dma2 semaphore(%run_scoped3A : memref<!tpu.dma_semaphore, #tpu.memory_space<semaphore_mem>>) src(%dma_wait3A_45 : memref<640xf32, #tpu.memory_space<vmem_shared>>) dst(%dma_wait3A : memref<640xf32, #tpu.memory_space<hbm>>)
      tpu.yield
    }) : () -> ()
    return
  }
}

module attributes {stable_mosaic.version = 14 : i64} {
  func.func @_layer1_body(%arg0: i32, %arg1: memref<2000x128xf32, #tpu.memory_space<vmem>>, %arg2: memref<128x128xf32, #tpu.memory_space<vmem>>, %arg3: memref<2000x1xf32, #tpu.memory_space<vmem>>, %arg4: memref<2000x1xf32, #tpu.memory_space<vmem>>, %arg5: memref<2000x128xf32, #tpu.memory_space<vmem>>, %arg6: memref<2000x1xf32, #tpu.memory_space<vmem>>) attributes {dimension_semantics = [#tpu.dimension_semantics<arbitrary>], iteration_bounds = array<i64: 5>, scalar_prefetch = 0 : i64, scratch_operands = 0 : i64, tpu.core_type = #tpu.core_type<tc>, window_params = [{transform_indices = @transform_0, window_bounds = array<i64: 2000, 128>}, {pipeline_mode = #tpu.pipeline_mode<synchronous>, transform_indices = @transform_1, window_bounds = array<i64: 128, 128>}, {transform_indices = @transform_2, window_bounds = array<i64: 2000, 1>}, {transform_indices = @transform_3, window_bounds = array<i64: 2000, 1>}, {transform_indices = @transform_4, window_bounds = array<i64: 2000, 128>}, {transform_indices = @transform_5, window_bounds = array<i64: 2000, 1>}]} {
    %get3A = arith.constant 0 : index
    %get3A_0 = arith.constant 0 : index
    %get3A_1 = vector.load %arg3[%get3A, %get3A_0] : memref<2000x1xf32, #tpu.memory_space<vmem>>, vector<2000x1xf32>
    %get3A_2 = arith.constant 0 : index
    %get3A_3 = arith.constant 0 : index
    %get3A_4 = vector.load %arg4[%get3A_2, %get3A_3] : memref<2000x1xf32, #tpu.memory_space<vmem>>, vector<2000x1xf32>
    %add3A = arith.addf %get3A_1, %get3A_4 : vector<2000x1xf32>
    %add3A_5 = arith.constant 1.000000e+00 : f32
    %add3A_6 = vector.broadcast %add3A_5 : f32 to vector<2000x1xf32>
    %add3A_7 = arith.addf %add3A, %add3A_6 : vector<2000x1xf32>
    %rsqrt3A = math.rsqrt %add3A_7 : vector<2000x1xf32>
    %get3A_8 = arith.constant 0 : index
    %get3A_9 = arith.constant 0 : index
    %get3A_10 = vector.load %arg1[%get3A_8, %get3A_9] : memref<2000x128xf32, #tpu.memory_space<vmem>>, vector<2000x128xf32>
    %get3A_11 = arith.constant 0 : index
    %get3A_12 = arith.constant 0 : index
    %get3A_13 = vector.load %arg2[%get3A_11, %get3A_12] : memref<128x128xf32, #tpu.memory_space<vmem>>, vector<128x128xf32>
    %dot_general3A = arith.constant dense<0.000000e+00> : vector<2000x128xf32>
    %dot_general3A_14 = tpu.matmul %get3A_10, %get3A_13, %dot_general3A {dimension_numbers = #tpu.dot_dimension_numbers<[1], [0], [0], [1], [0, 0, 1, 1], [], []>, transpose_lhs_hint = false} : vector<2000x128xf32>, vector<128x128xf32>, vector<2000x128xf32> -> vector<2000x128xf32>
    %mul3A = vector.broadcast %rsqrt3A : vector<2000x1xf32> to vector<2000x128xf32>
    %mul3A_15 = arith.mulf %dot_general3A_14, %mul3A : vector<2000x128xf32>
    %swap3A = arith.constant 0 : index
    %swap3A_16 = arith.constant 0 : index
    %swap3A_17 = vector.load %arg5[%swap3A, %swap3A_16] : memref<2000x128xf32, #tpu.memory_space<vmem>>, vector<2000x128xf32>
    tpu.vector_store %arg5[%swap3A, %swap3A_16], %mul3A_15 {strides = array<i32>} : memref<2000x128xf32, #tpu.memory_space<vmem>>, vector<2000x128xf32>,
    %swap3A_18 = arith.constant 0 : index
    %swap3A_19 = arith.constant 0 : index
    %swap3A_20 = vector.load %arg6[%swap3A_18, %swap3A_19] : memref<2000x1xf32, #tpu.memory_space<vmem>>, vector<2000x1xf32>
    tpu.vector_store %arg6[%swap3A_18, %swap3A_19], %rsqrt3A {strides = array<i32>} : memref<2000x1xf32, #tpu.memory_space<vmem>>, vector<2000x1xf32>,
    return
  }
  func.func @transform_0(%arg0: i32) -> (i32, i32) {
    %c0_i32 = arith.constant 0 : i32
    %c0_i32_0 = arith.constant 0 : i32
    return %arg0, %c0_i32 : i32, i32
  }
  func.func @transform_1(%arg0: i32) -> (i32, i32) {
    %c0_i32 = arith.constant 0 : i32
    %c0_i32_0 = arith.constant 0 : i32
    %c0_i32_1 = arith.constant 0 : i32
    return %c0_i32, %c0_i32_0 : i32, i32
  }
  func.func @transform_2(%arg0: i32) -> (i32, i32) {
    %c0_i32 = arith.constant 0 : i32
    %c0_i32_0 = arith.constant 0 : i32
    return %arg0, %c0_i32 : i32, i32
  }
  func.func @transform_3(%arg0: i32) -> (i32, i32) {
    %c0_i32 = arith.constant 0 : i32
    %c0_i32_0 = arith.constant 0 : i32
    return %arg0, %c0_i32 : i32, i32
  }
  func.func @transform_4(%arg0: i32) -> (i32, i32) {
    %c0_i32 = arith.constant 0 : i32
    %c0_i32_0 = arith.constant 0 : i32
    return %arg0, %c0_i32 : i32, i32
  }
  func.func @transform_5(%arg0: i32) -> (i32, i32) {
    %c0_i32 = arith.constant 0 : i32
    %c0_i32_0 = arith.constant 0 : i32
    return %arg0, %c0_i32 : i32, i32
  }
}

module attributes {stable_mosaic.version = 14 : i64} {
  func.func @_layer2_body(%arg0: i32, %arg1: memref<2000x128xf32, #tpu.memory_space<vmem>>, %arg2: memref<2000x128xf32, #tpu.memory_space<vmem>>, %arg3: memref<2000x128xf32, #tpu.memory_space<vmem>>, %arg4: memref<2000x1xf32, #tpu.memory_space<vmem>>, %arg5: memref<1x128xf32, #tpu.memory_space<vmem>>, %arg6: memref<128x64xf32, #tpu.memory_space<vmem>>, %arg7: memref<2000x64xf32, #tpu.memory_space<vmem>>) attributes {dimension_semantics = [#tpu.dimension_semantics<arbitrary>], iteration_bounds = array<i64: 5>, scalar_prefetch = 0 : i64, scratch_operands = 0 : i64, tpu.core_type = #tpu.core_type<tc>, window_params = [{transform_indices = @transform_0, window_bounds = array<i64: 2000, 128>}, {transform_indices = @transform_1, window_bounds = array<i64: 2000, 128>}, {transform_indices = @transform_2, window_bounds = array<i64: 2000, 128>}, {transform_indices = @transform_3, window_bounds = array<i64: 2000, 1>}, {pipeline_mode = #tpu.pipeline_mode<synchronous>, transform_indices = @transform_4, window_bounds = array<i64: 1, 128>}, {pipeline_mode = #tpu.pipeline_mode<synchronous>, transform_indices = @transform_5, window_bounds = array<i64: 128, 64>}, {transform_indices = @transform_6, window_bounds = array<i64: 2000, 64>}]} {
    %get3A = arith.constant 0 : index
    %get3A_0 = arith.constant 0 : index
    %get3A_1 = vector.load %arg4[%get3A, %get3A_0] : memref<2000x1xf32, #tpu.memory_space<vmem>>, vector<2000x1xf32>
    %get3A_2 = arith.constant 0 : index
    %get3A_3 = arith.constant 0 : index
    %get3A_4 = vector.load %arg1[%get3A_2, %get3A_3] : memref<2000x128xf32, #tpu.memory_space<vmem>>, vector<2000x128xf32>
    %get3A_5 = arith.constant 0 : index
    %get3A_6 = arith.constant 0 : index
    %get3A_7 = vector.load %arg2[%get3A_5, %get3A_6] : memref<2000x128xf32, #tpu.memory_space<vmem>>, vector<2000x128xf32>
    %add3A = arith.addf %get3A_4, %get3A_7 : vector<2000x128xf32>
    %get3A_8 = arith.constant 0 : index
    %get3A_9 = arith.constant 0 : index
    %get3A_10 = vector.load %arg3[%get3A_8, %get3A_9] : memref<2000x128xf32, #tpu.memory_space<vmem>>, vector<2000x128xf32>
    %add3A_11 = arith.addf %add3A, %get3A_10 : vector<2000x128xf32>
    %mul3A = vector.broadcast %get3A_1 : vector<2000x1xf32> to vector<2000x128xf32>
    %mul3A_12 = arith.mulf %mul3A, %add3A_11 : vector<2000x128xf32>
    %get3A_13 = arith.constant 0 : index
    %get3A_14 = arith.constant 0 : index
    %get3A_15 = vector.load %arg5[%get3A_13, %get3A_14] : memref<1x128xf32, #tpu.memory_space<vmem>>, vector<1x128xf32>
    %add3A_16 = vector.broadcast %get3A_15 : vector<1x128xf32> to vector<2000x128xf32>
    %add3A_17 = arith.addf %mul3A_12, %add3A_16 : vector<2000x128xf32>
    %max3A = arith.constant 0.000000e+00 : f32
    %max3A_18 = vector.broadcast %max3A : f32 to vector<2000x128xf32>
    %max3A_19 = arith.maximumf %add3A_17, %max3A_18 : vector<2000x128xf32>
    %get3A_20 = arith.constant 0 : index
    %get3A_21 = arith.constant 0 : index
    %get3A_22 = vector.load %arg6[%get3A_20, %get3A_21] : memref<128x64xf32, #tpu.memory_space<vmem>>, vector<128x64xf32>
    %dot_general3A = arith.constant dense<0.000000e+00> : vector<2000x64xf32>
    %dot_general3A_23 = tpu.matmul %max3A_19, %get3A_22, %dot_general3A {dimension_numbers = #tpu.dot_dimension_numbers<[1], [0], [0], [1], [0, 0, 1, 1], [], []>, transpose_lhs_hint = false} : vector<2000x128xf32>, vector<128x64xf32>, vector<2000x64xf32> -> vector<2000x64xf32>
    %mul3A_24 = vector.broadcast %get3A_1 : vector<2000x1xf32> to vector<2000x64xf32>
    %mul3A_25 = arith.mulf %dot_general3A_23, %mul3A_24 : vector<2000x64xf32>
    %swap3A = arith.constant 0 : index
    %swap3A_26 = arith.constant 0 : index
    %swap3A_27 = vector.load %arg7[%swap3A, %swap3A_26] : memref<2000x64xf32, #tpu.memory_space<vmem>>, vector<2000x64xf32>
    tpu.vector_store %arg7[%swap3A, %swap3A_26], %mul3A_25 {strides = array<i32>} : memref<2000x64xf32, #tpu.memory_space<vmem>>, vector<2000x64xf32>,
    return
  }
  func.func @transform_0(%arg0: i32) -> (i32, i32) {
    %c0_i32 = arith.constant 0 : i32
    %c0_i32_0 = arith.constant 0 : i32
    return %arg0, %c0_i32 : i32, i32
  }
  func.func @transform_1(%arg0: i32) -> (i32, i32) {
    %c0_i32 = arith.constant 0 : i32
    %c0_i32_0 = arith.constant 0 : i32
    return %arg0, %c0_i32 : i32, i32
  }
  func.func @transform_2(%arg0: i32) -> (i32, i32) {
    %c0_i32 = arith.constant 0 : i32
    %c0_i32_0 = arith.constant 0 : i32
    return %arg0, %c0_i32 : i32, i32
  }
  func.func @transform_3(%arg0: i32) -> (i32, i32) {
    %c0_i32 = arith.constant 0 : i32
    %c0_i32_0 = arith.constant 0 : i32
    return %arg0, %c0_i32 : i32, i32
  }
  func.func @transform_4(%arg0: i32) -> (i32, i32) {
    %c0_i32 = arith.constant 0 : i32
    %c0_i32_0 = arith.constant 0 : i32
    %c0_i32_1 = arith.constant 0 : i32
    return %c0_i32, %c0_i32_0 : i32, i32
  }
  func.func @transform_5(%arg0: i32) -> (i32, i32) {
    %c0_i32 = arith.constant 0 : i32
    %c0_i32_0 = arith.constant 0 : i32
    %c0_i32_1 = arith.constant 0 : i32
    return %c0_i32, %c0_i32_0 : i32, i32
  }
  func.func @transform_6(%arg0: i32) -> (i32, i32) {
    %c0_i32 = arith.constant 0 : i32
    %c0_i32_0 = arith.constant 0 : i32
    return %arg0, %c0_i32 : i32, i32
  }
}

module attributes {stable_mosaic.version = 14 : i64} {
  func.func @_final_body(%arg0: i32, %arg1: memref<2000x64xf32, #tpu.memory_space<vmem>>, %arg2: memref<2000x64xf32, #tpu.memory_space<vmem>>, %arg3: memref<2000x64xf32, #tpu.memory_space<vmem>>, %arg4: memref<2000x1xf32, #tpu.memory_space<vmem>>, %arg5: memref<1x64xf32, #tpu.memory_space<vmem>>, %arg6: memref<2000x64xf32, #tpu.memory_space<vmem>>) attributes {dimension_semantics = [#tpu.dimension_semantics<arbitrary>], iteration_bounds = array<i64: 5>, scalar_prefetch = 0 : i64, scratch_operands = 0 : i64, tpu.core_type = #tpu.core_type<tc>, window_params = [{transform_indices = @transform_0, window_bounds = array<i64: 2000, 64>}, {transform_indices = @transform_1, window_bounds = array<i64: 2000, 64>}, {transform_indices = @transform_2, window_bounds = array<i64: 2000, 64>}, {transform_indices = @transform_3, window_bounds = array<i64: 2000, 1>}, {pipeline_mode = #tpu.pipeline_mode<synchronous>, transform_indices = @transform_4, window_bounds = array<i64: 1, 64>}, {transform_indices = @transform_5, window_bounds = array<i64: 2000, 64>}]} {
    %get3A = arith.constant 0 : index
    %get3A_0 = arith.constant 0 : index
    %get3A_1 = vector.load %arg4[%get3A, %get3A_0] : memref<2000x1xf32, #tpu.memory_space<vmem>>, vector<2000x1xf32>
    %get3A_2 = arith.constant 0 : index
    %get3A_3 = arith.constant 0 : index
    %get3A_4 = vector.load %arg1[%get3A_2, %get3A_3] : memref<2000x64xf32, #tpu.memory_space<vmem>>, vector<2000x64xf32>
    %get3A_5 = arith.constant 0 : index
    %get3A_6 = arith.constant 0 : index
    %get3A_7 = vector.load %arg2[%get3A_5, %get3A_6] : memref<2000x64xf32, #tpu.memory_space<vmem>>, vector<2000x64xf32>
    %add3A = arith.addf %get3A_4, %get3A_7 : vector<2000x64xf32>
    %get3A_8 = arith.constant 0 : index
    %get3A_9 = arith.constant 0 : index
    %get3A_10 = vector.load %arg3[%get3A_8, %get3A_9] : memref<2000x64xf32, #tpu.memory_space<vmem>>, vector<2000x64xf32>
    %add3A_11 = arith.addf %add3A, %get3A_10 : vector<2000x64xf32>
    %mul3A = vector.broadcast %get3A_1 : vector<2000x1xf32> to vector<2000x64xf32>
    %mul3A_12 = arith.mulf %mul3A, %add3A_11 : vector<2000x64xf32>
    %get3A_13 = arith.constant 0 : index
    %get3A_14 = arith.constant 0 : index
    %get3A_15 = vector.load %arg5[%get3A_13, %get3A_14] : memref<1x64xf32, #tpu.memory_space<vmem>>, vector<1x64xf32>
    %add3A_16 = vector.broadcast %get3A_15 : vector<1x64xf32> to vector<2000x64xf32>
    %add3A_17 = arith.addf %mul3A_12, %add3A_16 : vector<2000x64xf32>
    %swap3A = arith.constant 0 : index
    %swap3A_18 = arith.constant 0 : index
    %swap3A_19 = vector.load %arg6[%swap3A, %swap3A_18] : memref<2000x64xf32, #tpu.memory_space<vmem>>, vector<2000x64xf32>
    tpu.vector_store %arg6[%swap3A, %swap3A_18], %add3A_17 {strides = array<i32>} : memref<2000x64xf32, #tpu.memory_space<vmem>>, vector<2000x64xf32>,
    return
  }
  func.func @transform_0(%arg0: i32) -> (i32, i32) {
    %c0_i32 = arith.constant 0 : i32
    %c0_i32_0 = arith.constant 0 : i32
    return %arg0, %c0_i32 : i32, i32
  }
  func.func @transform_1(%arg0: i32) -> (i32, i32) {
    %c0_i32 = arith.constant 0 : i32
    %c0_i32_0 = arith.constant 0 : i32
    return %arg0, %c0_i32 : i32, i32
  }
  func.func @transform_2(%arg0: i32) -> (i32, i32) {
    %c0_i32 = arith.constant 0 : i32
    %c0_i32_0 = arith.constant 0 : i32
    return %arg0, %c0_i32 : i32, i32
  }
  func.func @transform_3(%arg0: i32) -> (i32, i32) {
    %c0_i32 = arith.constant 0 : i32
    %c0_i32_0 = arith.constant 0 : i32
    return %arg0, %c0_i32 : i32, i32
  }
  func.func @transform_4(%arg0: i32) -> (i32, i32) {
    %c0_i32 = arith.constant 0 : i32
    %c0_i32_0 = arith.constant 0 : i32
    %c0_i32_1 = arith.constant 0 : i32
    return %c0_i32, %c0_i32_0 : i32, i32
  }
  func.func @transform_5(%arg0: i32) -> (i32, i32) {
    %c0_i32 = arith.constant 0 : i32
    %c0_i32_0 = arith.constant 0 : i32
    return %arg0, %c0_i32 : i32, i32
  }
}

</mosaic_0001>

<sc_bundles>
// kernel: kernel.11.cloned.1.call-start
scs
__scs_entry_jumppad:
0x0: {  	(pc) =	sbr.rel $0x88, $3  }
0x1: {  	(tag) =	ssettag $0x0;
	lr =	simm.s32 $0x1  }
0x2: {  	[smem:$0x3F9B] =	sst lr;
	_ =	strace $0xD0000000  }
0x3: {  	_ = 	snop  }
0x4: {  	_ = 	snop  }
0x5: {  	_ = 	snop  }
0x6: {  	_ = 	snop  }
0x7: {  	_ = 	snop  }
__scs_overlays_trampoline_lowered:
0x8: {  	[smem:$0x3FAA] =	sst s0  }
0x9: {  	[smem:$0x3FAB] =	sst s1  }
0xa: {  	[smem:$0x3FAC] =	sst s2  }
0xb: {  	[smem:$0x3FAD] =	sst s3  }
0xc: {  	[smem:$0x3FAE] =	sst s4  }
0xd: {  	[smem:$0x3FAF] =	sst s5  }
0xe: {  	[smem:$0x3FB0] =	sst s6  }
0xf: {  	[smem:$0x3FB1] =	sst s7  }
0x10: {  	[smem:$0x3FB2] =	sst s8  }
0x11: {  	[smem:$0x3FB3] =	sst s9;
	s0 =	simm.s32 @!p0 $0x0  }
0x12: {  	s1 =	sld [smem:$0x3F99];
	s0 =	simm.s32 @p0 $0x1  }
0x13: {  	[smem:$0x3FB4] =	sst s0;
	s0 =	simm.s32 @!p1 $0x0  }
0x14: {  	s2 =	sld [smem:$0x3F98];
	s0 =	simm.s32 @p1 $0x1  }
0x15: {  	[smem:$0x3FB5] =	sst s0;
	s0 =	simm.s32 @!p2 $0x0  }
0x16: {  	s3 =	sld [smem:$0x3FDB];
	s0 =	simm.s32 @p2 $0x1  }
0x17: {  	s4 =	simm.s32 $0x1BF5;
	[smem:$0x3FB7] =	sst s0  }
0x18: {  	s0 =	sld [smem:$0x3F9A];
	_ =	swait.ge [sflag:s4], $0x0  }
0x19: {  	s7 =	sld [smem:$0x3F9B]  }
0x1a: {  	s8 =	sadd.s32 $0xFFFFE003, lr  }
0x1b: {  	s9 =	sadd.s32 $0xFFFFFEF7, lr;
	s5 =	simm.s32 $0xFFFFFFFF;
	p2 =	slt.u32 s8, $0xFFFFF086  }
0x1c: {  	p1 =	slt.u32 s9, $0xF7A;
	s5 =	simm.s32 @!p2 $0x0  }
0x1d: {  	s5 =	simm.s32 @p1 $0x1;
	p0 =	seq.s32 s7, s2  }
0x1e: {  	s7 =	smul.u32 @!p0 $0xF7A, s2;
	p2 =	seq.s32 @!p0 s5, $0x0  }
0x1f: {  	s9 =	smul.u32 $0xF7A, s1;
	s8 =	simm.s32 @!p0 $0x1BF5;
	p2 =	por !p2, p0  }
0x20: {  	[sflag:s8] =	ssyncset.s32 @!p0 $0xFFFFF086;
	s6 =	sadd.s32 @!p0 s3, s7;
	s7 =	simm.s32 @!p0 $0x108  }
0x21: {  	s3 =	sadd.s32 s3, s9;
	s6 =	sadd.s32 @!p0 $0x88, s6;
	s7 =	simm.s32 @p2 $0x1082  }
0x22: {  	[simem:s7], [sflag:s8] =	dma.local @!p0 [hbm:s6], $0xF7A  }
0x23: {  	s9 =	sor.u32 $0xD0000000, s2;
	s6 =	simm.s32 $0x108;
	_ =	swait.ge @!p0 [sflag:s8], $0x0  }
0x24: {  	s3 =	sadd.s32 $0x88, s3;
	s6 =	simm.s32 @!p1 $0x1082;
	[sflag:s4] =	ssyncset.s32 $0xFFFFF086  }
0x25: {  	[simem:s6], [sflag:s4] =	dma.local [hbm:s3], $0xF7A  }
0x26: {  	[smem:$0x3F9B] =	sst s1;
	(tag) =	ssettag s2;
	_ =	strace s9  }
0x27: {  	s1 =	sld [smem:$0x3FAB]  }
0x28: {  	s2 =	sld [smem:$0x3FAC]  }
0x29: {  	s4 =	sld [smem:$0x3FAE]  }
0x2a: {  	p0 =	seq.s32 s5, $0x0;
	s5 =	sld [smem:$0x3FAF]  }
0x2b: {  	s6 =	sld [smem:$0x3FB0]  }
0x2c: {  	s7 =	sld [smem:$0x3FB1]  }
0x2d: {  	s3 =	simm.s32 $0x108;
	s8 =	sld [smem:$0x3FB2]  }
0x2e: {  	s3 =	simm.s32 @!p0 $0x1082;
	s9 =	sld [smem:$0x3FB3]  }
0x2f: {  	lr =	sadd.s32 s0, s3;
	s0 =	sld [smem:$0x3FAA]  }
0x30: {  	s3 =	sld [smem:$0x3FAD]  }
0x31: {  	[smem:$0x3FB6] =	sst s10  }
0x32: {  	s10 =	sld [smem:$0x3FB4];
	_ =	sdelay $0x3  }
0x33: {  	p0 =	seq.s32 s10, $0x1;
	s10 =	sld [smem:$0x3FB6];
	_ =	sdelay $0x3  }
0x34: {  	[smem:$0x3FB6] =	sst s10  }
0x35: {  	s10 =	sld [smem:$0x3FB5];
	_ =	sdelay $0x3  }
0x36: {  	p1 =	seq.s32 s10, $0x1;
	s10 =	sld [smem:$0x3FB6];
	_ =	sdelay $0x3  }
0x37: {  	[smem:$0x3FB6] =	sst s10  }
0x38: {  	s10 =	sld [smem:$0x3FB7]  }
0x39: {  	_ = 	snop;
	(pc) =	sbr.ind lr, $3  }
0x3a: {  	_ = 	snop  }
0x3b: {  	_ = 	snop  }
0x3c: {  	p2 =	seq.s32 s10, $0x1;
	s10 =	sld [smem:$0x3FB6]  }
0x3d: {  	_ =	shalt  }
0x3e: {  	_ =	shalt  }
0x3f: {  	_ =	shalt  }
0x40: {  	_ =	shalt  }
0x41: {  	_ =	shalt  }
0x42: {  	_ =	shalt  }
0x43: {  	_ =	shalt  }
0x44: {  	_ =	shalt  }
0x45: {  	_ =	shalt  }
0x46: {  	_ =	shalt  }
0x47: {  	_ =	shalt  }
0x48: {  	_ =	shalt  }
0x49: {  	_ =	shalt  }
0x4a: {  	_ =	shalt  }
0x4b: {  	_ =	shalt  }
0x4c: {  	_ =	shalt  }
0x4d: {  	_ =	shalt  }
0x4e: {  	_ =	shalt  }
0x4f: {  	_ =	shalt  }
0x50: {  	_ =	shalt  }
0x51: {  	_ =	shalt  }
0x52: {  	_ =	shalt  }
0x53: {  	_ =	shalt  }
0x54: {  	_ =	shalt  }
0x55: {  	_ =	shalt  }
0x56: {  	_ =	shalt  }
0x57: {  	_ =	shalt  }
0x58: {  	_ =	shalt  }
0x59: {  	_ =	shalt  }
0x5a: {  	_ =	shalt  }
0x5b: {  	_ =	shalt  }
0x5c: {  	_ =	shalt  }
0x5d: {  	_ =	shalt  }
0x5e: {  	_ =	shalt  }
0x5f: {  	_ =	shalt  }
0x60: {  	_ =	shalt  }
0x61: {  	_ =	shalt  }
0x62: {  	_ =	shalt  }
0x63: {  	_ =	shalt  }
0x64: {  	_ =	shalt  }
0x65: {  	_ =	shalt  }
0x66: {  	_ =	shalt  }
0x67: {  	_ =	shalt  }
0x68: {  	_ =	shalt  }
0x69: {  	_ =	shalt  }
0x6a: {  	_ =	shalt  }
0x6b: {  	_ =	shalt  }
0x6c: {  	_ =	shalt  }
0x6d: {  	_ =	shalt  }
0x6e: {  	_ =	shalt  }
0x6f: {  	_ =	shalt  }
0x70: {  	_ =	shalt  }
0x71: {  	_ =	shalt  }
0x72: {  	_ =	shalt  }
0x73: {  	_ =	shalt  }
0x74: {  	_ =	shalt  }
0x75: {  	_ =	shalt  }
0x76: {  	_ =	shalt  }
0x77: {  	_ =	shalt  }
0x78: {  	_ =	shalt  }
0x79: {  	_ =	shalt  }
0x7a: {  	_ =	shalt  }
0x7b: {  	_ =	shalt  }
0x7c: {  	_ =	shalt  }
0x7d: {  	_ =	shalt  }
0x7e: {  	_ =	shalt  }
0x7f: {  	_ =	shalt  }
0x80: {  	_ =	shalt  }
0x81: {  	_ =	shalt  }
0x82: {  	_ =	shalt  }
0x83: {  	_ =	shalt  }
0x84: {  	_ =	shalt  }
0x85: {  	_ =	shalt  }
0x86: {  	_ =	shalt  }
0x87: {  	_ =	shalt  }
.Lfunc_end0:
.L_simem_size_0:
called_computation.1_lowered:
.L_overlay_start_0:
0x88: {  	s2 =	sld [smem:$0x3FD9]  }
0x89: {  	s3 =	sld [smem:$0x3FFE];
	_ =	sdelay $0x1  }
0x8a: {  	s1 =	srdreg.scid  }
0x8b: {  	s0 =	sand.u32 $0x1, s1  }
0x8c: {  	s17 =	sshll.u32 s0, $0xA;
	s2 =	sadd.s32 s3, s2  }
0x8d: {  	s2 =	sadd.s32 s2, s17  }
0x8e: {  	[smem:$0x3FC2] =	sst s2  }
0x8f: {  	_ = 	snop  }
0x90: {  	s2 =	sld [smem:$0x3FD0];
	(tm) =	ssettm $0x1  }
0x91: {  	s18 =	sld [smem:$0x3FFB];
	_ =	sdelay $0x3  }
0x92: {  	_ =	strace s18  }
0x93: {  	s3 =	sld [smem:$0x3FFC];
	_ =	sdelay $0x3  }
0x94: {  	_ =	strace s3  }
0x95: {  	s3 =	sld [smem:$0x3FFD];
	_ =	sdelay $0x3  }
0x96: {  	_ =	strace s3  }
0x97: {  	_ =	strace $0x8FFFFFFF  }
0x98: {  	s19 =	sld [smem:$0x3FDB];
	_ =	sdelay $0x1  }
0x99: {  	s4 =	simm.s32 $_scs_section_size  }
0x9a: {  	s5 =	simm.s32 $_size__tile_overlayer_lowered;
	s6 =	simm.s32 $_tile_overlayer_lowered  }
0x9b: {  	s22 =	simm.s32 $0x1BFF;
	s21 =	sshll.u32 s6, $0x1;
	s3 =	sadd.s32 s4, s19  }
0x9c: {  	s7 =	simm.s32 $0x0;
	s20 =	sshll.u32 s5, $0x1;
	s5 =	sadd.s32 s21, s3  }
0x9d: {  	[timem:s7], [sflag:s22] =	dma.local [hbm:s5], s20  }
0x9e: {  	_ =	swait.ge [sflag:s22], s20  }
0x9f: {  	s4 =	ssub.s32 $0x0, s20;
	[sflag:s22] =	ssyncset.done $0x0  }
0xa0: {  	[sflag:s22] =	ssyncadd.s32 s4;
	_ =	sdelay $0x1  }
0xa1: {  	s23 =	simm.s32 $0x1B8B  }
0xa2: {  	_ =	swait.ge [sflag:s23], $0x1  }
0xa3: {  	[sflag:s23] =	ssyncset.done $0x0  }
0xa4: {  	s25 =	simm.s32 $0x1B8E;
	s24 =	sld [smem:$0x3FFE];
	[sflag:s23] =	ssyncadd.s32 $0xFFFFFFFF  }
0xa5: {  	s26 =	simm.s32 $execute0_lowered;
	[smem:$0x3FD2] =	sst s25  }
0xa6: {  	s5 =	sshll.u32 s26, $0x1;
	_ =	strace $0x80000049;
	[dreg:$0x1] =	wrdreg $0xFFFFFFFF  }
0xa7: {  	s28 =	simm.s32 $_size_execute0_lowered;
	s3 =	sadd.s32 s3, s5;
	[dreg:$0x0] =	wrdreg $0x0  }
0xa8: {  	s5 =	sshll.u32 s28, $0x1;
	[dreg:$0x2] =	wrdreg s3  }
0xa9: {  	[dreg:$0x3] =	wrdreg s5  }
0xaa: {  	[dreg:$0x4] =	wrdreg $0xC0  }
0xab: {  	_ =	task [dreg:s7], $0x5FFFF  }
0xac: {  	[dreg:$0x1] =	wrdreg $0xFFFFFFFF  }
0xad: {  	[dreg:$0x0] =	wrdreg $0x60  }
0xae: {  	[dreg:$0x2] =	wrdreg s24  }
0xaf: {  	[dreg:$0x3] =	wrdreg s2  }
0xb0: {  	[dreg:$0x4] =	wrdreg $0x0  }
0xb1: {  	[dreg:$0x5] =	wrdreg $0x9  }
0xb2: {  	_ =	task.clear_ibuf [dreg:s7], $0x6FFFF;
	_ =	strace $0x90000049  }
0xb3: {  	s29 =	simm.s32 $0x9;
	_ =	strace $0x8000004B  }
0xb4: {  	_ =	swait.ge [sflag:s29], $0x1  }
0xb5: {  	[sflag:s29] =	ssyncadd.s32 $0xFFFFFFFF  }
0xb6: {  	_ =	strace $0x9000004B  }
0xb7: {  	_ =	sfence  }
0xb8: {  	s30 =	sld [smem:$0x0];
	_ =	sdelay $0x2  }
0xb9: {  	s31 =	sshll.u32 s1, $0xD;
	s1 =	sshrl.u32 s1, $0x2  }
0xba: {  	s3 =	sand.u32 $0x4000, s31;
	s1 =	sadd.s32 s1, s30  }
0xbb: {  	s0 =	sor.u32 s3, s0;
	s1 =	sshll.u32 s1, $0x11  }
0xbc: {  	s0 =	sor.u32 s1, s0  }
0xbd: {  	s0 =	sadd.s32 $0x8F2B, s0  }
0xbe: {  	[sflag:s0] =	ssyncadd.remote.s32 $0x1  }
0xbf: {  	_ =	sfence.sel $0xFFFF  }
0xc0: {  	[dreg:$0x0] =	wrdreg $0xFFFFFFFF;
	(pc) =	sbr.abs _section_cstart, $3  }
0xc1: {  	[dreg:$0x1] =	wrdreg $0xFFFFFFFF  }
0xc2: {  	_ =	task.clear_ibuf [dreg:s7], $0x2FFFF;
	_ =	strace $0x9FFFFFFF  }
0xc3: {  	(tm) =	ssettm $0x7FFFFFFF  }
tec
execute0_lowered:
.L_overlay_start_1:
0x0: {  	(tag) =	ssettag $0x1  }
0x1: {  	s0 =	rddreg [dreg:$0x0]  }
0x2: {  	s3 =	rddreg [dreg:$0x2]  }
0x3: {  	s1 =	srdreg.scid;
	s8 =	stileid.u32  }
0x4: {  	s4 =	simm.s32 $0x0;
	s12 =	simm.s32 $0x4;
	s13 =	simm.s32 $0x13880  }
0x5: {  	s15 =	simm.s32 $0x50;
	s16 =	simm.s32 $0x186A0;
	s17 =	simm.s32 $0x138D0  }
0x6: {  	s18 =	simm.s32 $0x1AEA0;
	s19 =	simm.s32 $0x13920;
	s20 =	simm.s32 $0x1D6A0  }
0x7: {  	s21 =	simm.s32 $0x1;
	s22 =	simm.s32 $0x2;
	s28 =	simm.s32 $0x15F40  }
0x8: {  	s29 =	simm.s32 $0x185B0;
	s30 =	simm.s32 $0x18600;
	s31 =	simm.s32 $0x18650  }
0x9: {  	s1 =	sand.u32 $0x1, s1;
	s6 =	smul.u32 $0x2710, s8;
	[smem:$0x7FF] =	sst s4  }
0xa: {  	s5 =	sadd.s32 $0x15E00, s0;
	s23 =	smul.u32 $0x4E200, s8;
	s26 =	sshll.u32 s8, $0x6  }
0xb: {  	s2 =	sshll.u32 s1, $0x4;
	s7 =	smul.u32 $0x27100, s1;
	s1 =	ssub.s32 $0x2, s1  }
0xc: {  	_ =	strace $0x8000004A;
	s2 =	sor.u32 s8, s2;
	s24 =	sshrl.u32 s1, $0x1  }
0xd: {  	s25 =	sshrl.u32 s23, $0x2;
	s23 =	simm.s32 $0x3;
	s2 =	smul.u32 $0x4E2, s2  }
0xe: {  	s6 =	sadd.s32 s6, s7;
	s1 =	ssub.s32 s1, s24;
	s11 =	sadd.s32 s25, s3  }
0xf: {  	s24 =	simm.s32 $0x18510;
	s25 =	simm.s32 $0x15EF0;
	s10 =	smax.u32 s1, $0x1  }
0x10: {  	s11 =	sshrl.u32 s11, $0x3;
	s2 =	sadd.s32 s2, s0;
	s0 =	sadd.s32 s6, s0  }
0x11: {  	s6 =	sor.u32 $0x1C04, s26;
	s26 =	simm.s32 $0x18560;
	s7 =	sadd.s32 $0x2200, s2  }
0x12: {  	s8 =	sadd.s32 $0xC000, s2;
	s9 =	sadd.s32 $0x64200, s0;
	s0 =	simm.s32 $0x0  }
.LBB2_1:
0x13: {  	s1 =	rddreg [dreg:$0x1]  }
0x14: {  	[spmem:s11], [sflag:s6] =	dma.local [hbm:s1], $0x2710  }
0x15: {  	_ =	swait.ge [sflag:s12], $0x2710  }
0x16: {  	[sflag:s12] =	ssyncset.done $0x0  }
0x17: {  	[sflag:s12] =	ssyncadd.s32 $0xFFFFD8F0  }
0x18: {  	[tilespmem:s13], [sflag:$0x4] =	stream.linear.gather [hbm4b:s7+s4], $0x2710, $0x38;
	[tilespmem:$0x1FEA0] =	vst v63  }
0x19: {  	_ =	swait.ge [sflag:s12], $0x2710  }
0x1a: {  	[sflag:s12] =	ssyncset.done $0x0  }
0x1b: {  	s2 =	simm.s32 $0x15F90;
	[sflag:s12] =	ssyncadd.s32 $0xFFFFD8F0  }
0x1c: {  	[tilespmem:s2], [sflag:$0x4] =	stream.linear.gather [hbm4b:s8+s4], $0x2710, $0x38;
	[tilespmem:$0x1FEA0] =	vst v63  }
0x1d: {  	_ =	swait.ge [sflag:s12], $0x2710  }
0x1e: {  	[sflag:s12] =	ssyncset.done $0x0  }
0x1f: {  	[sflag:s12] =	ssyncadd.s32 $0xFFFFD8F0  }
0x20: {  	[bflag:$0x0] =	sbarrier.arrive $0xFFFF  }
0x21: {  	[tilespmem:s16], [sflag:$0x1] =	stream.indirect.gather [hbm4b:s5+s15], $0x80, s13, s15, $0xb8;
	[tilespmem:$0x1FEA0] =	vst v63  }
0x22: {  	_ = 	snop  }
0x23: {  	[tilespmem:s18], [sflag:$0x2] =	stream.indirect.gather [hbm4b:s5+s15], $0x80, s17, s15, $0xb8;
	[tilespmem:$0x1FEA0] =	vst v63  }
0x24: {  	_ = 	snop  }
0x25: {  	[tilespmem:s20], [sflag:$0x3] =	stream.indirect.gather [hbm4b:s5+s15], $0x80, s19, s15, $0xb8;
	[tilespmem:$0x1FEA0] =	vst v63  }
0x26: {  	_ =	swait.ge [sflag:s21], $0x2800  }
0x27: {  	[sflag:s21] =	ssyncset.done $0x0  }
0x28: {  	s14 =	simm.s32 $0x15F90;
	[sflag:s21] =	ssyncadd.s32 $0xFFFFD800  }
0x29: {  	[spmem:s3] =	stream.indirect.scatter.add.f32 [tilespmem:s16], [sflag:$0x4], $0x80, s14, s15, $0xb8;
	[tilespmem:$0x1FEA0] =	vst v63  }
0x2a: {  	_ =	swait.ge [sflag:s12], $0x2800  }
0x2b: {  	[sflag:s12] =	ssyncset.done $0x0  }
0x2c: {  	s2 =	simm.s32 $0x13970;
	[sflag:s12] =	ssyncadd.s32 $0xFFFFD800  }
0x2d: {  	[tilespmem:s16], [sflag:$0x1] =	stream.indirect.gather [hbm4b:s5+s15], $0x80, s2, s15, $0xb8;
	[tilespmem:$0x1FEA0] =	vst v63  }
0x2e: {  	_ =	swait.ge [sflag:s22], $0x2800  }
0x2f: {  	[sflag:s22] =	ssyncset.done $0x0  }
0x30: {  	s14 =	simm.s32 $0x15FE0;
	[sflag:s22] =	ssyncadd.s32 $0xFFFFD800  }
0x31: {  	[spmem:s3] =	stream.indirect.scatter.add.f32 [tilespmem:s18], [sflag:$0x4], $0x80, s14, s15, $0xb8;
	[tilespmem:$0x1FEA0] =	vst v63  }
0x32: {  	_ =	swait.ge [sflag:s12], $0x2800  }
0x33: {  	[sflag:s12] =	ssyncset.done $0x0  }
0x34: {  	s2 =	simm.s32 $0x139C0;
	[sflag:s12] =	ssyncadd.s32 $0xFFFFD800  }
0x35: {  	[tilespmem:s18], [sflag:$0x2] =	stream.indirect.gather [hbm4b:s5+s15], $0x80, s2, s15, $0xb8;
	[tilespmem:$0x1FEA0] =	vst v63  }
0x36: {  	_ =	swait.ge [sflag:s23], $0x2800  }
0x37: {  	[sflag:s23] =	ssyncset.done $0x0  }
0x38: {  	s14 =	simm.s32 $0x16030;
	[sflag:s23] =	ssyncadd.s32 $0xFFFFD800  }
0x39: {  	[spmem:s3] =	stream.indirect.scatter.add.f32 [tilespmem:s20], [sflag:$0x4], $0x80, s14, s15, $0xb8;
	[tilespmem:$0x1FEA0] =	vst v63  }
0x3a: {  	_ =	swait.ge [sflag:s12], $0x2800  }
0x3b: {  	[sflag:s12] =	ssyncset.done $0x0  }
0x3c: {  	s1 =	simm.s32 $0x3C0;
	s2 =	simm.s32 $0x13A10;
	[sflag:s12] =	ssyncadd.s32 $0xFFFFD800  }
.LBB2_2:
0x3d: {  	[tilespmem:s20], [sflag:$0x3] =	stream.indirect.gather [hbm4b:s5+s15], $0x80, s2, s15, $0xb8;
	[tilespmem:$0x1FEA0] =	vst v63  }
0x3e: {  	s2 =	smov.u32 s1  }
0x3f: {  	p0 =	sne.s32 s1, $0x9240;
	s1 =	sadd.s32 $0x3C0, s1;
	_ =	swait.ge [sflag:s21], $0x2800  }
0x40: {  	s2 =	sshra.s32 s2, $0x2;
	[sflag:s21] =	ssyncset.done $0x0  }
0x41: {  	s14 =	sadd.s32 $0x15F90, s2;
	[sflag:s21] =	ssyncadd.s32 $0xFFFFD800  }
0x42: {  	[spmem:s3] =	stream.indirect.scatter.add.f32 [tilespmem:s16], [sflag:$0x4], $0x80, s14, s15, $0xb8;
	[tilespmem:$0x1FEA0] =	vst v63  }
0x43: {  	_ =	swait.ge [sflag:s12], $0x2800  }
0x44: {  	[sflag:s12] =	ssyncset.done $0x0  }
0x45: {  	s14 =	sadd.s32 $0x13970, s2;
	[sflag:s12] =	ssyncadd.s32 $0xFFFFD800  }
0x46: {  	[tilespmem:s16], [sflag:$0x1] =	stream.indirect.gather [hbm4b:s5+s15], $0x80, s14, s15, $0xb8;
	[tilespmem:$0x1FEA0] =	vst v63  }
0x47: {  	_ =	swait.ge [sflag:s22], $0x2800  }
0x48: {  	[sflag:s22] =	ssyncset.done $0x0  }
0x49: {  	s14 =	sadd.s32 $0x15FE0, s2;
	[sflag:s22] =	ssyncadd.s32 $0xFFFFD800  }
0x4a: {  	[spmem:s3] =	stream.indirect.scatter.add.f32 [tilespmem:s18], [sflag:$0x4], $0x80, s14, s15, $0xb8;
	[tilespmem:$0x1FEA0] =	vst v63  }
0x4b: {  	_ =	swait.ge [sflag:s12], $0x2800  }
0x4c: {  	[sflag:s12] =	ssyncset.done $0x0  }
0x4d: {  	s14 =	sadd.s32 $0x139C0, s2;
	[sflag:s12] =	ssyncadd.s32 $0xFFFFD800  }
0x4e: {  	[tilespmem:s18], [sflag:$0x2] =	stream.indirect.gather [hbm4b:s5+s15], $0x80, s14, s15, $0xb8;
	[tilespmem:$0x1FEA0] =	vst v63  }
0x4f: {  	_ =	swait.ge [sflag:s23], $0x2800  }
0x50: {  	[sflag:s23] =	ssyncset.done $0x0  }
.Ltmp0:
0x51: {  	s14 =	sadd.s32 $0x16030, s2;
	[sflag:s23] =	ssyncadd.s32 $0xFFFFD800;
	(pc) =	sbr.rel @p0 .LBB2_2-.Ltmp0, $4  }
0x52: {  	[spmem:s3] =	stream.indirect.scatter.add.f32 [tilespmem:s20], [sflag:$0x4], $0x80, s14, s15, $0xb8;
	[tilespmem:$0x1FEA0] =	vst v63  }
0x53: {  	_ =	swait.ge [sflag:s12], $0x2800  }
0x54: {  	[sflag:s12] =	ssyncset.done $0x0  }
0x55: {  	s2 =	sadd.s32 $0x13A10, s2;
	[sflag:s12] =	ssyncadd.s32 $0xFFFFD800  }
0x56: {  	[tilespmem:s20], [sflag:$0x3] =	stream.indirect.gather [hbm4b:s5+s15], $0x80, s2, s15, $0xb8;
	[tilespmem:$0x1FEA0] =	vst v63  }
0x57: {  	_ =	swait.ge [sflag:s21], $0x2800  }
0x58: {  	[sflag:s21] =	ssyncset.done $0x0  }
0x59: {  	[sflag:s21] =	ssyncadd.s32 $0xFFFFD800  }
0x5a: {  	[spmem:s3] =	stream.indirect.scatter.add.f32 [tilespmem:s16], [sflag:$0x4], $0x80, s24, s15, $0xb8;
	[tilespmem:$0x1FEA0] =	vst v63  }
0x5b: {  	_ =	swait.ge [sflag:s12], $0x2800  }
0x5c: {  	[sflag:s12] =	ssyncset.done $0x0  }
0x5d: {  	[sflag:s12] =	ssyncadd.s32 $0xFFFFD800  }
0x5e: {  	[tilespmem:s16], [sflag:$0x1] =	stream.indirect.gather [hbm4b:s5+s15], $0x80, s25, s15, $0xb8;
	[tilespmem:$0x1FEA0] =	vst v63  }
0x5f: {  	_ =	swait.ge [sflag:s22], $0x2800  }
0x60: {  	[sflag:s22] =	ssyncset.done $0x0  }
0x61: {  	[sflag:s22] =	ssyncadd.s32 $0xFFFFD800  }
0x62: {  	[spmem:s3] =	stream.indirect.scatter.add.f32 [tilespmem:s18], [sflag:$0x4], $0x80, s26, s15, $0xb8;
	[tilespmem:$0x1FEA0] =	vst v63  }
0x63: {  	_ =	swait.ge [sflag:s12], $0x2800  }
0x64: {  	[sflag:s12] =	ssyncset.done $0x0  }
0x65: {  	[sflag:s12] =	ssyncadd.s32 $0xFFFFD800  }
0x66: {  	[tilespmem:s18], [sflag:$0x2] =	stream.indirect.gather [hbm4b:s5+s15], $0x80, s28, s15, $0xb8;
	[tilespmem:$0x1FEA0] =	vst v63  }
0x67: {  	_ =	swait.ge [sflag:s23], $0x2800  }
0x68: {  	[sflag:s23] =	ssyncset.done $0x0  }
0x69: {  	[sflag:s23] =	ssyncadd.s32 $0xFFFFD800  }
0x6a: {  	[spmem:s3] =	stream.indirect.scatter.add.f32 [tilespmem:s20], [sflag:$0x4], $0x80, s29, s15, $0xb8;
	[tilespmem:$0x1FEA0] =	vst v63  }
0x6b: {  	_ =	swait.ge [sflag:s12], $0x2800  }
0x6c: {  	[sflag:s12] =	ssyncset.done $0x0  }
0x6d: {  	[sflag:s12] =	ssyncadd.s32 $0xFFFFD800  }
0x6e: {  	_ =	swait.ge [sflag:s21], $0x2800  }
0x6f: {  	[sflag:s21] =	ssyncset.done $0x0  }
0x70: {  	[sflag:s21] =	ssyncadd.s32 $0xFFFFD800  }
0x71: {  	[spmem:s3] =	stream.indirect.scatter.add.f32 [tilespmem:s16], [sflag:$0x4], $0x80, s30, s15, $0xb8;
	[tilespmem:$0x1FEA0] =	vst v63  }
0x72: {  	_ =	swait.ge [sflag:s12], $0x2800  }
0x73: {  	[sflag:s12] =	ssyncset.done $0x0  }
0x74: {  	[sflag:s12] =	ssyncadd.s32 $0xFFFFD800  }
0x75: {  	_ =	swait.ge [sflag:s22], $0x2800  }
0x76: {  	[sflag:s22] =	ssyncset.done $0x0  }
0x77: {  	[sflag:s22] =	ssyncadd.s32 $0xFFFFD800  }
0x78: {  	[spmem:s3] =	stream.indirect.scatter.add.f32 [tilespmem:s18], [sflag:$0x4], $0x80, s31, s15, $0xb8;
	[tilespmem:$0x1FEA0] =	vst v63  }
0x79: {  	_ =	swait.ge [sflag:s12], $0x2800  }
0x7a: {  	s0 =	sadd.s32 $0x1, s0;
	[sflag:s12] =	ssyncset.done $0x0  }
0x7b: {  	p0 =	sne.s32 s0, s10;
	[sflag:s12] =	ssyncadd.s32 $0xFFFFD800  }
.Ltmp1:
0x7c: {  	[bflag:$0x0] =	sbarrier.arrive $0xFFFF;
	(pc) =	sbr.rel @p0 .LBB2_1-.Ltmp1, $4  }
0x7d: {  	[hbm:s9], [sflag:s6] =	dma.local [spmem:s11], $0x2710  }
0x7e: {  	_ =	swait.ge [sflag:s12], $0x2710  }
0x7f: {  	[sflag:s12] =	ssyncset.done $0x0  }
0x80: {  	[sflag:s12] =	ssyncadd.s32 $0xFFFFD8F0  }
0x81: {  	_ =	sfence.sel $0x180000  }
0x82: {  	[bflag:$0x0] =	sbarrier.arrive $0xFFFF  }
0x83: {  	_ =	strace $0x9000004A  }
0x84: {  	s0 =	stileid.u32;
	[bflag:$0x2] =	sbarrier.arrive $0xFFFF  }
0x85: {  	p0 =	sne.s32 s0, $0x0;
	s0 =	rddreg [dreg:$0x3]  }
0x86: {  	s0 =	sadd.s32 @!p0 $0x100000, s0  }
0x87: {  	[sflag:s0] =	ssyncadd.tile.s32 @!p0 $0x1;
	_ =	shalt  }
.Lfunc_end2:
_tile_overlayer_lowered:
.L_overlay_start_2:
0x88: {  	(tag) =	ssettag $0x2  }
0x89: {  	s0 =	rddreg [dreg:$0x0];
	s2 =	stileid.u32  }
0x8a: {  	s1 =	rddreg [dreg:$0x1];
	p0 =	sne.s32 s2, $0x0  }
0x8b: {  	s3 =	rddreg [dreg:$0x2];
	[bflag:$0x3] =	sbarrier.arrive $0xFFFF;
	s2 =	simm.s32 @!p0 $0x1C04  }
0x8c: {  	[timem:s3], [sflag:s2] =	dma.local @!p0 [hbm:s0], s1  }
0x8d: {  	s0 =	simm.s32 @!p0 $0x4  }
0x8e: {  	_ =	swait.ge @!p0 [sflag:s0], s1  }
0x8f: {  	s1 =	ssub.s32 @!p0 $0x0, s1;
	[sflag:s0] =	ssyncset.done @!p0 $0x0  }
0x90: {  	[sflag:s0] =	ssyncadd.s32 @!p0 s1  }
0x91: {  	[bflag:$0x3] =	sbarrier.arrive $0xFFFF  }
0x92: {  	_ =	shalt  }

// kernel: kernel.14.cloned.1.call-start
scs
__scs_entry_jumppad:
0x0: {  	(pc) =	sbr.rel $0x88, $3  }
0x1: {  	(tag) =	ssettag $0x0;
	lr =	simm.s32 $0x1  }
0x2: {  	[smem:$0x3F9B] =	sst lr;
	_ =	strace $0xD0000000  }
0x3: {  	_ = 	snop  }
0x4: {  	_ = 	snop  }
0x5: {  	_ = 	snop  }
0x6: {  	_ = 	snop  }
0x7: {  	_ = 	snop  }
__scs_overlays_trampoline_lowered:
0x8: {  	[smem:$0x3FAA] =	sst s0  }
0x9: {  	[smem:$0x3FAB] =	sst s1  }
0xa: {  	[smem:$0x3FAC] =	sst s2  }
0xb: {  	[smem:$0x3FAD] =	sst s3  }
0xc: {  	[smem:$0x3FAE] =	sst s4  }
0xd: {  	[smem:$0x3FAF] =	sst s5  }
0xe: {  	[smem:$0x3FB0] =	sst s6  }
0xf: {  	[smem:$0x3FB1] =	sst s7  }
0x10: {  	[smem:$0x3FB2] =	sst s8  }
0x11: {  	[smem:$0x3FB3] =	sst s9;
	s0 =	simm.s32 @!p0 $0x0  }
0x12: {  	s1 =	sld [smem:$0x3F99];
	s0 =	simm.s32 @p0 $0x1  }
0x13: {  	[smem:$0x3FB4] =	sst s0;
	s0 =	simm.s32 @!p1 $0x0  }
0x14: {  	s2 =	sld [smem:$0x3F98];
	s0 =	simm.s32 @p1 $0x1  }
0x15: {  	[smem:$0x3FB5] =	sst s0;
	s0 =	simm.s32 @!p2 $0x0  }
0x16: {  	s3 =	sld [smem:$0x3FDB];
	s0 =	simm.s32 @p2 $0x1  }
0x17: {  	s4 =	simm.s32 $0x1BF5;
	[smem:$0x3FB7] =	sst s0  }
0x18: {  	s0 =	sld [smem:$0x3F9A];
	_ =	swait.ge [sflag:s4], $0x0  }
0x19: {  	s7 =	sld [smem:$0x3F9B]  }
0x1a: {  	s8 =	sadd.s32 $0xFFFFE003, lr  }
0x1b: {  	s9 =	sadd.s32 $0xFFFFFEF7, lr;
	s5 =	simm.s32 $0xFFFFFFFF;
	p2 =	slt.u32 s8, $0xFFFFF086  }
0x1c: {  	p1 =	slt.u32 s9, $0xF7A;
	s5 =	simm.s32 @!p2 $0x0  }
0x1d: {  	s5 =	simm.s32 @p1 $0x1;
	p0 =	seq.s32 s7, s2  }
0x1e: {  	s7 =	smul.u32 @!p0 $0xF7A, s2;
	p2 =	seq.s32 @!p0 s5, $0x0  }
0x1f: {  	s9 =	smul.u32 $0xF7A, s1;
	s8 =	simm.s32 @!p0 $0x1BF5;
	p2 =	por !p2, p0  }
0x20: {  	[sflag:s8] =	ssyncset.s32 @!p0 $0xFFFFF086;
	s6 =	sadd.s32 @!p0 s3, s7;
	s7 =	simm.s32 @!p0 $0x108  }
0x21: {  	s3 =	sadd.s32 s3, s9;
	s6 =	sadd.s32 @!p0 $0x88, s6;
	s7 =	simm.s32 @p2 $0x1082  }
0x22: {  	[simem:s7], [sflag:s8] =	dma.local @!p0 [hbm:s6], $0xF7A  }
0x23: {  	s9 =	sor.u32 $0xD0000000, s2;
	s6 =	simm.s32 $0x108;
	_ =	swait.ge @!p0 [sflag:s8], $0x0  }
0x24: {  	s3 =	sadd.s32 $0x88, s3;
	s6 =	simm.s32 @!p1 $0x1082;
	[sflag:s4] =	ssyncset.s32 $0xFFFFF086  }
0x25: {  	[simem:s6], [sflag:s4] =	dma.local [hbm:s3], $0xF7A  }
0x26: {  	[smem:$0x3F9B] =	sst s1;
	(tag) =	ssettag s2;
	_ =	strace s9  }
0x27: {  	s1 =	sld [smem:$0x3FAB]  }
0x28: {  	s2 =	sld [smem:$0x3FAC]  }
0x29: {  	s4 =	sld [smem:$0x3FAE]  }
0x2a: {  	p0 =	seq.s32 s5, $0x0;
	s5 =	sld [smem:$0x3FAF]  }
0x2b: {  	s6 =	sld [smem:$0x3FB0]  }
0x2c: {  	s7 =	sld [smem:$0x3FB1]  }
0x2d: {  	s3 =	simm.s32 $0x108;
	s8 =	sld [smem:$0x3FB2]  }
0x2e: {  	s3 =	simm.s32 @!p0 $0x1082;
	s9 =	sld [smem:$0x3FB3]  }
0x2f: {  	lr =	sadd.s32 s0, s3;
	s0 =	sld [smem:$0x3FAA]  }
0x30: {  	s3 =	sld [smem:$0x3FAD]  }
0x31: {  	[smem:$0x3FB6] =	sst s10  }
0x32: {  	s10 =	sld [smem:$0x3FB4];
	_ =	sdelay $0x3  }
0x33: {  	p0 =	seq.s32 s10, $0x1;
	s10 =	sld [smem:$0x3FB6];
	_ =	sdelay $0x3  }
0x34: {  	[smem:$0x3FB6] =	sst s10  }
0x35: {  	s10 =	sld [smem:$0x3FB5];
	_ =	sdelay $0x3  }
0x36: {  	p1 =	seq.s32 s10, $0x1;
	s10 =	sld [smem:$0x3FB6];
	_ =	sdelay $0x3  }
0x37: {  	[smem:$0x3FB6] =	sst s10  }
0x38: {  	s10 =	sld [smem:$0x3FB7]  }
0x39: {  	_ = 	snop;
	(pc) =	sbr.ind lr, $3  }
0x3a: {  	_ = 	snop  }
0x3b: {  	_ = 	snop  }
0x3c: {  	p2 =	seq.s32 s10, $0x1;
	s10 =	sld [smem:$0x3FB6]  }
0x3d: {  	_ =	shalt  }
0x3e: {  	_ =	shalt  }
0x3f: {  	_ =	shalt  }
0x40: {  	_ =	shalt  }
0x41: {  	_ =	shalt  }
0x42: {  	_ =	shalt  }
0x43: {  	_ =	shalt  }
0x44: {  	_ =	shalt  }
0x45: {  	_ =	shalt  }
0x46: {  	_ =	shalt  }
0x47: {  	_ =	shalt  }
0x48: {  	_ =	shalt  }
0x49: {  	_ =	shalt  }
0x4a: {  	_ =	shalt  }
0x4b: {  	_ =	shalt  }
0x4c: {  	_ =	shalt  }
0x4d: {  	_ =	shalt  }
0x4e: {  	_ =	shalt  }
0x4f: {  	_ =	shalt  }
0x50: {  	_ =	shalt  }
0x51: {  	_ =	shalt  }
0x52: {  	_ =	shalt  }
0x53: {  	_ =	shalt  }
0x54: {  	_ =	shalt  }
0x55: {  	_ =	shalt  }
0x56: {  	_ =	shalt  }
0x57: {  	_ =	shalt  }
0x58: {  	_ =	shalt  }
0x59: {  	_ =	shalt  }
0x5a: {  	_ =	shalt  }
0x5b: {  	_ =	shalt  }
0x5c: {  	_ =	shalt  }
0x5d: {  	_ =	shalt  }
0x5e: {  	_ =	shalt  }
0x5f: {  	_ =	shalt  }
0x60: {  	_ =	shalt  }
0x61: {  	_ =	shalt  }
0x62: {  	_ =	shalt  }
0x63: {  	_ =	shalt  }
0x64: {  	_ =	shalt  }
0x65: {  	_ =	shalt  }
0x66: {  	_ =	shalt  }
0x67: {  	_ =	shalt  }
0x68: {  	_ =	shalt  }
0x69: {  	_ =	shalt  }
0x6a: {  	_ =	shalt  }
0x6b: {  	_ =	shalt  }
0x6c: {  	_ =	shalt  }
0x6d: {  	_ =	shalt  }
0x6e: {  	_ =	shalt  }
0x6f: {  	_ =	shalt  }
0x70: {  	_ =	shalt  }
0x71: {  	_ =	shalt  }
0x72: {  	_ =	shalt  }
0x73: {  	_ =	shalt  }
0x74: {  	_ =	shalt  }
0x75: {  	_ =	shalt  }
0x76: {  	_ =	shalt  }
0x77: {  	_ =	shalt  }
0x78: {  	_ =	shalt  }
0x79: {  	_ =	shalt  }
0x7a: {  	_ =	shalt  }
0x7b: {  	_ =	shalt  }
0x7c: {  	_ =	shalt  }
0x7d: {  	_ =	shalt  }
0x7e: {  	_ =	shalt  }
0x7f: {  	_ =	shalt  }
0x80: {  	_ =	shalt  }
0x81: {  	_ =	shalt  }
0x82: {  	_ =	shalt  }
0x83: {  	_ =	shalt  }
0x84: {  	_ =	shalt  }
0x85: {  	_ =	shalt  }
0x86: {  	_ =	shalt  }
0x87: {  	_ =	shalt  }
.Lfunc_end0:
.L_simem_size_0:
called_computation.2_lowered:
.L_overlay_start_0:
0x88: {  	s2 =	sld [smem:$0x3FD9]  }
0x89: {  	s3 =	sld [smem:$0x3FFE];
	_ =	sdelay $0x1  }
0x8a: {  	s1 =	srdreg.scid  }
0x8b: {  	s0 =	sand.u32 $0x1, s1  }
0x8c: {  	s17 =	sshll.u32 s0, $0xA;
	s2 =	sadd.s32 s3, s2  }
0x8d: {  	s2 =	sadd.s32 s2, s17  }
0x8e: {  	[smem:$0x3FC2] =	sst s2  }
0x8f: {  	_ = 	snop  }
0x90: {  	s2 =	sld [smem:$0x3FD0];
	(tm) =	ssettm $0x1  }
0x91: {  	s18 =	sld [smem:$0x3FFB];
	_ =	sdelay $0x3  }
0x92: {  	_ =	strace s18  }
0x93: {  	s3 =	sld [smem:$0x3FFC];
	_ =	sdelay $0x3  }
0x94: {  	_ =	strace s3  }
0x95: {  	s3 =	sld [smem:$0x3FFD];
	_ =	sdelay $0x3  }
0x96: {  	_ =	strace s3  }
0x97: {  	_ =	strace $0x8FFFFFFF  }
0x98: {  	s19 =	sld [smem:$0x3FDB];
	_ =	sdelay $0x1  }
0x99: {  	s4 =	simm.s32 $_scs_section_size  }
0x9a: {  	s5 =	simm.s32 $_size__tile_overlayer_lowered;
	s6 =	simm.s32 $_tile_overlayer_lowered  }
0x9b: {  	s22 =	simm.s32 $0x1BFF;
	s21 =	sshll.u32 s6, $0x1;
	s3 =	sadd.s32 s4, s19  }
0x9c: {  	s7 =	simm.s32 $0x0;
	s20 =	sshll.u32 s5, $0x1;
	s5 =	sadd.s32 s21, s3  }
0x9d: {  	[timem:s7], [sflag:s22] =	dma.local [hbm:s5], s20  }
0x9e: {  	_ =	swait.ge [sflag:s22], s20  }
0x9f: {  	s4 =	ssub.s32 $0x0, s20;
	[sflag:s22] =	ssyncset.done $0x0  }
0xa0: {  	[sflag:s22] =	ssyncadd.s32 s4;
	_ =	sdelay $0x1  }
0xa1: {  	s23 =	simm.s32 $0x1B8B  }
0xa2: {  	_ =	swait.ge [sflag:s23], $0x1  }
0xa3: {  	[sflag:s23] =	ssyncset.done $0x0  }
0xa4: {  	s25 =	simm.s32 $0x1B8E;
	s24 =	sld [smem:$0x3FFE];
	[sflag:s23] =	ssyncadd.s32 $0xFFFFFFFF  }
0xa5: {  	s26 =	simm.s32 $execute0_lowered;
	[smem:$0x3FD2] =	sst s25  }
0xa6: {  	s5 =	sshll.u32 s26, $0x1;
	_ =	strace $0x8000004C;
	[dreg:$0x1] =	wrdreg $0xFFFFFFFF  }
0xa7: {  	s28 =	simm.s32 $_size_execute0_lowered;
	s3 =	sadd.s32 s3, s5;
	[dreg:$0x0] =	wrdreg $0x0  }
0xa8: {  	s5 =	sshll.u32 s28, $0x1;
	[dreg:$0x2] =	wrdreg s3  }
0xa9: {  	[dreg:$0x3] =	wrdreg s5  }
0xaa: {  	[dreg:$0x4] =	wrdreg $0xC0  }
0xab: {  	_ =	task [dreg:s7], $0x5FFFF  }
0xac: {  	[dreg:$0x1] =	wrdreg $0xFFFFFFFF  }
0xad: {  	[dreg:$0x0] =	wrdreg $0x60  }
0xae: {  	[dreg:$0x2] =	wrdreg s2  }
0xaf: {  	[dreg:$0x3] =	wrdreg s24  }
0xb0: {  	[dreg:$0x4] =	wrdreg $0x0  }
0xb1: {  	[dreg:$0x5] =	wrdreg $0x9  }
0xb2: {  	_ =	task.clear_ibuf [dreg:s7], $0x6FFFF;
	_ =	strace $0x9000004C  }
0xb3: {  	s29 =	simm.s32 $0x9;
	_ =	strace $0x8000004E  }
0xb4: {  	_ =	swait.ge [sflag:s29], $0x1  }
0xb5: {  	[sflag:s29] =	ssyncadd.s32 $0xFFFFFFFF  }
0xb6: {  	_ =	strace $0x9000004E  }
0xb7: {  	_ =	sfence  }
0xb8: {  	s30 =	sld [smem:$0x0];
	_ =	sdelay $0x2  }
0xb9: {  	s31 =	sshll.u32 s1, $0xD;
	s1 =	sshrl.u32 s1, $0x2  }
0xba: {  	s3 =	sand.u32 $0x4000, s31;
	s1 =	sadd.s32 s1, s30  }
0xbb: {  	s0 =	sor.u32 s3, s0;
	s1 =	sshll.u32 s1, $0x11  }
0xbc: {  	s0 =	sor.u32 s1, s0  }
0xbd: {  	s0 =	sadd.s32 $0x8F2B, s0  }
0xbe: {  	[sflag:s0] =	ssyncadd.remote.s32 $0x1  }
0xbf: {  	_ =	sfence.sel $0xFFFF  }
0xc0: {  	[dreg:$0x0] =	wrdreg $0xFFFFFFFF;
	(pc) =	sbr.abs _section_cstart, $3  }
0xc1: {  	[dreg:$0x1] =	wrdreg $0xFFFFFFFF  }
0xc2: {  	_ =	task.clear_ibuf [dreg:s7], $0x2FFFF;
	_ =	strace $0x9FFFFFFF  }
0xc3: {  	(tm) =	ssettm $0x7FFFFFFF  }
tec
execute0_lowered:
.L_overlay_start_1:
0x0: {  	(tag) =	ssettag $0x1  }
0x1: {  	s0 =	srdreg.scid;
	s1 =	rddreg [dreg:$0x0]  }
0x2: {  	s8 =	stileid.u32;
	s4 =	rddreg [dreg:$0x1]  }
0x3: {  	s3 =	rddreg [dreg:$0x2];
	s6 =	simm.s32 $0x0;
	s12 =	simm.s32 $0x9  }
0x4: {  	s13 =	simm.s32 $0x9C40;
	s15 =	simm.s32 $0x50;
	s16 =	simm.s32 $0xEA60  }
0x5: {  	s18 =	simm.s32 $0xFE60;
	s20 =	simm.s32 $0x11260;
	s22 =	simm.s32 $0x12660  }
0x6: {  	s24 =	simm.s32 $0x13A60;
	s29 =	simm.s32 $0x16260;
	s31 =	simm.s32 $0x17660  }
0x7: {  	s14 =	simm.s32 $0x3;
	s17 =	simm.s32 $0x4;
	s19 =	simm.s32 $0x5  }
0x8: {  	s21 =	simm.s32 $0x6;
	s23 =	simm.s32 $0x7;
	s28 =	simm.s32 $0x0  }
0x9: {  	s0 =	sand.u32 $0x1, s0;
	s5 =	smul.u32 $0x1388, s8;
	[smem:$0x7FF] =	sst s6  }
0xa: {  	s7 =	smul.u32 $0x27100, s8;
	s26 =	sadd.s32 $0x15E00, s4;
	s2 =	sshll.u32 s0, $0x4  }
0xb: {  	s25 =	smul.u32 $0x13880, s0;
	_ =	strace $0x8000004D;
	[dreg:$0x4] =	wrdreg s26  }
0xc: {  	s0 =	ssub.s32 $0x2, s0;
	s26 =	simm.s32 $0x14E60;
	s2 =	sor.u32 s8, s2  }
0xd: {  	s30 =	sshrl.u32 s0, $0x1;
	s7 =	sshrl.u32 s7, $0x2;
	s8 =	sshll.u32 s8, $0x6  }
0xe: {  	s2 =	smul.u32 $0x4E2, s2;
	s6 =	sadd.s32 s5, s25;
	s0 =	ssub.s32 s0, s30  }
0xf: {  	s11 =	sadd.s32 s7, s3;
	s25 =	simm.s32 $0x8;
	s10 =	smax.u32 s0, $0x1  }
0x10: {  	s11 =	sshrl.u32 s11, $0x3;
	s0 =	simm.s32 $0x2;
	s2 =	sadd.s32 s2, s4  }
0x11: {  	s4 =	sadd.s32 s6, s4;
	s6 =	sor.u32 $0x1C09, s8;
	s7 =	sadd.s32 $0x2200, s2  }
0x12: {  	s8 =	sadd.s32 $0xC000, s2;
	s9 =	sadd.s32 $0x64200, s4;
	s2 =	simm.s32 $0x1  }
.LBB2_1:
0x13: {  	s4 =	rddreg [dreg:$0x4]  }
0x14: {  	[spmem:s11], [sflag:s6] =	dma.local [hbm:s4], $0x1388  }
0x15: {  	_ =	swait.ge [sflag:s12], $0x1388  }
0x16: {  	[sflag:s12] =	ssyncset.done $0x0  }
0x17: {  	s4 =	simm.s32 $0x0;
	[sflag:s12] =	ssyncadd.s32 $0xFFFFEC78  }
0x18: {  	[tilespmem:s13], [sflag:$0x9] =	stream.linear.gather [hbm4b:s7+s4], $0x2710, $0x38;
	[tilespmem:$0x18A60] =	vst v63  }
0x19: {  	_ =	swait.ge [sflag:s12], $0x2710  }
0x1a: {  	[sflag:s12] =	ssyncset.done $0x0  }
0x1b: {  	s5 =	simm.s32 $0xC350;
	[sflag:s12] =	ssyncadd.s32 $0xFFFFD8F0  }
0x1c: {  	[tilespmem:s5], [sflag:$0x9] =	stream.linear.gather [hbm4b:s8+s4], $0x2710, $0x38;
	[tilespmem:$0x18A60] =	vst v63  }
0x1d: {  	_ =	swait.ge [sflag:s12], $0x2710  }
0x1e: {  	[sflag:s12] =	ssyncset.done $0x0  }
0x1f: {  	[sflag:s12] =	ssyncadd.s32 $0xFFFFD8F0  }
0x20: {  	[bflag:$0x0] =	sbarrier.arrive $0xFFFF  }
0x21: {  	[tilespmem:s16], [sflag:$0x1] =	stream.indirect.gather [hbm4b:s1+s15], $0x40, s13, s15, $0xb8;
	[tilespmem:$0x18A60] =	vst v63  }
0x22: {  	s5 =	simm.s32 $0x9C90  }
0x23: {  	[tilespmem:s18], [sflag:$0x2] =	stream.indirect.gather [hbm4b:s1+s15], $0x40, s5, s15, $0xb8;
	[tilespmem:$0x18A60] =	vst v63  }
0x24: {  	s5 =	simm.s32 $0x9CE0  }
0x25: {  	[tilespmem:s20], [sflag:$0x3] =	stream.indirect.gather [hbm4b:s1+s15], $0x40, s5, s15, $0xb8;
	[tilespmem:$0x18A60] =	vst v63  }
0x26: {  	s5 =	simm.s32 $0x9D30  }
0x27: {  	[tilespmem:s22], [sflag:$0x4] =	stream.indirect.gather [hbm4b:s1+s15], $0x40, s5, s15, $0xb8;
	[tilespmem:$0x18A60] =	vst v63  }
0x28: {  	s5 =	simm.s32 $0x9D80  }
0x29: {  	[tilespmem:s24], [sflag:$0x5] =	stream.indirect.gather [hbm4b:s1+s15], $0x40, s5, s15, $0xb8;
	[tilespmem:$0x18A60] =	vst v63  }
0x2a: {  	s5 =	simm.s32 $0x9DD0  }
0x2b: {  	[tilespmem:s26], [sflag:$0x6] =	stream.indirect.gather [hbm4b:s1+s15], $0x40, s5, s15, $0xb8;
	[tilespmem:$0x18A60] =	vst v63  }
0x2c: {  	s5 =	simm.s32 $0x9E20  }
0x2d: {  	[tilespmem:s29], [sflag:$0x7] =	stream.indirect.gather [hbm4b:s1+s15], $0x40, s5, s15, $0xb8;
	[tilespmem:$0x18A60] =	vst v63  }
0x2e: {  	s5 =	simm.s32 $0x9E70  }
0x2f: {  	[tilespmem:s31], [sflag:$0x8] =	stream.indirect.gather [hbm4b:s1+s15], $0x40, s5, s15, $0xb8;
	[tilespmem:$0x18A60] =	vst v63  }
0x30: {  	_ =	swait.ge [sflag:s2], $0x1400  }
0x31: {  	[sflag:s2] =	ssyncset.done $0x0  }
0x32: {  	s5 =	simm.s32 $0xC350;
	[sflag:s2] =	ssyncadd.s32 $0xFFFFEC00  }
0x33: {  	[spmem:s3] =	stream.indirect.scatter.add.f32 [tilespmem:s16], [sflag:$0x9], $0x40, s5, s15, $0xb8;
	[tilespmem:$0x18A60] =	vst v63  }
0x34: {  	_ =	swait.ge [sflag:s12], $0x1400  }
0x35: {  	[sflag:s12] =	ssyncset.done $0x0  }
0x36: {  	s5 =	simm.s32 $0x9EC0;
	[sflag:s12] =	ssyncadd.s32 $0xFFFFEC00  }
0x37: {  	[tilespmem:s16], [sflag:$0x1] =	stream.indirect.gather [hbm4b:s1+s15], $0x40, s5, s15, $0xb8;
	[tilespmem:$0x18A60] =	vst v63  }
0x38: {  	_ =	swait.ge [sflag:s0], $0x1400  }
0x39: {  	[sflag:s0] =	ssyncset.done $0x0  }
0x3a: {  	s5 =	simm.s32 $0xC3A0;
	[sflag:s0] =	ssyncadd.s32 $0xFFFFEC00  }
0x3b: {  	[spmem:s3] =	stream.indirect.scatter.add.f32 [tilespmem:s18], [sflag:$0x9], $0x40, s5, s15, $0xb8;
	[tilespmem:$0x18A60] =	vst v63  }
0x3c: {  	_ =	swait.ge [sflag:s12], $0x1400  }
0x3d: {  	[sflag:s12] =	ssyncset.done $0x0  }
0x3e: {  	s5 =	simm.s32 $0x9F10;
	[sflag:s12] =	ssyncadd.s32 $0xFFFFEC00  }
0x3f: {  	[tilespmem:s18], [sflag:$0x2] =	stream.indirect.gather [hbm4b:s1+s15], $0x40, s5, s15, $0xb8;
	[tilespmem:$0x18A60] =	vst v63  }
0x40: {  	_ =	swait.ge [sflag:s14], $0x1400  }
0x41: {  	[sflag:s14] =	ssyncset.done $0x0  }
0x42: {  	s5 =	simm.s32 $0xC3F0;
	[sflag:s14] =	ssyncadd.s32 $0xFFFFEC00  }
0x43: {  	[spmem:s3] =	stream.indirect.scatter.add.f32 [tilespmem:s20], [sflag:$0x9], $0x40, s5, s15, $0xb8;
	[tilespmem:$0x18A60] =	vst v63  }
0x44: {  	_ =	swait.ge [sflag:s12], $0x1400  }
0x45: {  	[sflag:s12] =	ssyncset.done $0x0  }
0x46: {  	s5 =	simm.s32 $0x9F60;
	[sflag:s12] =	ssyncadd.s32 $0xFFFFEC00  }
0x47: {  	[tilespmem:s20], [sflag:$0x3] =	stream.indirect.gather [hbm4b:s1+s15], $0x40, s5, s15, $0xb8;
	[tilespmem:$0x18A60] =	vst v63  }
0x48: {  	_ =	swait.ge [sflag:s17], $0x1400  }
0x49: {  	[sflag:s17] =	ssyncset.done $0x0  }
0x4a: {  	s5 =	simm.s32 $0xC440;
	[sflag:s17] =	ssyncadd.s32 $0xFFFFEC00  }
0x4b: {  	[spmem:s3] =	stream.indirect.scatter.add.f32 [tilespmem:s22], [sflag:$0x9], $0x40, s5, s15, $0xb8;
	[tilespmem:$0x18A60] =	vst v63  }
0x4c: {  	_ =	swait.ge [sflag:s12], $0x1400  }
0x4d: {  	[sflag:s12] =	ssyncset.done $0x0  }
0x4e: {  	s5 =	simm.s32 $0x9FB0;
	[sflag:s12] =	ssyncadd.s32 $0xFFFFEC00  }
0x4f: {  	[tilespmem:s22], [sflag:$0x4] =	stream.indirect.gather [hbm4b:s1+s15], $0x40, s5, s15, $0xb8;
	[tilespmem:$0x18A60] =	vst v63  }
0x50: {  	_ =	swait.ge [sflag:s19], $0x1400  }
0x51: {  	[sflag:s19] =	ssyncset.done $0x0  }
0x52: {  	s5 =	simm.s32 $0xC490;
	[sflag:s19] =	ssyncadd.s32 $0xFFFFEC00  }
0x53: {  	[spmem:s3] =	stream.indirect.scatter.add.f32 [tilespmem:s24], [sflag:$0x9], $0x40, s5, s15, $0xb8;
	[tilespmem:$0x18A60] =	vst v63  }
0x54: {  	_ =	swait.ge [sflag:s12], $0x1400  }
0x55: {  	[sflag:s12] =	ssyncset.done $0x0  }
0x56: {  	s5 =	simm.s32 $0xA000;
	[sflag:s12] =	ssyncadd.s32 $0xFFFFEC00  }
0x57: {  	[tilespmem:s24], [sflag:$0x5] =	stream.indirect.gather [hbm4b:s1+s15], $0x40, s5, s15, $0xb8;
	[tilespmem:$0x18A60] =	vst v63  }
0x58: {  	_ =	swait.ge [sflag:s21], $0x1400  }
0x59: {  	[sflag:s21] =	ssyncset.done $0x0  }
0x5a: {  	s5 =	simm.s32 $0xC4E0;
	[sflag:s21] =	ssyncadd.s32 $0xFFFFEC00  }
0x5b: {  	[spmem:s3] =	stream.indirect.scatter.add.f32 [tilespmem:s26], [sflag:$0x9], $0x40, s5, s15, $0xb8;
	[tilespmem:$0x18A60] =	vst v63  }
0x5c: {  	_ =	swait.ge [sflag:s12], $0x1400  }
0x5d: {  	[sflag:s12] =	ssyncset.done $0x0  }
0x5e: {  	s5 =	simm.s32 $0xA050;
	[sflag:s12] =	ssyncadd.s32 $0xFFFFEC00  }
0x5f: {  	[tilespmem:s26], [sflag:$0x6] =	stream.indirect.gather [hbm4b:s1+s15], $0x40, s5, s15, $0xb8;
	[tilespmem:$0x18A60] =	vst v63  }
0x60: {  	_ =	swait.ge [sflag:s23], $0x1400  }
0x61: {  	[sflag:s23] =	ssyncset.done $0x0  }
0x62: {  	s5 =	simm.s32 $0xC530;
	[sflag:s23] =	ssyncadd.s32 $0xFFFFEC00  }
0x63: {  	[spmem:s3] =	stream.indirect.scatter.add.f32 [tilespmem:s29], [sflag:$0x9], $0x40, s5, s15, $0xb8;
	[tilespmem:$0x18A60] =	vst v63  }
0x64: {  	_ =	swait.ge [sflag:s12], $0x1400  }
0x65: {  	[sflag:s12] =	ssyncset.done $0x0  }
0x66: {  	s5 =	simm.s32 $0xA0A0;
	[sflag:s12] =	ssyncadd.s32 $0xFFFFEC00  }
0x67: {  	[tilespmem:s29], [sflag:$0x7] =	stream.indirect.gather [hbm4b:s1+s15], $0x40, s5, s15, $0xb8;
	[tilespmem:$0x18A60] =	vst v63  }
0x68: {  	_ =	swait.ge [sflag:s25], $0x1400  }
0x69: {  	[sflag:s25] =	ssyncset.done $0x0  }
0x6a: {  	s5 =	simm.s32 $0xC580;
	[sflag:s25] =	ssyncadd.s32 $0xFFFFEC00  }
0x6b: {  	[spmem:s3] =	stream.indirect.scatter.add.f32 [tilespmem:s31], [sflag:$0x9], $0x40, s5, s15, $0xb8;
	[tilespmem:$0x18A60] =	vst v63  }
0x6c: {  	_ =	swait.ge [sflag:s12], $0x1400  }
0x6d: {  	[sflag:s12] =	ssyncset.done $0x0  }
0x6e: {  	s30 =	simm.s32 $0xA00;
	s4 =	simm.s32 $0xA0F0;
	[sflag:s12] =	ssyncadd.s32 $0xFFFFEC00  }
.LBB2_2:
0x6f: {  	[tilespmem:s31], [sflag:$0x8] =	stream.indirect.gather [hbm4b:s1+s15], $0x40, s4, s15, $0xb8;
	[tilespmem:$0x18A60] =	vst v63  }
0x70: {  	s4 =	smov.u32 s30  }
0x71: {  	p0 =	sne.s32 s30, $0x8200;
	s30 =	sadd.s32 $0xA00, s30;
	_ =	swait.ge [sflag:s2], $0x1400  }
0x72: {  	s4 =	sshra.s32 s4, $0x2;
	[sflag:s2] =	ssyncset.done $0x0  }
0x73: {  	s5 =	sadd.s32 $0xC350, s4;
	[sflag:s2] =	ssyncadd.s32 $0xFFFFEC00  }
0x74: {  	[spmem:s3] =	stream.indirect.scatter.add.f32 [tilespmem:s16], [sflag:$0x9], $0x40, s5, s15, $0xb8;
	[tilespmem:$0x18A60] =	vst v63  }
0x75: {  	_ =	swait.ge [sflag:s12], $0x1400  }
0x76: {  	[sflag:s12] =	ssyncset.done $0x0  }
0x77: {  	s5 =	sadd.s32 $0x9EC0, s4;
	[sflag:s12] =	ssyncadd.s32 $0xFFFFEC00  }
0x78: {  	[tilespmem:s16], [sflag:$0x1] =	stream.indirect.gather [hbm4b:s1+s15], $0x40, s5, s15, $0xb8;
	[tilespmem:$0x18A60] =	vst v63  }
0x79: {  	_ =	swait.ge [sflag:s0], $0x1400  }
0x7a: {  	[sflag:s0] =	ssyncset.done $0x0  }
0x7b: {  	s5 =	sadd.s32 $0xC3A0, s4;
	[sflag:s0] =	ssyncadd.s32 $0xFFFFEC00  }
0x7c: {  	[spmem:s3] =	stream.indirect.scatter.add.f32 [tilespmem:s18], [sflag:$0x9], $0x40, s5, s15, $0xb8;
	[tilespmem:$0x18A60] =	vst v63  }
0x7d: {  	_ =	swait.ge [sflag:s12], $0x1400  }
0x7e: {  	[sflag:s12] =	ssyncset.done $0x0  }
0x7f: {  	s5 =	sadd.s32 $0x9F10, s4;
	[sflag:s12] =	ssyncadd.s32 $0xFFFFEC00  }
0x80: {  	[tilespmem:s18], [sflag:$0x2] =	stream.indirect.gather [hbm4b:s1+s15], $0x40, s5, s15, $0xb8;
	[tilespmem:$0x18A60] =	vst v63  }
0x81: {  	_ =	swait.ge [sflag:s14], $0x1400  }
0x82: {  	[sflag:s14] =	ssyncset.done $0x0  }
0x83: {  	s5 =	sadd.s32 $0xC3F0, s4;
	[sflag:s14] =	ssyncadd.s32 $0xFFFFEC00  }
0x84: {  	[spmem:s3] =	stream.indirect.scatter.add.f32 [tilespmem:s20], [sflag:$0x9], $0x40, s5, s15, $0xb8;
	[tilespmem:$0x18A60] =	vst v63  }
0x85: {  	_ =	swait.ge [sflag:s12], $0x1400  }
0x86: {  	[sflag:s12] =	ssyncset.done $0x0  }
0x87: {  	s5 =	sadd.s32 $0x9F60, s4;
	[sflag:s12] =	ssyncadd.s32 $0xFFFFEC00  }
0x88: {  	[tilespmem:s20], [sflag:$0x3] =	stream.indirect.gather [hbm4b:s1+s15], $0x40, s5, s15, $0xb8;
	[tilespmem:$0x18A60] =	vst v63  }
0x89: {  	_ =	swait.ge [sflag:s17], $0x1400  }
0x8a: {  	[sflag:s17] =	ssyncset.done $0x0  }
0x8b: {  	s5 =	sadd.s32 $0xC440, s4;
	[sflag:s17] =	ssyncadd.s32 $0xFFFFEC00  }
0x8c: {  	[spmem:s3] =	stream.indirect.scatter.add.f32 [tilespmem:s22], [sflag:$0x9], $0x40, s5, s15, $0xb8;
	[tilespmem:$0x18A60] =	vst v63  }
0x8d: {  	_ =	swait.ge [sflag:s12], $0x1400  }
0x8e: {  	[sflag:s12] =	ssyncset.done $0x0  }
0x8f: {  	s5 =	sadd.s32 $0x9FB0, s4;
	[sflag:s12] =	ssyncadd.s32 $0xFFFFEC00  }
0x90: {  	[tilespmem:s22], [sflag:$0x4] =	stream.indirect.gather [hbm4b:s1+s15], $0x40, s5, s15, $0xb8;
	[tilespmem:$0x18A60] =	vst v63  }
0x91: {  	_ =	swait.ge [sflag:s19], $0x1400  }
0x92: {  	[sflag:s19] =	ssyncset.done $0x0  }
0x93: {  	s5 =	sadd.s32 $0xC490, s4;
	[sflag:s19] =	ssyncadd.s32 $0xFFFFEC00  }
0x94: {  	[spmem:s3] =	stream.indirect.scatter.add.f32 [tilespmem:s24], [sflag:$0x9], $0x40, s5, s15, $0xb8;
	[tilespmem:$0x18A60] =	vst v63  }
0x95: {  	_ =	swait.ge [sflag:s12], $0x1400  }
0x96: {  	[sflag:s12] =	ssyncset.done $0x0  }
0x97: {  	s5 =	sadd.s32 $0xA000, s4;
	[sflag:s12] =	ssyncadd.s32 $0xFFFFEC00  }
0x98: {  	[tilespmem:s24], [sflag:$0x5] =	stream.indirect.gather [hbm4b:s1+s15], $0x40, s5, s15, $0xb8;
	[tilespmem:$0x18A60] =	vst v63  }
0x99: {  	_ =	swait.ge [sflag:s21], $0x1400  }
0x9a: {  	[sflag:s21] =	ssyncset.done $0x0  }
0x9b: {  	s5 =	sadd.s32 $0xC4E0, s4;
	[sflag:s21] =	ssyncadd.s32 $0xFFFFEC00  }
0x9c: {  	[spmem:s3] =	stream.indirect.scatter.add.f32 [tilespmem:s26], [sflag:$0x9], $0x40, s5, s15, $0xb8;
	[tilespmem:$0x18A60] =	vst v63  }
0x9d: {  	_ =	swait.ge [sflag:s12], $0x1400  }
0x9e: {  	[sflag:s12] =	ssyncset.done $0x0  }
0x9f: {  	s5 =	sadd.s32 $0xA050, s4;
	[sflag:s12] =	ssyncadd.s32 $0xFFFFEC00  }
0xa0: {  	[tilespmem:s26], [sflag:$0x6] =	stream.indirect.gather [hbm4b:s1+s15], $0x40, s5, s15, $0xb8;
	[tilespmem:$0x18A60] =	vst v63  }
0xa1: {  	_ =	swait.ge [sflag:s23], $0x1400  }
0xa2: {  	[sflag:s23] =	ssyncset.done $0x0  }
0xa3: {  	s5 =	sadd.s32 $0xC530, s4;
	[sflag:s23] =	ssyncadd.s32 $0xFFFFEC00  }
0xa4: {  	[spmem:s3] =	stream.indirect.scatter.add.f32 [tilespmem:s29], [sflag:$0x9], $0x40, s5, s15, $0xb8;
	[tilespmem:$0x18A60] =	vst v63  }
0xa5: {  	_ =	swait.ge [sflag:s12], $0x1400  }
0xa6: {  	[sflag:s12] =	ssyncset.done $0x0  }
0xa7: {  	s5 =	sadd.s32 $0xA0A0, s4;
	[sflag:s12] =	ssyncadd.s32 $0xFFFFEC00  }
0xa8: {  	[tilespmem:s29], [sflag:$0x7] =	stream.indirect.gather [hbm4b:s1+s15], $0x40, s5, s15, $0xb8;
	[tilespmem:$0x18A60] =	vst v63  }
0xa9: {  	_ =	swait.ge [sflag:s25], $0x1400  }
0xaa: {  	[sflag:s25] =	ssyncset.done $0x0  }
.Ltmp0:
0xab: {  	s5 =	sadd.s32 $0xC580, s4;
	[sflag:s25] =	ssyncadd.s32 $0xFFFFEC00;
	(pc) =	sbr.rel @p0 .LBB2_2-.Ltmp0, $4  }
0xac: {  	[spmem:s3] =	stream.indirect.scatter.add.f32 [tilespmem:s31], [sflag:$0x9], $0x40, s5, s15, $0xb8;
	[tilespmem:$0x18A60] =	vst v63  }
0xad: {  	_ =	swait.ge [sflag:s12], $0x1400  }
0xae: {  	[sflag:s12] =	ssyncset.done $0x0  }
0xaf: {  	s4 =	sadd.s32 $0xA0F0, s4;
	[sflag:s12] =	ssyncadd.s32 $0xFFFFEC00  }
0xb0: {  	[tilespmem:s31], [sflag:$0x8] =	stream.indirect.gather [hbm4b:s1+s15], $0x40, s4, s15, $0xb8;
	[tilespmem:$0x18A60] =	vst v63  }
0xb1: {  	_ =	swait.ge [sflag:s2], $0x1400  }
0xb2: {  	[sflag:s2] =	ssyncset.done $0x0  }
0xb3: {  	s5 =	simm.s32 $0xE650;
	[sflag:s2] =	ssyncadd.s32 $0xFFFFEC00  }
0xb4: {  	[spmem:s3] =	stream.indirect.scatter.add.f32 [tilespmem:s16], [sflag:$0x9], $0x40, s5, s15, $0xb8;
	[tilespmem:$0x18A60] =	vst v63  }
0xb5: {  	_ =	swait.ge [sflag:s12], $0x1400  }
0xb6: {  	[sflag:s12] =	ssyncset.done $0x0  }
0xb7: {  	s30 =	simm.s32 $0xC1C0;
	[sflag:s12] =	ssyncadd.s32 $0xFFFFEC00  }
0xb8: {  	[tilespmem:s16], [sflag:$0x1] =	stream.indirect.gather [hbm4b:s1+s15], $0x40, s30, s15, $0xb8;
	[tilespmem:$0x18A60] =	vst v63  }
0xb9: {  	_ =	swait.ge [sflag:s0], $0x1400  }
0xba: {  	[sflag:s0] =	ssyncset.done $0x0  }
0xbb: {  	s5 =	simm.s32 $0xE6A0;
	[sflag:s0] =	ssyncadd.s32 $0xFFFFEC00  }
0xbc: {  	[spmem:s3] =	stream.indirect.scatter.add.f32 [tilespmem:s18], [sflag:$0x9], $0x40, s5, s15, $0xb8;
	[tilespmem:$0x18A60] =	vst v63  }
0xbd: {  	_ =	swait.ge [sflag:s12], $0x1400  }
0xbe: {  	[sflag:s12] =	ssyncset.done $0x0  }
0xbf: {  	s30 =	simm.s32 $0xC210;
	[sflag:s12] =	ssyncadd.s32 $0xFFFFEC00  }
0xc0: {  	[tilespmem:s18], [sflag:$0x2] =	stream.indirect.gather [hbm4b:s1+s15], $0x40, s30, s15, $0xb8;
	[tilespmem:$0x18A60] =	vst v63  }
0xc1: {  	_ =	swait.ge [sflag:s14], $0x1400  }
0xc2: {  	[sflag:s14] =	ssyncset.done $0x0  }
0xc3: {  	s5 =	simm.s32 $0xE6F0;
	[sflag:s14] =	ssyncadd.s32 $0xFFFFEC00  }
0xc4: {  	[spmem:s3] =	stream.indirect.scatter.add.f32 [tilespmem:s20], [sflag:$0x9], $0x40, s5, s15, $0xb8;
	[tilespmem:$0x18A60] =	vst v63  }
0xc5: {  	_ =	swait.ge [sflag:s12], $0x1400  }
0xc6: {  	[sflag:s12] =	ssyncset.done $0x0  }
0xc7: {  	s30 =	simm.s32 $0xC260;
	[sflag:s12] =	ssyncadd.s32 $0xFFFFEC00  }
0xc8: {  	[tilespmem:s20], [sflag:$0x3] =	stream.indirect.gather [hbm4b:s1+s15], $0x40, s30, s15, $0xb8;
	[tilespmem:$0x18A60] =	vst v63  }
0xc9: {  	_ =	swait.ge [sflag:s17], $0x1400  }
0xca: {  	[sflag:s17] =	ssyncset.done $0x0  }
0xcb: {  	s5 =	simm.s32 $0xE740;
	[sflag:s17] =	ssyncadd.s32 $0xFFFFEC00  }
0xcc: {  	[spmem:s3] =	stream.indirect.scatter.add.f32 [tilespmem:s22], [sflag:$0x9], $0x40, s5, s15, $0xb8;
	[tilespmem:$0x18A60] =	vst v63  }
0xcd: {  	_ =	swait.ge [sflag:s12], $0x1400  }
0xce: {  	[sflag:s12] =	ssyncset.done $0x0  }
0xcf: {  	s30 =	simm.s32 $0xC2B0;
	[sflag:s12] =	ssyncadd.s32 $0xFFFFEC00  }
0xd0: {  	[tilespmem:s22], [sflag:$0x4] =	stream.indirect.gather [hbm4b:s1+s15], $0x40, s30, s15, $0xb8;
	[tilespmem:$0x18A60] =	vst v63  }
0xd1: {  	_ =	swait.ge [sflag:s19], $0x1400  }
0xd2: {  	[sflag:s19] =	ssyncset.done $0x0  }
0xd3: {  	s5 =	simm.s32 $0xE790;
	[sflag:s19] =	ssyncadd.s32 $0xFFFFEC00  }
0xd4: {  	[spmem:s3] =	stream.indirect.scatter.add.f32 [tilespmem:s24], [sflag:$0x9], $0x40, s5, s15, $0xb8;
	[tilespmem:$0x18A60] =	vst v63  }
0xd5: {  	_ =	swait.ge [sflag:s12], $0x1400  }
0xd6: {  	[sflag:s12] =	ssyncset.done $0x0  }
0xd7: {  	s30 =	simm.s32 $0xC300;
	[sflag:s12] =	ssyncadd.s32 $0xFFFFEC00  }
0xd8: {  	[tilespmem:s24], [sflag:$0x5] =	stream.indirect.gather [hbm4b:s1+s15], $0x40, s30, s15, $0xb8;
	[tilespmem:$0x18A60] =	vst v63  }
0xd9: {  	_ =	swait.ge [sflag:s21], $0x1400  }
0xda: {  	[sflag:s21] =	ssyncset.done $0x0  }
0xdb: {  	s5 =	simm.s32 $0xE7E0;
	[sflag:s21] =	ssyncadd.s32 $0xFFFFEC00  }
0xdc: {  	[spmem:s3] =	stream.indirect.scatter.add.f32 [tilespmem:s26], [sflag:$0x9], $0x40, s5, s15, $0xb8;
	[tilespmem:$0x18A60] =	vst v63  }
0xdd: {  	_ =	swait.ge [sflag:s12], $0x1400  }
0xde: {  	[sflag:s12] =	ssyncset.done $0x0  }
0xdf: {  	[sflag:s12] =	ssyncadd.s32 $0xFFFFEC00  }
0xe0: {  	_ =	swait.ge [sflag:s23], $0x1400  }
0xe1: {  	[sflag:s23] =	ssyncset.done $0x0  }
0xe2: {  	s30 =	simm.s32 $0xE830;
	[sflag:s23] =	ssyncadd.s32 $0xFFFFEC00  }
0xe3: {  	[spmem:s3] =	stream.indirect.scatter.add.f32 [tilespmem:s29], [sflag:$0x9], $0x40, s30, s15, $0xb8;
	[tilespmem:$0x18A60] =	vst v63  }
0xe4: {  	_ =	swait.ge [sflag:s12], $0x1400  }
0xe5: {  	[sflag:s12] =	ssyncset.done $0x0  }
0xe6: {  	[sflag:s12] =	ssyncadd.s32 $0xFFFFEC00  }
0xe7: {  	_ =	swait.ge [sflag:s25], $0x1400  }
0xe8: {  	[sflag:s25] =	ssyncset.done $0x0  }
0xe9: {  	s5 =	simm.s32 $0xE880;
	[sflag:s25] =	ssyncadd.s32 $0xFFFFEC00  }
0xea: {  	[spmem:s3] =	stream.indirect.scatter.add.f32 [tilespmem:s31], [sflag:$0x9], $0x40, s5, s15, $0xb8;
	[tilespmem:$0x18A60] =	vst v63  }
0xeb: {  	_ =	swait.ge [sflag:s12], $0x1400  }
0xec: {  	[sflag:s12] =	ssyncset.done $0x0  }
0xed: {  	[sflag:s12] =	ssyncadd.s32 $0xFFFFEC00  }
0xee: {  	_ =	swait.ge [sflag:s2], $0x1400  }
0xef: {  	[sflag:s2] =	ssyncset.done $0x0  }
0xf0: {  	s30 =	simm.s32 $0xE8D0;
	[sflag:s2] =	ssyncadd.s32 $0xFFFFEC00  }
0xf1: {  	[spmem:s3] =	stream.indirect.scatter.add.f32 [tilespmem:s16], [sflag:$0x9], $0x40, s30, s15, $0xb8;
	[tilespmem:$0x18A60] =	vst v63  }
0xf2: {  	_ =	swait.ge [sflag:s12], $0x1400  }
0xf3: {  	[sflag:s12] =	ssyncset.done $0x0  }
0xf4: {  	[sflag:s12] =	ssyncadd.s32 $0xFFFFEC00  }
0xf5: {  	_ =	swait.ge [sflag:s0], $0x1400  }
0xf6: {  	[sflag:s0] =	ssyncset.done $0x0  }
0xf7: {  	s5 =	simm.s32 $0xE920;
	[sflag:s0] =	ssyncadd.s32 $0xFFFFEC00  }
0xf8: {  	[spmem:s3] =	stream.indirect.scatter.add.f32 [tilespmem:s18], [sflag:$0x9], $0x40, s5, s15, $0xb8;
	[tilespmem:$0x18A60] =	vst v63  }
0xf9: {  	_ =	swait.ge [sflag:s12], $0x1400  }
0xfa: {  	[sflag:s12] =	ssyncset.done $0x0  }
0xfb: {  	[sflag:s12] =	ssyncadd.s32 $0xFFFFEC00  }
0xfc: {  	_ =	swait.ge [sflag:s14], $0x1400  }
0xfd: {  	[sflag:s14] =	ssyncset.done $0x0  }
0xfe: {  	s30 =	simm.s32 $0xE970;
	[sflag:s14] =	ssyncadd.s32 $0xFFFFEC00  }
0xff: {  	[spmem:s3] =	stream.indirect.scatter.add.f32 [tilespmem:s20], [sflag:$0x9], $0x40, s30, s15, $0xb8;
	[tilespmem:$0x18A60] =	vst v63  }
0x100: {  	_ =	swait.ge [sflag:s12], $0x1400  }
0x101: {  	[sflag:s12] =	ssyncset.done $0x0  }
0x102: {  	[sflag:s12] =	ssyncadd.s32 $0xFFFFEC00  }
0x103: {  	_ =	swait.ge [sflag:s17], $0x1400  }
0x104: {  	[sflag:s17] =	ssyncset.done $0x0  }
0x105: {  	s5 =	simm.s32 $0xE9C0;
	[sflag:s17] =	ssyncadd.s32 $0xFFFFEC00  }
0x106: {  	[spmem:s3] =	stream.indirect.scatter.add.f32 [tilespmem:s22], [sflag:$0x9], $0x40, s5, s15, $0xb8;
	[tilespmem:$0x18A60] =	vst v63  }
0x107: {  	_ =	swait.ge [sflag:s12], $0x1400  }
0x108: {  	[sflag:s12] =	ssyncset.done $0x0  }
0x109: {  	[sflag:s12] =	ssyncadd.s32 $0xFFFFEC00  }
0x10a: {  	_ =	swait.ge [sflag:s19], $0x1400  }
0x10b: {  	[sflag:s19] =	ssyncset.done $0x0  }
0x10c: {  	s30 =	simm.s32 $0xEA10;
	[sflag:s19] =	ssyncadd.s32 $0xFFFFEC00  }
0x10d: {  	[spmem:s3] =	stream.indirect.scatter.add.f32 [tilespmem:s24], [sflag:$0x9], $0x40, s30, s15, $0xb8;
	[tilespmem:$0x18A60] =	vst v63  }
0x10e: {  	_ =	swait.ge [sflag:s12], $0x1400  }
0x10f: {  	s28 =	sadd.s32 $0x1, s28;
	[sflag:s12] =	ssyncset.done $0x0  }
0x110: {  	p0 =	sne.s32 s28, s10;
	[sflag:s12] =	ssyncadd.s32 $0xFFFFEC00  }
.Ltmp1:
0x111: {  	[bflag:$0x0] =	sbarrier.arrive $0xFFFF;
	(pc) =	sbr.rel @p0 .LBB2_1-.Ltmp1, $4  }
0x112: {  	[hbm:s9], [sflag:s6] =	dma.local [spmem:s11], $0x1388  }
0x113: {  	_ =	swait.ge [sflag:s12], $0x1388  }
0x114: {  	[sflag:s12] =	ssyncset.done $0x0  }
0x115: {  	[sflag:s12] =	ssyncadd.s32 $0xFFFFEC78  }
0x116: {  	_ =	sfence.sel $0x180000  }
0x117: {  	[bflag:$0x0] =	sbarrier.arrive $0xFFFF  }
0x118: {  	_ =	strace $0x9000004D  }
0x119: {  	s0 =	stileid.u32;
	[bflag:$0x2] =	sbarrier.arrive $0xFFFF  }
0x11a: {  	p0 =	sne.s32 s0, $0x0;
	s0 =	rddreg [dreg:$0x3]  }
0x11b: {  	s0 =	sadd.s32 @!p0 $0x100000, s0  }
0x11c: {  	[sflag:s0] =	ssyncadd.tile.s32 @!p0 $0x1;
	_ =	shalt  }
.Lfunc_end2:
_tile_overlayer_lowered:
.L_overlay_start_2:
0x11d: {  	(tag) =	ssettag $0x2  }
0x11e: {  	s0 =	rddreg [dreg:$0x0];
	s2 =	stileid.u32  }
0x11f: {  	s1 =	rddreg [dreg:$0x1];
	p0 =	sne.s32 s2, $0x0  }
0x120: {  	s3 =	rddreg [dreg:$0x2];
	[bflag:$0x3] =	sbarrier.arrive $0xFFFF;
	s2 =	simm.s32 @!p0 $0x1C09  }
0x121: {  	[timem:s3], [sflag:s2] =	dma.local @!p0 [hbm:s0], s1  }
0x122: {  	s0 =	simm.s32 @!p0 $0x9  }
0x123: {  	_ =	swait.ge @!p0 [sflag:s0], s1  }
0x124: {  	s1 =	ssub.s32 @!p0 $0x0, s1;
	[sflag:s0] =	ssyncset.done @!p0 $0x0  }
0x125: {  	[sflag:s0] =	ssyncadd.s32 @!p0 s1  }
0x126: {  	[bflag:$0x3] =	sbarrier.arrive $0xFFFF  }
0x127: {  	_ =	shalt  }

// kernel: kernel.8.cloned.1.call-start
scs
__scs_entry_jumppad:
0x0: {  	(pc) =	sbr.rel $0x88, $3  }
0x1: {  	(tag) =	ssettag $0x0;
	lr =	simm.s32 $0x1  }
0x2: {  	[smem:$0x3F9B] =	sst lr;
	_ =	strace $0xD0000000  }
0x3: {  	_ = 	snop  }
0x4: {  	_ = 	snop  }
0x5: {  	_ = 	snop  }
0x6: {  	_ = 	snop  }
0x7: {  	_ = 	snop  }
__scs_overlays_trampoline_lowered:
0x8: {  	[smem:$0x3FAA] =	sst s0  }
0x9: {  	[smem:$0x3FAB] =	sst s1  }
0xa: {  	[smem:$0x3FAC] =	sst s2  }
0xb: {  	[smem:$0x3FAD] =	sst s3  }
0xc: {  	[smem:$0x3FAE] =	sst s4  }
0xd: {  	[smem:$0x3FAF] =	sst s5  }
0xe: {  	[smem:$0x3FB0] =	sst s6  }
0xf: {  	[smem:$0x3FB1] =	sst s7  }
0x10: {  	[smem:$0x3FB2] =	sst s8  }
0x11: {  	[smem:$0x3FB3] =	sst s9;
	s0 =	simm.s32 @!p0 $0x0  }
0x12: {  	s1 =	sld [smem:$0x3F99];
	s0 =	simm.s32 @p0 $0x1  }
0x13: {  	[smem:$0x3FB4] =	sst s0;
	s0 =	simm.s32 @!p1 $0x0  }
0x14: {  	s2 =	sld [smem:$0x3F98];
	s0 =	simm.s32 @p1 $0x1  }
0x15: {  	[smem:$0x3FB5] =	sst s0;
	s0 =	simm.s32 @!p2 $0x0  }
0x16: {  	s3 =	sld [smem:$0x3FDB];
	s0 =	simm.s32 @p2 $0x1  }
0x17: {  	s4 =	simm.s32 $0x1BF5;
	[smem:$0x3FB7] =	sst s0  }
0x18: {  	s0 =	sld [smem:$0x3F9A];
	_ =	swait.ge [sflag:s4], $0x0  }
0x19: {  	s7 =	sld [smem:$0x3F9B]  }
0x1a: {  	s8 =	sadd.s32 $0xFFFFE003, lr  }
0x1b: {  	s9 =	sadd.s32 $0xFFFFFEF7, lr;
	s5 =	simm.s32 $0xFFFFFFFF;
	p2 =	slt.u32 s8, $0xFFFFF086  }
0x1c: {  	p1 =	slt.u32 s9, $0xF7A;
	s5 =	simm.s32 @!p2 $0x0  }
0x1d: {  	s5 =	simm.s32 @p1 $0x1;
	p0 =	seq.s32 s7, s2  }
0x1e: {  	s7 =	smul.u32 @!p0 $0xF7A, s2;
	p2 =	seq.s32 @!p0 s5, $0x0  }
0x1f: {  	s9 =	smul.u32 $0xF7A, s1;
	s8 =	simm.s32 @!p0 $0x1BF5;
	p2 =	por !p2, p0  }
0x20: {  	[sflag:s8] =	ssyncset.s32 @!p0 $0xFFFFF086;
	s6 =	sadd.s32 @!p0 s3, s7;
	s7 =	simm.s32 @!p0 $0x108  }
0x21: {  	s3 =	sadd.s32 s3, s9;
	s6 =	sadd.s32 @!p0 $0x88, s6;
	s7 =	simm.s32 @p2 $0x1082  }
0x22: {  	[simem:s7], [sflag:s8] =	dma.local @!p0 [hbm:s6], $0xF7A  }
0x23: {  	s9 =	sor.u32 $0xD0000000, s2;
	s6 =	simm.s32 $0x108;
	_ =	swait.ge @!p0 [sflag:s8], $0x0  }
0x24: {  	s3 =	sadd.s32 $0x88, s3;
	s6 =	simm.s32 @!p1 $0x1082;
	[sflag:s4] =	ssyncset.s32 $0xFFFFF086  }
0x25: {  	[simem:s6], [sflag:s4] =	dma.local [hbm:s3], $0xF7A  }
0x26: {  	[smem:$0x3F9B] =	sst s1;
	(tag) =	ssettag s2;
	_ =	strace s9  }
0x27: {  	s1 =	sld [smem:$0x3FAB]  }
0x28: {  	s2 =	sld [smem:$0x3FAC]  }
0x29: {  	s4 =	sld [smem:$0x3FAE]  }
0x2a: {  	p0 =	seq.s32 s5, $0x0;
	s5 =	sld [smem:$0x3FAF]  }
0x2b: {  	s6 =	sld [smem:$0x3FB0]  }
0x2c: {  	s7 =	sld [smem:$0x3FB1]  }
0x2d: {  	s3 =	simm.s32 $0x108;
	s8 =	sld [smem:$0x3FB2]  }
0x2e: {  	s3 =	simm.s32 @!p0 $0x1082;
	s9 =	sld [smem:$0x3FB3]  }
0x2f: {  	lr =	sadd.s32 s0, s3;
	s0 =	sld [smem:$0x3FAA]  }
0x30: {  	s3 =	sld [smem:$0x3FAD]  }
0x31: {  	[smem:$0x3FB6] =	sst s10  }
0x32: {  	s10 =	sld [smem:$0x3FB4];
	_ =	sdelay $0x3  }
0x33: {  	p0 =	seq.s32 s10, $0x1;
	s10 =	sld [smem:$0x3FB6];
	_ =	sdelay $0x3  }
0x34: {  	[smem:$0x3FB6] =	sst s10  }
0x35: {  	s10 =	sld [smem:$0x3FB5];
	_ =	sdelay $0x3  }
0x36: {  	p1 =	seq.s32 s10, $0x1;
	s10 =	sld [smem:$0x3FB6];
	_ =	sdelay $0x3  }
0x37: {  	[smem:$0x3FB6] =	sst s10  }
0x38: {  	s10 =	sld [smem:$0x3FB7]  }
0x39: {  	_ = 	snop;
	(pc) =	sbr.ind lr, $3  }
0x3a: {  	_ = 	snop  }
0x3b: {  	_ = 	snop  }
0x3c: {  	p2 =	seq.s32 s10, $0x1;
	s10 =	sld [smem:$0x3FB6]  }
0x3d: {  	_ =	shalt  }
0x3e: {  	_ =	shalt  }
0x3f: {  	_ =	shalt  }
0x40: {  	_ =	shalt  }
0x41: {  	_ =	shalt  }
0x42: {  	_ =	shalt  }
0x43: {  	_ =	shalt  }
0x44: {  	_ =	shalt  }
0x45: {  	_ =	shalt  }
0x46: {  	_ =	shalt  }
0x47: {  	_ =	shalt  }
0x48: {  	_ =	shalt  }
0x49: {  	_ =	shalt  }
0x4a: {  	_ =	shalt  }
0x4b: {  	_ =	shalt  }
0x4c: {  	_ =	shalt  }
0x4d: {  	_ =	shalt  }
0x4e: {  	_ =	shalt  }
0x4f: {  	_ =	shalt  }
0x50: {  	_ =	shalt  }
0x51: {  	_ =	shalt  }
0x52: {  	_ =	shalt  }
0x53: {  	_ =	shalt  }
0x54: {  	_ =	shalt  }
0x55: {  	_ =	shalt  }
0x56: {  	_ =	shalt  }
0x57: {  	_ =	shalt  }
0x58: {  	_ =	shalt  }
0x59: {  	_ =	shalt  }
0x5a: {  	_ =	shalt  }
0x5b: {  	_ =	shalt  }
0x5c: {  	_ =	shalt  }
0x5d: {  	_ =	shalt  }
0x5e: {  	_ =	shalt  }
0x5f: {  	_ =	shalt  }
0x60: {  	_ =	shalt  }
0x61: {  	_ =	shalt  }
0x62: {  	_ =	shalt  }
0x63: {  	_ =	shalt  }
0x64: {  	_ =	shalt  }
0x65: {  	_ =	shalt  }
0x66: {  	_ =	shalt  }
0x67: {  	_ =	shalt  }
0x68: {  	_ =	shalt  }
0x69: {  	_ =	shalt  }
0x6a: {  	_ =	shalt  }
0x6b: {  	_ =	shalt  }
0x6c: {  	_ =	shalt  }
0x6d: {  	_ =	shalt  }
0x6e: {  	_ =	shalt  }
0x6f: {  	_ =	shalt  }
0x70: {  	_ =	shalt  }
0x71: {  	_ =	shalt  }
0x72: {  	_ =	shalt  }
0x73: {  	_ =	shalt  }
0x74: {  	_ =	shalt  }
0x75: {  	_ =	shalt  }
0x76: {  	_ =	shalt  }
0x77: {  	_ =	shalt  }
0x78: {  	_ =	shalt  }
0x79: {  	_ =	shalt  }
0x7a: {  	_ =	shalt  }
0x7b: {  	_ =	shalt  }
0x7c: {  	_ =	shalt  }
0x7d: {  	_ =	shalt  }
0x7e: {  	_ =	shalt  }
0x7f: {  	_ =	shalt  }
0x80: {  	_ =	shalt  }
0x81: {  	_ =	shalt  }
0x82: {  	_ =	shalt  }
0x83: {  	_ =	shalt  }
0x84: {  	_ =	shalt  }
0x85: {  	_ =	shalt  }
0x86: {  	_ =	shalt  }
0x87: {  	_ =	shalt  }
.Lfunc_end0:
.L_simem_size_0:
called_computation_lowered:
.L_overlay_start_0:
0x88: {  	s2 =	sld [smem:$0x3FD9]  }
0x89: {  	s3 =	sld [smem:$0x3FFE];
	_ =	sdelay $0x1  }
0x8a: {  	s1 =	srdreg.scid  }
0x8b: {  	s0 =	sand.u32 $0x1, s1  }
0x8c: {  	s17 =	sshll.u32 s0, $0xA;
	s2 =	sadd.s32 s3, s2  }
0x8d: {  	s2 =	sadd.s32 s2, s17  }
0x8e: {  	[smem:$0x3FC2] =	sst s2  }
0x8f: {  	_ = 	snop  }
0x90: {  	s2 =	sld [smem:$0x3FD0];
	(tm) =	ssettm $0x1  }
0x91: {  	s18 =	sld [smem:$0x3FFB];
	_ =	sdelay $0x3  }
0x92: {  	_ =	strace s18  }
0x93: {  	s3 =	sld [smem:$0x3FFC];
	_ =	sdelay $0x3  }
0x94: {  	_ =	strace s3  }
0x95: {  	s3 =	sld [smem:$0x3FFD];
	_ =	sdelay $0x3  }
0x96: {  	_ =	strace s3  }
0x97: {  	_ =	strace $0x8FFFFFFF  }
0x98: {  	s19 =	sld [smem:$0x3FDB];
	_ =	sdelay $0x1  }
0x99: {  	s4 =	simm.s32 $_scs_section_size  }
0x9a: {  	s5 =	simm.s32 $_size__tile_overlayer_lowered;
	s6 =	simm.s32 $_tile_overlayer_lowered  }
0x9b: {  	s22 =	simm.s32 $0x1BFF;
	s21 =	sshll.u32 s6, $0x1;
	s3 =	sadd.s32 s4, s19  }
0x9c: {  	s7 =	simm.s32 $0x0;
	s20 =	sshll.u32 s5, $0x1;
	s5 =	sadd.s32 s21, s3  }
0x9d: {  	[timem:s7], [sflag:s22] =	dma.local [hbm:s5], s20  }
0x9e: {  	_ =	swait.ge [sflag:s22], s20  }
0x9f: {  	s4 =	ssub.s32 $0x0, s20;
	[sflag:s22] =	ssyncset.done $0x0  }
0xa0: {  	[sflag:s22] =	ssyncadd.s32 s4;
	_ =	sdelay $0x1  }
0xa1: {  	s23 =	simm.s32 $0x1B8B  }
0xa2: {  	_ =	swait.ge [sflag:s23], $0x1  }
0xa3: {  	[sflag:s23] =	ssyncset.done $0x0  }
0xa4: {  	s25 =	simm.s32 $0x1B8E;
	s24 =	sld [smem:$0x3FFE];
	[sflag:s23] =	ssyncadd.s32 $0xFFFFFFFF  }
0xa5: {  	s26 =	simm.s32 $execute0_lowered;
	[smem:$0x3FD2] =	sst s25  }
0xa6: {  	s5 =	sshll.u32 s26, $0x1;
	_ =	strace $0x80000046;
	[dreg:$0x1] =	wrdreg $0xFFFFFFFF  }
0xa7: {  	s28 =	simm.s32 $_size_execute0_lowered;
	s3 =	sadd.s32 s3, s5;
	[dreg:$0x0] =	wrdreg $0x0  }
0xa8: {  	s5 =	sshll.u32 s28, $0x1;
	[dreg:$0x2] =	wrdreg s3  }
0xa9: {  	[dreg:$0x3] =	wrdreg s5  }
0xaa: {  	[dreg:$0x4] =	wrdreg $0xC0  }
0xab: {  	_ =	task [dreg:s7], $0x5FFFF  }
0xac: {  	[dreg:$0x1] =	wrdreg $0xFFFFFFFF  }
0xad: {  	[dreg:$0x0] =	wrdreg $0x60  }
0xae: {  	[dreg:$0x2] =	wrdreg s24  }
0xaf: {  	[dreg:$0x3] =	wrdreg s2  }
0xb0: {  	[dreg:$0x4] =	wrdreg $0x0  }
0xb1: {  	[dreg:$0x5] =	wrdreg $0x9  }
0xb2: {  	_ =	task.clear_ibuf [dreg:s7], $0x6FFFF;
	_ =	strace $0x90000046  }
0xb3: {  	s29 =	simm.s32 $0x9;
	_ =	strace $0x80000048  }
0xb4: {  	_ =	swait.ge [sflag:s29], $0x1  }
0xb5: {  	[sflag:s29] =	ssyncadd.s32 $0xFFFFFFFF  }
0xb6: {  	_ =	strace $0x90000048  }
0xb7: {  	_ =	sfence  }
0xb8: {  	s30 =	sld [smem:$0x0];
	_ =	sdelay $0x2  }
0xb9: {  	s31 =	sshll.u32 s1, $0xD;
	s1 =	sshrl.u32 s1, $0x2  }
0xba: {  	s3 =	sand.u32 $0x4000, s31;
	s1 =	sadd.s32 s1, s30  }
0xbb: {  	s0 =	sor.u32 s3, s0;
	s1 =	sshll.u32 s1, $0x11  }
0xbc: {  	s0 =	sor.u32 s1, s0  }
0xbd: {  	s0 =	sadd.s32 $0x8F2B, s0  }
0xbe: {  	[sflag:s0] =	ssyncadd.remote.s32 $0x1  }
0xbf: {  	_ =	sfence.sel $0xFFFF  }
0xc0: {  	[dreg:$0x0] =	wrdreg $0xFFFFFFFF;
	(pc) =	sbr.abs _section_cstart, $3  }
0xc1: {  	[dreg:$0x1] =	wrdreg $0xFFFFFFFF  }
0xc2: {  	_ =	task.clear_ibuf [dreg:s7], $0x2FFFF;
	_ =	strace $0x9FFFFFFF  }
0xc3: {  	(tm) =	ssettm $0x7FFFFFFF  }
tec
execute0_lowered:
.L_overlay_start_1:
0x0: {  	(tag) =	ssettag $0x1  }
0x1: {  	s4 =	rddreg [dreg:$0x0]  }
0x2: {  	s7 =	rddreg [dreg:$0x1]  }
0x3: {  	s0 =	srdreg.scid;
	s2 =	rddreg [dreg:$0x2]  }
0x4: {  	s3 =	simm.s32 $0x0;
	s13 =	simm.s32 $0x2990;
	s14 =	simm.s32 $0x0  }
0x5: {  	s5 =	sand.u32 $0x1, s0;
	s0 =	stileid.u32;
	[smem:$0x7FF] =	sst s3  }
0x6: {  	s1 =	sshll.u32 s5, $0x4;
	s8 =	smul.u32 $0x280, s0;
	s9 =	ssub.s32 $0x2, s5  }
0x7: {  	s5 =	smul.u32 $0x2800, s5;
	s30 =	sshll.u32 s0, $0x6;
	s6 =	sor.u32 s0, s1  }
0x8: {  	s1 =	rddreg [dreg:$0x3];
	_ =	strace $0x80000047;
	s10 =	sshrl.u32 s9, $0x1  }
0x9: {  	s6 =	smul.u32 $0x4E2, s6;
	s9 =	ssub.s32 s9, s10;
	s11 =	sadd.s32 s8, s5  }
0xa: {  	s12 =	sadd.s32 s8, s2;
	s5 =	sor.u32 $0x1C01, s30;
	s10 =	simm.s32 $0x1  }
0xb: {  	s31 =	sshrl.u32 s11, $0x3;
	s8 =	smax.u32 s9, $0x1;
	s9 =	sshrl.u32 s12, $0x3  }
0xc: {  	s11 =	simm.s32 $0x280;
	s12 =	simm.s32 $0x50;
	s6 =	sadd.s32 s6, s4  }
0xd: {  	v0 =	vimm.f32 $1.000000000e+00;
	s4 =	sadd.s32 $0x15E00, s4;
	s7 =	sadd.s32 s7, s31;
	s6 =	sadd.s32 $0xC000, s6  }
.LBB2_1:
0xe: {  	[spmem:s9], [sflag:s5] =	dma.local [hbm:s4], $0x50  }
0xf: {  	_ =	swait.ge [sflag:s10], $0x50  }
0x10: {  	[sflag:s10] =	ssyncset.done $0x0  }
0x11: {  	[sflag:s10] =	ssyncadd.s32 $0xFFFFFFB0  }
0x12: {  	[tilespmem:s11], [sflag:$0x1] =	stream.linear.gather [hbm4b:s6+s3], $0x2710, $0x38;
	[tilespmem:$0x29E0] =	vst v63  }
0x13: {  	_ =	swait.ge [sflag:s10], $0x2710  }
0x14: {  	[sflag:s10] =	ssyncset.done $0x0  }
0x15: {  	[sflag:s10] =	ssyncadd.s32 $0xFFFFD8F0  }
0x16: {  	[tilespmem:$0x2990] =	vst v0  }
0x17: {  	[tilespmem:$0x29A0] =	vst v0  }
0x18: {  	[tilespmem:$0x29B0] =	vst v0  }
0x19: {  	[tilespmem:$0x29C0] =	vst v0  }
0x1a: {  	[tilespmem:$0x29D0] =	vst v0  }
0x1b: {  	s15 =	simm.s32 $0x280;
	[bflag:$0x0] =	sbarrier.arrive $0xFFFF  }
0x1c: {  	[spmem:s2] =	stream.indirect.scatter.add.f32 [tilespmem:s13], [sflag:$0x1], $0x1, s15, s12, $0xb8;
	[tilespmem:$0x29E0] =	vst v63  }
0x1d: {  	s15 =	simm.s32 $0x140;
	_ =	swait.ge [sflag:s10], $0x50  }
.LBB2_2:
0x1e: {  	s16 =	sshra.s32 s15, $0x2;
	[sflag:s10] =	ssyncset.done $0x0;
	p0 =	sne.s32 s15, $0x9B00  }
.Ltmp0:
0x1f: {  	s16 =	sadd.s32 $0x280, s16;
	[sflag:s10] =	ssyncadd.s32 $0xFFFFFFB0;
	(pc) =	sbr.rel @p0 .LBB2_2-.Ltmp0, $3  }
0x20: {  	[spmem:s2] =	stream.indirect.scatter.add.f32 [tilespmem:s13], [sflag:$0x1], $0x1, s16, s12, $0xb8;
	[tilespmem:$0x29E0] =	vst v63  }
0x21: {  	s15 =	sadd.s32 $0x140, s15;
	_ =	sdelay $0x1  }
0x22: {  	_ =	swait.ge [sflag:s10], $0x50  }
0x23: {  	[sflag:s10] =	ssyncset.done $0x0;
	s14 =	sadd.s32 $0x1, s14  }
0x24: {  	[sflag:s10] =	ssyncadd.s32 $0xFFFFFFB0;
	p0 =	sne.s32 s14, s8  }
.Ltmp1:
0x25: {  	[bflag:$0x0] =	sbarrier.arrive $0xFFFF;
	(pc) =	sbr.rel @p0 .LBB2_1-.Ltmp1, $4  }
0x26: {  	[hbm:s7], [sflag:s5] =	dma.local [spmem:s9], $0x50  }
0x27: {  	_ =	swait.ge [sflag:s10], $0x50  }
0x28: {  	[sflag:s10] =	ssyncset.done $0x0  }
0x29: {  	[sflag:s10] =	ssyncadd.s32 $0xFFFFFFB0  }
0x2a: {  	_ =	sfence.sel $0x180000  }
0x2b: {  	[bflag:$0x0] =	sbarrier.arrive $0xFFFF  }
0x2c: {  	p0 =	sne.s32 s0, $0x0;
	_ =	strace $0x90000047  }
0x2d: {  	s0 =	sadd.s32 @!p0 $0x100000, s1;
	[bflag:$0x2] =	sbarrier.arrive $0xFFFF  }
0x2e: {  	[sflag:s0] =	ssyncadd.tile.s32 @!p0 $0x1;
	_ =	shalt  }
.Lfunc_end2:
_tile_overlayer_lowered:
.L_overlay_start_2:
0x2f: {  	(tag) =	ssettag $0x2  }
0x30: {  	s0 =	rddreg [dreg:$0x0];
	s2 =	stileid.u32  }
0x31: {  	s1 =	rddreg [dreg:$0x1];
	p0 =	sne.s32 s2, $0x0  }
0x32: {  	s3 =	rddreg [dreg:$0x2];
	[bflag:$0x3] =	sbarrier.arrive $0xFFFF;
	s2 =	simm.s32 @!p0 $0x1C01  }
0x33: {  	[timem:s3], [sflag:s2] =	dma.local @!p0 [hbm:s0], s1  }
0x34: {  	s0 =	simm.s32 @!p0 $0x1  }
0x35: {  	_ =	swait.ge @!p0 [sflag:s0], s1  }
0x36: {  	s1 =	ssub.s32 @!p0 $0x0, s1;
	[sflag:s0] =	ssyncset.done @!p0 $0x0  }
0x37: {  	[sflag:s0] =	ssyncadd.s32 @!p0 s1  }
0x38: {  	[bflag:$0x3] =	sbarrier.arrive $0xFFFF  }
0x39: {  	_ =	shalt  }

</sc_bundles>
